<compile_context>
chip_gen: v7x
topology: tpu7x:2x2x1
jax: 0.10.2.dev20260603
libtpu: 0.0.44.dev20260713+nightly
codegen_flags: <defaults>
</compile_context>

<pallas_src>
import functools

import jax
import jax.numpy as jnp
from jax import lax
from jax.experimental import pallas as pl
from jax.experimental.pallas import tpu as pltpu
from jax.experimental.pallas import tpu_sc as plsc

N = 10000
E = 320000
D = 128
HALF = D // 2
L = 3

NC = 2
NS = 16
CHUNK = 128
NSLOT = 2
N_PAD = 10240
ROWS_PER_TILE = N_PAD // NS
CPT = 158
E_PAD = NS * CPT * CHUNK
NROUND = CPT // NSLOT
IDX_BITS = 14
IDX_MASK = (1 << IDX_BITS) - 1


def _sc_aggregate_body(hst_hbm, edges_hbm, sums_hbm, pk_v, zero_v,
                       idxg_vs, idxs_vs, rows_vs, acc_sh, h_sh, semp, semgs):
  c = lax.axis_index("c")
  s = lax.axis_index("s")

  def zfill_body(i, carry):
    for j in range(HALF // 16):
      zero_v[i, pl.ds(j * 16, 16)] = jnp.zeros((16,), jnp.float32)
    return carry

  lax.fori_loop(0, CHUNK, zfill_body, 0)
  base = s * ROWS_PER_TILE
  ebase = s * (CPT * CHUNK)

  def load_grp(r):
    pltpu.async_copy(
        edges_hbm.at[pl.ds(ebase + r * NSLOT * CHUNK, NSLOT * CHUNK)],
        pk_v, semp)

  def drain_grp():
    pltpu.make_async_copy(
        edges_hbm.at[pl.ds(0, NSLOT * CHUNK)], pk_v, semp).wait()

  def unpack_slot(t):
    for k in range(CHUNK // 16):
      p = pk_v[pl.ds(t * CHUNK + k * 16, 16)]
      lo = p & IDX_MASK
      hi = lax.shift_right_logical(p, IDX_BITS)
      idxg_vs[t][pl.ds(k * 16, 16)] = jnp.where(c == 0, lo, hi)
      idxs_vs[t][pl.ds(k * 16, 16)] = jnp.where(c == 0, hi, lo)

  def fire(t):
    pltpu.async_copy(h_sh.at[idxg_vs[t]], rows_vs[t], semgs[t])

  def drain_g(t):
    pltpu.make_async_copy(
        sums_hbm.at[pl.ds(0, CHUNK)], rows_vs[t], semgs[t]).wait()

  def scatter(t):
    pltpu.sync_copy(rows_vs[t], acc_sh.at[idxs_vs[t]], add=True)

  def phase_body(p, carry):
    for k in range(ROWS_PER_TILE // CHUNK):
      pltpu.sync_copy(zero_v, acc_sh.at[pl.ds(base + k * CHUNK, CHUNK)])
    pltpu.sync_copy(hst_hbm.at[pl.ds(p * N_PAD + base, ROWS_PER_TILE)],
                    h_sh.at[pl.ds(base, ROWS_PER_TILE)])
    plsc.subcore_barrier()

    load_grp(0)
    drain_grp()
    for t in range(NSLOT):
      unpack_slot(t)
      fire(t)
    load_grp(1)

    def round_body(r, carry2):
      drain_g(0)
      scatter(0)
      drain_grp()
      unpack_slot(0)
      fire(0)
      for t in range(1, NSLOT):
        drain_g(t)
        scatter(t)
        unpack_slot(t)
        fire(t)

      @pl.when(r < NROUND - 2)
      def _():
        load_grp(r + 2)
      return carry2

    lax.fori_loop(0, NROUND - 1, round_body, 0)
    for t in range(NSLOT):
      drain_g(t)
      scatter(t)
    plsc.subcore_barrier()

    out0 = (c * 2 + p) * N_PAD + base
    pltpu.sync_copy(acc_sh.at[pl.ds(base, ROWS_PER_TILE)],
                    sums_hbm.at[pl.ds(out0, ROWS_PER_TILE)])
    plsc.subcore_barrier()
    return carry

  lax.fori_loop(0, 2, phase_body, 0)


_sc_aggregate = pl.kernel(
    _sc_aggregate_body,
    out_type=jax.ShapeDtypeStruct((4 * N_PAD, HALF), jnp.float32),
    mesh=plsc.VectorSubcoreMesh(core_axis_name="c", subcore_axis_name="s"),
    compiler_params=pltpu.CompilerParams(use_tc_tiling_on_sc=False),
    scratch_types=[
        pltpu.VMEM((NSLOT * CHUNK,), jnp.int32),
        pltpu.VMEM((CHUNK, HALF), jnp.float32),
        [pltpu.VMEM((CHUNK,), jnp.int32) for _ in range(NSLOT)],
        [pltpu.VMEM((CHUNK,), jnp.int32) for _ in range(NSLOT)],
        [pltpu.VMEM((CHUNK, HALF), jnp.float32) for _ in range(NSLOT)],
        pltpu.VMEM_SHARED((N_PAD, HALF), jnp.float32),
        pltpu.VMEM_SHARED((N_PAD, HALF), jnp.float32),
        pltpu.SemaphoreType.DMA,
        [pltpu.SemaphoreType.DMA for _ in range(NSLOT)],
    ],
)


def _sc_counts_body(edges_hbm, cnts_hbm, pk0_v, pk1_v, idxg_v, idxs0_v,
                    idxs1_v, ones_v, zeros_v, cnt_sh, semp0, semp1):
  c = lax.axis_index("c")
  s = lax.axis_index("s")

  for j in range(128 // 16):
    zeros_v[pl.ds(j * 16, 16)] = jnp.zeros((16,), jnp.float32)
  for j in range(CHUNK // 16):
    ones_v[pl.ds(j * 16, 16)] = jnp.ones((16,), jnp.float32)

  base = s * ROWS_PER_TILE
  for k in range(ROWS_PER_TILE // 128):
    pltpu.sync_copy(zeros_v, cnt_sh.at[pl.ds(base + k * 128, 128)])
  plsc.subcore_barrier()

  ebase = s * (CPT * CHUNK)

  def load_pk(jj, pk_buf, sem):
    pltpu.async_copy(edges_hbm.at[pl.ds(ebase + jj * CHUNK, CHUNK)],
                     pk_buf, sem)

  def drain_pk(pk_buf, sem):
    pltpu.make_async_copy(edges_hbm.at[pl.ds(0, CHUNK)], pk_buf, sem).wait()

  def unpack(pk_v, idxs_v):
    for k in range(CHUNK // 16):
      p = pk_v[pl.ds(k * 16, 16)]
      lo = p & IDX_MASK
      hi = lax.shift_right_logical(p, IDX_BITS)
      idxs_v[pl.ds(k * 16, 16)] = jnp.where(c == 0, hi, lo)

  load_pk(0, pk0_v, semp0)

  def body(g, carry):
    j0 = 2 * g
    load_pk(j0 + 1, pk1_v, semp1)
    drain_pk(pk0_v, semp0)
    unpack(pk0_v, idxs0_v)

    @pl.when(g < CPT // 2 - 1)
    def _():
      load_pk(j0 + 2, pk0_v, semp0)

    pltpu.sync_copy(ones_v, cnt_sh.at[idxs0_v], add=True)
    drain_pk(pk1_v, semp1)
    unpack(pk1_v, idxs1_v)
    pltpu.sync_copy(ones_v, cnt_sh.at[idxs1_v], add=True)
    return carry

  lax.fori_loop(0, CPT // 2, body, 0)
  plsc.subcore_barrier()

  @pl.when(c == 0)
  def _():
    pltpu.sync_copy(cnt_sh.at[pl.ds(base, ROWS_PER_TILE)],
                    cnts_hbm.at[pl.ds(base, ROWS_PER_TILE)])

  @pl.when(c == 1)
  def _():
    pltpu.sync_copy(cnt_sh.at[pl.ds(base, ROWS_PER_TILE)],
                    cnts_hbm.at[pl.ds(N_PAD + base, ROWS_PER_TILE)])


_sc_counts = pl.kernel(
    _sc_counts_body,
    out_type=jax.ShapeDtypeStruct((2 * N_PAD,), jnp.float32),
    mesh=plsc.VectorSubcoreMesh(core_axis_name="c", subcore_axis_name="s"),
    scratch_types=[
        pltpu.VMEM((CHUNK,), jnp.int32),
        pltpu.VMEM((CHUNK,), jnp.int32),
        pltpu.VMEM((CHUNK,), jnp.int32),
        pltpu.VMEM((CHUNK,), jnp.int32),
        pltpu.VMEM((CHUNK,), jnp.int32),
        pltpu.VMEM((CHUNK,), jnp.float32),
        pltpu.VMEM((128,), jnp.float32),
        pltpu.VMEM_SHARED((N_PAD,), jnp.float32),
        pltpu.SemaphoreType.DMA,
        pltpu.SemaphoreType.DMA,
    ],
)


def _tc_layer_body(hlo_ref, hhi_ref, s00_ref, s01_ref, s10_ref, s11_ref,
                   c1_ref, c2_ref, w1t_ref, w2t_ref, wrt_ref, br_ref,
                   o_ref, *, blk, nb):
  r1 = 1.0 / jnp.maximum(c1_ref[...], 1.0)
  r2 = 1.0 / jnp.maximum(c2_ref[...], 1.0)
  h = jnp.concatenate([hlo_ref[...], hhi_ref[...]], axis=1)
  m1 = jnp.concatenate([s00_ref[...] * r1, s01_ref[...] * r1], axis=1)
  m2 = jnp.concatenate([s10_ref[...] * r2, s11_ref[...] * r2], axis=1)
  acc = jnp.dot(h, wrt_ref[...], preferred_element_type=jnp.float32)
  acc = acc + jnp.dot(m1, w1t_ref[...], preferred_element_type=jnp.float32)
  acc = acc + jnp.dot(m2, w2t_ref[...], preferred_element_type=jnp.float32)
  acc = acc + br_ref[...]
  acc = jnp.maximum(acc, 0.0)
  i = pl.program_id(0)
  rows = lax.broadcasted_iota(jnp.int32, acc.shape, 0) + (i % nb) * blk
  acc = jnp.where(rows < N, acc, 0.0)
  o_ref[...] = jnp.where(i < nb, acc[:, :HALF], acc[:, HALF:])


def _tc_layer(hst, sums_flat, cnts_flat, w1t, w2t, wrt, brl):
  blk = 1024
  nb = N_PAD // blk
  lo = lambda k: pl.BlockSpec((blk, HALF), lambda i, k=k: (i % nb + k * nb, 0))
  cspec = lambda k: pl.BlockSpec((blk, 1), lambda i, k=k: (i % nb + k * nb, 0))
  full_spec = lambda a, b: pl.BlockSpec((a, b), lambda i: (0, 0))
  return pl.pallas_call(
      functools.partial(_tc_layer_body, blk=blk, nb=nb),
      grid=(2 * nb,),
      in_specs=[
          lo(0), lo(1),
          lo(0), lo(1), lo(2), lo(3),
          cspec(0), cspec(1),
          full_spec(D, D), full_spec(D, D), full_spec(D, D), full_spec(1, D),
      ],
      out_specs=pl.BlockSpec((blk, HALF), lambda i: (i, 0)),
      out_shape=jax.ShapeDtypeStruct((2 * N_PAD, HALF), jnp.float32),
  )(hst, hst, sums_flat, sums_flat, sums_flat, sums_flat,
    cnts_flat, cnts_flat, w1t, w2t, wrt, brl)


def _tc_final_body(x_lo, x_hi, h1_lo, h1_hi, h2_lo, h2_hi, h3_lo, h3_hi,
                   wft_ref, bf_ref, o_ref):
  cat = jnp.concatenate(
      [x_lo[...], x_hi[...], h1_lo[...], h1_hi[...],
       h2_lo[...], h2_hi[...], h3_lo[...], h3_hi[...]], axis=1)
  o_ref[...] = jnp.dot(
      cat, wft_ref[...], preferred_element_type=jnp.float32) + bf_ref[...]


def _tc_final(stacked, wft, bf):
  blk = 1024
  nb = N_PAD // blk
  lo = pl.BlockSpec((blk, HALF), lambda i: (i, 0))
  hi = pl.BlockSpec((blk, HALF), lambda i, nb=nb: (i + nb, 0))
  args = []
  specs = []
  for a in stacked:
    args.extend([a, a])
    specs.extend([lo, hi])
  return pl.pallas_call(
      _tc_final_body,
      grid=(nb,),
      in_specs=specs + [
          pl.BlockSpec((L * D + D, D), lambda i: (0, 0)),
          pl.BlockSpec((1, D), lambda i: (0, 0)),
      ],
      out_specs=pl.BlockSpec((blk, D), lambda i: (i, 0)),
      out_shape=jax.ShapeDtypeStruct((N_PAD, D), jnp.float32),
  )(*args, wft, bf)


def kernel(x, edge_index, W1, W2, Wr, br, Wf, bf):
  x_pad = jnp.zeros((N_PAD, D), jnp.float32).at[:N].set(x)
  xst = jnp.concatenate([x_pad[:, :HALF], x_pad[:, HALF:]], axis=0)
  pad = jnp.full((E_PAD - E,), N, jnp.int32)
  src_p = jnp.concatenate([edge_index[0], pad])
  dst_p = jnp.concatenate([edge_index[1], pad])
  edges_p = src_p | (dst_p << IDX_BITS)
  w1t = jnp.transpose(W1, (0, 2, 1))
  w2t = jnp.transpose(W2, (0, 2, 1))
  wrt = jnp.transpose(Wr, (0, 2, 1))
  wft = jnp.transpose(Wf)
  hst = xst
  stacked = [xst]
  cnts_flat = _sc_counts(edges_p).reshape(2 * N_PAD, 1)
  for l in range(L):
    sums_flat = _sc_aggregate(hst, edges_p)
    hst = _tc_layer(hst, sums_flat, cnts_flat,
                    w1t[l], w2t[l], wrt[l], br[l].reshape(1, D))
    stacked.append(hst)
  out = _tc_final(stacked, wft, bf.reshape(1, D))
  return out[:N]

# --- scband reference (transcript-rebuilt; emitter-appended) ---
"""Pipeline reference for scband-rel-cnn-18674517803444 (READ-ONLY COPY).

The authoritative reference and input builder live on the scoring server;
editing this copy changes nothing except your own understanding.
"""

import jax, jax.numpy as jnp
import numpy as np

N = 10000
E = 320000
D = 128
L = 3


def setup_inputs(seed: int = 0) -> dict:
    key = jax.random.key(seed)
    ks = jax.random.split(key, 9)
    x = jax.random.normal(ks[0], (N, D), dtype=jnp.float32)
    edge_index = jax.random.randint(ks[1], (2, E), 0, N, dtype=jnp.int32)
    s = 1.0 / np.sqrt(D)
    W1 = jax.random.uniform(ks[2], (L, D, D), minval=-s, maxval=s, dtype=jnp.float32)
    W2 = jax.random.uniform(ks[3], (L, D, D), minval=-s, maxval=s, dtype=jnp.float32)
    Wr = jax.random.uniform(ks[4], (L, D, D), minval=-s, maxval=s, dtype=jnp.float32)
    br = jax.random.uniform(ks[5], (L, D), minval=-s, maxval=s, dtype=jnp.float32)
    fin = D + L * D
    sf = 1.0 / np.sqrt(fin)
    Wf = jax.random.uniform(ks[6], (D, fin), minval=-sf, maxval=sf, dtype=jnp.float32)
    bf = jax.random.uniform(ks[7], (D,), minval=-sf, maxval=sf, dtype=jnp.float32)
    return {"x": x, "edge_index": edge_index, "W1": W1, "W2": W2, "Wr": Wr, "br": br, "Wf": Wf, "bf": bf}


def _segment_mean(data, seg_ids, num_segments):
    s = jax.ops.segment_sum(data, seg_ids, num_segments=num_segments)
    c = jax.ops.segment_sum(jnp.ones((data.shape[0], 1), data.dtype), seg_ids, num_segments=num_segments)
    return s / jnp.clip(c, 1.0, None)


def reference(x, edge_index, W1, W2, Wr, br, Wf, bf):
    src = edge_index[0]
    dst = edge_index[1]
    xs = [x]
    h = x
    for l in range(L):
        # RelConv: flow source_to_target -> messages from src gathered, mean-aggregated at dst
        h1 = h @ W1[l].T
        out1 = _segment_mean(jnp.take(h1, src, axis=0), dst, N)
        # flow target_to_source -> messages from dst, aggregated at src
        h2 = h @ W2[l].T
        out2 = _segment_mean(jnp.take(h2, dst, axis=0), src, N)
        h = h @ Wr[l].T + br[l] + out1 + out2
        # relu (batch_norm=False), dropout p=0.0 -> identity
        h = jax.nn.relu(h)
        xs.append(h)
    out = jnp.concatenate(xs, axis=-1)  # cat=True
    out = out @ Wf.T + bf  # lin=True
    return out

if __name__ == "__main__":
    import jax
    _d = setup_inputs()
    print(jax.jit(kernel)(*tuple(_d.values())))

</pallas_src>

<mosaic_0001>
#map = affine_map<(d0, d1) -> (0, 0)>
#map1 = affine_map<(d0, d1) -> (0)>
module attributes {stable_mosaic.version = 14 : i64} {
  func.func @_sc_aggregate_body(%arg0: i32, %arg1: i32, %arg2: memref<20480x64xf32, #tpu.memory_space<hbm>>, %arg3: memref<323584xi32, #tpu.memory_space<hbm>>, %arg4: memref<40960x64xf32, #tpu.memory_space<hbm>>, %arg5: memref<256xi32, #tpu.memory_space<vmem>>, %arg6: memref<128x64xf32, #tpu.memory_space<vmem>>, %arg7: memref<128xi32, #tpu.memory_space<vmem>>, %arg8: memref<128xi32, #tpu.memory_space<vmem>>, %arg9: memref<128xi32, #tpu.memory_space<vmem>>, %arg10: memref<128xi32, #tpu.memory_space<vmem>>, %arg11: memref<128x64xf32, #tpu.memory_space<vmem>>, %arg12: memref<128x64xf32, #tpu.memory_space<vmem>>, %arg13: memref<10240x64xf32, #tpu.memory_space<vmem_shared>>, %arg14: memref<10240x64xf32, #tpu.memory_space<vmem_shared>>, %arg15: memref<!tpu.dma_semaphore, #tpu.memory_space<semaphore_mem>>, %arg16: memref<!tpu.dma_semaphore, #tpu.memory_space<semaphore_mem>>, %arg17: memref<!tpu.dma_semaphore, #tpu.memory_space<semaphore_mem>>) attributes {dimension_semantics = [#tpu.dimension_semantics<core_parallel>, #tpu.dimension_semantics<subcore_parallel>], iteration_bounds = array<i64: 2, 16>, scalar_prefetch = 0 : i64, scratch_operands = 13 : i64, tpu.core_type = #tpu.core_type<sc_vector_subcore>, window_params = [{transform_indices = #map}, {transform_indices = #map1}, {transform_indices = #map}]} {
    %scan3A = arith.constant 0 : i32
    %scan3A_0 = arith.constant 0 : i32
    %scan3A_1 = arith.constant 128 : i32
    %scan3A_2 = arith.addi %scan3A_0, %scan3A_1 : i32
    %scan3A_3 = arith.constant 1 : i32
    scf.for %scan3A_14 = %scan3A_0 to %scan3A_2 step %scan3A_3  : i32 {
      %broadcast_in_dim3A = arith.constant 0.000000e+00 : f32
      %broadcast_in_dim3A_15 = vector.broadcast %broadcast_in_dim3A : f32 to vector<16xf32>
      %swap3A = arith.index_cast %scan3A_14 : i32 to index
      %swap3A_16 = arith.constant 0 : index
      %swap3A_17 = tpu.vector_load %arg6[%swap3A, %swap3A_16] {strides = array<i32>} : memref<128x64xf32, #tpu.memory_space<vmem>>, vector<1x16xf32>,
      %swap3A_18 = vector.shape_cast %swap3A_17 : vector<1x16xf32> to vector<16xf32>
      %swap3A_19 = vector.shape_cast %broadcast_in_dim3A_15 : vector<16xf32> to vector<1x16xf32>
      tpu.vector_store %arg6[%swap3A, %swap3A_16], %swap3A_19 {strides = array<i32>} : memref<128x64xf32, #tpu.memory_space<vmem>>, vector<1x16xf32>,
      %broadcast_in_dim3A_20 = arith.constant 0.000000e+00 : f32
      %broadcast_in_dim3A_21 = vector.broadcast %broadcast_in_dim3A_20 : f32 to vector<16xf32>
      %swap3A_22 = arith.index_cast %scan3A_14 : i32 to index
      %swap3A_23 = arith.constant 16 : index
      %swap3A_24 = tpu.vector_load %arg6[%swap3A_22, %swap3A_23] {strides = array<i32>} : memref<128x64xf32, #tpu.memory_space<vmem>>, vector<1x16xf32>,
      %swap3A_25 = vector.shape_cast %swap3A_24 : vector<1x16xf32> to vector<16xf32>
      %swap3A_26 = vector.shape_cast %broadcast_in_dim3A_21 : vector<16xf32> to vector<1x16xf32>
      tpu.vector_store %arg6[%swap3A_22, %swap3A_23], %swap3A_26 {strides = array<i32>} : memref<128x64xf32, #tpu.memory_space<vmem>>, vector<1x16xf32>,
      %broadcast_in_dim3A_27 = arith.constant 0.000000e+00 : f32
      %broadcast_in_dim3A_28 = vector.broadcast %broadcast_in_dim3A_27 : f32 to vector<16xf32>
      %swap3A_29 = arith.index_cast %scan3A_14 : i32 to index
      %swap3A_30 = arith.constant 32 : index
      %swap3A_31 = tpu.vector_load %arg6[%swap3A_29, %swap3A_30] {strides = array<i32>} : memref<128x64xf32, #tpu.memory_space<vmem>>, vector<1x16xf32>,
      %swap3A_32 = vector.shape_cast %swap3A_31 : vector<1x16xf32> to vector<16xf32>
      %swap3A_33 = vector.shape_cast %broadcast_in_dim3A_28 : vector<16xf32> to vector<1x16xf32>
      tpu.vector_store %arg6[%swap3A_29, %swap3A_30], %swap3A_33 {strides = array<i32>} : memref<128x64xf32, #tpu.memory_space<vmem>>, vector<1x16xf32>,
      %broadcast_in_dim3A_34 = arith.constant 0.000000e+00 : f32
      %broadcast_in_dim3A_35 = vector.broadcast %broadcast_in_dim3A_34 : f32 to vector<16xf32>
      %swap3A_36 = arith.index_cast %scan3A_14 : i32 to index
      %swap3A_37 = arith.constant 48 : index
      %swap3A_38 = tpu.vector_load %arg6[%swap3A_36, %swap3A_37] {strides = array<i32>} : memref<128x64xf32, #tpu.memory_space<vmem>>, vector<1x16xf32>,
      %swap3A_39 = vector.shape_cast %swap3A_38 : vector<1x16xf32> to vector<16xf32>
      %swap3A_40 = vector.shape_cast %broadcast_in_dim3A_35 : vector<16xf32> to vector<1x16xf32>
      tpu.vector_store %arg6[%swap3A_36, %swap3A_37], %swap3A_40 {strides = array<i32>} : memref<128x64xf32, #tpu.memory_space<vmem>>, vector<1x16xf32>,
    }
    %scan3A_4 = arith.constant 128 : i32
    %mul3A = arith.constant 640 : i32
    %mul3A_5 = arith.muli %arg1, %mul3A : i32
    %mul3A_6 = arith.constant 20224 : i32
    %mul3A_7 = arith.muli %arg1, %mul3A_6 : i32
    %scan3A_8 = arith.constant 0 : i32
    %scan3A_9 = arith.constant 0 : i32
    %scan3A_10 = arith.constant 2 : i32
    %scan3A_11 = arith.addi %scan3A_9, %scan3A_10 : i32
    %scan3A_12 = arith.constant 1 : i32
    scf.for %scan3A_14 = %scan3A_9 to %scan3A_11 step %scan3A_12  : i32 {
      %add3A = arith.constant 0 : i32
      %add3A_15 = arith.addi %mul3A_5, %add3A : i32
      "tpu.region"() ({
        %run_scoped3A = tpu.sem_alloc : memref<!tpu.dma_semaphore, #tpu.memory_space<semaphore_mem>>
        %dma_start3A_431 = arith.constant 0 : i32
        %dma_start3A_432 = tpu.memref_slice %arg13[%add3A_15, %dma_start3A_431] : memref<10240x64xf32, #tpu.memory_space<vmem_shared>> -> memref<128x64xf32, #tpu.memory_space<vmem_shared>>
        %dma_start3A_433 = arith.constant 0 : i32
        %dma_start3A_434 = tpu.memref_slice %arg13[%add3A_15, %dma_start3A_433] : memref<10240x64xf32, #tpu.memory_space<vmem_shared>> -> memref<128x64xf32, #tpu.memory_space<vmem_shared>>
        tpu.enqueue_dma source(%arg6 : memref<128x64xf32, #tpu.memory_space<vmem>>) target(%dma_start3A_434 : memref<128x64xf32, #tpu.memory_space<vmem_shared>>) target_semaphore(%run_scoped3A : memref<!tpu.dma_semaphore, #tpu.memory_space<semaphore_mem>>)
        %dma_wait3A_435 = arith.constant 0 : i32
        %dma_wait3A_436 = tpu.memref_slice %arg13[%add3A_15, %dma_wait3A_435] : memref<10240x64xf32, #tpu.memory_space<vmem_shared>> -> memref<128x64xf32, #tpu.memory_space<vmem_shared>>
        %dma_wait3A_437 = arith.constant 0 : i32
        %dma_wait3A_438 = tpu.memref_slice %arg13[%add3A_15, %dma_wait3A_437] : memref<10240x64xf32, #tpu.memory_space<vmem_shared>> -> memref<128x64xf32, #tpu.memory_space<vmem_shared>>
        tpu.wait_dma2 semaphore(%run_scoped3A : memref<!tpu.dma_semaphore, #tpu.memory_space<semaphore_mem>>) src(%arg6 : memref<128x64xf32, #tpu.memory_space<vmem>>) dst(%dma_wait3A_438 : memref<128x64xf32, #tpu.memory_space<vmem_shared>>)
        tpu.yield
      }) : () -> ()
      %add3A_16 = arith.constant 128 : i32
      %add3A_17 = arith.addi %mul3A_5, %add3A_16 : i32
      "tpu.region"() ({
        %run_scoped3A = tpu.sem_alloc : memref<!tpu.dma_semaphore, #tpu.memory_space<semaphore_mem>>
        %dma_start3A_431 = arith.constant 0 : i32
        %dma_start3A_432 = tpu.memref_slice %arg13[%add3A_17, %dma_start3A_431] : memref<10240x64xf32, #tpu.memory_space<vmem_shared>> -> memref<128x64xf32, #tpu.memory_space<vmem_shared>>
        %dma_start3A_433 = arith.constant 0 : i32
        %dma_start3A_434 = tpu.memref_slice %arg13[%add3A_17, %dma_start3A_433] : memref<10240x64xf32, #tpu.memory_space<vmem_shared>> -> memref<128x64xf32, #tpu.memory_space<vmem_shared>>
        tpu.enqueue_dma source(%arg6 : memref<128x64xf32, #tpu.memory_space<vmem>>) target(%dma_start3A_434 : memref<128x64xf32, #tpu.memory_space<vmem_shared>>) target_semaphore(%run_scoped3A : memref<!tpu.dma_semaphore, #tpu.memory_space<semaphore_mem>>)
        %dma_wait3A_435 = arith.constant 0 : i32
        %dma_wait3A_436 = tpu.memref_slice %arg13[%add3A_17, %dma_wait3A_435] : memref<10240x64xf32, #tpu.memory_space<vmem_shared>> -> memref<128x64xf32, #tpu.memory_space<vmem_shared>>
        %dma_wait3A_437 = arith.constant 0 : i32
        %dma_wait3A_438 = tpu.memref_slice %arg13[%add3A_17, %dma_wait3A_437] : memref<10240x64xf32, #tpu.memory_space<vmem_shared>> -> memref<128x64xf32, #tpu.memory_space<vmem_shared>>
        tpu.wait_dma2 semaphore(%run_scoped3A : memref<!tpu.dma_semaphore, #tpu.memory_space<semaphore_mem>>) src(%arg6 : memref<128x64xf32, #tpu.memory_space<vmem>>) dst(%dma_wait3A_438 : memref<128x64xf32, #tpu.memory_space<vmem_shared>>)
        tpu.yield
      }) : () -> ()
      %add3A_18 = arith.constant 256 : i32
      %add3A_19 = arith.addi %mul3A_5, %add3A_18 : i32
      "tpu.region"() ({
        %run_scoped3A = tpu.sem_alloc : memref<!tpu.dma_semaphore, #tpu.memory_space<semaphore_mem>>
        %dma_start3A_431 = arith.constant 0 : i32
        %dma_start3A_432 = tpu.memref_slice %arg13[%add3A_19, %dma_start3A_431] : memref<10240x64xf32, #tpu.memory_space<vmem_shared>> -> memref<128x64xf32, #tpu.memory_space<vmem_shared>>
        %dma_start3A_433 = arith.constant 0 : i32
        %dma_start3A_434 = tpu.memref_slice %arg13[%add3A_19, %dma_start3A_433] : memref<10240x64xf32, #tpu.memory_space<vmem_shared>> -> memref<128x64xf32, #tpu.memory_space<vmem_shared>>
        tpu.enqueue_dma source(%arg6 : memref<128x64xf32, #tpu.memory_space<vmem>>) target(%dma_start3A_434 : memref<128x64xf32, #tpu.memory_space<vmem_shared>>) target_semaphore(%run_scoped3A : memref<!tpu.dma_semaphore, #tpu.memory_space<semaphore_mem>>)
        %dma_wait3A_435 = arith.constant 0 : i32
        %dma_wait3A_436 = tpu.memref_slice %arg13[%add3A_19, %dma_wait3A_435] : memref<10240x64xf32, #tpu.memory_space<vmem_shared>> -> memref<128x64xf32, #tpu.memory_space<vmem_shared>>
        %dma_wait3A_437 = arith.constant 0 : i32
        %dma_wait3A_438 = tpu.memref_slice %arg13[%add3A_19, %dma_wait3A_437] : memref<10240x64xf32, #tpu.memory_space<vmem_shared>> -> memref<128x64xf32, #tpu.memory_space<vmem_shared>>
        tpu.wait_dma2 semaphore(%run_scoped3A : memref<!tpu.dma_semaphore, #tpu.memory_space<semaphore_mem>>) src(%arg6 : memref<128x64xf32, #tpu.memory_space<vmem>>) dst(%dma_wait3A_438 : memref<128x64xf32, #tpu.memory_space<vmem_shared>>)
        tpu.yield
      }) : () -> ()
      %add3A_20 = arith.constant 384 : i32
      %add3A_21 = arith.addi %mul3A_5, %add3A_20 : i32
      "tpu.region"() ({
        %run_scoped3A = tpu.sem_alloc : memref<!tpu.dma_semaphore, #tpu.memory_space<semaphore_mem>>
        %dma_start3A_431 = arith.constant 0 : i32
        %dma_start3A_432 = tpu.memref_slice %arg13[%add3A_21, %dma_start3A_431] : memref<10240x64xf32, #tpu.memory_space<vmem_shared>> -> memref<128x64xf32, #tpu.memory_space<vmem_shared>>
        %dma_start3A_433 = arith.constant 0 : i32
        %dma_start3A_434 = tpu.memref_slice %arg13[%add3A_21, %dma_start3A_433] : memref<10240x64xf32, #tpu.memory_space<vmem_shared>> -> memref<128x64xf32, #tpu.memory_space<vmem_shared>>
        tpu.enqueue_dma source(%arg6 : memref<128x64xf32, #tpu.memory_space<vmem>>) target(%dma_start3A_434 : memref<128x64xf32, #tpu.memory_space<vmem_shared>>) target_semaphore(%run_scoped3A : memref<!tpu.dma_semaphore, #tpu.memory_space<semaphore_mem>>)
        %dma_wait3A_435 = arith.constant 0 : i32
        %dma_wait3A_436 = tpu.memref_slice %arg13[%add3A_21, %dma_wait3A_435] : memref<10240x64xf32, #tpu.memory_space<vmem_shared>> -> memref<128x64xf32, #tpu.memory_space<vmem_shared>>
        %dma_wait3A_437 = arith.constant 0 : i32
        %dma_wait3A_438 = tpu.memref_slice %arg13[%add3A_21, %dma_wait3A_437] : memref<10240x64xf32, #tpu.memory_space<vmem_shared>> -> memref<128x64xf32, #tpu.memory_space<vmem_shared>>
        tpu.wait_dma2 semaphore(%run_scoped3A : memref<!tpu.dma_semaphore, #tpu.memory_space<semaphore_mem>>) src(%arg6 : memref<128x64xf32, #tpu.memory_space<vmem>>) dst(%dma_wait3A_438 : memref<128x64xf32, #tpu.memory_space<vmem_shared>>)
        tpu.yield
      }) : () -> ()
      %add3A_22 = arith.constant 512 : i32
      %add3A_23 = arith.addi %mul3A_5, %add3A_22 : i32
      "tpu.region"() ({
        %run_scoped3A = tpu.sem_alloc : memref<!tpu.dma_semaphore, #tpu.memory_space<semaphore_mem>>
        %dma_start3A_431 = arith.constant 0 : i32
        %dma_start3A_432 = tpu.memref_slice %arg13[%add3A_23, %dma_start3A_431] : memref<10240x64xf32, #tpu.memory_space<vmem_shared>> -> memref<128x64xf32, #tpu.memory_space<vmem_shared>>
        %dma_start3A_433 = arith.constant 0 : i32
        %dma_start3A_434 = tpu.memref_slice %arg13[%add3A_23, %dma_start3A_433] : memref<10240x64xf32, #tpu.memory_space<vmem_shared>> -> memref<128x64xf32, #tpu.memory_space<vmem_shared>>
        tpu.enqueue_dma source(%arg6 : memref<128x64xf32, #tpu.memory_space<vmem>>) target(%dma_start3A_434 : memref<128x64xf32, #tpu.memory_space<vmem_shared>>) target_semaphore(%run_scoped3A : memref<!tpu.dma_semaphore, #tpu.memory_space<semaphore_mem>>)
        %dma_wait3A_435 = arith.constant 0 : i32
        %dma_wait3A_436 = tpu.memref_slice %arg13[%add3A_23, %dma_wait3A_435] : memref<10240x64xf32, #tpu.memory_space<vmem_shared>> -> memref<128x64xf32, #tpu.memory_space<vmem_shared>>
        %dma_wait3A_437 = arith.constant 0 : i32
        %dma_wait3A_438 = tpu.memref_slice %arg13[%add3A_23, %dma_wait3A_437] : memref<10240x64xf32, #tpu.memory_space<vmem_shared>> -> memref<128x64xf32, #tpu.memory_space<vmem_shared>>
        tpu.wait_dma2 semaphore(%run_scoped3A : memref<!tpu.dma_semaphore, #tpu.memory_space<semaphore_mem>>) src(%arg6 : memref<128x64xf32, #tpu.memory_space<vmem>>) dst(%dma_wait3A_438 : memref<128x64xf32, #tpu.memory_space<vmem_shared>>)
        tpu.yield
      }) : () -> ()
      %mul3A_24 = arith.constant 10240 : i32
      %mul3A_25 = arith.muli %scan3A_14, %mul3A_24 : i32
      %add3A_26 = arith.addi %mul3A_25, %mul3A_5 : i32
      "tpu.region"() ({
        %run_scoped3A = tpu.sem_alloc : memref<!tpu.dma_semaphore, #tpu.memory_space<semaphore_mem>>
        %dma_start3A_431 = arith.constant 0 : i32
        %dma_start3A_432 = tpu.memref_slice %arg14[%mul3A_5, %dma_start3A_431] : memref<10240x64xf32, #tpu.memory_space<vmem_shared>> -> memref<640x64xf32, #tpu.memory_space<vmem_shared>>
        %dma_start3A_433 = arith.constant 0 : i32
        %dma_start3A_434 = tpu.memref_slice %arg2[%add3A_26, %dma_start3A_433] : memref<20480x64xf32, #tpu.memory_space<hbm>> -> memref<640x64xf32, #tpu.memory_space<hbm>>
        tpu.enqueue_dma source(%dma_start3A_434 : memref<640x64xf32, #tpu.memory_space<hbm>>) target(%dma_start3A_432 : memref<640x64xf32, #tpu.memory_space<vmem_shared>>) target_semaphore(%run_scoped3A : memref<!tpu.dma_semaphore, #tpu.memory_space<semaphore_mem>>)
        %dma_wait3A_435 = arith.constant 0 : i32
        %dma_wait3A_436 = tpu.memref_slice %arg14[%mul3A_5, %dma_wait3A_435] : memref<10240x64xf32, #tpu.memory_space<vmem_shared>> -> memref<640x64xf32, #tpu.memory_space<vmem_shared>>
        %dma_wait3A_437 = arith.constant 0 : i32
        %dma_wait3A_438 = tpu.memref_slice %arg2[%add3A_26, %dma_wait3A_437] : memref<20480x64xf32, #tpu.memory_space<hbm>> -> memref<640x64xf32, #tpu.memory_space<hbm>>
        tpu.wait_dma2 semaphore(%run_scoped3A : memref<!tpu.dma_semaphore, #tpu.memory_space<semaphore_mem>>) src(%dma_wait3A_438 : memref<640x64xf32, #tpu.memory_space<hbm>>) dst(%dma_wait3A_436 : memref<640x64xf32, #tpu.memory_space<vmem_shared>>)
        tpu.yield
      }) : () -> ()
      %barrier3A = arith.constant 0 : index
      tpu.barrier barrier_id(%barrier3A)
      %add3A_27 = arith.constant 0 : i32
      %add3A_28 = arith.addi %mul3A_7, %add3A_27 : i32
      %dma_start3A = tpu.memref_slice %arg3[%add3A_28] : memref<323584xi32, #tpu.memory_space<hbm>> -> memref<256xi32, #tpu.memory_space<hbm>>
      %dma_start3A_29 = tpu.memref_slice %arg3[%add3A_28] : memref<323584xi32, #tpu.memory_space<hbm>> -> memref<256xi32, #tpu.memory_space<hbm>>
      tpu.enqueue_dma source(%dma_start3A_29 : memref<256xi32, #tpu.memory_space<hbm>>) target(%arg5 : memref<256xi32, #tpu.memory_space<vmem>>) target_semaphore(%arg15 : memref<!tpu.dma_semaphore, #tpu.memory_space<semaphore_mem>>)
      %dma_wait3A = arith.constant 0 : i32
      %dma_wait3A_30 = tpu.memref_slice %arg3[%dma_wait3A] : memref<323584xi32, #tpu.memory_space<hbm>> -> memref<256xi32, #tpu.memory_space<hbm>>
      %dma_wait3A_31 = arith.constant 0 : i32
      %dma_wait3A_32 = tpu.memref_slice %arg3[%dma_wait3A_31] : memref<323584xi32, #tpu.memory_space<hbm>> -> memref<256xi32, #tpu.memory_space<hbm>>
      tpu.wait_dma2 semaphore(%arg15 : memref<!tpu.dma_semaphore, #tpu.memory_space<semaphore_mem>>) src(%dma_wait3A_32 : memref<256xi32, #tpu.memory_space<hbm>>) dst(%arg5 : memref<256xi32, #tpu.memory_space<vmem>>)
      %get3A = arith.constant 0 : index
      %get3A_33 = tpu.vector_load %arg5[%get3A] {strides = array<i32>} : memref<256xi32, #tpu.memory_space<vmem>>, vector<16xi32>,
      %get3A_34 = vector.shape_cast %get3A_33 : vector<16xi32> to vector<16xi32>
      %and3A = arith.constant 16383 : i32
      %and3A_35 = vector.broadcast %and3A : i32 to vector<16xi32>
      %and3A_36 = arith.andi %get3A_34, %and3A_35 : vector<16xi32>
      %shift_right_logical3A = arith.constant 14 : i32
      %shift_right_logical3A_37 = vector.broadcast %shift_right_logical3A : i32 to vector<16xi32>
      %shift_right_logical3A_38 = arith.shrui %get3A_34, %shift_right_logical3A_37 : vector<16xi32>
      %eq3A = arith.constant 0 : i32
      %eq3A_39 = arith.cmpi eq, %arg0, %eq3A : i32
      %select_n3A = arith.select %eq3A_39, %and3A_36, %shift_right_logical3A_38 : vector<16xi32>
      %swap3A = arith.constant 0 : index
      %swap3A_40 = tpu.vector_load %arg7[%swap3A] {strides = array<i32>} : memref<128xi32, #tpu.memory_space<vmem>>, vector<16xi32>,
      %swap3A_41 = vector.shape_cast %swap3A_40 : vector<16xi32> to vector<16xi32>
      %swap3A_42 = vector.shape_cast %select_n3A : vector<16xi32> to vector<16xi32>
      tpu.vector_store %arg7[%swap3A], %swap3A_42 {strides = array<i32>} : memref<128xi32, #tpu.memory_space<vmem>>, vector<16xi32>,
      %eq3A_43 = arith.constant 0 : i32
      %eq3A_44 = arith.cmpi eq, %arg0, %eq3A_43 : i32
      %select_n3A_45 = arith.select %eq3A_44, %shift_right_logical3A_38, %and3A_36 : vector<16xi32>
      %swap3A_46 = arith.constant 0 : index
      %swap3A_47 = tpu.vector_load %arg9[%swap3A_46] {strides = array<i32>} : memref<128xi32, #tpu.memory_space<vmem>>, vector<16xi32>,
      %swap3A_48 = vector.shape_cast %swap3A_47 : vector<16xi32> to vector<16xi32>
      %swap3A_49 = vector.shape_cast %select_n3A_45 : vector<16xi32> to vector<16xi32>
      tpu.vector_store %arg9[%swap3A_46], %swap3A_49 {strides = array<i32>} : memref<128xi32, #tpu.memory_space<vmem>>, vector<16xi32>,
      %get3A_50 = arith.constant 16 : index
      %get3A_51 = tpu.vector_load %arg5[%get3A_50] {strides = array<i32>} : memref<256xi32, #tpu.memory_space<vmem>>, vector<16xi32>,
      %get3A_52 = vector.shape_cast %get3A_51 : vector<16xi32> to vector<16xi32>
      %and3A_53 = arith.constant 16383 : i32
      %and3A_54 = vector.broadcast %and3A_53 : i32 to vector<16xi32>
      %and3A_55 = arith.andi %get3A_52, %and3A_54 : vector<16xi32>
      %shift_right_logical3A_56 = arith.constant 14 : i32
      %shift_right_logical3A_57 = vector.broadcast %shift_right_logical3A_56 : i32 to vector<16xi32>
      %shift_right_logical3A_58 = arith.shrui %get3A_52, %shift_right_logical3A_57 : vector<16xi32>
      %eq3A_59 = arith.constant 0 : i32
      %eq3A_60 = arith.cmpi eq, %arg0, %eq3A_59 : i32
      %select_n3A_61 = arith.select %eq3A_60, %and3A_55, %shift_right_logical3A_58 : vector<16xi32>
      %swap3A_62 = arith.constant 16 : index
      %swap3A_63 = tpu.vector_load %arg7[%swap3A_62] {strides = array<i32>} : memref<128xi32, #tpu.memory_space<vmem>>, vector<16xi32>,
      %swap3A_64 = vector.shape_cast %swap3A_63 : vector<16xi32> to vector<16xi32>
      %swap3A_65 = vector.shape_cast %select_n3A_61 : vector<16xi32> to vector<16xi32>
      tpu.vector_store %arg7[%swap3A_62], %swap3A_65 {strides = array<i32>} : memref<128xi32, #tpu.memory_space<vmem>>, vector<16xi32>,
      %eq3A_66 = arith.constant 0 : i32
      %eq3A_67 = arith.cmpi eq, %arg0, %eq3A_66 : i32
      %select_n3A_68 = arith.select %eq3A_67, %shift_right_logical3A_58, %and3A_55 : vector<16xi32>
      %swap3A_69 = arith.constant 16 : index
      %swap3A_70 = tpu.vector_load %arg9[%swap3A_69] {strides = array<i32>} : memref<128xi32, #tpu.memory_space<vmem>>, vector<16xi32>,
      %swap3A_71 = vector.shape_cast %swap3A_70 : vector<16xi32> to vector<16xi32>
      %swap3A_72 = vector.shape_cast %select_n3A_68 : vector<16xi32> to vector<16xi32>
      tpu.vector_store %arg9[%swap3A_69], %swap3A_72 {strides = array<i32>} : memref<128xi32, #tpu.memory_space<vmem>>, vector<16xi32>,
      %get3A_73 = arith.constant 32 : index
      %get3A_74 = tpu.vector_load %arg5[%get3A_73] {strides = array<i32>} : memref<256xi32, #tpu.memory_space<vmem>>, vector<16xi32>,
      %get3A_75 = vector.shape_cast %get3A_74 : vector<16xi32> to vector<16xi32>
      %and3A_76 = arith.constant 16383 : i32
      %and3A_77 = vector.broadcast %and3A_76 : i32 to vector<16xi32>
      %and3A_78 = arith.andi %get3A_75, %and3A_77 : vector<16xi32>
      %shift_right_logical3A_79 = arith.constant 14 : i32
      %shift_right_logical3A_80 = vector.broadcast %shift_right_logical3A_79 : i32 to vector<16xi32>
      %shift_right_logical3A_81 = arith.shrui %get3A_75, %shift_right_logical3A_80 : vector<16xi32>
      %eq3A_82 = arith.constant 0 : i32
      %eq3A_83 = arith.cmpi eq, %arg0, %eq3A_82 : i32
      %select_n3A_84 = arith.select %eq3A_83, %and3A_78, %shift_right_logical3A_81 : vector<16xi32>
      %swap3A_85 = arith.constant 32 : index
      %swap3A_86 = tpu.vector_load %arg7[%swap3A_85] {strides = array<i32>} : memref<128xi32, #tpu.memory_space<vmem>>, vector<16xi32>,
      %swap3A_87 = vector.shape_cast %swap3A_86 : vector<16xi32> to vector<16xi32>
      %swap3A_88 = vector.shape_cast %select_n3A_84 : vector<16xi32> to vector<16xi32>
      tpu.vector_store %arg7[%swap3A_85], %swap3A_88 {strides = array<i32>} : memref<128xi32, #tpu.memory_space<vmem>>, vector<16xi32>,
      %eq3A_89 = arith.constant 0 : i32
      %eq3A_90 = arith.cmpi eq, %arg0, %eq3A_89 : i32
      %select_n3A_91 = arith.select %eq3A_90, %shift_right_logical3A_81, %and3A_78 : vector<16xi32>
      %swap3A_92 = arith.constant 32 : index
      %swap3A_93 = tpu.vector_load %arg9[%swap3A_92] {strides = array<i32>} : memref<128xi32, #tpu.memory_space<vmem>>, vector<16xi32>,
      %swap3A_94 = vector.shape_cast %swap3A_93 : vector<16xi32> to vector<16xi32>
      %swap3A_95 = vector.shape_cast %select_n3A_91 : vector<16xi32> to vector<16xi32>
      tpu.vector_store %arg9[%swap3A_92], %swap3A_95 {strides = array<i32>} : memref<128xi32, #tpu.memory_space<vmem>>, vector<16xi32>,
      %get3A_96 = arith.constant 48 : index
      %get3A_97 = tpu.vector_load %arg5[%get3A_96] {strides = array<i32>} : memref<256xi32, #tpu.memory_space<vmem>>, vector<16xi32>,
      %get3A_98 = vector.shape_cast %get3A_97 : vector<16xi32> to vector<16xi32>
      %and3A_99 = arith.constant 16383 : i32
      %and3A_100 = vector.broadcast %and3A_99 : i32 to vector<16xi32>
      %and3A_101 = arith.andi %get3A_98, %and3A_100 : vector<16xi32>
      %shift_right_logical3A_102 = arith.constant 14 : i32
      %shift_right_logical3A_103 = vector.broadcast %shift_right_logical3A_102 : i32 to vector<16xi32>
      %shift_right_logical3A_104 = arith.shrui %get3A_98, %shift_right_logical3A_103 : vector<16xi32>
      %eq3A_105 = arith.constant 0 : i32
      %eq3A_106 = arith.cmpi eq, %arg0, %eq3A_105 : i32
      %select_n3A_107 = arith.select %eq3A_106, %and3A_101, %shift_right_logical3A_104 : vector<16xi32>
      %swap3A_108 = arith.constant 48 : index
      %swap3A_109 = tpu.vector_load %arg7[%swap3A_108] {strides = array<i32>} : memref<128xi32, #tpu.memory_space<vmem>>, vector<16xi32>,
      %swap3A_110 = vector.shape_cast %swap3A_109 : vector<16xi32> to vector<16xi32>
      %swap3A_111 = vector.shape_cast %select_n3A_107 : vector<16xi32> to vector<16xi32>
      tpu.vector_store %arg7[%swap3A_108], %swap3A_111 {strides = array<i32>} : memref<128xi32, #tpu.memory_space<vmem>>, vector<16xi32>,
      %eq3A_112 = arith.constant 0 : i32
      %eq3A_113 = arith.cmpi eq, %arg0, %eq3A_112 : i32
      %select_n3A_114 = arith.select %eq3A_113, %shift_right_logical3A_104, %and3A_101 : vector<16xi32>
      %swap3A_115 = arith.constant 48 : index
      %swap3A_116 = tpu.vector_load %arg9[%swap3A_115] {strides = array<i32>} : memref<128xi32, #tpu.memory_space<vmem>>, vector<16xi32>,
      %swap3A_117 = vector.shape_cast %swap3A_116 : vector<16xi32> to vector<16xi32>
      %swap3A_118 = vector.shape_cast %select_n3A_114 : vector<16xi32> to vector<16xi32>
      tpu.vector_store %arg9[%swap3A_115], %swap3A_118 {strides = array<i32>} : memref<128xi32, #tpu.memory_space<vmem>>, vector<16xi32>,
      %get3A_119 = arith.constant 64 : index
      %get3A_120 = tpu.vector_load %arg5[%get3A_119] {strides = array<i32>} : memref<256xi32, #tpu.memory_space<vmem>>, vector<16xi32>,
      %get3A_121 = vector.shape_cast %get3A_120 : vector<16xi32> to vector<16xi32>
      %and3A_122 = arith.constant 16383 : i32
      %and3A_123 = vector.broadcast %and3A_122 : i32 to vector<16xi32>
      %and3A_124 = arith.andi %get3A_121, %and3A_123 : vector<16xi32>
      %shift_right_logical3A_125 = arith.constant 14 : i32
      %shift_right_logical3A_126 = vector.broadcast %shift_right_logical3A_125 : i32 to vector<16xi32>
      %shift_right_logical3A_127 = arith.shrui %get3A_121, %shift_right_logical3A_126 : vector<16xi32>
      %eq3A_128 = arith.constant 0 : i32
      %eq3A_129 = arith.cmpi eq, %arg0, %eq3A_128 : i32
      %select_n3A_130 = arith.select %eq3A_129, %and3A_124, %shift_right_logical3A_127 : vector<16xi32>
      %swap3A_131 = arith.constant 64 : index
      %swap3A_132 = tpu.vector_load %arg7[%swap3A_131] {strides = array<i32>} : memref<128xi32, #tpu.memory_space<vmem>>, vector<16xi32>,
      %swap3A_133 = vector.shape_cast %swap3A_132 : vector<16xi32> to vector<16xi32>
      %swap3A_134 = vector.shape_cast %select_n3A_130 : vector<16xi32> to vector<16xi32>
      tpu.vector_store %arg7[%swap3A_131], %swap3A_134 {strides = array<i32>} : memref<128xi32, #tpu.memory_space<vmem>>, vector<16xi32>,
      %eq3A_135 = arith.constant 0 : i32
      %eq3A_136 = arith.cmpi eq, %arg0, %eq3A_135 : i32
      %select_n3A_137 = arith.select %eq3A_136, %shift_right_logical3A_127, %and3A_124 : vector<16xi32>
      %swap3A_138 = arith.constant 64 : index
      %swap3A_139 = tpu.vector_load %arg9[%swap3A_138] {strides = array<i32>} : memref<128xi32, #tpu.memory_space<vmem>>, vector<16xi32>,
      %swap3A_140 = vector.shape_cast %swap3A_139 : vector<16xi32> to vector<16xi32>
      %swap3A_141 = vector.shape_cast %select_n3A_137 : vector<16xi32> to vector<16xi32>
      tpu.vector_store %arg9[%swap3A_138], %swap3A_141 {strides = array<i32>} : memref<128xi32, #tpu.memory_space<vmem>>, vector<16xi32>,
      %get3A_142 = arith.constant 80 : index
      %get3A_143 = tpu.vector_load %arg5[%get3A_142] {strides = array<i32>} : memref<256xi32, #tpu.memory_space<vmem>>, vector<16xi32>,
      %get3A_144 = vector.shape_cast %get3A_143 : vector<16xi32> to vector<16xi32>
      %and3A_145 = arith.constant 16383 : i32
      %and3A_146 = vector.broadcast %and3A_145 : i32 to vector<16xi32>
      %and3A_147 = arith.andi %get3A_144, %and3A_146 : vector<16xi32>
      %shift_right_logical3A_148 = arith.constant 14 : i32
      %shift_right_logical3A_149 = vector.broadcast %shift_right_logical3A_148 : i32 to vector<16xi32>
      %shift_right_logical3A_150 = arith.shrui %get3A_144, %shift_right_logical3A_149 : vector<16xi32>
      %eq3A_151 = arith.constant 0 : i32
      %eq3A_152 = arith.cmpi eq, %arg0, %eq3A_151 : i32
      %select_n3A_153 = arith.select %eq3A_152, %and3A_147, %shift_right_logical3A_150 : vector<16xi32>
      %swap3A_154 = arith.constant 80 : index
      %swap3A_155 = tpu.vector_load %arg7[%swap3A_154] {strides = array<i32>} : memref<128xi32, #tpu.memory_space<vmem>>, vector<16xi32>,
      %swap3A_156 = vector.shape_cast %swap3A_155 : vector<16xi32> to vector<16xi32>
      %swap3A_157 = vector.shape_cast %select_n3A_153 : vector<16xi32> to vector<16xi32>
      tpu.vector_store %arg7[%swap3A_154], %swap3A_157 {strides = array<i32>} : memref<128xi32, #tpu.memory_space<vmem>>, vector<16xi32>,
      %eq3A_158 = arith.constant 0 : i32
      %eq3A_159 = arith.cmpi eq, %arg0, %eq3A_158 : i32
      %select_n3A_160 = arith.select %eq3A_159, %shift_right_logical3A_150, %and3A_147 : vector<16xi32>
      %swap3A_161 = arith.constant 80 : index
      %swap3A_162 = tpu.vector_load %arg9[%swap3A_161] {strides = array<i32>} : memref<128xi32, #tpu.memory_space<vmem>>, vector<16xi32>,
      %swap3A_163 = vector.shape_cast %swap3A_162 : vector<16xi32> to vector<16xi32>
      %swap3A_164 = vector.shape_cast %select_n3A_160 : vector<16xi32> to vector<16xi32>
      tpu.vector_store %arg9[%swap3A_161], %swap3A_164 {strides = array<i32>} : memref<128xi32, #tpu.memory_space<vmem>>, vector<16xi32>,
      %get3A_165 = arith.constant 96 : index
      %get3A_166 = tpu.vector_load %arg5[%get3A_165] {strides = array<i32>} : memref<256xi32, #tpu.memory_space<vmem>>, vector<16xi32>,
      %get3A_167 = vector.shape_cast %get3A_166 : vector<16xi32> to vector<16xi32>
      %and3A_168 = arith.constant 16383 : i32
      %and3A_169 = vector.broadcast %and3A_168 : i32 to vector<16xi32>
      %and3A_170 = arith.andi %get3A_167, %and3A_169 : vector<16xi32>
      %shift_right_logical3A_171 = arith.constant 14 : i32
      %shift_right_logical3A_172 = vector.broadcast %shift_right_logical3A_171 : i32 to vector<16xi32>
      %shift_right_logical3A_173 = arith.shrui %get3A_167, %shift_right_logical3A_172 : vector<16xi32>
      %eq3A_174 = arith.constant 0 : i32
      %eq3A_175 = arith.cmpi eq, %arg0, %eq3A_174 : i32
      %select_n3A_176 = arith.select %eq3A_175, %and3A_170, %shift_right_logical3A_173 : vector<16xi32>
      %swap3A_177 = arith.constant 96 : index
      %swap3A_178 = tpu.vector_load %arg7[%swap3A_177] {strides = array<i32>} : memref<128xi32, #tpu.memory_space<vmem>>, vector<16xi32>,
      %swap3A_179 = vector.shape_cast %swap3A_178 : vector<16xi32> to vector<16xi32>
      %swap3A_180 = vector.shape_cast %select_n3A_176 : vector<16xi32> to vector<16xi32>
      tpu.vector_store %arg7[%swap3A_177], %swap3A_180 {strides = array<i32>} : memref<128xi32, #tpu.memory_space<vmem>>, vector<16xi32>,
      %eq3A_181 = arith.constant 0 : i32
      %eq3A_182 = arith.cmpi eq, %arg0, %eq3A_181 : i32
      %select_n3A_183 = arith.select %eq3A_182, %shift_right_logical3A_173, %and3A_170 : vector<16xi32>
      %swap3A_184 = arith.constant 96 : index
      %swap3A_185 = tpu.vector_load %arg9[%swap3A_184] {strides = array<i32>} : memref<128xi32, #tpu.memory_space<vmem>>, vector<16xi32>,
      %swap3A_186 = vector.shape_cast %swap3A_185 : vector<16xi32> to vector<16xi32>
      %swap3A_187 = vector.shape_cast %select_n3A_183 : vector<16xi32> to vector<16xi32>
      tpu.vector_store %arg9[%swap3A_184], %swap3A_187 {strides = array<i32>} : memref<128xi32, #tpu.memory_space<vmem>>, vector<16xi32>,
      %get3A_188 = arith.constant 112 : index
      %get3A_189 = tpu.vector_load %arg5[%get3A_188] {strides = array<i32>} : memref<256xi32, #tpu.memory_space<vmem>>, vector<16xi32>,
      %get3A_190 = vector.shape_cast %get3A_189 : vector<16xi32> to vector<16xi32>
      %and3A_191 = arith.constant 16383 : i32
      %and3A_192 = vector.broadcast %and3A_191 : i32 to vector<16xi32>
      %and3A_193 = arith.andi %get3A_190, %and3A_192 : vector<16xi32>
      %shift_right_logical3A_194 = arith.constant 14 : i32
      %shift_right_logical3A_195 = vector.broadcast %shift_right_logical3A_194 : i32 to vector<16xi32>
      %shift_right_logical3A_196 = arith.shrui %get3A_190, %shift_right_logical3A_195 : vector<16xi32>
      %eq3A_197 = arith.constant 0 : i32
      %eq3A_198 = arith.cmpi eq, %arg0, %eq3A_197 : i32
      %select_n3A_199 = arith.select %eq3A_198, %and3A_193, %shift_right_logical3A_196 : vector<16xi32>
      %swap3A_200 = arith.constant 112 : index
      %swap3A_201 = tpu.vector_load %arg7[%swap3A_200] {strides = array<i32>} : memref<128xi32, #tpu.memory_space<vmem>>, vector<16xi32>,
      %swap3A_202 = vector.shape_cast %swap3A_201 : vector<16xi32> to vector<16xi32>
      %swap3A_203 = vector.shape_cast %select_n3A_199 : vector<16xi32> to vector<16xi32>
      tpu.vector_store %arg7[%swap3A_200], %swap3A_203 {strides = array<i32>} : memref<128xi32, #tpu.memory_space<vmem>>, vector<16xi32>,
      %eq3A_204 = arith.constant 0 : i32
      %eq3A_205 = arith.cmpi eq, %arg0, %eq3A_204 : i32
      %select_n3A_206 = arith.select %eq3A_205, %shift_right_logical3A_196, %and3A_193 : vector<16xi32>
      %swap3A_207 = arith.constant 112 : index
      %swap3A_208 = tpu.vector_load %arg9[%swap3A_207] {strides = array<i32>} : memref<128xi32, #tpu.memory_space<vmem>>, vector<16xi32>,
      %swap3A_209 = vector.shape_cast %swap3A_208 : vector<16xi32> to vector<16xi32>
      %swap3A_210 = vector.shape_cast %select_n3A_206 : vector<16xi32> to vector<16xi32>
      tpu.vector_store %arg9[%swap3A_207], %swap3A_210 {strides = array<i32>} : memref<128xi32, #tpu.memory_space<vmem>>, vector<16xi32>,
      %dma_start3A_211 = arith.constant 0 : i32
      %dma_start3A_212 = arith.constant 0 : i32
      %dma_start3A_213 = tpu.memref_slice %arg14[%dma_start3A_211, %dma_start3A_212] : memref<10240x64xf32, #tpu.memory_space<vmem_shared>> -> memref<10240x64xf32, #tpu.memory_space<vmem_shared>>
      tpu.enqueue_indirect_dma source(%dma_start3A_213 : memref<10240x64xf32, #tpu.memory_space<vmem_shared>>) target(%arg11 : memref<128x64xf32, #tpu.memory_space<vmem>>) offsets(%arg7 : memref<128xi32, #tpu.memory_space<vmem>>) semaphore(%arg16 : memref<!tpu.dma_semaphore, #tpu.memory_space<semaphore_mem>>)
      %get3A_214 = arith.constant 128 : index
      %get3A_215 = tpu.vector_load %arg5[%get3A_214] {strides = array<i32>} : memref<256xi32, #tpu.memory_space<vmem>>, vector<16xi32>,
      %get3A_216 = vector.shape_cast %get3A_215 : vector<16xi32> to vector<16xi32>
      %and3A_217 = arith.constant 16383 : i32
      %and3A_218 = vector.broadcast %and3A_217 : i32 to vector<16xi32>
      %and3A_219 = arith.andi %get3A_216, %and3A_218 : vector<16xi32>
      %shift_right_logical3A_220 = arith.constant 14 : i32
      %shift_right_logical3A_221 = vector.broadcast %shift_right_logical3A_220 : i32 to vector<16xi32>
      %shift_right_logical3A_222 = arith.shrui %get3A_216, %shift_right_logical3A_221 : vector<16xi32>
      %eq3A_223 = arith.constant 0 : i32
      %eq3A_224 = arith.cmpi eq, %arg0, %eq3A_223 : i32
      %select_n3A_225 = arith.select %eq3A_224, %and3A_219, %shift_right_logical3A_222 : vector<16xi32>
      %swap3A_226 = arith.constant 0 : index
      %swap3A_227 = tpu.vector_load %arg8[%swap3A_226] {strides = array<i32>} : memref<128xi32, #tpu.memory_space<vmem>>, vector<16xi32>,
      %swap3A_228 = vector.shape_cast %swap3A_227 : vector<16xi32> to vector<16xi32>
      %swap3A_229 = vector.shape_cast %select_n3A_225 : vector<16xi32> to vector<16xi32>
      tpu.vector_store %arg8[%swap3A_226], %swap3A_229 {strides = array<i32>} : memref<128xi32, #tpu.memory_space<vmem>>, vector<16xi32>,
      %eq3A_230 = arith.constant 0 : i32
      %eq3A_231 = arith.cmpi eq, %arg0, %eq3A_230 : i32
      %select_n3A_232 = arith.select %eq3A_231, %shift_right_logical3A_222, %and3A_219 : vector<16xi32>
      %swap3A_233 = arith.constant 0 : index
      %swap3A_234 = tpu.vector_load %arg10[%swap3A_233] {strides = array<i32>} : memref<128xi32, #tpu.memory_space<vmem>>, vector<16xi32>,
      %swap3A_235 = vector.shape_cast %swap3A_234 : vector<16xi32> to vector<16xi32>
      %swap3A_236 = vector.shape_cast %select_n3A_232 : vector<16xi32> to vector<16xi32>
      tpu.vector_store %arg10[%swap3A_233], %swap3A_236 {strides = array<i32>} : memref<128xi32, #tpu.memory_space<vmem>>, vector<16xi32>,
      %get3A_237 = arith.constant 144 : index
      %get3A_238 = tpu.vector_load %arg5[%get3A_237] {strides = array<i32>} : memref<256xi32, #tpu.memory_space<vmem>>, vector<16xi32>,
      %get3A_239 = vector.shape_cast %get3A_238 : vector<16xi32> to vector<16xi32>
      %and3A_240 = arith.constant 16383 : i32
      %and3A_241 = vector.broadcast %and3A_240 : i32 to vector<16xi32>
      %and3A_242 = arith.andi %get3A_239, %and3A_241 : vector<16xi32>
      %shift_right_logical3A_243 = arith.constant 14 : i32
      %shift_right_logical3A_244 = vector.broadcast %shift_right_logical3A_243 : i32 to vector<16xi32>
      %shift_right_logical3A_245 = arith.shrui %get3A_239, %shift_right_logical3A_244 : vector<16xi32>
      %eq3A_246 = arith.constant 0 : i32
      %eq3A_247 = arith.cmpi eq, %arg0, %eq3A_246 : i32
      %select_n3A_248 = arith.select %eq3A_247, %and3A_242, %shift_right_logical3A_245 : vector<16xi32>
      %swap3A_249 = arith.constant 16 : index
      %swap3A_250 = tpu.vector_load %arg8[%swap3A_249] {strides = array<i32>} : memref<128xi32, #tpu.memory_space<vmem>>, vector<16xi32>,
      %swap3A_251 = vector.shape_cast %swap3A_250 : vector<16xi32> to vector<16xi32>
      %swap3A_252 = vector.shape_cast %select_n3A_248 : vector<16xi32> to vector<16xi32>
      tpu.vector_store %arg8[%swap3A_249], %swap3A_252 {strides = array<i32>} : memref<128xi32, #tpu.memory_space<vmem>>, vector<16xi32>,
      %eq3A_253 = arith.constant 0 : i32
      %eq3A_254 = arith.cmpi eq, %arg0, %eq3A_253 : i32
      %select_n3A_255 = arith.select %eq3A_254, %shift_right_logical3A_245, %and3A_242 : vector<16xi32>
      %swap3A_256 = arith.constant 16 : index
      %swap3A_257 = tpu.vector_load %arg10[%swap3A_256] {strides = array<i32>} : memref<128xi32, #tpu.memory_space<vmem>>, vector<16xi32>,
      %swap3A_258 = vector.shape_cast %swap3A_257 : vector<16xi32> to vector<16xi32>
      %swap3A_259 = vector.shape_cast %select_n3A_255 : vector<16xi32> to vector<16xi32>
      tpu.vector_store %arg10[%swap3A_256], %swap3A_259 {strides = array<i32>} : memref<128xi32, #tpu.memory_space<vmem>>, vector<16xi32>,
      %get3A_260 = arith.constant 160 : index
      %get3A_261 = tpu.vector_load %arg5[%get3A_260] {strides = array<i32>} : memref<256xi32, #tpu.memory_space<vmem>>, vector<16xi32>,
      %get3A_262 = vector.shape_cast %get3A_261 : vector<16xi32> to vector<16xi32>
      %and3A_263 = arith.constant 16383 : i32
      %and3A_264 = vector.broadcast %and3A_263 : i32 to vector<16xi32>
      %and3A_265 = arith.andi %get3A_262, %and3A_264 : vector<16xi32>
      %shift_right_logical3A_266 = arith.constant 14 : i32
      %shift_right_logical3A_267 = vector.broadcast %shift_right_logical3A_266 : i32 to vector<16xi32>
      %shift_right_logical3A_268 = arith.shrui %get3A_262, %shift_right_logical3A_267 : vector<16xi32>
      %eq3A_269 = arith.constant 0 : i32
      %eq3A_270 = arith.cmpi eq, %arg0, %eq3A_269 : i32
      %select_n3A_271 = arith.select %eq3A_270, %and3A_265, %shift_right_logical3A_268 : vector<16xi32>
      %swap3A_272 = arith.constant 32 : index
      %swap3A_273 = tpu.vector_load %arg8[%swap3A_272] {strides = array<i32>} : memref<128xi32, #tpu.memory_space<vmem>>, vector<16xi32>,
      %swap3A_274 = vector.shape_cast %swap3A_273 : vector<16xi32> to vector<16xi32>
      %swap3A_275 = vector.shape_cast %select_n3A_271 : vector<16xi32> to vector<16xi32>
      tpu.vector_store %arg8[%swap3A_272], %swap3A_275 {strides = array<i32>} : memref<128xi32, #tpu.memory_space<vmem>>, vector<16xi32>,
      %eq3A_276 = arith.constant 0 : i32
      %eq3A_277 = arith.cmpi eq, %arg0, %eq3A_276 : i32
      %select_n3A_278 = arith.select %eq3A_277, %shift_right_logical3A_268, %and3A_265 : vector<16xi32>
      %swap3A_279 = arith.constant 32 : index
      %swap3A_280 = tpu.vector_load %arg10[%swap3A_279] {strides = array<i32>} : memref<128xi32, #tpu.memory_space<vmem>>, vector<16xi32>,
      %swap3A_281 = vector.shape_cast %swap3A_280 : vector<16xi32> to vector<16xi32>
      %swap3A_282 = vector.shape_cast %select_n3A_278 : vector<16xi32> to vector<16xi32>
      tpu.vector_store %arg10[%swap3A_279], %swap3A_282 {strides = array<i32>} : memref<128xi32, #tpu.memory_space<vmem>>, vector<16xi32>,
      %get3A_283 = arith.constant 176 : index
      %get3A_284 = tpu.vector_load %arg5[%get3A_283] {strides = array<i32>} : memref<256xi32, #tpu.memory_space<vmem>>, vector<16xi32>,
      %get3A_285 = vector.shape_cast %get3A_284 : vector<16xi32> to vector<16xi32>
      %and3A_286 = arith.constant 16383 : i32
      %and3A_287 = vector.broadcast %and3A_286 : i32 to vector<16xi32>
      %and3A_288 = arith.andi %get3A_285, %and3A_287 : vector<16xi32>
      %shift_right_logical3A_289 = arith.constant 14 : i32
      %shift_right_logical3A_290 = vector.broadcast %shift_right_logical3A_289 : i32 to vector<16xi32>
      %shift_right_logical3A_291 = arith.shrui %get3A_285, %shift_right_logical3A_290 : vector<16xi32>
      %eq3A_292 = arith.constant 0 : i32
      %eq3A_293 = arith.cmpi eq, %arg0, %eq3A_292 : i32
      %select_n3A_294 = arith.select %eq3A_293, %and3A_288, %shift_right_logical3A_291 : vector<16xi32>
      %swap3A_295 = arith.constant 48 : index
      %swap3A_296 = tpu.vector_load %arg8[%swap3A_295] {strides = array<i32>} : memref<128xi32, #tpu.memory_space<vmem>>, vector<16xi32>,
      %swap3A_297 = vector.shape_cast %swap3A_296 : vector<16xi32> to vector<16xi32>
      %swap3A_298 = vector.shape_cast %select_n3A_294 : vector<16xi32> to vector<16xi32>
      tpu.vector_store %arg8[%swap3A_295], %swap3A_298 {strides = array<i32>} : memref<128xi32, #tpu.memory_space<vmem>>, vector<16xi32>,
      %eq3A_299 = arith.constant 0 : i32
      %eq3A_300 = arith.cmpi eq, %arg0, %eq3A_299 : i32
      %select_n3A_301 = arith.select %eq3A_300, %shift_right_logical3A_291, %and3A_288 : vector<16xi32>
      %swap3A_302 = arith.constant 48 : index
      %swap3A_303 = tpu.vector_load %arg10[%swap3A_302] {strides = array<i32>} : memref<128xi32, #tpu.memory_space<vmem>>, vector<16xi32>,
      %swap3A_304 = vector.shape_cast %swap3A_303 : vector<16xi32> to vector<16xi32>
      %swap3A_305 = vector.shape_cast %select_n3A_301 : vector<16xi32> to vector<16xi32>
      tpu.vector_store %arg10[%swap3A_302], %swap3A_305 {strides = array<i32>} : memref<128xi32, #tpu.memory_space<vmem>>, vector<16xi32>,
      %get3A_306 = arith.constant 192 : index
      %get3A_307 = tpu.vector_load %arg5[%get3A_306] {strides = array<i32>} : memref<256xi32, #tpu.memory_space<vmem>>, vector<16xi32>,
      %get3A_308 = vector.shape_cast %get3A_307 : vector<16xi32> to vector<16xi32>
      %and3A_309 = arith.constant 16383 : i32
      %and3A_310 = vector.broadcast %and3A_309 : i32 to vector<16xi32>
      %and3A_311 = arith.andi %get3A_308, %and3A_310 : vector<16xi32>
      %shift_right_logical3A_312 = arith.constant 14 : i32
      %shift_right_logical3A_313 = vector.broadcast %shift_right_logical3A_312 : i32 to vector<16xi32>
      %shift_right_logical3A_314 = arith.shrui %get3A_308, %shift_right_logical3A_313 : vector<16xi32>
      %eq3A_315 = arith.constant 0 : i32
      %eq3A_316 = arith.cmpi eq, %arg0, %eq3A_315 : i32
      %select_n3A_317 = arith.select %eq3A_316, %and3A_311, %shift_right_logical3A_314 : vector<16xi32>
      %swap3A_318 = arith.constant 64 : index
      %swap3A_319 = tpu.vector_load %arg8[%swap3A_318] {strides = array<i32>} : memref<128xi32, #tpu.memory_space<vmem>>, vector<16xi32>,
      %swap3A_320 = vector.shape_cast %swap3A_319 : vector<16xi32> to vector<16xi32>
      %swap3A_321 = vector.shape_cast %select_n3A_317 : vector<16xi32> to vector<16xi32>
      tpu.vector_store %arg8[%swap3A_318], %swap3A_321 {strides = array<i32>} : memref<128xi32, #tpu.memory_space<vmem>>, vector<16xi32>,
      %eq3A_322 = arith.constant 0 : i32
      %eq3A_323 = arith.cmpi eq, %arg0, %eq3A_322 : i32
      %select_n3A_324 = arith.select %eq3A_323, %shift_right_logical3A_314, %and3A_311 : vector<16xi32>
      %swap3A_325 = arith.constant 64 : index
      %swap3A_326 = tpu.vector_load %arg10[%swap3A_325] {strides = array<i32>} : memref<128xi32, #tpu.memory_space<vmem>>, vector<16xi32>,
      %swap3A_327 = vector.shape_cast %swap3A_326 : vector<16xi32> to vector<16xi32>
      %swap3A_328 = vector.shape_cast %select_n3A_324 : vector<16xi32> to vector<16xi32>
      tpu.vector_store %arg10[%swap3A_325], %swap3A_328 {strides = array<i32>} : memref<128xi32, #tpu.memory_space<vmem>>, vector<16xi32>,
      %get3A_329 = arith.constant 208 : index
      %get3A_330 = tpu.vector_load %arg5[%get3A_329] {strides = array<i32>} : memref<256xi32, #tpu.memory_space<vmem>>, vector<16xi32>,
      %get3A_331 = vector.shape_cast %get3A_330 : vector<16xi32> to vector<16xi32>
      %and3A_332 = arith.constant 16383 : i32
      %and3A_333 = vector.broadcast %and3A_332 : i32 to vector<16xi32>
      %and3A_334 = arith.andi %get3A_331, %and3A_333 : vector<16xi32>
      %shift_right_logical3A_335 = arith.constant 14 : i32
      %shift_right_logical3A_336 = vector.broadcast %shift_right_logical3A_335 : i32 to vector<16xi32>
      %shift_right_logical3A_337 = arith.shrui %get3A_331, %shift_right_logical3A_336 : vector<16xi32>
      %eq3A_338 = arith.constant 0 : i32
      %eq3A_339 = arith.cmpi eq, %arg0, %eq3A_338 : i32
      %select_n3A_340 = arith.select %eq3A_339, %and3A_334, %shift_right_logical3A_337 : vector<16xi32>
      %swap3A_341 = arith.constant 80 : index
      %swap3A_342 = tpu.vector_load %arg8[%swap3A_341] {strides = array<i32>} : memref<128xi32, #tpu.memory_space<vmem>>, vector<16xi32>,
      %swap3A_343 = vector.shape_cast %swap3A_342 : vector<16xi32> to vector<16xi32>
      %swap3A_344 = vector.shape_cast %select_n3A_340 : vector<16xi32> to vector<16xi32>
      tpu.vector_store %arg8[%swap3A_341], %swap3A_344 {strides = array<i32>} : memref<128xi32, #tpu.memory_space<vmem>>, vector<16xi32>,
      %eq3A_345 = arith.constant 0 : i32
      %eq3A_346 = arith.cmpi eq, %arg0, %eq3A_345 : i32
      %select_n3A_347 = arith.select %eq3A_346, %shift_right_logical3A_337, %and3A_334 : vector<16xi32>
      %swap3A_348 = arith.constant 80 : index
      %swap3A_349 = tpu.vector_load %arg10[%swap3A_348] {strides = array<i32>} : memref<128xi32, #tpu.memory_space<vmem>>, vector<16xi32>,
      %swap3A_350 = vector.shape_cast %swap3A_349 : vector<16xi32> to vector<16xi32>
      %swap3A_351 = vector.shape_cast %select_n3A_347 : vector<16xi32> to vector<16xi32>
      tpu.vector_store %arg10[%swap3A_348], %swap3A_351 {strides = array<i32>} : memref<128xi32, #tpu.memory_space<vmem>>, vector<16xi32>,
      %get3A_352 = arith.constant 224 : index
      %get3A_353 = tpu.vector_load %arg5[%get3A_352] {strides = array<i32>} : memref<256xi32, #tpu.memory_space<vmem>>, vector<16xi32>,
      %get3A_354 = vector.shape_cast %get3A_353 : vector<16xi32> to vector<16xi32>
      %and3A_355 = arith.constant 16383 : i32
      %and3A_356 = vector.broadcast %and3A_355 : i32 to vector<16xi32>
      %and3A_357 = arith.andi %get3A_354, %and3A_356 : vector<16xi32>
      %shift_right_logical3A_358 = arith.constant 14 : i32
      %shift_right_logical3A_359 = vector.broadcast %shift_right_logical3A_358 : i32 to vector<16xi32>
      %shift_right_logical3A_360 = arith.shrui %get3A_354, %shift_right_logical3A_359 : vector<16xi32>
      %eq3A_361 = arith.constant 0 : i32
      %eq3A_362 = arith.cmpi eq, %arg0, %eq3A_361 : i32
      %select_n3A_363 = arith.select %eq3A_362, %and3A_357, %shift_right_logical3A_360 : vector<16xi32>
      %swap3A_364 = arith.constant 96 : index
      %swap3A_365 = tpu.vector_load %arg8[%swap3A_364] {strides = array<i32>} : memref<128xi32, #tpu.memory_space<vmem>>, vector<16xi32>,
      %swap3A_366 = vector.shape_cast %swap3A_365 : vector<16xi32> to vector<16xi32>
      %swap3A_367 = vector.shape_cast %select_n3A_363 : vector<16xi32> to vector<16xi32>
      tpu.vector_store %arg8[%swap3A_364], %swap3A_367 {strides = array<i32>} : memref<128xi32, #tpu.memory_space<vmem>>, vector<16xi32>,
      %eq3A_368 = arith.constant 0 : i32
      %eq3A_369 = arith.cmpi eq, %arg0, %eq3A_368 : i32
      %select_n3A_370 = arith.select %eq3A_369, %shift_right_logical3A_360, %and3A_357 : vector<16xi32>
      %swap3A_371 = arith.constant 96 : index
      %swap3A_372 = tpu.vector_load %arg10[%swap3A_371] {strides = array<i32>} : memref<128xi32, #tpu.memory_space<vmem>>, vector<16xi32>,
      %swap3A_373 = vector.shape_cast %swap3A_372 : vector<16xi32> to vector<16xi32>
      %swap3A_374 = vector.shape_cast %select_n3A_370 : vector<16xi32> to vector<16xi32>
      tpu.vector_store %arg10[%swap3A_371], %swap3A_374 {strides = array<i32>} : memref<128xi32, #tpu.memory_space<vmem>>, vector<16xi32>,
      %get3A_375 = arith.constant 240 : index
      %get3A_376 = tpu.vector_load %arg5[%get3A_375] {strides = array<i32>} : memref<256xi32, #tpu.memory_space<vmem>>, vector<16xi32>,
      %get3A_377 = vector.shape_cast %get3A_376 : vector<16xi32> to vector<16xi32>
      %and3A_378 = arith.constant 16383 : i32
      %and3A_379 = vector.broadcast %and3A_378 : i32 to vector<16xi32>
      %and3A_380 = arith.andi %get3A_377, %and3A_379 : vector<16xi32>
      %shift_right_logical3A_381 = arith.constant 14 : i32
      %shift_right_logical3A_382 = vector.broadcast %shift_right_logical3A_381 : i32 to vector<16xi32>
      %shift_right_logical3A_383 = arith.shrui %get3A_377, %shift_right_logical3A_382 : vector<16xi32>
      %eq3A_384 = arith.constant 0 : i32
      %eq3A_385 = arith.cmpi eq, %arg0, %eq3A_384 : i32
      %select_n3A_386 = arith.select %eq3A_385, %and3A_380, %shift_right_logical3A_383 : vector<16xi32>
      %swap3A_387 = arith.constant 112 : index
      %swap3A_388 = tpu.vector_load %arg8[%swap3A_387] {strides = array<i32>} : memref<128xi32, #tpu.memory_space<vmem>>, vector<16xi32>,
      %swap3A_389 = vector.shape_cast %swap3A_388 : vector<16xi32> to vector<16xi32>
      %swap3A_390 = vector.shape_cast %select_n3A_386 : vector<16xi32> to vector<16xi32>
      tpu.vector_store %arg8[%swap3A_387], %swap3A_390 {strides = array<i32>} : memref<128xi32, #tpu.memory_space<vmem>>, vector<16xi32>,
      %eq3A_391 = arith.constant 0 : i32
      %eq3A_392 = arith.cmpi eq, %arg0, %eq3A_391 : i32
      %select_n3A_393 = arith.select %eq3A_392, %shift_right_logical3A_383, %and3A_380 : vector<16xi32>
      %swap3A_394 = arith.constant 112 : index
      %swap3A_395 = tpu.vector_load %arg10[%swap3A_394] {strides = array<i32>} : memref<128xi32, #tpu.memory_space<vmem>>, vector<16xi32>,
      %swap3A_396 = vector.shape_cast %swap3A_395 : vector<16xi32> to vector<16xi32>
      %swap3A_397 = vector.shape_cast %select_n3A_393 : vector<16xi32> to vector<16xi32>
      tpu.vector_store %arg10[%swap3A_394], %swap3A_397 {strides = array<i32>} : memref<128xi32, #tpu.memory_space<vmem>>, vector<16xi32>,
      %dma_start3A_398 = arith.constant 0 : i32
      %dma_start3A_399 = arith.constant 0 : i32
      %dma_start3A_400 = tpu.memref_slice %arg14[%dma_start3A_398, %dma_start3A_399] : memref<10240x64xf32, #tpu.memory_space<vmem_shared>> -> memref<10240x64xf32, #tpu.memory_space<vmem_shared>>
      tpu.enqueue_indirect_dma source(%dma_start3A_400 : memref<10240x64xf32, #tpu.memory_space<vmem_shared>>) target(%arg12 : memref<128x64xf32, #tpu.memory_space<vmem>>) offsets(%arg8 : memref<128xi32, #tpu.memory_space<vmem>>) semaphore(%arg17 : memref<!tpu.dma_semaphore, #tpu.memory_space<semaphore_mem>>)
      %add3A_401 = arith.constant 256 : i32
      %add3A_402 = arith.addi %mul3A_7, %add3A_401 : i32
      %dma_start3A_403 = tpu.memref_slice %arg3[%add3A_402] : memref<323584xi32, #tpu.memory_space<hbm>> -> memref<256xi32, #tpu.memory_space<hbm>>
      %dma_start3A_404 = tpu.memref_slice %arg3[%add3A_402] : memref<323584xi32, #tpu.memory_space<hbm>> -> memref<256xi32, #tpu.memory_space<hbm>>
      tpu.enqueue_dma source(%dma_start3A_404 : memref<256xi32, #tpu.memory_space<hbm>>) target(%arg5 : memref<256xi32, #tpu.memory_space<vmem>>) target_semaphore(%arg15 : memref<!tpu.dma_semaphore, #tpu.memory_space<semaphore_mem>>)
      %scan3A_405 = arith.constant 0 : i32
      %scan3A_406 = arith.constant 0 : i32
      %scan3A_407 = arith.constant 78 : i32
      %scan3A_408 = arith.addi %scan3A_406, %scan3A_407 : i32
      %scan3A_409 = arith.constant 1 : i32
      scf.for %scan3A_431 = %scan3A_406 to %scan3A_408 step %scan3A_409  : i32 {
        %dma_wait3A_432 = arith.constant 0 : i32
        %dma_wait3A_433 = arith.constant 0 : i32
        %dma_wait3A_434 = tpu.memref_slice %arg4[%dma_wait3A_432, %dma_wait3A_433] : memref<40960x64xf32, #tpu.memory_space<hbm>> -> memref<128x64xf32, #tpu.memory_space<hbm>>
        %dma_wait3A_435 = arith.constant 0 : i32
        %dma_wait3A_436 = arith.constant 0 : i32
        %dma_wait3A_437 = tpu.memref_slice %arg4[%dma_wait3A_435, %dma_wait3A_436] : memref<40960x64xf32, #tpu.memory_space<hbm>> -> memref<128x64xf32, #tpu.memory_space<hbm>>
        tpu.wait_dma2 semaphore(%arg16 : memref<!tpu.dma_semaphore, #tpu.memory_space<semaphore_mem>>) src(%dma_wait3A_437 : memref<128x64xf32, #tpu.memory_space<hbm>>) dst(%arg11 : memref<128x64xf32, #tpu.memory_space<vmem>>)
        "tpu.region"() ({
          %run_scoped3A = tpu.sem_alloc : memref<!tpu.dma_semaphore, #tpu.memory_space<semaphore_mem>>
          %dma_start3A_824 = arith.constant 0 : i32
          %dma_start3A_825 = arith.constant 0 : i32
          %dma_start3A_826 = tpu.memref_slice %arg13[%dma_start3A_824, %dma_start3A_825] : memref<10240x64xf32, #tpu.memory_space<vmem_shared>> -> memref<10240x64xf32, #tpu.memory_space<vmem_shared>>
          tpu.enqueue_indirect_dma source(%arg11 : memref<128x64xf32, #tpu.memory_space<vmem>>) target(%dma_start3A_826 : memref<10240x64xf32, #tpu.memory_space<vmem_shared>>) offsets(%arg9 : memref<128xi32, #tpu.memory_space<vmem>>) semaphore(%run_scoped3A : memref<!tpu.dma_semaphore, #tpu.memory_space<semaphore_mem>>) {add = true}
          %dma_wait3A_827 = arith.constant 0 : i32
          %dma_wait3A_828 = arith.constant 0 : i32
          %dma_wait3A_829 = tpu.memref_slice %arg13[%dma_wait3A_827, %dma_wait3A_828] : memref<10240x64xf32, #tpu.memory_space<vmem_shared>> -> memref<10240x64xf32, #tpu.memory_space<vmem_shared>>
          tpu.wait_indirect_dma semaphore(%run_scoped3A : memref<!tpu.dma_semaphore, #tpu.memory_space<semaphore_mem>>) src(%arg11 : memref<128x64xf32, #tpu.memory_space<vmem>>) dst(%dma_wait3A_829 : memref<10240x64xf32, #tpu.memory_space<vmem_shared>>)
          tpu.yield
        }) : () -> ()
        %dma_wait3A_438 = arith.constant 0 : i32
        %dma_wait3A_439 = tpu.memref_slice %arg3[%dma_wait3A_438] : memref<323584xi32, #tpu.memory_space<hbm>> -> memref<256xi32, #tpu.memory_space<hbm>>
        %dma_wait3A_440 = arith.constant 0 : i32
        %dma_wait3A_441 = tpu.memref_slice %arg3[%dma_wait3A_440] : memref<323584xi32, #tpu.memory_space<hbm>> -> memref<256xi32, #tpu.memory_space<hbm>>
        tpu.wait_dma2 semaphore(%arg15 : memref<!tpu.dma_semaphore, #tpu.memory_space<semaphore_mem>>) src(%dma_wait3A_441 : memref<256xi32, #tpu.memory_space<hbm>>) dst(%arg5 : memref<256xi32, #tpu.memory_space<vmem>>)
        %get3A_442 = arith.constant 0 : index
        %get3A_443 = tpu.vector_load %arg5[%get3A_442] {strides = array<i32>} : memref<256xi32, #tpu.memory_space<vmem>>, vector<16xi32>,
        %get3A_444 = vector.shape_cast %get3A_443 : vector<16xi32> to vector<16xi32>
        %and3A_445 = arith.constant 16383 : i32
        %and3A_446 = vector.broadcast %and3A_445 : i32 to vector<16xi32>
        %and3A_447 = arith.andi %get3A_444, %and3A_446 : vector<16xi32>
        %shift_right_logical3A_448 = arith.constant 14 : i32
        %shift_right_logical3A_449 = vector.broadcast %shift_right_logical3A_448 : i32 to vector<16xi32>
        %shift_right_logical3A_450 = arith.shrui %get3A_444, %shift_right_logical3A_449 : vector<16xi32>
        %eq3A_451 = arith.constant 0 : i32
        %eq3A_452 = arith.cmpi eq, %arg0, %eq3A_451 : i32
        %select_n3A_453 = arith.select %eq3A_452, %and3A_447, %shift_right_logical3A_450 : vector<16xi32>
        %swap3A_454 = arith.constant 0 : index
        %swap3A_455 = tpu.vector_load %arg7[%swap3A_454] {strides = array<i32>} : memref<128xi32, #tpu.memory_space<vmem>>, vector<16xi32>,
        %swap3A_456 = vector.shape_cast %swap3A_455 : vector<16xi32> to vector<16xi32>
        %swap3A_457 = vector.shape_cast %select_n3A_453 : vector<16xi32> to vector<16xi32>
        tpu.vector_store %arg7[%swap3A_454], %swap3A_457 {strides = array<i32>} : memref<128xi32, #tpu.memory_space<vmem>>, vector<16xi32>,
        %eq3A_458 = arith.constant 0 : i32
        %eq3A_459 = arith.cmpi eq, %arg0, %eq3A_458 : i32
        %select_n3A_460 = arith.select %eq3A_459, %shift_right_logical3A_450, %and3A_447 : vector<16xi32>
        %swap3A_461 = arith.constant 0 : index
        %swap3A_462 = tpu.vector_load %arg9[%swap3A_461] {strides = array<i32>} : memref<128xi32, #tpu.memory_space<vmem>>, vector<16xi32>,
        %swap3A_463 = vector.shape_cast %swap3A_462 : vector<16xi32> to vector<16xi32>
        %swap3A_464 = vector.shape_cast %select_n3A_460 : vector<16xi32> to vector<16xi32>
        tpu.vector_store %arg9[%swap3A_461], %swap3A_464 {strides = array<i32>} : memref<128xi32, #tpu.memory_space<vmem>>, vector<16xi32>,
        %get3A_465 = arith.constant 16 : index
        %get3A_466 = tpu.vector_load %arg5[%get3A_465] {strides = array<i32>} : memref<256xi32, #tpu.memory_space<vmem>>, vector<16xi32>,
        %get3A_467 = vector.shape_cast %get3A_466 : vector<16xi32> to vector<16xi32>
        %and3A_468 = arith.constant 16383 : i32
        %and3A_469 = vector.broadcast %and3A_468 : i32 to vector<16xi32>
        %and3A_470 = arith.andi %get3A_467, %and3A_469 : vector<16xi32>
        %shift_right_logical3A_471 = arith.constant 14 : i32
        %shift_right_logical3A_472 = vector.broadcast %shift_right_logical3A_471 : i32 to vector<16xi32>
        %shift_right_logical3A_473 = arith.shrui %get3A_467, %shift_right_logical3A_472 : vector<16xi32>
        %eq3A_474 = arith.constant 0 : i32
        %eq3A_475 = arith.cmpi eq, %arg0, %eq3A_474 : i32
        %select_n3A_476 = arith.select %eq3A_475, %and3A_470, %shift_right_logical3A_473 : vector<16xi32>
        %swap3A_477 = arith.constant 16 : index
        %swap3A_478 = tpu.vector_load %arg7[%swap3A_477] {strides = array<i32>} : memref<128xi32, #tpu.memory_space<vmem>>, vector<16xi32>,
        %swap3A_479 = vector.shape_cast %swap3A_478 : vector<16xi32> to vector<16xi32>
        %swap3A_480 = vector.shape_cast %select_n3A_476 : vector<16xi32> to vector<16xi32>
        tpu.vector_store %arg7[%swap3A_477], %swap3A_480 {strides = array<i32>} : memref<128xi32, #tpu.memory_space<vmem>>, vector<16xi32>,
        %eq3A_481 = arith.constant 0 : i32
        %eq3A_482 = arith.cmpi eq, %arg0, %eq3A_481 : i32
        %select_n3A_483 = arith.select %eq3A_482, %shift_right_logical3A_473, %and3A_470 : vector<16xi32>
        %swap3A_484 = arith.constant 16 : index
        %swap3A_485 = tpu.vector_load %arg9[%swap3A_484] {strides = array<i32>} : memref<128xi32, #tpu.memory_space<vmem>>, vector<16xi32>,
        %swap3A_486 = vector.shape_cast %swap3A_485 : vector<16xi32> to vector<16xi32>
        %swap3A_487 = vector.shape_cast %select_n3A_483 : vector<16xi32> to vector<16xi32>
        tpu.vector_store %arg9[%swap3A_484], %swap3A_487 {strides = array<i32>} : memref<128xi32, #tpu.memory_space<vmem>>, vector<16xi32>,
        %get3A_488 = arith.constant 32 : index
        %get3A_489 = tpu.vector_load %arg5[%get3A_488] {strides = array<i32>} : memref<256xi32, #tpu.memory_space<vmem>>, vector<16xi32>,
        %get3A_490 = vector.shape_cast %get3A_489 : vector<16xi32> to vector<16xi32>
        %and3A_491 = arith.constant 16383 : i32
        %and3A_492 = vector.broadcast %and3A_491 : i32 to vector<16xi32>
        %and3A_493 = arith.andi %get3A_490, %and3A_492 : vector<16xi32>
        %shift_right_logical3A_494 = arith.constant 14 : i32
        %shift_right_logical3A_495 = vector.broadcast %shift_right_logical3A_494 : i32 to vector<16xi32>
        %shift_right_logical3A_496 = arith.shrui %get3A_490, %shift_right_logical3A_495 : vector<16xi32>
        %eq3A_497 = arith.constant 0 : i32
        %eq3A_498 = arith.cmpi eq, %arg0, %eq3A_497 : i32
        %select_n3A_499 = arith.select %eq3A_498, %and3A_493, %shift_right_logical3A_496 : vector<16xi32>
        %swap3A_500 = arith.constant 32 : index
        %swap3A_501 = tpu.vector_load %arg7[%swap3A_500] {strides = array<i32>} : memref<128xi32, #tpu.memory_space<vmem>>, vector<16xi32>,
        %swap3A_502 = vector.shape_cast %swap3A_501 : vector<16xi32> to vector<16xi32>
        %swap3A_503 = vector.shape_cast %select_n3A_499 : vector<16xi32> to vector<16xi32>
        tpu.vector_store %arg7[%swap3A_500], %swap3A_503 {strides = array<i32>} : memref<128xi32, #tpu.memory_space<vmem>>, vector<16xi32>,
        %eq3A_504 = arith.constant 0 : i32
        %eq3A_505 = arith.cmpi eq, %arg0, %eq3A_504 : i32
        %select_n3A_506 = arith.select %eq3A_505, %shift_right_logical3A_496, %and3A_493 : vector<16xi32>
        %swap3A_507 = arith.constant 32 : index
        %swap3A_508 = tpu.vector_load %arg9[%swap3A_507] {strides = array<i32>} : memref<128xi32, #tpu.memory_space<vmem>>, vector<16xi32>,
        %swap3A_509 = vector.shape_cast %swap3A_508 : vector<16xi32> to vector<16xi32>
        %swap3A_510 = vector.shape_cast %select_n3A_506 : vector<16xi32> to vector<16xi32>
        tpu.vector_store %arg9[%swap3A_507], %swap3A_510 {strides = array<i32>} : memref<128xi32, #tpu.memory_space<vmem>>, vector<16xi32>,
        %get3A_511 = arith.constant 48 : index
        %get3A_512 = tpu.vector_load %arg5[%get3A_511] {strides = array<i32>} : memref<256xi32, #tpu.memory_space<vmem>>, vector<16xi32>,
        %get3A_513 = vector.shape_cast %get3A_512 : vector<16xi32> to vector<16xi32>
        %and3A_514 = arith.constant 16383 : i32
        %and3A_515 = vector.broadcast %and3A_514 : i32 to vector<16xi32>
        %and3A_516 = arith.andi %get3A_513, %and3A_515 : vector<16xi32>
        %shift_right_logical3A_517 = arith.constant 14 : i32
        %shift_right_logical3A_518 = vector.broadcast %shift_right_logical3A_517 : i32 to vector<16xi32>
        %shift_right_logical3A_519 = arith.shrui %get3A_513, %shift_right_logical3A_518 : vector<16xi32>
        %eq3A_520 = arith.constant 0 : i32
        %eq3A_521 = arith.cmpi eq, %arg0, %eq3A_520 : i32
        %select_n3A_522 = arith.select %eq3A_521, %and3A_516, %shift_right_logical3A_519 : vector<16xi32>
        %swap3A_523 = arith.constant 48 : index
        %swap3A_524 = tpu.vector_load %arg7[%swap3A_523] {strides = array<i32>} : memref<128xi32, #tpu.memory_space<vmem>>, vector<16xi32>,
        %swap3A_525 = vector.shape_cast %swap3A_524 : vector<16xi32> to vector<16xi32>
        %swap3A_526 = vector.shape_cast %select_n3A_522 : vector<16xi32> to vector<16xi32>
        tpu.vector_store %arg7[%swap3A_523], %swap3A_526 {strides = array<i32>} : memref<128xi32, #tpu.memory_space<vmem>>, vector<16xi32>,
        %eq3A_527 = arith.constant 0 : i32
        %eq3A_528 = arith.cmpi eq, %arg0, %eq3A_527 : i32
        %select_n3A_529 = arith.select %eq3A_528, %shift_right_logical3A_519, %and3A_516 : vector<16xi32>
        %swap3A_530 = arith.constant 48 : index
        %swap3A_531 = tpu.vector_load %arg9[%swap3A_530] {strides = array<i32>} : memref<128xi32, #tpu.memory_space<vmem>>, vector<16xi32>,
        %swap3A_532 = vector.shape_cast %swap3A_531 : vector<16xi32> to vector<16xi32>
        %swap3A_533 = vector.shape_cast %select_n3A_529 : vector<16xi32> to vector<16xi32>
        tpu.vector_store %arg9[%swap3A_530], %swap3A_533 {strides = array<i32>} : memref<128xi32, #tpu.memory_space<vmem>>, vector<16xi32>,
        %get3A_534 = arith.constant 64 : index
        %get3A_535 = tpu.vector_load %arg5[%get3A_534] {strides = array<i32>} : memref<256xi32, #tpu.memory_space<vmem>>, vector<16xi32>,
        %get3A_536 = vector.shape_cast %get3A_535 : vector<16xi32> to vector<16xi32>
        %and3A_537 = arith.constant 16383 : i32
        %and3A_538 = vector.broadcast %and3A_537 : i32 to vector<16xi32>
        %and3A_539 = arith.andi %get3A_536, %and3A_538 : vector<16xi32>
        %shift_right_logical3A_540 = arith.constant 14 : i32
        %shift_right_logical3A_541 = vector.broadcast %shift_right_logical3A_540 : i32 to vector<16xi32>
        %shift_right_logical3A_542 = arith.shrui %get3A_536, %shift_right_logical3A_541 : vector<16xi32>
        %eq3A_543 = arith.constant 0 : i32
        %eq3A_544 = arith.cmpi eq, %arg0, %eq3A_543 : i32
        %select_n3A_545 = arith.select %eq3A_544, %and3A_539, %shift_right_logical3A_542 : vector<16xi32>
        %swap3A_546 = arith.constant 64 : index
        %swap3A_547 = tpu.vector_load %arg7[%swap3A_546] {strides = array<i32>} : memref<128xi32, #tpu.memory_space<vmem>>, vector<16xi32>,
        %swap3A_548 = vector.shape_cast %swap3A_547 : vector<16xi32> to vector<16xi32>
        %swap3A_549 = vector.shape_cast %select_n3A_545 : vector<16xi32> to vector<16xi32>
        tpu.vector_store %arg7[%swap3A_546], %swap3A_549 {strides = array<i32>} : memref<128xi32, #tpu.memory_space<vmem>>, vector<16xi32>,
        %eq3A_550 = arith.constant 0 : i32
        %eq3A_551 = arith.cmpi eq, %arg0, %eq3A_550 : i32
        %select_n3A_552 = arith.select %eq3A_551, %shift_right_logical3A_542, %and3A_539 : vector<16xi32>
        %swap3A_553 = arith.constant 64 : index
        %swap3A_554 = tpu.vector_load %arg9[%swap3A_553] {strides = array<i32>} : memref<128xi32, #tpu.memory_space<vmem>>, vector<16xi32>,
        %swap3A_555 = vector.shape_cast %swap3A_554 : vector<16xi32> to vector<16xi32>
        %swap3A_556 = vector.shape_cast %select_n3A_552 : vector<16xi32> to vector<16xi32>
        tpu.vector_store %arg9[%swap3A_553], %swap3A_556 {strides = array<i32>} : memref<128xi32, #tpu.memory_space<vmem>>, vector<16xi32>,
        %get3A_557 = arith.constant 80 : index
        %get3A_558 = tpu.vector_load %arg5[%get3A_557] {strides = array<i32>} : memref<256xi32, #tpu.memory_space<vmem>>, vector<16xi32>,
        %get3A_559 = vector.shape_cast %get3A_558 : vector<16xi32> to vector<16xi32>
        %and3A_560 = arith.constant 16383 : i32
        %and3A_561 = vector.broadcast %and3A_560 : i32 to vector<16xi32>
        %and3A_562 = arith.andi %get3A_559, %and3A_561 : vector<16xi32>
        %shift_right_logical3A_563 = arith.constant 14 : i32
        %shift_right_logical3A_564 = vector.broadcast %shift_right_logical3A_563 : i32 to vector<16xi32>
        %shift_right_logical3A_565 = arith.shrui %get3A_559, %shift_right_logical3A_564 : vector<16xi32>
        %eq3A_566 = arith.constant 0 : i32
        %eq3A_567 = arith.cmpi eq, %arg0, %eq3A_566 : i32
        %select_n3A_568 = arith.select %eq3A_567, %and3A_562, %shift_right_logical3A_565 : vector<16xi32>
        %swap3A_569 = arith.constant 80 : index
        %swap3A_570 = tpu.vector_load %arg7[%swap3A_569] {strides = array<i32>} : memref<128xi32, #tpu.memory_space<vmem>>, vector<16xi32>,
        %swap3A_571 = vector.shape_cast %swap3A_570 : vector<16xi32> to vector<16xi32>
        %swap3A_572 = vector.shape_cast %select_n3A_568 : vector<16xi32> to vector<16xi32>
        tpu.vector_store %arg7[%swap3A_569], %swap3A_572 {strides = array<i32>} : memref<128xi32, #tpu.memory_space<vmem>>, vector<16xi32>,
        %eq3A_573 = arith.constant 0 : i32
        %eq3A_574 = arith.cmpi eq, %arg0, %eq3A_573 : i32
        %select_n3A_575 = arith.select %eq3A_574, %shift_right_logical3A_565, %and3A_562 : vector<16xi32>
        %swap3A_576 = arith.constant 80 : index
        %swap3A_577 = tpu.vector_load %arg9[%swap3A_576] {strides = array<i32>} : memref<128xi32, #tpu.memory_space<vmem>>, vector<16xi32>,
        %swap3A_578 = vector.shape_cast %swap3A_577 : vector<16xi32> to vector<16xi32>
        %swap3A_579 = vector.shape_cast %select_n3A_575 : vector<16xi32> to vector<16xi32>
        tpu.vector_store %arg9[%swap3A_576], %swap3A_579 {strides = array<i32>} : memref<128xi32, #tpu.memory_space<vmem>>, vector<16xi32>,
        %get3A_580 = arith.constant 96 : index
        %get3A_581 = tpu.vector_load %arg5[%get3A_580] {strides = array<i32>} : memref<256xi32, #tpu.memory_space<vmem>>, vector<16xi32>,
        %get3A_582 = vector.shape_cast %get3A_581 : vector<16xi32> to vector<16xi32>
        %and3A_583 = arith.constant 16383 : i32
        %and3A_584 = vector.broadcast %and3A_583 : i32 to vector<16xi32>
        %and3A_585 = arith.andi %get3A_582, %and3A_584 : vector<16xi32>
        %shift_right_logical3A_586 = arith.constant 14 : i32
        %shift_right_logical3A_587 = vector.broadcast %shift_right_logical3A_586 : i32 to vector<16xi32>
        %shift_right_logical3A_588 = arith.shrui %get3A_582, %shift_right_logical3A_587 : vector<16xi32>
        %eq3A_589 = arith.constant 0 : i32
        %eq3A_590 = arith.cmpi eq, %arg0, %eq3A_589 : i32
        %select_n3A_591 = arith.select %eq3A_590, %and3A_585, %shift_right_logical3A_588 : vector<16xi32>
        %swap3A_592 = arith.constant 96 : index
        %swap3A_593 = tpu.vector_load %arg7[%swap3A_592] {strides = array<i32>} : memref<128xi32, #tpu.memory_space<vmem>>, vector<16xi32>,
        %swap3A_594 = vector.shape_cast %swap3A_593 : vector<16xi32> to vector<16xi32>
        %swap3A_595 = vector.shape_cast %select_n3A_591 : vector<16xi32> to vector<16xi32>
        tpu.vector_store %arg7[%swap3A_592], %swap3A_595 {strides = array<i32>} : memref<128xi32, #tpu.memory_space<vmem>>, vector<16xi32>,
        %eq3A_596 = arith.constant 0 : i32
        %eq3A_597 = arith.cmpi eq, %arg0, %eq3A_596 : i32
        %select_n3A_598 = arith.select %eq3A_597, %shift_right_logical3A_588, %and3A_585 : vector<16xi32>
        %swap3A_599 = arith.constant 96 : index
        %swap3A_600 = tpu.vector_load %arg9[%swap3A_599] {strides = array<i32>} : memref<128xi32, #tpu.memory_space<vmem>>, vector<16xi32>,
        %swap3A_601 = vector.shape_cast %swap3A_600 : vector<16xi32> to vector<16xi32>
        %swap3A_602 = vector.shape_cast %select_n3A_598 : vector<16xi32> to vector<16xi32>
        tpu.vector_store %arg9[%swap3A_599], %swap3A_602 {strides = array<i32>} : memref<128xi32, #tpu.memory_space<vmem>>, vector<16xi32>,
        %get3A_603 = arith.constant 112 : index
        %get3A_604 = tpu.vector_load %arg5[%get3A_603] {strides = array<i32>} : memref<256xi32, #tpu.memory_space<vmem>>, vector<16xi32>,
        %get3A_605 = vector.shape_cast %get3A_604 : vector<16xi32> to vector<16xi32>
        %and3A_606 = arith.constant 16383 : i32
        %and3A_607 = vector.broadcast %and3A_606 : i32 to vector<16xi32>
        %and3A_608 = arith.andi %get3A_605, %and3A_607 : vector<16xi32>
        %shift_right_logical3A_609 = arith.constant 14 : i32
        %shift_right_logical3A_610 = vector.broadcast %shift_right_logical3A_609 : i32 to vector<16xi32>
        %shift_right_logical3A_611 = arith.shrui %get3A_605, %shift_right_logical3A_610 : vector<16xi32>
        %eq3A_612 = arith.constant 0 : i32
        %eq3A_613 = arith.cmpi eq, %arg0, %eq3A_612 : i32
        %select_n3A_614 = arith.select %eq3A_613, %and3A_608, %shift_right_logical3A_611 : vector<16xi32>
        %swap3A_615 = arith.constant 112 : index
        %swap3A_616 = tpu.vector_load %arg7[%swap3A_615] {strides = array<i32>} : memref<128xi32, #tpu.memory_space<vmem>>, vector<16xi32>,
        %swap3A_617 = vector.shape_cast %swap3A_616 : vector<16xi32> to vector<16xi32>
        %swap3A_618 = vector.shape_cast %select_n3A_614 : vector<16xi32> to vector<16xi32>
        tpu.vector_store %arg7[%swap3A_615], %swap3A_618 {strides = array<i32>} : memref<128xi32, #tpu.memory_space<vmem>>, vector<16xi32>,
        %eq3A_619 = arith.constant 0 : i32
        %eq3A_620 = arith.cmpi eq, %arg0, %eq3A_619 : i32
        %select_n3A_621 = arith.select %eq3A_620, %shift_right_logical3A_611, %and3A_608 : vector<16xi32>
        %swap3A_622 = arith.constant 112 : index
        %swap3A_623 = tpu.vector_load %arg9[%swap3A_622] {strides = array<i32>} : memref<128xi32, #tpu.memory_space<vmem>>, vector<16xi32>,
        %swap3A_624 = vector.shape_cast %swap3A_623 : vector<16xi32> to vector<16xi32>
        %swap3A_625 = vector.shape_cast %select_n3A_621 : vector<16xi32> to vector<16xi32>
        tpu.vector_store %arg9[%swap3A_622], %swap3A_625 {strides = array<i32>} : memref<128xi32, #tpu.memory_space<vmem>>, vector<16xi32>,
        %dma_start3A_626 = arith.constant 0 : i32
        %dma_start3A_627 = arith.constant 0 : i32
        %dma_start3A_628 = tpu.memref_slice %arg14[%dma_start3A_626, %dma_start3A_627] : memref<10240x64xf32, #tpu.memory_space<vmem_shared>> -> memref<10240x64xf32, #tpu.memory_space<vmem_shared>>
        tpu.enqueue_indirect_dma source(%dma_start3A_628 : memref<10240x64xf32, #tpu.memory_space<vmem_shared>>) target(%arg11 : memref<128x64xf32, #tpu.memory_space<vmem>>) offsets(%arg7 : memref<128xi32, #tpu.memory_space<vmem>>) semaphore(%arg16 : memref<!tpu.dma_semaphore, #tpu.memory_space<semaphore_mem>>)
        %dma_wait3A_629 = arith.constant 0 : i32
        %dma_wait3A_630 = arith.constant 0 : i32
        %dma_wait3A_631 = tpu.memref_slice %arg4[%dma_wait3A_629, %dma_wait3A_630] : memref<40960x64xf32, #tpu.memory_space<hbm>> -> memref<128x64xf32, #tpu.memory_space<hbm>>
        %dma_wait3A_632 = arith.constant 0 : i32
        %dma_wait3A_633 = arith.constant 0 : i32
        %dma_wait3A_634 = tpu.memref_slice %arg4[%dma_wait3A_632, %dma_wait3A_633] : memref<40960x64xf32, #tpu.memory_space<hbm>> -> memref<128x64xf32, #tpu.memory_space<hbm>>
        tpu.wait_dma2 semaphore(%arg17 : memref<!tpu.dma_semaphore, #tpu.memory_space<semaphore_mem>>) src(%dma_wait3A_634 : memref<128x64xf32, #tpu.memory_space<hbm>>) dst(%arg12 : memref<128x64xf32, #tpu.memory_space<vmem>>)
        "tpu.region"() ({
          %run_scoped3A = tpu.sem_alloc : memref<!tpu.dma_semaphore, #tpu.memory_space<semaphore_mem>>
          %dma_start3A_824 = arith.constant 0 : i32
          %dma_start3A_825 = arith.constant 0 : i32
          %dma_start3A_826 = tpu.memref_slice %arg13[%dma_start3A_824, %dma_start3A_825] : memref<10240x64xf32, #tpu.memory_space<vmem_shared>> -> memref<10240x64xf32, #tpu.memory_space<vmem_shared>>
          tpu.enqueue_indirect_dma source(%arg12 : memref<128x64xf32, #tpu.memory_space<vmem>>) target(%dma_start3A_826 : memref<10240x64xf32, #tpu.memory_space<vmem_shared>>) offsets(%arg10 : memref<128xi32, #tpu.memory_space<vmem>>) semaphore(%run_scoped3A : memref<!tpu.dma_semaphore, #tpu.memory_space<semaphore_mem>>) {add = true}
          %dma_wait3A_827 = arith.constant 0 : i32
          %dma_wait3A_828 = arith.constant 0 : i32
          %dma_wait3A_829 = tpu.memref_slice %arg13[%dma_wait3A_827, %dma_wait3A_828] : memref<10240x64xf32, #tpu.memory_space<vmem_shared>> -> memref<10240x64xf32, #tpu.memory_space<vmem_shared>>
          tpu.wait_indirect_dma semaphore(%run_scoped3A : memref<!tpu.dma_semaphore, #tpu.memory_space<semaphore_mem>>) src(%arg12 : memref<128x64xf32, #tpu.memory_space<vmem>>) dst(%dma_wait3A_829 : memref<10240x64xf32, #tpu.memory_space<vmem_shared>>)
          tpu.yield
        }) : () -> ()
        %get3A_635 = arith.constant 128 : index
        %get3A_636 = tpu.vector_load %arg5[%get3A_635] {strides = array<i32>} : memref<256xi32, #tpu.memory_space<vmem>>, vector<16xi32>,
        %get3A_637 = vector.shape_cast %get3A_636 : vector<16xi32> to vector<16xi32>
        %and3A_638 = arith.constant 16383 : i32
        %and3A_639 = vector.broadcast %and3A_638 : i32 to vector<16xi32>
        %and3A_640 = arith.andi %get3A_637, %and3A_639 : vector<16xi32>
        %shift_right_logical3A_641 = arith.constant 14 : i32
        %shift_right_logical3A_642 = vector.broadcast %shift_right_logical3A_641 : i32 to vector<16xi32>
        %shift_right_logical3A_643 = arith.shrui %get3A_637, %shift_right_logical3A_642 : vector<16xi32>
        %eq3A_644 = arith.constant 0 : i32
        %eq3A_645 = arith.cmpi eq, %arg0, %eq3A_644 : i32
        %select_n3A_646 = arith.select %eq3A_645, %and3A_640, %shift_right_logical3A_643 : vector<16xi32>
        %swap3A_647 = arith.constant 0 : index
        %swap3A_648 = tpu.vector_load %arg8[%swap3A_647] {strides = array<i32>} : memref<128xi32, #tpu.memory_space<vmem>>, vector<16xi32>,
        %swap3A_649 = vector.shape_cast %swap3A_648 : vector<16xi32> to vector<16xi32>
        %swap3A_650 = vector.shape_cast %select_n3A_646 : vector<16xi32> to vector<16xi32>
        tpu.vector_store %arg8[%swap3A_647], %swap3A_650 {strides = array<i32>} : memref<128xi32, #tpu.memory_space<vmem>>, vector<16xi32>,
        %eq3A_651 = arith.constant 0 : i32
        %eq3A_652 = arith.cmpi eq, %arg0, %eq3A_651 : i32
        %select_n3A_653 = arith.select %eq3A_652, %shift_right_logical3A_643, %and3A_640 : vector<16xi32>
        %swap3A_654 = arith.constant 0 : index
        %swap3A_655 = tpu.vector_load %arg10[%swap3A_654] {strides = array<i32>} : memref<128xi32, #tpu.memory_space<vmem>>, vector<16xi32>,
        %swap3A_656 = vector.shape_cast %swap3A_655 : vector<16xi32> to vector<16xi32>
        %swap3A_657 = vector.shape_cast %select_n3A_653 : vector<16xi32> to vector<16xi32>
        tpu.vector_store %arg10[%swap3A_654], %swap3A_657 {strides = array<i32>} : memref<128xi32, #tpu.memory_space<vmem>>, vector<16xi32>,
        %get3A_658 = arith.constant 144 : index
        %get3A_659 = tpu.vector_load %arg5[%get3A_658] {strides = array<i32>} : memref<256xi32, #tpu.memory_space<vmem>>, vector<16xi32>,
        %get3A_660 = vector.shape_cast %get3A_659 : vector<16xi32> to vector<16xi32>
        %and3A_661 = arith.constant 16383 : i32
        %and3A_662 = vector.broadcast %and3A_661 : i32 to vector<16xi32>
        %and3A_663 = arith.andi %get3A_660, %and3A_662 : vector<16xi32>
        %shift_right_logical3A_664 = arith.constant 14 : i32
        %shift_right_logical3A_665 = vector.broadcast %shift_right_logical3A_664 : i32 to vector<16xi32>
        %shift_right_logical3A_666 = arith.shrui %get3A_660, %shift_right_logical3A_665 : vector<16xi32>
        %eq3A_667 = arith.constant 0 : i32
        %eq3A_668 = arith.cmpi eq, %arg0, %eq3A_667 : i32
        %select_n3A_669 = arith.select %eq3A_668, %and3A_663, %shift_right_logical3A_666 : vector<16xi32>
        %swap3A_670 = arith.constant 16 : index
        %swap3A_671 = tpu.vector_load %arg8[%swap3A_670] {strides = array<i32>} : memref<128xi32, #tpu.memory_space<vmem>>, vector<16xi32>,
        %swap3A_672 = vector.shape_cast %swap3A_671 : vector<16xi32> to vector<16xi32>
        %swap3A_673 = vector.shape_cast %select_n3A_669 : vector<16xi32> to vector<16xi32>
        tpu.vector_store %arg8[%swap3A_670], %swap3A_673 {strides = array<i32>} : memref<128xi32, #tpu.memory_space<vmem>>, vector<16xi32>,
        %eq3A_674 = arith.constant 0 : i32
        %eq3A_675 = arith.cmpi eq, %arg0, %eq3A_674 : i32
        %select_n3A_676 = arith.select %eq3A_675, %shift_right_logical3A_666, %and3A_663 : vector<16xi32>
        %swap3A_677 = arith.constant 16 : index
        %swap3A_678 = tpu.vector_load %arg10[%swap3A_677] {strides = array<i32>} : memref<128xi32, #tpu.memory_space<vmem>>, vector<16xi32>,
        %swap3A_679 = vector.shape_cast %swap3A_678 : vector<16xi32> to vector<16xi32>
        %swap3A_680 = vector.shape_cast %select_n3A_676 : vector<16xi32> to vector<16xi32>
        tpu.vector_store %arg10[%swap3A_677], %swap3A_680 {strides = array<i32>} : memref<128xi32, #tpu.memory_space<vmem>>, vector<16xi32>,
        %get3A_681 = arith.constant 160 : index
        %get3A_682 = tpu.vector_load %arg5[%get3A_681] {strides = array<i32>} : memref<256xi32, #tpu.memory_space<vmem>>, vector<16xi32>,
        %get3A_683 = vector.shape_cast %get3A_682 : vector<16xi32> to vector<16xi32>
        %and3A_684 = arith.constant 16383 : i32
        %and3A_685 = vector.broadcast %and3A_684 : i32 to vector<16xi32>
        %and3A_686 = arith.andi %get3A_683, %and3A_685 : vector<16xi32>
        %shift_right_logical3A_687 = arith.constant 14 : i32
        %shift_right_logical3A_688 = vector.broadcast %shift_right_logical3A_687 : i32 to vector<16xi32>
        %shift_right_logical3A_689 = arith.shrui %get3A_683, %shift_right_logical3A_688 : vector<16xi32>
        %eq3A_690 = arith.constant 0 : i32
        %eq3A_691 = arith.cmpi eq, %arg0, %eq3A_690 : i32
        %select_n3A_692 = arith.select %eq3A_691, %and3A_686, %shift_right_logical3A_689 : vector<16xi32>
        %swap3A_693 = arith.constant 32 : index
        %swap3A_694 = tpu.vector_load %arg8[%swap3A_693] {strides = array<i32>} : memref<128xi32, #tpu.memory_space<vmem>>, vector<16xi32>,
        %swap3A_695 = vector.shape_cast %swap3A_694 : vector<16xi32> to vector<16xi32>
        %swap3A_696 = vector.shape_cast %select_n3A_692 : vector<16xi32> to vector<16xi32>
        tpu.vector_store %arg8[%swap3A_693], %swap3A_696 {strides = array<i32>} : memref<128xi32, #tpu.memory_space<vmem>>, vector<16xi32>,
        %eq3A_697 = arith.constant 0 : i32
        %eq3A_698 = arith.cmpi eq, %arg0, %eq3A_697 : i32
        %select_n3A_699 = arith.select %eq3A_698, %shift_right_logical3A_689, %and3A_686 : vector<16xi32>
        %swap3A_700 = arith.constant 32 : index
        %swap3A_701 = tpu.vector_load %arg10[%swap3A_700] {strides = array<i32>} : memref<128xi32, #tpu.memory_space<vmem>>, vector<16xi32>,
        %swap3A_702 = vector.shape_cast %swap3A_701 : vector<16xi32> to vector<16xi32>
        %swap3A_703 = vector.shape_cast %select_n3A_699 : vector<16xi32> to vector<16xi32>
        tpu.vector_store %arg10[%swap3A_700], %swap3A_703 {strides = array<i32>} : memref<128xi32, #tpu.memory_space<vmem>>, vector<16xi32>,
        %get3A_704 = arith.constant 176 : index
        %get3A_705 = tpu.vector_load %arg5[%get3A_704] {strides = array<i32>} : memref<256xi32, #tpu.memory_space<vmem>>, vector<16xi32>,
        %get3A_706 = vector.shape_cast %get3A_705 : vector<16xi32> to vector<16xi32>
        %and3A_707 = arith.constant 16383 : i32
        %and3A_708 = vector.broadcast %and3A_707 : i32 to vector<16xi32>
        %and3A_709 = arith.andi %get3A_706, %and3A_708 : vector<16xi32>
        %shift_right_logical3A_710 = arith.constant 14 : i32
        %shift_right_logical3A_711 = vector.broadcast %shift_right_logical3A_710 : i32 to vector<16xi32>
        %shift_right_logical3A_712 = arith.shrui %get3A_706, %shift_right_logical3A_711 : vector<16xi32>
        %eq3A_713 = arith.constant 0 : i32
        %eq3A_714 = arith.cmpi eq, %arg0, %eq3A_713 : i32
        %select_n3A_715 = arith.select %eq3A_714, %and3A_709, %shift_right_logical3A_712 : vector<16xi32>
        %swap3A_716 = arith.constant 48 : index
        %swap3A_717 = tpu.vector_load %arg8[%swap3A_716] {strides = array<i32>} : memref<128xi32, #tpu.memory_space<vmem>>, vector<16xi32>,
        %swap3A_718 = vector.shape_cast %swap3A_717 : vector<16xi32> to vector<16xi32>
        %swap3A_719 = vector.shape_cast %select_n3A_715 : vector<16xi32> to vector<16xi32>
        tpu.vector_store %arg8[%swap3A_716], %swap3A_719 {strides = array<i32>} : memref<128xi32, #tpu.memory_space<vmem>>, vector<16xi32>,
        %eq3A_720 = arith.constant 0 : i32
        %eq3A_721 = arith.cmpi eq, %arg0, %eq3A_720 : i32
        %select_n3A_722 = arith.select %eq3A_721, %shift_right_logical3A_712, %and3A_709 : vector<16xi32>
        %swap3A_723 = arith.constant 48 : index
        %swap3A_724 = tpu.vector_load %arg10[%swap3A_723] {strides = array<i32>} : memref<128xi32, #tpu.memory_space<vmem>>, vector<16xi32>,
        %swap3A_725 = vector.shape_cast %swap3A_724 : vector<16xi32> to vector<16xi32>
        %swap3A_726 = vector.shape_cast %select_n3A_722 : vector<16xi32> to vector<16xi32>
        tpu.vector_store %arg10[%swap3A_723], %swap3A_726 {strides = array<i32>} : memref<128xi32, #tpu.memory_space<vmem>>, vector<16xi32>,
        %get3A_727 = arith.constant 192 : index
        %get3A_728 = tpu.vector_load %arg5[%get3A_727] {strides = array<i32>} : memref<256xi32, #tpu.memory_space<vmem>>, vector<16xi32>,
        %get3A_729 = vector.shape_cast %get3A_728 : vector<16xi32> to vector<16xi32>
        %and3A_730 = arith.constant 16383 : i32
        %and3A_731 = vector.broadcast %and3A_730 : i32 to vector<16xi32>
        %and3A_732 = arith.andi %get3A_729, %and3A_731 : vector<16xi32>
        %shift_right_logical3A_733 = arith.constant 14 : i32
        %shift_right_logical3A_734 = vector.broadcast %shift_right_logical3A_733 : i32 to vector<16xi32>
        %shift_right_logical3A_735 = arith.shrui %get3A_729, %shift_right_logical3A_734 : vector<16xi32>
        %eq3A_736 = arith.constant 0 : i32
        %eq3A_737 = arith.cmpi eq, %arg0, %eq3A_736 : i32
        %select_n3A_738 = arith.select %eq3A_737, %and3A_732, %shift_right_logical3A_735 : vector<16xi32>
        %swap3A_739 = arith.constant 64 : index
        %swap3A_740 = tpu.vector_load %arg8[%swap3A_739] {strides = array<i32>} : memref<128xi32, #tpu.memory_space<vmem>>, vector<16xi32>,
        %swap3A_741 = vector.shape_cast %swap3A_740 : vector<16xi32> to vector<16xi32>
        %swap3A_742 = vector.shape_cast %select_n3A_738 : vector<16xi32> to vector<16xi32>
        tpu.vector_store %arg8[%swap3A_739], %swap3A_742 {strides = array<i32>} : memref<128xi32, #tpu.memory_space<vmem>>, vector<16xi32>,
        %eq3A_743 = arith.constant 0 : i32
        %eq3A_744 = arith.cmpi eq, %arg0, %eq3A_743 : i32
        %select_n3A_745 = arith.select %eq3A_744, %shift_right_logical3A_735, %and3A_732 : vector<16xi32>
        %swap3A_746 = arith.constant 64 : index
        %swap3A_747 = tpu.vector_load %arg10[%swap3A_746] {strides = array<i32>} : memref<128xi32, #tpu.memory_space<vmem>>, vector<16xi32>,
        %swap3A_748 = vector.shape_cast %swap3A_747 : vector<16xi32> to vector<16xi32>
        %swap3A_749 = vector.shape_cast %select_n3A_745 : vector<16xi32> to vector<16xi32>
        tpu.vector_store %arg10[%swap3A_746], %swap3A_749 {strides = array<i32>} : memref<128xi32, #tpu.memory_space<vmem>>, vector<16xi32>,
        %get3A_750 = arith.constant 208 : index
        %get3A_751 = tpu.vector_load %arg5[%get3A_750] {strides = array<i32>} : memref<256xi32, #tpu.memory_space<vmem>>, vector<16xi32>,
        %get3A_752 = vector.shape_cast %get3A_751 : vector<16xi32> to vector<16xi32>
        %and3A_753 = arith.constant 16383 : i32
        %and3A_754 = vector.broadcast %and3A_753 : i32 to vector<16xi32>
        %and3A_755 = arith.andi %get3A_752, %and3A_754 : vector<16xi32>
        %shift_right_logical3A_756 = arith.constant 14 : i32
        %shift_right_logical3A_757 = vector.broadcast %shift_right_logical3A_756 : i32 to vector<16xi32>
        %shift_right_logical3A_758 = arith.shrui %get3A_752, %shift_right_logical3A_757 : vector<16xi32>
        %eq3A_759 = arith.constant 0 : i32
        %eq3A_760 = arith.cmpi eq, %arg0, %eq3A_759 : i32
        %select_n3A_761 = arith.select %eq3A_760, %and3A_755, %shift_right_logical3A_758 : vector<16xi32>
        %swap3A_762 = arith.constant 80 : index
        %swap3A_763 = tpu.vector_load %arg8[%swap3A_762] {strides = array<i32>} : memref<128xi32, #tpu.memory_space<vmem>>, vector<16xi32>,
        %swap3A_764 = vector.shape_cast %swap3A_763 : vector<16xi32> to vector<16xi32>
        %swap3A_765 = vector.shape_cast %select_n3A_761 : vector<16xi32> to vector<16xi32>
        tpu.vector_store %arg8[%swap3A_762], %swap3A_765 {strides = array<i32>} : memref<128xi32, #tpu.memory_space<vmem>>, vector<16xi32>,
        %eq3A_766 = arith.constant 0 : i32
        %eq3A_767 = arith.cmpi eq, %arg0, %eq3A_766 : i32
        %select_n3A_768 = arith.select %eq3A_767, %shift_right_logical3A_758, %and3A_755 : vector<16xi32>
        %swap3A_769 = arith.constant 80 : index
        %swap3A_770 = tpu.vector_load %arg10[%swap3A_769] {strides = array<i32>} : memref<128xi32, #tpu.memory_space<vmem>>, vector<16xi32>,
        %swap3A_771 = vector.shape_cast %swap3A_770 : vector<16xi32> to vector<16xi32>
        %swap3A_772 = vector.shape_cast %select_n3A_768 : vector<16xi32> to vector<16xi32>
        tpu.vector_store %arg10[%swap3A_769], %swap3A_772 {strides = array<i32>} : memref<128xi32, #tpu.memory_space<vmem>>, vector<16xi32>,
        %get3A_773 = arith.constant 224 : index
        %get3A_774 = tpu.vector_load %arg5[%get3A_773] {strides = array<i32>} : memref<256xi32, #tpu.memory_space<vmem>>, vector<16xi32>,
        %get3A_775 = vector.shape_cast %get3A_774 : vector<16xi32> to vector<16xi32>
        %and3A_776 = arith.constant 16383 : i32
        %and3A_777 = vector.broadcast %and3A_776 : i32 to vector<16xi32>
        %and3A_778 = arith.andi %get3A_775, %and3A_777 : vector<16xi32>
        %shift_right_logical3A_779 = arith.constant 14 : i32
        %shift_right_logical3A_780 = vector.broadcast %shift_right_logical3A_779 : i32 to vector<16xi32>
        %shift_right_logical3A_781 = arith.shrui %get3A_775, %shift_right_logical3A_780 : vector<16xi32>
        %eq3A_782 = arith.constant 0 : i32
        %eq3A_783 = arith.cmpi eq, %arg0, %eq3A_782 : i32
        %select_n3A_784 = arith.select %eq3A_783, %and3A_778, %shift_right_logical3A_781 : vector<16xi32>
        %swap3A_785 = arith.constant 96 : index
        %swap3A_786 = tpu.vector_load %arg8[%swap3A_785] {strides = array<i32>} : memref<128xi32, #tpu.memory_space<vmem>>, vector<16xi32>,
        %swap3A_787 = vector.shape_cast %swap3A_786 : vector<16xi32> to vector<16xi32>
        %swap3A_788 = vector.shape_cast %select_n3A_784 : vector<16xi32> to vector<16xi32>
        tpu.vector_store %arg8[%swap3A_785], %swap3A_788 {strides = array<i32>} : memref<128xi32, #tpu.memory_space<vmem>>, vector<16xi32>,
        %eq3A_789 = arith.constant 0 : i32
        %eq3A_790 = arith.cmpi eq, %arg0, %eq3A_789 : i32
        %select_n3A_791 = arith.select %eq3A_790, %shift_right_logical3A_781, %and3A_778 : vector<16xi32>
        %swap3A_792 = arith.constant 96 : index
        %swap3A_793 = tpu.vector_load %arg10[%swap3A_792] {strides = array<i32>} : memref<128xi32, #tpu.memory_space<vmem>>, vector<16xi32>,
        %swap3A_794 = vector.shape_cast %swap3A_793 : vector<16xi32> to vector<16xi32>
        %swap3A_795 = vector.shape_cast %select_n3A_791 : vector<16xi32> to vector<16xi32>
        tpu.vector_store %arg10[%swap3A_792], %swap3A_795 {strides = array<i32>} : memref<128xi32, #tpu.memory_space<vmem>>, vector<16xi32>,
        %get3A_796 = arith.constant 240 : index
        %get3A_797 = tpu.vector_load %arg5[%get3A_796] {strides = array<i32>} : memref<256xi32, #tpu.memory_space<vmem>>, vector<16xi32>,
        %get3A_798 = vector.shape_cast %get3A_797 : vector<16xi32> to vector<16xi32>
        %and3A_799 = arith.constant 16383 : i32
        %and3A_800 = vector.broadcast %and3A_799 : i32 to vector<16xi32>
        %and3A_801 = arith.andi %get3A_798, %and3A_800 : vector<16xi32>
        %shift_right_logical3A_802 = arith.constant 14 : i32
        %shift_right_logical3A_803 = vector.broadcast %shift_right_logical3A_802 : i32 to vector<16xi32>
        %shift_right_logical3A_804 = arith.shrui %get3A_798, %shift_right_logical3A_803 : vector<16xi32>
        %eq3A_805 = arith.constant 0 : i32
        %eq3A_806 = arith.cmpi eq, %arg0, %eq3A_805 : i32
        %select_n3A_807 = arith.select %eq3A_806, %and3A_801, %shift_right_logical3A_804 : vector<16xi32>
        %swap3A_808 = arith.constant 112 : index
        %swap3A_809 = tpu.vector_load %arg8[%swap3A_808] {strides = array<i32>} : memref<128xi32, #tpu.memory_space<vmem>>, vector<16xi32>,
        %swap3A_810 = vector.shape_cast %swap3A_809 : vector<16xi32> to vector<16xi32>
        %swap3A_811 = vector.shape_cast %select_n3A_807 : vector<16xi32> to vector<16xi32>
        tpu.vector_store %arg8[%swap3A_808], %swap3A_811 {strides = array<i32>} : memref<128xi32, #tpu.memory_space<vmem>>, vector<16xi32>,
        %eq3A_812 = arith.constant 0 : i32
        %eq3A_813 = arith.cmpi eq, %arg0, %eq3A_812 : i32
        %select_n3A_814 = arith.select %eq3A_813, %shift_right_logical3A_804, %and3A_801 : vector<16xi32>
        %swap3A_815 = arith.constant 112 : index
        %swap3A_816 = tpu.vector_load %arg10[%swap3A_815] {strides = array<i32>} : memref<128xi32, #tpu.memory_space<vmem>>, vector<16xi32>,
        %swap3A_817 = vector.shape_cast %swap3A_816 : vector<16xi32> to vector<16xi32>
        %swap3A_818 = vector.shape_cast %select_n3A_814 : vector<16xi32> to vector<16xi32>
        tpu.vector_store %arg10[%swap3A_815], %swap3A_818 {strides = array<i32>} : memref<128xi32, #tpu.memory_space<vmem>>, vector<16xi32>,
        %dma_start3A_819 = arith.constant 0 : i32
        %dma_start3A_820 = arith.constant 0 : i32
        %dma_start3A_821 = tpu.memref_slice %arg14[%dma_start3A_819, %dma_start3A_820] : memref<10240x64xf32, #tpu.memory_space<vmem_shared>> -> memref<10240x64xf32, #tpu.memory_space<vmem_shared>>
        tpu.enqueue_indirect_dma source(%dma_start3A_821 : memref<10240x64xf32, #tpu.memory_space<vmem_shared>>) target(%arg12 : memref<128x64xf32, #tpu.memory_space<vmem>>) offsets(%arg8 : memref<128xi32, #tpu.memory_space<vmem>>) semaphore(%arg17 : memref<!tpu.dma_semaphore, #tpu.memory_space<semaphore_mem>>)
        %lt3A = arith.constant 77 : i32
        %lt3A_822 = arith.cmpi slt, %scan3A_431, %lt3A : i32
        %convert_element_type3A = arith.extui %lt3A_822 : i1 to i32
        %cond3A = arith.constant 0 : i32
        %cond3A_823 = arith.cmpi ne, %convert_element_type3A, %cond3A : i32
        scf.if %cond3A_823 {
          %add3A_824 = arith.constant 2 : i32
          %add3A_825 = arith.addi %scan3A_431, %add3A_824 : i32
          %mul3A_826 = arith.constant 2 : i32
          %mul3A_827 = arith.muli %add3A_825, %mul3A_826 : i32
          %mul3A_828 = arith.constant 128 : i32
          %mul3A_829 = arith.muli %mul3A_827, %mul3A_828 : i32
          %add3A_830 = arith.addi %mul3A_7, %mul3A_829 : i32
          %dma_start3A_831 = tpu.memref_slice %arg3[%add3A_830] : memref<323584xi32, #tpu.memory_space<hbm>> -> memref<256xi32, #tpu.memory_space<hbm>>
          %dma_start3A_832 = tpu.memref_slice %arg3[%add3A_830] : memref<323584xi32, #tpu.memory_space<hbm>> -> memref<256xi32, #tpu.memory_space<hbm>>
          tpu.enqueue_dma source(%dma_start3A_832 : memref<256xi32, #tpu.memory_space<hbm>>) target(%arg5 : memref<256xi32, #tpu.memory_space<vmem>>) target_semaphore(%arg15 : memref<!tpu.dma_semaphore, #tpu.memory_space<semaphore_mem>>)
        } else {
        }
      }
      %scan3A_410 = arith.constant 78 : i32
      %dma_wait3A_411 = arith.constant 0 : i32
      %dma_wait3A_412 = arith.constant 0 : i32
      %dma_wait3A_413 = tpu.memref_slice %arg4[%dma_wait3A_411, %dma_wait3A_412] : memref<40960x64xf32, #tpu.memory_space<hbm>> -> memref<128x64xf32, #tpu.memory_space<hbm>>
      %dma_wait3A_414 = arith.constant 0 : i32
      %dma_wait3A_415 = arith.constant 0 : i32
      %dma_wait3A_416 = tpu.memref_slice %arg4[%dma_wait3A_414, %dma_wait3A_415] : memref<40960x64xf32, #tpu.memory_space<hbm>> -> memref<128x64xf32, #tpu.memory_space<hbm>>
      tpu.wait_dma2 semaphore(%arg16 : memref<!tpu.dma_semaphore, #tpu.memory_space<semaphore_mem>>) src(%dma_wait3A_416 : memref<128x64xf32, #tpu.memory_space<hbm>>) dst(%arg11 : memref<128x64xf32, #tpu.memory_space<vmem>>)
      "tpu.region"() ({
        %run_scoped3A = tpu.sem_alloc : memref<!tpu.dma_semaphore, #tpu.memory_space<semaphore_mem>>
        %dma_start3A_431 = arith.constant 0 : i32
        %dma_start3A_432 = arith.constant 0 : i32
        %dma_start3A_433 = tpu.memref_slice %arg13[%dma_start3A_431, %dma_start3A_432] : memref<10240x64xf32, #tpu.memory_space<vmem_shared>> -> memref<10240x64xf32, #tpu.memory_space<vmem_shared>>
        tpu.enqueue_indirect_dma source(%arg11 : memref<128x64xf32, #tpu.memory_space<vmem>>) target(%dma_start3A_433 : memref<10240x64xf32, #tpu.memory_space<vmem_shared>>) offsets(%arg9 : memref<128xi32, #tpu.memory_space<vmem>>) semaphore(%run_scoped3A : memref<!tpu.dma_semaphore, #tpu.memory_space<semaphore_mem>>) {add = true}
        %dma_wait3A_434 = arith.constant 0 : i32
        %dma_wait3A_435 = arith.constant 0 : i32
        %dma_wait3A_436 = tpu.memref_slice %arg13[%dma_wait3A_434, %dma_wait3A_435] : memref<10240x64xf32, #tpu.memory_space<vmem_shared>> -> memref<10240x64xf32, #tpu.memory_space<vmem_shared>>
        tpu.wait_indirect_dma semaphore(%run_scoped3A : memref<!tpu.dma_semaphore, #tpu.memory_space<semaphore_mem>>) src(%arg11 : memref<128x64xf32, #tpu.memory_space<vmem>>) dst(%dma_wait3A_436 : memref<10240x64xf32, #tpu.memory_space<vmem_shared>>)
        tpu.yield
      }) : () -> ()
      %dma_wait3A_417 = arith.constant 0 : i32
      %dma_wait3A_418 = arith.constant 0 : i32
      %dma_wait3A_419 = tpu.memref_slice %arg4[%dma_wait3A_417, %dma_wait3A_418] : memref<40960x64xf32, #tpu.memory_space<hbm>> -> memref<128x64xf32, #tpu.memory_space<hbm>>
      %dma_wait3A_420 = arith.constant 0 : i32
      %dma_wait3A_421 = arith.constant 0 : i32
      %dma_wait3A_422 = tpu.memref_slice %arg4[%dma_wait3A_420, %dma_wait3A_421] : memref<40960x64xf32, #tpu.memory_space<hbm>> -> memref<128x64xf32, #tpu.memory_space<hbm>>
      tpu.wait_dma2 semaphore(%arg17 : memref<!tpu.dma_semaphore, #tpu.memory_space<semaphore_mem>>) src(%dma_wait3A_422 : memref<128x64xf32, #tpu.memory_space<hbm>>) dst(%arg12 : memref<128x64xf32, #tpu.memory_space<vmem>>)
      "tpu.region"() ({
        %run_scoped3A = tpu.sem_alloc : memref<!tpu.dma_semaphore, #tpu.memory_space<semaphore_mem>>
        %dma_start3A_431 = arith.constant 0 : i32
        %dma_start3A_432 = arith.constant 0 : i32
        %dma_start3A_433 = tpu.memref_slice %arg13[%dma_start3A_431, %dma_start3A_432] : memref<10240x64xf32, #tpu.memory_space<vmem_shared>> -> memref<10240x64xf32, #tpu.memory_space<vmem_shared>>
        tpu.enqueue_indirect_dma source(%arg12 : memref<128x64xf32, #tpu.memory_space<vmem>>) target(%dma_start3A_433 : memref<10240x64xf32, #tpu.memory_space<vmem_shared>>) offsets(%arg10 : memref<128xi32, #tpu.memory_space<vmem>>) semaphore(%run_scoped3A : memref<!tpu.dma_semaphore, #tpu.memory_space<semaphore_mem>>) {add = true}
        %dma_wait3A_434 = arith.constant 0 : i32
        %dma_wait3A_435 = arith.constant 0 : i32
        %dma_wait3A_436 = tpu.memref_slice %arg13[%dma_wait3A_434, %dma_wait3A_435] : memref<10240x64xf32, #tpu.memory_space<vmem_shared>> -> memref<10240x64xf32, #tpu.memory_space<vmem_shared>>
        tpu.wait_indirect_dma semaphore(%run_scoped3A : memref<!tpu.dma_semaphore, #tpu.memory_space<semaphore_mem>>) src(%arg12 : memref<128x64xf32, #tpu.memory_space<vmem>>) dst(%dma_wait3A_436 : memref<10240x64xf32, #tpu.memory_space<vmem_shared>>)
        tpu.yield
      }) : () -> ()
      %barrier3A_423 = arith.constant 0 : index
      tpu.barrier barrier_id(%barrier3A_423)
      %mul3A_424 = arith.constant 2 : i32
      %mul3A_425 = arith.muli %arg0, %mul3A_424 : i32
      %add3A_426 = arith.addi %mul3A_425, %scan3A_14 : i32
      %mul3A_427 = arith.constant 10240 : i32
      %mul3A_428 = arith.muli %add3A_426, %mul3A_427 : i32
      %add3A_429 = arith.addi %mul3A_428, %mul3A_5 : i32
      "tpu.region"() ({
        %run_scoped3A = tpu.sem_alloc : memref<!tpu.dma_semaphore, #tpu.memory_space<semaphore_mem>>
        %dma_start3A_431 = arith.constant 0 : i32
        %dma_start3A_432 = tpu.memref_slice %arg4[%add3A_429, %dma_start3A_431] : memref<40960x64xf32, #tpu.memory_space<hbm>> -> memref<640x64xf32, #tpu.memory_space<hbm>>
        %dma_start3A_433 = arith.constant 0 : i32
        %dma_start3A_434 = tpu.memref_slice %arg13[%mul3A_5, %dma_start3A_433] : memref<10240x64xf32, #tpu.memory_space<vmem_shared>> -> memref<640x64xf32, #tpu.memory_space<vmem_shared>>
        tpu.enqueue_dma source(%dma_start3A_434 : memref<640x64xf32, #tpu.memory_space<vmem_shared>>) target(%dma_start3A_432 : memref<640x64xf32, #tpu.memory_space<hbm>>) target_semaphore(%run_scoped3A : memref<!tpu.dma_semaphore, #tpu.memory_space<semaphore_mem>>)
        %dma_wait3A_435 = arith.constant 0 : i32
        %dma_wait3A_436 = tpu.memref_slice %arg4[%add3A_429, %dma_wait3A_435] : memref<40960x64xf32, #tpu.memory_space<hbm>> -> memref<640x64xf32, #tpu.memory_space<hbm>>
        %dma_wait3A_437 = arith.constant 0 : i32
        %dma_wait3A_438 = tpu.memref_slice %arg13[%mul3A_5, %dma_wait3A_437] : memref<10240x64xf32, #tpu.memory_space<vmem_shared>> -> memref<640x64xf32, #tpu.memory_space<vmem_shared>>
        tpu.wait_dma2 semaphore(%run_scoped3A : memref<!tpu.dma_semaphore, #tpu.memory_space<semaphore_mem>>) src(%dma_wait3A_438 : memref<640x64xf32, #tpu.memory_space<vmem_shared>>) dst(%dma_wait3A_436 : memref<640x64xf32, #tpu.memory_space<hbm>>)
        tpu.yield
      }) : () -> ()
      %barrier3A_430 = arith.constant 0 : index
      tpu.barrier barrier_id(%barrier3A_430)
    }
    %scan3A_13 = arith.constant 2 : i32
    return
  }
}

#map = affine_map<(d0, d1) -> (0, 0)>
#map1 = affine_map<(d0, d1) -> (0)>
module attributes {stable_mosaic.version = 14 : i64} {
  func.func @_sc_aggregate_body(%arg0: i32, %arg1: i32, %arg2: memref<20480x64xf32, #tpu.memory_space<hbm>>, %arg3: memref<323584xi32, #tpu.memory_space<hbm>>, %arg4: memref<40960x64xf32, #tpu.memory_space<hbm>>, %arg5: memref<256xi32, #tpu.memory_space<vmem>>, %arg6: memref<128x64xf32, #tpu.memory_space<vmem>>, %arg7: memref<128xi32, #tpu.memory_space<vmem>>, %arg8: memref<128xi32, #tpu.memory_space<vmem>>, %arg9: memref<128xi32, #tpu.memory_space<vmem>>, %arg10: memref<128xi32, #tpu.memory_space<vmem>>, %arg11: memref<128x64xf32, #tpu.memory_space<vmem>>, %arg12: memref<128x64xf32, #tpu.memory_space<vmem>>, %arg13: memref<10240x64xf32, #tpu.memory_space<vmem_shared>>, %arg14: memref<10240x64xf32, #tpu.memory_space<vmem_shared>>, %arg15: memref<!tpu.dma_semaphore, #tpu.memory_space<semaphore_mem>>, %arg16: memref<!tpu.dma_semaphore, #tpu.memory_space<semaphore_mem>>, %arg17: memref<!tpu.dma_semaphore, #tpu.memory_space<semaphore_mem>>) attributes {dimension_semantics = [#tpu.dimension_semantics<core_parallel>, #tpu.dimension_semantics<subcore_parallel>], iteration_bounds = array<i64: 2, 16>, scalar_prefetch = 0 : i64, scratch_operands = 13 : i64, tpu.core_type = #tpu.core_type<sc_vector_subcore>, window_params = [{transform_indices = #map}, {transform_indices = #map1}, {transform_indices = #map}]} {
    %scan3A = arith.constant 0 : i32
    %scan3A_0 = arith.constant 0 : i32
    %scan3A_1 = arith.constant 128 : i32
    %scan3A_2 = arith.addi %scan3A_0, %scan3A_1 : i32
    %scan3A_3 = arith.constant 1 : i32
    scf.for %scan3A_14 = %scan3A_0 to %scan3A_2 step %scan3A_3  : i32 {
      %broadcast_in_dim3A = arith.constant 0.000000e+00 : f32
      %broadcast_in_dim3A_15 = vector.broadcast %broadcast_in_dim3A : f32 to vector<16xf32>
      %swap3A = arith.index_cast %scan3A_14 : i32 to index
      %swap3A_16 = arith.constant 0 : index
      %swap3A_17 = tpu.vector_load %arg6[%swap3A, %swap3A_16] {strides = array<i32>} : memref<128x64xf32, #tpu.memory_space<vmem>>, vector<1x16xf32>,
      %swap3A_18 = vector.shape_cast %swap3A_17 : vector<1x16xf32> to vector<16xf32>
      %swap3A_19 = vector.shape_cast %broadcast_in_dim3A_15 : vector<16xf32> to vector<1x16xf32>
      tpu.vector_store %arg6[%swap3A, %swap3A_16], %swap3A_19 {strides = array<i32>} : memref<128x64xf32, #tpu.memory_space<vmem>>, vector<1x16xf32>,
      %broadcast_in_dim3A_20 = arith.constant 0.000000e+00 : f32
      %broadcast_in_dim3A_21 = vector.broadcast %broadcast_in_dim3A_20 : f32 to vector<16xf32>
      %swap3A_22 = arith.index_cast %scan3A_14 : i32 to index
      %swap3A_23 = arith.constant 16 : index
      %swap3A_24 = tpu.vector_load %arg6[%swap3A_22, %swap3A_23] {strides = array<i32>} : memref<128x64xf32, #tpu.memory_space<vmem>>, vector<1x16xf32>,
      %swap3A_25 = vector.shape_cast %swap3A_24 : vector<1x16xf32> to vector<16xf32>
      %swap3A_26 = vector.shape_cast %broadcast_in_dim3A_21 : vector<16xf32> to vector<1x16xf32>
      tpu.vector_store %arg6[%swap3A_22, %swap3A_23], %swap3A_26 {strides = array<i32>} : memref<128x64xf32, #tpu.memory_space<vmem>>, vector<1x16xf32>,
      %broadcast_in_dim3A_27 = arith.constant 0.000000e+00 : f32
      %broadcast_in_dim3A_28 = vector.broadcast %broadcast_in_dim3A_27 : f32 to vector<16xf32>
      %swap3A_29 = arith.index_cast %scan3A_14 : i32 to index
      %swap3A_30 = arith.constant 32 : index
      %swap3A_31 = tpu.vector_load %arg6[%swap3A_29, %swap3A_30] {strides = array<i32>} : memref<128x64xf32, #tpu.memory_space<vmem>>, vector<1x16xf32>,
      %swap3A_32 = vector.shape_cast %swap3A_31 : vector<1x16xf32> to vector<16xf32>
      %swap3A_33 = vector.shape_cast %broadcast_in_dim3A_28 : vector<16xf32> to vector<1x16xf32>
      tpu.vector_store %arg6[%swap3A_29, %swap3A_30], %swap3A_33 {strides = array<i32>} : memref<128x64xf32, #tpu.memory_space<vmem>>, vector<1x16xf32>,
      %broadcast_in_dim3A_34 = arith.constant 0.000000e+00 : f32
      %broadcast_in_dim3A_35 = vector.broadcast %broadcast_in_dim3A_34 : f32 to vector<16xf32>
      %swap3A_36 = arith.index_cast %scan3A_14 : i32 to index
      %swap3A_37 = arith.constant 48 : index
      %swap3A_38 = tpu.vector_load %arg6[%swap3A_36, %swap3A_37] {strides = array<i32>} : memref<128x64xf32, #tpu.memory_space<vmem>>, vector<1x16xf32>,
      %swap3A_39 = vector.shape_cast %swap3A_38 : vector<1x16xf32> to vector<16xf32>
      %swap3A_40 = vector.shape_cast %broadcast_in_dim3A_35 : vector<16xf32> to vector<1x16xf32>
      tpu.vector_store %arg6[%swap3A_36, %swap3A_37], %swap3A_40 {strides = array<i32>} : memref<128x64xf32, #tpu.memory_space<vmem>>, vector<1x16xf32>,
    }
    %scan3A_4 = arith.constant 128 : i32
    %mul3A = arith.constant 640 : i32
    %mul3A_5 = arith.muli %arg1, %mul3A : i32
    %mul3A_6 = arith.constant 20224 : i32
    %mul3A_7 = arith.muli %arg1, %mul3A_6 : i32
    %scan3A_8 = arith.constant 0 : i32
    %scan3A_9 = arith.constant 0 : i32
    %scan3A_10 = arith.constant 2 : i32
    %scan3A_11 = arith.addi %scan3A_9, %scan3A_10 : i32
    %scan3A_12 = arith.constant 1 : i32
    scf.for %scan3A_14 = %scan3A_9 to %scan3A_11 step %scan3A_12  : i32 {
      %add3A = arith.constant 0 : i32
      %add3A_15 = arith.addi %mul3A_5, %add3A : i32
      "tpu.region"() ({
        %run_scoped3A = tpu.sem_alloc : memref<!tpu.dma_semaphore, #tpu.memory_space<semaphore_mem>>
        %dma_start3A_431 = arith.constant 0 : i32
        %dma_start3A_432 = tpu.memref_slice %arg13[%add3A_15, %dma_start3A_431] : memref<10240x64xf32, #tpu.memory_space<vmem_shared>> -> memref<128x64xf32, #tpu.memory_space<vmem_shared>>
        %dma_start3A_433 = arith.constant 0 : i32
        %dma_start3A_434 = tpu.memref_slice %arg13[%add3A_15, %dma_start3A_433] : memref<10240x64xf32, #tpu.memory_space<vmem_shared>> -> memref<128x64xf32, #tpu.memory_space<vmem_shared>>
        tpu.enqueue_dma source(%arg6 : memref<128x64xf32, #tpu.memory_space<vmem>>) target(%dma_start3A_434 : memref<128x64xf32, #tpu.memory_space<vmem_shared>>) target_semaphore(%run_scoped3A : memref<!tpu.dma_semaphore, #tpu.memory_space<semaphore_mem>>)
        %dma_wait3A_435 = arith.constant 0 : i32
        %dma_wait3A_436 = tpu.memref_slice %arg13[%add3A_15, %dma_wait3A_435] : memref<10240x64xf32, #tpu.memory_space<vmem_shared>> -> memref<128x64xf32, #tpu.memory_space<vmem_shared>>
        %dma_wait3A_437 = arith.constant 0 : i32
        %dma_wait3A_438 = tpu.memref_slice %arg13[%add3A_15, %dma_wait3A_437] : memref<10240x64xf32, #tpu.memory_space<vmem_shared>> -> memref<128x64xf32, #tpu.memory_space<vmem_shared>>
        tpu.wait_dma2 semaphore(%run_scoped3A : memref<!tpu.dma_semaphore, #tpu.memory_space<semaphore_mem>>) src(%arg6 : memref<128x64xf32, #tpu.memory_space<vmem>>) dst(%dma_wait3A_438 : memref<128x64xf32, #tpu.memory_space<vmem_shared>>)
        tpu.yield
      }) : () -> ()
      %add3A_16 = arith.constant 128 : i32
      %add3A_17 = arith.addi %mul3A_5, %add3A_16 : i32
      "tpu.region"() ({
        %run_scoped3A = tpu.sem_alloc : memref<!tpu.dma_semaphore, #tpu.memory_space<semaphore_mem>>
        %dma_start3A_431 = arith.constant 0 : i32
        %dma_start3A_432 = tpu.memref_slice %arg13[%add3A_17, %dma_start3A_431] : memref<10240x64xf32, #tpu.memory_space<vmem_shared>> -> memref<128x64xf32, #tpu.memory_space<vmem_shared>>
        %dma_start3A_433 = arith.constant 0 : i32
        %dma_start3A_434 = tpu.memref_slice %arg13[%add3A_17, %dma_start3A_433] : memref<10240x64xf32, #tpu.memory_space<vmem_shared>> -> memref<128x64xf32, #tpu.memory_space<vmem_shared>>
        tpu.enqueue_dma source(%arg6 : memref<128x64xf32, #tpu.memory_space<vmem>>) target(%dma_start3A_434 : memref<128x64xf32, #tpu.memory_space<vmem_shared>>) target_semaphore(%run_scoped3A : memref<!tpu.dma_semaphore, #tpu.memory_space<semaphore_mem>>)
        %dma_wait3A_435 = arith.constant 0 : i32
        %dma_wait3A_436 = tpu.memref_slice %arg13[%add3A_17, %dma_wait3A_435] : memref<10240x64xf32, #tpu.memory_space<vmem_shared>> -> memref<128x64xf32, #tpu.memory_space<vmem_shared>>
        %dma_wait3A_437 = arith.constant 0 : i32
        %dma_wait3A_438 = tpu.memref_slice %arg13[%add3A_17, %dma_wait3A_437] : memref<10240x64xf32, #tpu.memory_space<vmem_shared>> -> memref<128x64xf32, #tpu.memory_space<vmem_shared>>
        tpu.wait_dma2 semaphore(%run_scoped3A : memref<!tpu.dma_semaphore, #tpu.memory_space<semaphore_mem>>) src(%arg6 : memref<128x64xf32, #tpu.memory_space<vmem>>) dst(%dma_wait3A_438 : memref<128x64xf32, #tpu.memory_space<vmem_shared>>)
        tpu.yield
      }) : () -> ()
      %add3A_18 = arith.constant 256 : i32
      %add3A_19 = arith.addi %mul3A_5, %add3A_18 : i32
      "tpu.region"() ({
        %run_scoped3A = tpu.sem_alloc : memref<!tpu.dma_semaphore, #tpu.memory_space<semaphore_mem>>
        %dma_start3A_431 = arith.constant 0 : i32
        %dma_start3A_432 = tpu.memref_slice %arg13[%add3A_19, %dma_start3A_431] : memref<10240x64xf32, #tpu.memory_space<vmem_shared>> -> memref<128x64xf32, #tpu.memory_space<vmem_shared>>
        %dma_start3A_433 = arith.constant 0 : i32
        %dma_start3A_434 = tpu.memref_slice %arg13[%add3A_19, %dma_start3A_433] : memref<10240x64xf32, #tpu.memory_space<vmem_shared>> -> memref<128x64xf32, #tpu.memory_space<vmem_shared>>
        tpu.enqueue_dma source(%arg6 : memref<128x64xf32, #tpu.memory_space<vmem>>) target(%dma_start3A_434 : memref<128x64xf32, #tpu.memory_space<vmem_shared>>) target_semaphore(%run_scoped3A : memref<!tpu.dma_semaphore, #tpu.memory_space<semaphore_mem>>)
        %dma_wait3A_435 = arith.constant 0 : i32
        %dma_wait3A_436 = tpu.memref_slice %arg13[%add3A_19, %dma_wait3A_435] : memref<10240x64xf32, #tpu.memory_space<vmem_shared>> -> memref<128x64xf32, #tpu.memory_space<vmem_shared>>
        %dma_wait3A_437 = arith.constant 0 : i32
        %dma_wait3A_438 = tpu.memref_slice %arg13[%add3A_19, %dma_wait3A_437] : memref<10240x64xf32, #tpu.memory_space<vmem_shared>> -> memref<128x64xf32, #tpu.memory_space<vmem_shared>>
        tpu.wait_dma2 semaphore(%run_scoped3A : memref<!tpu.dma_semaphore, #tpu.memory_space<semaphore_mem>>) src(%arg6 : memref<128x64xf32, #tpu.memory_space<vmem>>) dst(%dma_wait3A_438 : memref<128x64xf32, #tpu.memory_space<vmem_shared>>)
        tpu.yield
      }) : () -> ()
      %add3A_20 = arith.constant 384 : i32
      %add3A_21 = arith.addi %mul3A_5, %add3A_20 : i32
      "tpu.region"() ({
        %run_scoped3A = tpu.sem_alloc : memref<!tpu.dma_semaphore, #tpu.memory_space<semaphore_mem>>
        %dma_start3A_431 = arith.constant 0 : i32
        %dma_start3A_432 = tpu.memref_slice %arg13[%add3A_21, %dma_start3A_431] : memref<10240x64xf32, #tpu.memory_space<vmem_shared>> -> memref<128x64xf32, #tpu.memory_space<vmem_shared>>
        %dma_start3A_433 = arith.constant 0 : i32
        %dma_start3A_434 = tpu.memref_slice %arg13[%add3A_21, %dma_start3A_433] : memref<10240x64xf32, #tpu.memory_space<vmem_shared>> -> memref<128x64xf32, #tpu.memory_space<vmem_shared>>
        tpu.enqueue_dma source(%arg6 : memref<128x64xf32, #tpu.memory_space<vmem>>) target(%dma_start3A_434 : memref<128x64xf32, #tpu.memory_space<vmem_shared>>) target_semaphore(%run_scoped3A : memref<!tpu.dma_semaphore, #tpu.memory_space<semaphore_mem>>)
        %dma_wait3A_435 = arith.constant 0 : i32
        %dma_wait3A_436 = tpu.memref_slice %arg13[%add3A_21, %dma_wait3A_435] : memref<10240x64xf32, #tpu.memory_space<vmem_shared>> -> memref<128x64xf32, #tpu.memory_space<vmem_shared>>
        %dma_wait3A_437 = arith.constant 0 : i32
        %dma_wait3A_438 = tpu.memref_slice %arg13[%add3A_21, %dma_wait3A_437] : memref<10240x64xf32, #tpu.memory_space<vmem_shared>> -> memref<128x64xf32, #tpu.memory_space<vmem_shared>>
        tpu.wait_dma2 semaphore(%run_scoped3A : memref<!tpu.dma_semaphore, #tpu.memory_space<semaphore_mem>>) src(%arg6 : memref<128x64xf32, #tpu.memory_space<vmem>>) dst(%dma_wait3A_438 : memref<128x64xf32, #tpu.memory_space<vmem_shared>>)
        tpu.yield
      }) : () -> ()
      %add3A_22 = arith.constant 512 : i32
      %add3A_23 = arith.addi %mul3A_5, %add3A_22 : i32
      "tpu.region"() ({
        %run_scoped3A = tpu.sem_alloc : memref<!tpu.dma_semaphore, #tpu.memory_space<semaphore_mem>>
        %dma_start3A_431 = arith.constant 0 : i32
        %dma_start3A_432 = tpu.memref_slice %arg13[%add3A_23, %dma_start3A_431] : memref<10240x64xf32, #tpu.memory_space<vmem_shared>> -> memref<128x64xf32, #tpu.memory_space<vmem_shared>>
        %dma_start3A_433 = arith.constant 0 : i32
        %dma_start3A_434 = tpu.memref_slice %arg13[%add3A_23, %dma_start3A_433] : memref<10240x64xf32, #tpu.memory_space<vmem_shared>> -> memref<128x64xf32, #tpu.memory_space<vmem_shared>>
        tpu.enqueue_dma source(%arg6 : memref<128x64xf32, #tpu.memory_space<vmem>>) target(%dma_start3A_434 : memref<128x64xf32, #tpu.memory_space<vmem_shared>>) target_semaphore(%run_scoped3A : memref<!tpu.dma_semaphore, #tpu.memory_space<semaphore_mem>>)
        %dma_wait3A_435 = arith.constant 0 : i32
        %dma_wait3A_436 = tpu.memref_slice %arg13[%add3A_23, %dma_wait3A_435] : memref<10240x64xf32, #tpu.memory_space<vmem_shared>> -> memref<128x64xf32, #tpu.memory_space<vmem_shared>>
        %dma_wait3A_437 = arith.constant 0 : i32
        %dma_wait3A_438 = tpu.memref_slice %arg13[%add3A_23, %dma_wait3A_437] : memref<10240x64xf32, #tpu.memory_space<vmem_shared>> -> memref<128x64xf32, #tpu.memory_space<vmem_shared>>
        tpu.wait_dma2 semaphore(%run_scoped3A : memref<!tpu.dma_semaphore, #tpu.memory_space<semaphore_mem>>) src(%arg6 : memref<128x64xf32, #tpu.memory_space<vmem>>) dst(%dma_wait3A_438 : memref<128x64xf32, #tpu.memory_space<vmem_shared>>)
        tpu.yield
      }) : () -> ()
      %mul3A_24 = arith.constant 10240 : i32
      %mul3A_25 = arith.muli %scan3A_14, %mul3A_24 : i32
      %add3A_26 = arith.addi %mul3A_25, %mul3A_5 : i32
      "tpu.region"() ({
        %run_scoped3A = tpu.sem_alloc : memref<!tpu.dma_semaphore, #tpu.memory_space<semaphore_mem>>
        %dma_start3A_431 = arith.constant 0 : i32
        %dma_start3A_432 = tpu.memref_slice %arg14[%mul3A_5, %dma_start3A_431] : memref<10240x64xf32, #tpu.memory_space<vmem_shared>> -> memref<640x64xf32, #tpu.memory_space<vmem_shared>>
        %dma_start3A_433 = arith.constant 0 : i32
        %dma_start3A_434 = tpu.memref_slice %arg2[%add3A_26, %dma_start3A_433] : memref<20480x64xf32, #tpu.memory_space<hbm>> -> memref<640x64xf32, #tpu.memory_space<hbm>>
        tpu.enqueue_dma source(%dma_start3A_434 : memref<640x64xf32, #tpu.memory_space<hbm>>) target(%dma_start3A_432 : memref<640x64xf32, #tpu.memory_space<vmem_shared>>) target_semaphore(%run_scoped3A : memref<!tpu.dma_semaphore, #tpu.memory_space<semaphore_mem>>)
        %dma_wait3A_435 = arith.constant 0 : i32
        %dma_wait3A_436 = tpu.memref_slice %arg14[%mul3A_5, %dma_wait3A_435] : memref<10240x64xf32, #tpu.memory_space<vmem_shared>> -> memref<640x64xf32, #tpu.memory_space<vmem_shared>>
        %dma_wait3A_437 = arith.constant 0 : i32
        %dma_wait3A_438 = tpu.memref_slice %arg2[%add3A_26, %dma_wait3A_437] : memref<20480x64xf32, #tpu.memory_space<hbm>> -> memref<640x64xf32, #tpu.memory_space<hbm>>
        tpu.wait_dma2 semaphore(%run_scoped3A : memref<!tpu.dma_semaphore, #tpu.memory_space<semaphore_mem>>) src(%dma_wait3A_438 : memref<640x64xf32, #tpu.memory_space<hbm>>) dst(%dma_wait3A_436 : memref<640x64xf32, #tpu.memory_space<vmem_shared>>)
        tpu.yield
      }) : () -> ()
      %barrier3A = arith.constant 0 : index
      tpu.barrier barrier_id(%barrier3A)
      %add3A_27 = arith.constant 0 : i32
      %add3A_28 = arith.addi %mul3A_7, %add3A_27 : i32
      %dma_start3A = tpu.memref_slice %arg3[%add3A_28] : memref<323584xi32, #tpu.memory_space<hbm>> -> memref<256xi32, #tpu.memory_space<hbm>>
      %dma_start3A_29 = tpu.memref_slice %arg3[%add3A_28] : memref<323584xi32, #tpu.memory_space<hbm>> -> memref<256xi32, #tpu.memory_space<hbm>>
      tpu.enqueue_dma source(%dma_start3A_29 : memref<256xi32, #tpu.memory_space<hbm>>) target(%arg5 : memref<256xi32, #tpu.memory_space<vmem>>) target_semaphore(%arg15 : memref<!tpu.dma_semaphore, #tpu.memory_space<semaphore_mem>>)
      %dma_wait3A = arith.constant 0 : i32
      %dma_wait3A_30 = tpu.memref_slice %arg3[%dma_wait3A] : memref<323584xi32, #tpu.memory_space<hbm>> -> memref<256xi32, #tpu.memory_space<hbm>>
      %dma_wait3A_31 = arith.constant 0 : i32
      %dma_wait3A_32 = tpu.memref_slice %arg3[%dma_wait3A_31] : memref<323584xi32, #tpu.memory_space<hbm>> -> memref<256xi32, #tpu.memory_space<hbm>>
      tpu.wait_dma2 semaphore(%arg15 : memref<!tpu.dma_semaphore, #tpu.memory_space<semaphore_mem>>) src(%dma_wait3A_32 : memref<256xi32, #tpu.memory_space<hbm>>) dst(%arg5 : memref<256xi32, #tpu.memory_space<vmem>>)
      %get3A = arith.constant 0 : index
      %get3A_33 = tpu.vector_load %arg5[%get3A] {strides = array<i32>} : memref<256xi32, #tpu.memory_space<vmem>>, vector<16xi32>,
      %get3A_34 = vector.shape_cast %get3A_33 : vector<16xi32> to vector<16xi32>
      %and3A = arith.constant 16383 : i32
      %and3A_35 = vector.broadcast %and3A : i32 to vector<16xi32>
      %and3A_36 = arith.andi %get3A_34, %and3A_35 : vector<16xi32>
      %shift_right_logical3A = arith.constant 14 : i32
      %shift_right_logical3A_37 = vector.broadcast %shift_right_logical3A : i32 to vector<16xi32>
      %shift_right_logical3A_38 = arith.shrui %get3A_34, %shift_right_logical3A_37 : vector<16xi32>
      %eq3A = arith.constant 0 : i32
      %eq3A_39 = arith.cmpi eq, %arg0, %eq3A : i32
      %select_n3A = arith.select %eq3A_39, %and3A_36, %shift_right_logical3A_38 : vector<16xi32>
      %swap3A = arith.constant 0 : index
      %swap3A_40 = tpu.vector_load %arg7[%swap3A] {strides = array<i32>} : memref<128xi32, #tpu.memory_space<vmem>>, vector<16xi32>,
      %swap3A_41 = vector.shape_cast %swap3A_40 : vector<16xi32> to vector<16xi32>
      %swap3A_42 = vector.shape_cast %select_n3A : vector<16xi32> to vector<16xi32>
      tpu.vector_store %arg7[%swap3A], %swap3A_42 {strides = array<i32>} : memref<128xi32, #tpu.memory_space<vmem>>, vector<16xi32>,
      %eq3A_43 = arith.constant 0 : i32
      %eq3A_44 = arith.cmpi eq, %arg0, %eq3A_43 : i32
      %select_n3A_45 = arith.select %eq3A_44, %shift_right_logical3A_38, %and3A_36 : vector<16xi32>
      %swap3A_46 = arith.constant 0 : index
      %swap3A_47 = tpu.vector_load %arg9[%swap3A_46] {strides = array<i32>} : memref<128xi32, #tpu.memory_space<vmem>>, vector<16xi32>,
      %swap3A_48 = vector.shape_cast %swap3A_47 : vector<16xi32> to vector<16xi32>
      %swap3A_49 = vector.shape_cast %select_n3A_45 : vector<16xi32> to vector<16xi32>
      tpu.vector_store %arg9[%swap3A_46], %swap3A_49 {strides = array<i32>} : memref<128xi32, #tpu.memory_space<vmem>>, vector<16xi32>,
      %get3A_50 = arith.constant 16 : index
      %get3A_51 = tpu.vector_load %arg5[%get3A_50] {strides = array<i32>} : memref<256xi32, #tpu.memory_space<vmem>>, vector<16xi32>,
      %get3A_52 = vector.shape_cast %get3A_51 : vector<16xi32> to vector<16xi32>
      %and3A_53 = arith.constant 16383 : i32
      %and3A_54 = vector.broadcast %and3A_53 : i32 to vector<16xi32>
      %and3A_55 = arith.andi %get3A_52, %and3A_54 : vector<16xi32>
      %shift_right_logical3A_56 = arith.constant 14 : i32
      %shift_right_logical3A_57 = vector.broadcast %shift_right_logical3A_56 : i32 to vector<16xi32>
      %shift_right_logical3A_58 = arith.shrui %get3A_52, %shift_right_logical3A_57 : vector<16xi32>
      %eq3A_59 = arith.constant 0 : i32
      %eq3A_60 = arith.cmpi eq, %arg0, %eq3A_59 : i32
      %select_n3A_61 = arith.select %eq3A_60, %and3A_55, %shift_right_logical3A_58 : vector<16xi32>
      %swap3A_62 = arith.constant 16 : index
      %swap3A_63 = tpu.vector_load %arg7[%swap3A_62] {strides = array<i32>} : memref<128xi32, #tpu.memory_space<vmem>>, vector<16xi32>,
      %swap3A_64 = vector.shape_cast %swap3A_63 : vector<16xi32> to vector<16xi32>
      %swap3A_65 = vector.shape_cast %select_n3A_61 : vector<16xi32> to vector<16xi32>
      tpu.vector_store %arg7[%swap3A_62], %swap3A_65 {strides = array<i32>} : memref<128xi32, #tpu.memory_space<vmem>>, vector<16xi32>,
      %eq3A_66 = arith.constant 0 : i32
      %eq3A_67 = arith.cmpi eq, %arg0, %eq3A_66 : i32
      %select_n3A_68 = arith.select %eq3A_67, %shift_right_logical3A_58, %and3A_55 : vector<16xi32>
      %swap3A_69 = arith.constant 16 : index
      %swap3A_70 = tpu.vector_load %arg9[%swap3A_69] {strides = array<i32>} : memref<128xi32, #tpu.memory_space<vmem>>, vector<16xi32>,
      %swap3A_71 = vector.shape_cast %swap3A_70 : vector<16xi32> to vector<16xi32>
      %swap3A_72 = vector.shape_cast %select_n3A_68 : vector<16xi32> to vector<16xi32>
      tpu.vector_store %arg9[%swap3A_69], %swap3A_72 {strides = array<i32>} : memref<128xi32, #tpu.memory_space<vmem>>, vector<16xi32>,
      %get3A_73 = arith.constant 32 : index
      %get3A_74 = tpu.vector_load %arg5[%get3A_73] {strides = array<i32>} : memref<256xi32, #tpu.memory_space<vmem>>, vector<16xi32>,
      %get3A_75 = vector.shape_cast %get3A_74 : vector<16xi32> to vector<16xi32>
      %and3A_76 = arith.constant 16383 : i32
      %and3A_77 = vector.broadcast %and3A_76 : i32 to vector<16xi32>
      %and3A_78 = arith.andi %get3A_75, %and3A_77 : vector<16xi32>
      %shift_right_logical3A_79 = arith.constant 14 : i32
      %shift_right_logical3A_80 = vector.broadcast %shift_right_logical3A_79 : i32 to vector<16xi32>
      %shift_right_logical3A_81 = arith.shrui %get3A_75, %shift_right_logical3A_80 : vector<16xi32>
      %eq3A_82 = arith.constant 0 : i32
      %eq3A_83 = arith.cmpi eq, %arg0, %eq3A_82 : i32
      %select_n3A_84 = arith.select %eq3A_83, %and3A_78, %shift_right_logical3A_81 : vector<16xi32>
      %swap3A_85 = arith.constant 32 : index
      %swap3A_86 = tpu.vector_load %arg7[%swap3A_85] {strides = array<i32>} : memref<128xi32, #tpu.memory_space<vmem>>, vector<16xi32>,
      %swap3A_87 = vector.shape_cast %swap3A_86 : vector<16xi32> to vector<16xi32>
      %swap3A_88 = vector.shape_cast %select_n3A_84 : vector<16xi32> to vector<16xi32>
      tpu.vector_store %arg7[%swap3A_85], %swap3A_88 {strides = array<i32>} : memref<128xi32, #tpu.memory_space<vmem>>, vector<16xi32>,
      %eq3A_89 = arith.constant 0 : i32
      %eq3A_90 = arith.cmpi eq, %arg0, %eq3A_89 : i32
      %select_n3A_91 = arith.select %eq3A_90, %shift_right_logical3A_81, %and3A_78 : vector<16xi32>
      %swap3A_92 = arith.constant 32 : index
      %swap3A_93 = tpu.vector_load %arg9[%swap3A_92] {strides = array<i32>} : memref<128xi32, #tpu.memory_space<vmem>>, vector<16xi32>,
      %swap3A_94 = vector.shape_cast %swap3A_93 : vector<16xi32> to vector<16xi32>
      %swap3A_95 = vector.shape_cast %select_n3A_91 : vector<16xi32> to vector<16xi32>
      tpu.vector_store %arg9[%swap3A_92], %swap3A_95 {strides = array<i32>} : memref<128xi32, #tpu.memory_space<vmem>>, vector<16xi32>,
      %get3A_96 = arith.constant 48 : index
      %get3A_97 = tpu.vector_load %arg5[%get3A_96] {strides = array<i32>} : memref<256xi32, #tpu.memory_space<vmem>>, vector<16xi32>,
      %get3A_98 = vector.shape_cast %get3A_97 : vector<16xi32> to vector<16xi32>
      %and3A_99 = arith.constant 16383 : i32
      %and3A_100 = vector.broadcast %and3A_99 : i32 to vector<16xi32>
      %and3A_101 = arith.andi %get3A_98, %and3A_100 : vector<16xi32>
      %shift_right_logical3A_102 = arith.constant 14 : i32
      %shift_right_logical3A_103 = vector.broadcast %shift_right_logical3A_102 : i32 to vector<16xi32>
      %shift_right_logical3A_104 = arith.shrui %get3A_98, %shift_right_logical3A_103 : vector<16xi32>
      %eq3A_105 = arith.constant 0 : i32
      %eq3A_106 = arith.cmpi eq, %arg0, %eq3A_105 : i32
      %select_n3A_107 = arith.select %eq3A_106, %and3A_101, %shift_right_logical3A_104 : vector<16xi32>
      %swap3A_108 = arith.constant 48 : index
      %swap3A_109 = tpu.vector_load %arg7[%swap3A_108] {strides = array<i32>} : memref<128xi32, #tpu.memory_space<vmem>>, vector<16xi32>,
      %swap3A_110 = vector.shape_cast %swap3A_109 : vector<16xi32> to vector<16xi32>
      %swap3A_111 = vector.shape_cast %select_n3A_107 : vector<16xi32> to vector<16xi32>
      tpu.vector_store %arg7[%swap3A_108], %swap3A_111 {strides = array<i32>} : memref<128xi32, #tpu.memory_space<vmem>>, vector<16xi32>,
      %eq3A_112 = arith.constant 0 : i32
      %eq3A_113 = arith.cmpi eq, %arg0, %eq3A_112 : i32
      %select_n3A_114 = arith.select %eq3A_113, %shift_right_logical3A_104, %and3A_101 : vector<16xi32>
      %swap3A_115 = arith.constant 48 : index
      %swap3A_116 = tpu.vector_load %arg9[%swap3A_115] {strides = array<i32>} : memref<128xi32, #tpu.memory_space<vmem>>, vector<16xi32>,
      %swap3A_117 = vector.shape_cast %swap3A_116 : vector<16xi32> to vector<16xi32>
      %swap3A_118 = vector.shape_cast %select_n3A_114 : vector<16xi32> to vector<16xi32>
      tpu.vector_store %arg9[%swap3A_115], %swap3A_118 {strides = array<i32>} : memref<128xi32, #tpu.memory_space<vmem>>, vector<16xi32>,
      %get3A_119 = arith.constant 64 : index
      %get3A_120 = tpu.vector_load %arg5[%get3A_119] {strides = array<i32>} : memref<256xi32, #tpu.memory_space<vmem>>, vector<16xi32>,
      %get3A_121 = vector.shape_cast %get3A_120 : vector<16xi32> to vector<16xi32>
      %and3A_122 = arith.constant 16383 : i32
      %and3A_123 = vector.broadcast %and3A_122 : i32 to vector<16xi32>
      %and3A_124 = arith.andi %get3A_121, %and3A_123 : vector<16xi32>
      %shift_right_logical3A_125 = arith.constant 14 : i32
      %shift_right_logical3A_126 = vector.broadcast %shift_right_logical3A_125 : i32 to vector<16xi32>
      %shift_right_logical3A_127 = arith.shrui %get3A_121, %shift_right_logical3A_126 : vector<16xi32>
      %eq3A_128 = arith.constant 0 : i32
      %eq3A_129 = arith.cmpi eq, %arg0, %eq3A_128 : i32
      %select_n3A_130 = arith.select %eq3A_129, %and3A_124, %shift_right_logical3A_127 : vector<16xi32>
      %swap3A_131 = arith.constant 64 : index
      %swap3A_132 = tpu.vector_load %arg7[%swap3A_131] {strides = array<i32>} : memref<128xi32, #tpu.memory_space<vmem>>, vector<16xi32>,
      %swap3A_133 = vector.shape_cast %swap3A_132 : vector<16xi32> to vector<16xi32>
      %swap3A_134 = vector.shape_cast %select_n3A_130 : vector<16xi32> to vector<16xi32>
      tpu.vector_store %arg7[%swap3A_131], %swap3A_134 {strides = array<i32>} : memref<128xi32, #tpu.memory_space<vmem>>, vector<16xi32>,
      %eq3A_135 = arith.constant 0 : i32
      %eq3A_136 = arith.cmpi eq, %arg0, %eq3A_135 : i32
      %select_n3A_137 = arith.select %eq3A_136, %shift_right_logical3A_127, %and3A_124 : vector<16xi32>
      %swap3A_138 = arith.constant 64 : index
      %swap3A_139 = tpu.vector_load %arg9[%swap3A_138] {strides = array<i32>} : memref<128xi32, #tpu.memory_space<vmem>>, vector<16xi32>,
      %swap3A_140 = vector.shape_cast %swap3A_139 : vector<16xi32> to vector<16xi32>
      %swap3A_141 = vector.shape_cast %select_n3A_137 : vector<16xi32> to vector<16xi32>
      tpu.vector_store %arg9[%swap3A_138], %swap3A_141 {strides = array<i32>} : memref<128xi32, #tpu.memory_space<vmem>>, vector<16xi32>,
      %get3A_142 = arith.constant 80 : index
      %get3A_143 = tpu.vector_load %arg5[%get3A_142] {strides = array<i32>} : memref<256xi32, #tpu.memory_space<vmem>>, vector<16xi32>,
      %get3A_144 = vector.shape_cast %get3A_143 : vector<16xi32> to vector<16xi32>
      %and3A_145 = arith.constant 16383 : i32
      %and3A_146 = vector.broadcast %and3A_145 : i32 to vector<16xi32>
      %and3A_147 = arith.andi %get3A_144, %and3A_146 : vector<16xi32>
      %shift_right_logical3A_148 = arith.constant 14 : i32
      %shift_right_logical3A_149 = vector.broadcast %shift_right_logical3A_148 : i32 to vector<16xi32>
      %shift_right_logical3A_150 = arith.shrui %get3A_144, %shift_right_logical3A_149 : vector<16xi32>
      %eq3A_151 = arith.constant 0 : i32
      %eq3A_152 = arith.cmpi eq, %arg0, %eq3A_151 : i32
      %select_n3A_153 = arith.select %eq3A_152, %and3A_147, %shift_right_logical3A_150 : vector<16xi32>
      %swap3A_154 = arith.constant 80 : index
      %swap3A_155 = tpu.vector_load %arg7[%swap3A_154] {strides = array<i32>} : memref<128xi32, #tpu.memory_space<vmem>>, vector<16xi32>,
      %swap3A_156 = vector.shape_cast %swap3A_155 : vector<16xi32> to vector<16xi32>
      %swap3A_157 = vector.shape_cast %select_n3A_153 : vector<16xi32> to vector<16xi32>
      tpu.vector_store %arg7[%swap3A_154], %swap3A_157 {strides = array<i32>} : memref<128xi32, #tpu.memory_space<vmem>>, vector<16xi32>,
      %eq3A_158 = arith.constant 0 : i32
      %eq3A_159 = arith.cmpi eq, %arg0, %eq3A_158 : i32
      %select_n3A_160 = arith.select %eq3A_159, %shift_right_logical3A_150, %and3A_147 : vector<16xi32>
      %swap3A_161 = arith.constant 80 : index
      %swap3A_162 = tpu.vector_load %arg9[%swap3A_161] {strides = array<i32>} : memref<128xi32, #tpu.memory_space<vmem>>, vector<16xi32>,
      %swap3A_163 = vector.shape_cast %swap3A_162 : vector<16xi32> to vector<16xi32>
      %swap3A_164 = vector.shape_cast %select_n3A_160 : vector<16xi32> to vector<16xi32>
      tpu.vector_store %arg9[%swap3A_161], %swap3A_164 {strides = array<i32>} : memref<128xi32, #tpu.memory_space<vmem>>, vector<16xi32>,
      %get3A_165 = arith.constant 96 : index
      %get3A_166 = tpu.vector_load %arg5[%get3A_165] {strides = array<i32>} : memref<256xi32, #tpu.memory_space<vmem>>, vector<16xi32>,
      %get3A_167 = vector.shape_cast %get3A_166 : vector<16xi32> to vector<16xi32>
      %and3A_168 = arith.constant 16383 : i32
      %and3A_169 = vector.broadcast %and3A_168 : i32 to vector<16xi32>
      %and3A_170 = arith.andi %get3A_167, %and3A_169 : vector<16xi32>
      %shift_right_logical3A_171 = arith.constant 14 : i32
      %shift_right_logical3A_172 = vector.broadcast %shift_right_logical3A_171 : i32 to vector<16xi32>
      %shift_right_logical3A_173 = arith.shrui %get3A_167, %shift_right_logical3A_172 : vector<16xi32>
      %eq3A_174 = arith.constant 0 : i32
      %eq3A_175 = arith.cmpi eq, %arg0, %eq3A_174 : i32
      %select_n3A_176 = arith.select %eq3A_175, %and3A_170, %shift_right_logical3A_173 : vector<16xi32>
      %swap3A_177 = arith.constant 96 : index
      %swap3A_178 = tpu.vector_load %arg7[%swap3A_177] {strides = array<i32>} : memref<128xi32, #tpu.memory_space<vmem>>, vector<16xi32>,
      %swap3A_179 = vector.shape_cast %swap3A_178 : vector<16xi32> to vector<16xi32>
      %swap3A_180 = vector.shape_cast %select_n3A_176 : vector<16xi32> to vector<16xi32>
      tpu.vector_store %arg7[%swap3A_177], %swap3A_180 {strides = array<i32>} : memref<128xi32, #tpu.memory_space<vmem>>, vector<16xi32>,
      %eq3A_181 = arith.constant 0 : i32
      %eq3A_182 = arith.cmpi eq, %arg0, %eq3A_181 : i32
      %select_n3A_183 = arith.select %eq3A_182, %shift_right_logical3A_173, %and3A_170 : vector<16xi32>
      %swap3A_184 = arith.constant 96 : index
      %swap3A_185 = tpu.vector_load %arg9[%swap3A_184] {strides = array<i32>} : memref<128xi32, #tpu.memory_space<vmem>>, vector<16xi32>,
      %swap3A_186 = vector.shape_cast %swap3A_185 : vector<16xi32> to vector<16xi32>
      %swap3A_187 = vector.shape_cast %select_n3A_183 : vector<16xi32> to vector<16xi32>
      tpu.vector_store %arg9[%swap3A_184], %swap3A_187 {strides = array<i32>} : memref<128xi32, #tpu.memory_space<vmem>>, vector<16xi32>,
      %get3A_188 = arith.constant 112 : index
      %get3A_189 = tpu.vector_load %arg5[%get3A_188] {strides = array<i32>} : memref<256xi32, #tpu.memory_space<vmem>>, vector<16xi32>,
      %get3A_190 = vector.shape_cast %get3A_189 : vector<16xi32> to vector<16xi32>
      %and3A_191 = arith.constant 16383 : i32
      %and3A_192 = vector.broadcast %and3A_191 : i32 to vector<16xi32>
      %and3A_193 = arith.andi %get3A_190, %and3A_192 : vector<16xi32>
      %shift_right_logical3A_194 = arith.constant 14 : i32
      %shift_right_logical3A_195 = vector.broadcast %shift_right_logical3A_194 : i32 to vector<16xi32>
      %shift_right_logical3A_196 = arith.shrui %get3A_190, %shift_right_logical3A_195 : vector<16xi32>
      %eq3A_197 = arith.constant 0 : i32
      %eq3A_198 = arith.cmpi eq, %arg0, %eq3A_197 : i32
      %select_n3A_199 = arith.select %eq3A_198, %and3A_193, %shift_right_logical3A_196 : vector<16xi32>
      %swap3A_200 = arith.constant 112 : index
      %swap3A_201 = tpu.vector_load %arg7[%swap3A_200] {strides = array<i32>} : memref<128xi32, #tpu.memory_space<vmem>>, vector<16xi32>,
      %swap3A_202 = vector.shape_cast %swap3A_201 : vector<16xi32> to vector<16xi32>
      %swap3A_203 = vector.shape_cast %select_n3A_199 : vector<16xi32> to vector<16xi32>
      tpu.vector_store %arg7[%swap3A_200], %swap3A_203 {strides = array<i32>} : memref<128xi32, #tpu.memory_space<vmem>>, vector<16xi32>,
      %eq3A_204 = arith.constant 0 : i32
      %eq3A_205 = arith.cmpi eq, %arg0, %eq3A_204 : i32
      %select_n3A_206 = arith.select %eq3A_205, %shift_right_logical3A_196, %and3A_193 : vector<16xi32>
      %swap3A_207 = arith.constant 112 : index
      %swap3A_208 = tpu.vector_load %arg9[%swap3A_207] {strides = array<i32>} : memref<128xi32, #tpu.memory_space<vmem>>, vector<16xi32>,
      %swap3A_209 = vector.shape_cast %swap3A_208 : vector<16xi32> to vector<16xi32>
      %swap3A_210 = vector.shape_cast %select_n3A_206 : vector<16xi32> to vector<16xi32>
      tpu.vector_store %arg9[%swap3A_207], %swap3A_210 {strides = array<i32>} : memref<128xi32, #tpu.memory_space<vmem>>, vector<16xi32>,
      %dma_start3A_211 = arith.constant 0 : i32
      %dma_start3A_212 = arith.constant 0 : i32
      %dma_start3A_213 = tpu.memref_slice %arg14[%dma_start3A_211, %dma_start3A_212] : memref<10240x64xf32, #tpu.memory_space<vmem_shared>> -> memref<10240x64xf32, #tpu.memory_space<vmem_shared>>
      tpu.enqueue_indirect_dma source(%dma_start3A_213 : memref<10240x64xf32, #tpu.memory_space<vmem_shared>>) target(%arg11 : memref<128x64xf32, #tpu.memory_space<vmem>>) offsets(%arg7 : memref<128xi32, #tpu.memory_space<vmem>>) semaphore(%arg16 : memref<!tpu.dma_semaphore, #tpu.memory_space<semaphore_mem>>)
      %get3A_214 = arith.constant 128 : index
      %get3A_215 = tpu.vector_load %arg5[%get3A_214] {strides = array<i32>} : memref<256xi32, #tpu.memory_space<vmem>>, vector<16xi32>,
      %get3A_216 = vector.shape_cast %get3A_215 : vector<16xi32> to vector<16xi32>
      %and3A_217 = arith.constant 16383 : i32
      %and3A_218 = vector.broadcast %and3A_217 : i32 to vector<16xi32>
      %and3A_219 = arith.andi %get3A_216, %and3A_218 : vector<16xi32>
      %shift_right_logical3A_220 = arith.constant 14 : i32
      %shift_right_logical3A_221 = vector.broadcast %shift_right_logical3A_220 : i32 to vector<16xi32>
      %shift_right_logical3A_222 = arith.shrui %get3A_216, %shift_right_logical3A_221 : vector<16xi32>
      %eq3A_223 = arith.constant 0 : i32
      %eq3A_224 = arith.cmpi eq, %arg0, %eq3A_223 : i32
      %select_n3A_225 = arith.select %eq3A_224, %and3A_219, %shift_right_logical3A_222 : vector<16xi32>
      %swap3A_226 = arith.constant 0 : index
      %swap3A_227 = tpu.vector_load %arg8[%swap3A_226] {strides = array<i32>} : memref<128xi32, #tpu.memory_space<vmem>>, vector<16xi32>,
      %swap3A_228 = vector.shape_cast %swap3A_227 : vector<16xi32> to vector<16xi32>
      %swap3A_229 = vector.shape_cast %select_n3A_225 : vector<16xi32> to vector<16xi32>
      tpu.vector_store %arg8[%swap3A_226], %swap3A_229 {strides = array<i32>} : memref<128xi32, #tpu.memory_space<vmem>>, vector<16xi32>,
      %eq3A_230 = arith.constant 0 : i32
      %eq3A_231 = arith.cmpi eq, %arg0, %eq3A_230 : i32
      %select_n3A_232 = arith.select %eq3A_231, %shift_right_logical3A_222, %and3A_219 : vector<16xi32>
      %swap3A_233 = arith.constant 0 : index
      %swap3A_234 = tpu.vector_load %arg10[%swap3A_233] {strides = array<i32>} : memref<128xi32, #tpu.memory_space<vmem>>, vector<16xi32>,
      %swap3A_235 = vector.shape_cast %swap3A_234 : vector<16xi32> to vector<16xi32>
      %swap3A_236 = vector.shape_cast %select_n3A_232 : vector<16xi32> to vector<16xi32>
      tpu.vector_store %arg10[%swap3A_233], %swap3A_236 {strides = array<i32>} : memref<128xi32, #tpu.memory_space<vmem>>, vector<16xi32>,
      %get3A_237 = arith.constant 144 : index
      %get3A_238 = tpu.vector_load %arg5[%get3A_237] {strides = array<i32>} : memref<256xi32, #tpu.memory_space<vmem>>, vector<16xi32>,
      %get3A_239 = vector.shape_cast %get3A_238 : vector<16xi32> to vector<16xi32>
      %and3A_240 = arith.constant 16383 : i32
      %and3A_241 = vector.broadcast %and3A_240 : i32 to vector<16xi32>
      %and3A_242 = arith.andi %get3A_239, %and3A_241 : vector<16xi32>
      %shift_right_logical3A_243 = arith.constant 14 : i32
      %shift_right_logical3A_244 = vector.broadcast %shift_right_logical3A_243 : i32 to vector<16xi32>
      %shift_right_logical3A_245 = arith.shrui %get3A_239, %shift_right_logical3A_244 : vector<16xi32>
      %eq3A_246 = arith.constant 0 : i32
      %eq3A_247 = arith.cmpi eq, %arg0, %eq3A_246 : i32
      %select_n3A_248 = arith.select %eq3A_247, %and3A_242, %shift_right_logical3A_245 : vector<16xi32>
      %swap3A_249 = arith.constant 16 : index
      %swap3A_250 = tpu.vector_load %arg8[%swap3A_249] {strides = array<i32>} : memref<128xi32, #tpu.memory_space<vmem>>, vector<16xi32>,
      %swap3A_251 = vector.shape_cast %swap3A_250 : vector<16xi32> to vector<16xi32>
      %swap3A_252 = vector.shape_cast %select_n3A_248 : vector<16xi32> to vector<16xi32>
      tpu.vector_store %arg8[%swap3A_249], %swap3A_252 {strides = array<i32>} : memref<128xi32, #tpu.memory_space<vmem>>, vector<16xi32>,
      %eq3A_253 = arith.constant 0 : i32
      %eq3A_254 = arith.cmpi eq, %arg0, %eq3A_253 : i32
      %select_n3A_255 = arith.select %eq3A_254, %shift_right_logical3A_245, %and3A_242 : vector<16xi32>
      %swap3A_256 = arith.constant 16 : index
      %swap3A_257 = tpu.vector_load %arg10[%swap3A_256] {strides = array<i32>} : memref<128xi32, #tpu.memory_space<vmem>>, vector<16xi32>,
      %swap3A_258 = vector.shape_cast %swap3A_257 : vector<16xi32> to vector<16xi32>
      %swap3A_259 = vector.shape_cast %select_n3A_255 : vector<16xi32> to vector<16xi32>
      tpu.vector_store %arg10[%swap3A_256], %swap3A_259 {strides = array<i32>} : memref<128xi32, #tpu.memory_space<vmem>>, vector<16xi32>,
      %get3A_260 = arith.constant 160 : index
      %get3A_261 = tpu.vector_load %arg5[%get3A_260] {strides = array<i32>} : memref<256xi32, #tpu.memory_space<vmem>>, vector<16xi32>,
      %get3A_262 = vector.shape_cast %get3A_261 : vector<16xi32> to vector<16xi32>
      %and3A_263 = arith.constant 16383 : i32
      %and3A_264 = vector.broadcast %and3A_263 : i32 to vector<16xi32>
      %and3A_265 = arith.andi %get3A_262, %and3A_264 : vector<16xi32>
      %shift_right_logical3A_266 = arith.constant 14 : i32
      %shift_right_logical3A_267 = vector.broadcast %shift_right_logical3A_266 : i32 to vector<16xi32>
      %shift_right_logical3A_268 = arith.shrui %get3A_262, %shift_right_logical3A_267 : vector<16xi32>
      %eq3A_269 = arith.constant 0 : i32
      %eq3A_270 = arith.cmpi eq, %arg0, %eq3A_269 : i32
      %select_n3A_271 = arith.select %eq3A_270, %and3A_265, %shift_right_logical3A_268 : vector<16xi32>
      %swap3A_272 = arith.constant 32 : index
      %swap3A_273 = tpu.vector_load %arg8[%swap3A_272] {strides = array<i32>} : memref<128xi32, #tpu.memory_space<vmem>>, vector<16xi32>,
      %swap3A_274 = vector.shape_cast %swap3A_273 : vector<16xi32> to vector<16xi32>
      %swap3A_275 = vector.shape_cast %select_n3A_271 : vector<16xi32> to vector<16xi32>
      tpu.vector_store %arg8[%swap3A_272], %swap3A_275 {strides = array<i32>} : memref<128xi32, #tpu.memory_space<vmem>>, vector<16xi32>,
      %eq3A_276 = arith.constant 0 : i32
      %eq3A_277 = arith.cmpi eq, %arg0, %eq3A_276 : i32
      %select_n3A_278 = arith.select %eq3A_277, %shift_right_logical3A_268, %and3A_265 : vector<16xi32>
      %swap3A_279 = arith.constant 32 : index
      %swap3A_280 = tpu.vector_load %arg10[%swap3A_279] {strides = array<i32>} : memref<128xi32, #tpu.memory_space<vmem>>, vector<16xi32>,
      %swap3A_281 = vector.shape_cast %swap3A_280 : vector<16xi32> to vector<16xi32>
      %swap3A_282 = vector.shape_cast %select_n3A_278 : vector<16xi32> to vector<16xi32>
      tpu.vector_store %arg10[%swap3A_279], %swap3A_282 {strides = array<i32>} : memref<128xi32, #tpu.memory_space<vmem>>, vector<16xi32>,
      %get3A_283 = arith.constant 176 : index
      %get3A_284 = tpu.vector_load %arg5[%get3A_283] {strides = array<i32>} : memref<256xi32, #tpu.memory_space<vmem>>, vector<16xi32>,
      %get3A_285 = vector.shape_cast %get3A_284 : vector<16xi32> to vector<16xi32>
      %and3A_286 = arith.constant 16383 : i32
      %and3A_287 = vector.broadcast %and3A_286 : i32 to vector<16xi32>
      %and3A_288 = arith.andi %get3A_285, %and3A_287 : vector<16xi32>
      %shift_right_logical3A_289 = arith.constant 14 : i32
      %shift_right_logical3A_290 = vector.broadcast %shift_right_logical3A_289 : i32 to vector<16xi32>
      %shift_right_logical3A_291 = arith.shrui %get3A_285, %shift_right_logical3A_290 : vector<16xi32>
      %eq3A_292 = arith.constant 0 : i32
      %eq3A_293 = arith.cmpi eq, %arg0, %eq3A_292 : i32
      %select_n3A_294 = arith.select %eq3A_293, %and3A_288, %shift_right_logical3A_291 : vector<16xi32>
      %swap3A_295 = arith.constant 48 : index
      %swap3A_296 = tpu.vector_load %arg8[%swap3A_295] {strides = array<i32>} : memref<128xi32, #tpu.memory_space<vmem>>, vector<16xi32>,
      %swap3A_297 = vector.shape_cast %swap3A_296 : vector<16xi32> to vector<16xi32>
      %swap3A_298 = vector.shape_cast %select_n3A_294 : vector<16xi32> to vector<16xi32>
      tpu.vector_store %arg8[%swap3A_295], %swap3A_298 {strides = array<i32>} : memref<128xi32, #tpu.memory_space<vmem>>, vector<16xi32>,
      %eq3A_299 = arith.constant 0 : i32
      %eq3A_300 = arith.cmpi eq, %arg0, %eq3A_299 : i32
      %select_n3A_301 = arith.select %eq3A_300, %shift_right_logical3A_291, %and3A_288 : vector<16xi32>
      %swap3A_302 = arith.constant 48 : index
      %swap3A_303 = tpu.vector_load %arg10[%swap3A_302] {strides = array<i32>} : memref<128xi32, #tpu.memory_space<vmem>>, vector<16xi32>,
      %swap3A_304 = vector.shape_cast %swap3A_303 : vector<16xi32> to vector<16xi32>
      %swap3A_305 = vector.shape_cast %select_n3A_301 : vector<16xi32> to vector<16xi32>
      tpu.vector_store %arg10[%swap3A_302], %swap3A_305 {strides = array<i32>} : memref<128xi32, #tpu.memory_space<vmem>>, vector<16xi32>,
      %get3A_306 = arith.constant 192 : index
      %get3A_307 = tpu.vector_load %arg5[%get3A_306] {strides = array<i32>} : memref<256xi32, #tpu.memory_space<vmem>>, vector<16xi32>,
      %get3A_308 = vector.shape_cast %get3A_307 : vector<16xi32> to vector<16xi32>
      %and3A_309 = arith.constant 16383 : i32
      %and3A_310 = vector.broadcast %and3A_309 : i32 to vector<16xi32>
      %and3A_311 = arith.andi %get3A_308, %and3A_310 : vector<16xi32>
      %shift_right_logical3A_312 = arith.constant 14 : i32
      %shift_right_logical3A_313 = vector.broadcast %shift_right_logical3A_312 : i32 to vector<16xi32>
      %shift_right_logical3A_314 = arith.shrui %get3A_308, %shift_right_logical3A_313 : vector<16xi32>
      %eq3A_315 = arith.constant 0 : i32
      %eq3A_316 = arith.cmpi eq, %arg0, %eq3A_315 : i32
      %select_n3A_317 = arith.select %eq3A_316, %and3A_311, %shift_right_logical3A_314 : vector<16xi32>
      %swap3A_318 = arith.constant 64 : index
      %swap3A_319 = tpu.vector_load %arg8[%swap3A_318] {strides = array<i32>} : memref<128xi32, #tpu.memory_space<vmem>>, vector<16xi32>,
      %swap3A_320 = vector.shape_cast %swap3A_319 : vector<16xi32> to vector<16xi32>
      %swap3A_321 = vector.shape_cast %select_n3A_317 : vector<16xi32> to vector<16xi32>
      tpu.vector_store %arg8[%swap3A_318], %swap3A_321 {strides = array<i32>} : memref<128xi32, #tpu.memory_space<vmem>>, vector<16xi32>,
      %eq3A_322 = arith.constant 0 : i32
      %eq3A_323 = arith.cmpi eq, %arg0, %eq3A_322 : i32
      %select_n3A_324 = arith.select %eq3A_323, %shift_right_logical3A_314, %and3A_311 : vector<16xi32>
      %swap3A_325 = arith.constant 64 : index
      %swap3A_326 = tpu.vector_load %arg10[%swap3A_325] {strides = array<i32>} : memref<128xi32, #tpu.memory_space<vmem>>, vector<16xi32>,
      %swap3A_327 = vector.shape_cast %swap3A_326 : vector<16xi32> to vector<16xi32>
      %swap3A_328 = vector.shape_cast %select_n3A_324 : vector<16xi32> to vector<16xi32>
      tpu.vector_store %arg10[%swap3A_325], %swap3A_328 {strides = array<i32>} : memref<128xi32, #tpu.memory_space<vmem>>, vector<16xi32>,
      %get3A_329 = arith.constant 208 : index
      %get3A_330 = tpu.vector_load %arg5[%get3A_329] {strides = array<i32>} : memref<256xi32, #tpu.memory_space<vmem>>, vector<16xi32>,
      %get3A_331 = vector.shape_cast %get3A_330 : vector<16xi32> to vector<16xi32>
      %and3A_332 = arith.constant 16383 : i32
      %and3A_333 = vector.broadcast %and3A_332 : i32 to vector<16xi32>
      %and3A_334 = arith.andi %get3A_331, %and3A_333 : vector<16xi32>
      %shift_right_logical3A_335 = arith.constant 14 : i32
      %shift_right_logical3A_336 = vector.broadcast %shift_right_logical3A_335 : i32 to vector<16xi32>
      %shift_right_logical3A_337 = arith.shrui %get3A_331, %shift_right_logical3A_336 : vector<16xi32>
      %eq3A_338 = arith.constant 0 : i32
      %eq3A_339 = arith.cmpi eq, %arg0, %eq3A_338 : i32
      %select_n3A_340 = arith.select %eq3A_339, %and3A_334, %shift_right_logical3A_337 : vector<16xi32>
      %swap3A_341 = arith.constant 80 : index
      %swap3A_342 = tpu.vector_load %arg8[%swap3A_341] {strides = array<i32>} : memref<128xi32, #tpu.memory_space<vmem>>, vector<16xi32>,
      %swap3A_343 = vector.shape_cast %swap3A_342 : vector<16xi32> to vector<16xi32>
      %swap3A_344 = vector.shape_cast %select_n3A_340 : vector<16xi32> to vector<16xi32>
      tpu.vector_store %arg8[%swap3A_341], %swap3A_344 {strides = array<i32>} : memref<128xi32, #tpu.memory_space<vmem>>, vector<16xi32>,
      %eq3A_345 = arith.constant 0 : i32
      %eq3A_346 = arith.cmpi eq, %arg0, %eq3A_345 : i32
      %select_n3A_347 = arith.select %eq3A_346, %shift_right_logical3A_337, %and3A_334 : vector<16xi32>
      %swap3A_348 = arith.constant 80 : index
      %swap3A_349 = tpu.vector_load %arg10[%swap3A_348] {strides = array<i32>} : memref<128xi32, #tpu.memory_space<vmem>>, vector<16xi32>,
      %swap3A_350 = vector.shape_cast %swap3A_349 : vector<16xi32> to vector<16xi32>
      %swap3A_351 = vector.shape_cast %select_n3A_347 : vector<16xi32> to vector<16xi32>
      tpu.vector_store %arg10[%swap3A_348], %swap3A_351 {strides = array<i32>} : memref<128xi32, #tpu.memory_space<vmem>>, vector<16xi32>,
      %get3A_352 = arith.constant 224 : index
      %get3A_353 = tpu.vector_load %arg5[%get3A_352] {strides = array<i32>} : memref<256xi32, #tpu.memory_space<vmem>>, vector<16xi32>,
      %get3A_354 = vector.shape_cast %get3A_353 : vector<16xi32> to vector<16xi32>
      %and3A_355 = arith.constant 16383 : i32
      %and3A_356 = vector.broadcast %and3A_355 : i32 to vector<16xi32>
      %and3A_357 = arith.andi %get3A_354, %and3A_356 : vector<16xi32>
      %shift_right_logical3A_358 = arith.constant 14 : i32
      %shift_right_logical3A_359 = vector.broadcast %shift_right_logical3A_358 : i32 to vector<16xi32>
      %shift_right_logical3A_360 = arith.shrui %get3A_354, %shift_right_logical3A_359 : vector<16xi32>
      %eq3A_361 = arith.constant 0 : i32
      %eq3A_362 = arith.cmpi eq, %arg0, %eq3A_361 : i32
      %select_n3A_363 = arith.select %eq3A_362, %and3A_357, %shift_right_logical3A_360 : vector<16xi32>
      %swap3A_364 = arith.constant 96 : index
      %swap3A_365 = tpu.vector_load %arg8[%swap3A_364] {strides = array<i32>} : memref<128xi32, #tpu.memory_space<vmem>>, vector<16xi32>,
      %swap3A_366 = vector.shape_cast %swap3A_365 : vector<16xi32> to vector<16xi32>
      %swap3A_367 = vector.shape_cast %select_n3A_363 : vector<16xi32> to vector<16xi32>
      tpu.vector_store %arg8[%swap3A_364], %swap3A_367 {strides = array<i32>} : memref<128xi32, #tpu.memory_space<vmem>>, vector<16xi32>,
      %eq3A_368 = arith.constant 0 : i32
      %eq3A_369 = arith.cmpi eq, %arg0, %eq3A_368 : i32
      %select_n3A_370 = arith.select %eq3A_369, %shift_right_logical3A_360, %and3A_357 : vector<16xi32>
      %swap3A_371 = arith.constant 96 : index
      %swap3A_372 = tpu.vector_load %arg10[%swap3A_371] {strides = array<i32>} : memref<128xi32, #tpu.memory_space<vmem>>, vector<16xi32>,
      %swap3A_373 = vector.shape_cast %swap3A_372 : vector<16xi32> to vector<16xi32>
      %swap3A_374 = vector.shape_cast %select_n3A_370 : vector<16xi32> to vector<16xi32>
      tpu.vector_store %arg10[%swap3A_371], %swap3A_374 {strides = array<i32>} : memref<128xi32, #tpu.memory_space<vmem>>, vector<16xi32>,
      %get3A_375 = arith.constant 240 : index
      %get3A_376 = tpu.vector_load %arg5[%get3A_375] {strides = array<i32>} : memref<256xi32, #tpu.memory_space<vmem>>, vector<16xi32>,
      %get3A_377 = vector.shape_cast %get3A_376 : vector<16xi32> to vector<16xi32>
      %and3A_378 = arith.constant 16383 : i32
      %and3A_379 = vector.broadcast %and3A_378 : i32 to vector<16xi32>
      %and3A_380 = arith.andi %get3A_377, %and3A_379 : vector<16xi32>
      %shift_right_logical3A_381 = arith.constant 14 : i32
      %shift_right_logical3A_382 = vector.broadcast %shift_right_logical3A_381 : i32 to vector<16xi32>
      %shift_right_logical3A_383 = arith.shrui %get3A_377, %shift_right_logical3A_382 : vector<16xi32>
      %eq3A_384 = arith.constant 0 : i32
      %eq3A_385 = arith.cmpi eq, %arg0, %eq3A_384 : i32
      %select_n3A_386 = arith.select %eq3A_385, %and3A_380, %shift_right_logical3A_383 : vector<16xi32>
      %swap3A_387 = arith.constant 112 : index
      %swap3A_388 = tpu.vector_load %arg8[%swap3A_387] {strides = array<i32>} : memref<128xi32, #tpu.memory_space<vmem>>, vector<16xi32>,
      %swap3A_389 = vector.shape_cast %swap3A_388 : vector<16xi32> to vector<16xi32>
      %swap3A_390 = vector.shape_cast %select_n3A_386 : vector<16xi32> to vector<16xi32>
      tpu.vector_store %arg8[%swap3A_387], %swap3A_390 {strides = array<i32>} : memref<128xi32, #tpu.memory_space<vmem>>, vector<16xi32>,
      %eq3A_391 = arith.constant 0 : i32
      %eq3A_392 = arith.cmpi eq, %arg0, %eq3A_391 : i32
      %select_n3A_393 = arith.select %eq3A_392, %shift_right_logical3A_383, %and3A_380 : vector<16xi32>
      %swap3A_394 = arith.constant 112 : index
      %swap3A_395 = tpu.vector_load %arg10[%swap3A_394] {strides = array<i32>} : memref<128xi32, #tpu.memory_space<vmem>>, vector<16xi32>,
      %swap3A_396 = vector.shape_cast %swap3A_395 : vector<16xi32> to vector<16xi32>
      %swap3A_397 = vector.shape_cast %select_n3A_393 : vector<16xi32> to vector<16xi32>
      tpu.vector_store %arg10[%swap3A_394], %swap3A_397 {strides = array<i32>} : memref<128xi32, #tpu.memory_space<vmem>>, vector<16xi32>,
      %dma_start3A_398 = arith.constant 0 : i32
      %dma_start3A_399 = arith.constant 0 : i32
      %dma_start3A_400 = tpu.memref_slice %arg14[%dma_start3A_398, %dma_start3A_399] : memref<10240x64xf32, #tpu.memory_space<vmem_shared>> -> memref<10240x64xf32, #tpu.memory_space<vmem_shared>>
      tpu.enqueue_indirect_dma source(%dma_start3A_400 : memref<10240x64xf32, #tpu.memory_space<vmem_shared>>) target(%arg12 : memref<128x64xf32, #tpu.memory_space<vmem>>) offsets(%arg8 : memref<128xi32, #tpu.memory_space<vmem>>) semaphore(%arg17 : memref<!tpu.dma_semaphore, #tpu.memory_space<semaphore_mem>>)
      %add3A_401 = arith.constant 256 : i32
      %add3A_402 = arith.addi %mul3A_7, %add3A_401 : i32
      %dma_start3A_403 = tpu.memref_slice %arg3[%add3A_402] : memref<323584xi32, #tpu.memory_space<hbm>> -> memref<256xi32, #tpu.memory_space<hbm>>
      %dma_start3A_404 = tpu.memref_slice %arg3[%add3A_402] : memref<323584xi32, #tpu.memory_space<hbm>> -> memref<256xi32, #tpu.memory_space<hbm>>
      tpu.enqueue_dma source(%dma_start3A_404 : memref<256xi32, #tpu.memory_space<hbm>>) target(%arg5 : memref<256xi32, #tpu.memory_space<vmem>>) target_semaphore(%arg15 : memref<!tpu.dma_semaphore, #tpu.memory_space<semaphore_mem>>)
      %scan3A_405 = arith.constant 0 : i32
      %scan3A_406 = arith.constant 0 : i32
      %scan3A_407 = arith.constant 78 : i32
      %scan3A_408 = arith.addi %scan3A_406, %scan3A_407 : i32
      %scan3A_409 = arith.constant 1 : i32
      scf.for %scan3A_431 = %scan3A_406 to %scan3A_408 step %scan3A_409  : i32 {
        %dma_wait3A_432 = arith.constant 0 : i32
        %dma_wait3A_433 = arith.constant 0 : i32
        %dma_wait3A_434 = tpu.memref_slice %arg4[%dma_wait3A_432, %dma_wait3A_433] : memref<40960x64xf32, #tpu.memory_space<hbm>> -> memref<128x64xf32, #tpu.memory_space<hbm>>
        %dma_wait3A_435 = arith.constant 0 : i32
        %dma_wait3A_436 = arith.constant 0 : i32
        %dma_wait3A_437 = tpu.memref_slice %arg4[%dma_wait3A_435, %dma_wait3A_436] : memref<40960x64xf32, #tpu.memory_space<hbm>> -> memref<128x64xf32, #tpu.memory_space<hbm>>
        tpu.wait_dma2 semaphore(%arg16 : memref<!tpu.dma_semaphore, #tpu.memory_space<semaphore_mem>>) src(%dma_wait3A_437 : memref<128x64xf32, #tpu.memory_space<hbm>>) dst(%arg11 : memref<128x64xf32, #tpu.memory_space<vmem>>)
        "tpu.region"() ({
          %run_scoped3A = tpu.sem_alloc : memref<!tpu.dma_semaphore, #tpu.memory_space<semaphore_mem>>
          %dma_start3A_824 = arith.constant 0 : i32
          %dma_start3A_825 = arith.constant 0 : i32
          %dma_start3A_826 = tpu.memref_slice %arg13[%dma_start3A_824, %dma_start3A_825] : memref<10240x64xf32, #tpu.memory_space<vmem_shared>> -> memref<10240x64xf32, #tpu.memory_space<vmem_shared>>
          tpu.enqueue_indirect_dma source(%arg11 : memref<128x64xf32, #tpu.memory_space<vmem>>) target(%dma_start3A_826 : memref<10240x64xf32, #tpu.memory_space<vmem_shared>>) offsets(%arg9 : memref<128xi32, #tpu.memory_space<vmem>>) semaphore(%run_scoped3A : memref<!tpu.dma_semaphore, #tpu.memory_space<semaphore_mem>>) {add = true}
          %dma_wait3A_827 = arith.constant 0 : i32
          %dma_wait3A_828 = arith.constant 0 : i32
          %dma_wait3A_829 = tpu.memref_slice %arg13[%dma_wait3A_827, %dma_wait3A_828] : memref<10240x64xf32, #tpu.memory_space<vmem_shared>> -> memref<10240x64xf32, #tpu.memory_space<vmem_shared>>
          tpu.wait_indirect_dma semaphore(%run_scoped3A : memref<!tpu.dma_semaphore, #tpu.memory_space<semaphore_mem>>) src(%arg11 : memref<128x64xf32, #tpu.memory_space<vmem>>) dst(%dma_wait3A_829 : memref<10240x64xf32, #tpu.memory_space<vmem_shared>>)
          tpu.yield
        }) : () -> ()
        %dma_wait3A_438 = arith.constant 0 : i32
        %dma_wait3A_439 = tpu.memref_slice %arg3[%dma_wait3A_438] : memref<323584xi32, #tpu.memory_space<hbm>> -> memref<256xi32, #tpu.memory_space<hbm>>
        %dma_wait3A_440 = arith.constant 0 : i32
        %dma_wait3A_441 = tpu.memref_slice %arg3[%dma_wait3A_440] : memref<323584xi32, #tpu.memory_space<hbm>> -> memref<256xi32, #tpu.memory_space<hbm>>
        tpu.wait_dma2 semaphore(%arg15 : memref<!tpu.dma_semaphore, #tpu.memory_space<semaphore_mem>>) src(%dma_wait3A_441 : memref<256xi32, #tpu.memory_space<hbm>>) dst(%arg5 : memref<256xi32, #tpu.memory_space<vmem>>)
        %get3A_442 = arith.constant 0 : index
        %get3A_443 = tpu.vector_load %arg5[%get3A_442] {strides = array<i32>} : memref<256xi32, #tpu.memory_space<vmem>>, vector<16xi32>,
        %get3A_444 = vector.shape_cast %get3A_443 : vector<16xi32> to vector<16xi32>
        %and3A_445 = arith.constant 16383 : i32
        %and3A_446 = vector.broadcast %and3A_445 : i32 to vector<16xi32>
        %and3A_447 = arith.andi %get3A_444, %and3A_446 : vector<16xi32>
        %shift_right_logical3A_448 = arith.constant 14 : i32
        %shift_right_logical3A_449 = vector.broadcast %shift_right_logical3A_448 : i32 to vector<16xi32>
        %shift_right_logical3A_450 = arith.shrui %get3A_444, %shift_right_logical3A_449 : vector<16xi32>
        %eq3A_451 = arith.constant 0 : i32
        %eq3A_452 = arith.cmpi eq, %arg0, %eq3A_451 : i32
        %select_n3A_453 = arith.select %eq3A_452, %and3A_447, %shift_right_logical3A_450 : vector<16xi32>
        %swap3A_454 = arith.constant 0 : index
        %swap3A_455 = tpu.vector_load %arg7[%swap3A_454] {strides = array<i32>} : memref<128xi32, #tpu.memory_space<vmem>>, vector<16xi32>,
        %swap3A_456 = vector.shape_cast %swap3A_455 : vector<16xi32> to vector<16xi32>
        %swap3A_457 = vector.shape_cast %select_n3A_453 : vector<16xi32> to vector<16xi32>
        tpu.vector_store %arg7[%swap3A_454], %swap3A_457 {strides = array<i32>} : memref<128xi32, #tpu.memory_space<vmem>>, vector<16xi32>,
        %eq3A_458 = arith.constant 0 : i32
        %eq3A_459 = arith.cmpi eq, %arg0, %eq3A_458 : i32
        %select_n3A_460 = arith.select %eq3A_459, %shift_right_logical3A_450, %and3A_447 : vector<16xi32>
        %swap3A_461 = arith.constant 0 : index
        %swap3A_462 = tpu.vector_load %arg9[%swap3A_461] {strides = array<i32>} : memref<128xi32, #tpu.memory_space<vmem>>, vector<16xi32>,
        %swap3A_463 = vector.shape_cast %swap3A_462 : vector<16xi32> to vector<16xi32>
        %swap3A_464 = vector.shape_cast %select_n3A_460 : vector<16xi32> to vector<16xi32>
        tpu.vector_store %arg9[%swap3A_461], %swap3A_464 {strides = array<i32>} : memref<128xi32, #tpu.memory_space<vmem>>, vector<16xi32>,
        %get3A_465 = arith.constant 16 : index
        %get3A_466 = tpu.vector_load %arg5[%get3A_465] {strides = array<i32>} : memref<256xi32, #tpu.memory_space<vmem>>, vector<16xi32>,
        %get3A_467 = vector.shape_cast %get3A_466 : vector<16xi32> to vector<16xi32>
        %and3A_468 = arith.constant 16383 : i32
        %and3A_469 = vector.broadcast %and3A_468 : i32 to vector<16xi32>
        %and3A_470 = arith.andi %get3A_467, %and3A_469 : vector<16xi32>
        %shift_right_logical3A_471 = arith.constant 14 : i32
        %shift_right_logical3A_472 = vector.broadcast %shift_right_logical3A_471 : i32 to vector<16xi32>
        %shift_right_logical3A_473 = arith.shrui %get3A_467, %shift_right_logical3A_472 : vector<16xi32>
        %eq3A_474 = arith.constant 0 : i32
        %eq3A_475 = arith.cmpi eq, %arg0, %eq3A_474 : i32
        %select_n3A_476 = arith.select %eq3A_475, %and3A_470, %shift_right_logical3A_473 : vector<16xi32>
        %swap3A_477 = arith.constant 16 : index
        %swap3A_478 = tpu.vector_load %arg7[%swap3A_477] {strides = array<i32>} : memref<128xi32, #tpu.memory_space<vmem>>, vector<16xi32>,
        %swap3A_479 = vector.shape_cast %swap3A_478 : vector<16xi32> to vector<16xi32>
        %swap3A_480 = vector.shape_cast %select_n3A_476 : vector<16xi32> to vector<16xi32>
        tpu.vector_store %arg7[%swap3A_477], %swap3A_480 {strides = array<i32>} : memref<128xi32, #tpu.memory_space<vmem>>, vector<16xi32>,
        %eq3A_481 = arith.constant 0 : i32
        %eq3A_482 = arith.cmpi eq, %arg0, %eq3A_481 : i32
        %select_n3A_483 = arith.select %eq3A_482, %shift_right_logical3A_473, %and3A_470 : vector<16xi32>
        %swap3A_484 = arith.constant 16 : index
        %swap3A_485 = tpu.vector_load %arg9[%swap3A_484] {strides = array<i32>} : memref<128xi32, #tpu.memory_space<vmem>>, vector<16xi32>,
        %swap3A_486 = vector.shape_cast %swap3A_485 : vector<16xi32> to vector<16xi32>
        %swap3A_487 = vector.shape_cast %select_n3A_483 : vector<16xi32> to vector<16xi32>
        tpu.vector_store %arg9[%swap3A_484], %swap3A_487 {strides = array<i32>} : memref<128xi32, #tpu.memory_space<vmem>>, vector<16xi32>,
        %get3A_488 = arith.constant 32 : index
        %get3A_489 = tpu.vector_load %arg5[%get3A_488] {strides = array<i32>} : memref<256xi32, #tpu.memory_space<vmem>>, vector<16xi32>,
        %get3A_490 = vector.shape_cast %get3A_489 : vector<16xi32> to vector<16xi32>
        %and3A_491 = arith.constant 16383 : i32
        %and3A_492 = vector.broadcast %and3A_491 : i32 to vector<16xi32>
        %and3A_493 = arith.andi %get3A_490, %and3A_492 : vector<16xi32>
        %shift_right_logical3A_494 = arith.constant 14 : i32
        %shift_right_logical3A_495 = vector.broadcast %shift_right_logical3A_494 : i32 to vector<16xi32>
        %shift_right_logical3A_496 = arith.shrui %get3A_490, %shift_right_logical3A_495 : vector<16xi32>
        %eq3A_497 = arith.constant 0 : i32
        %eq3A_498 = arith.cmpi eq, %arg0, %eq3A_497 : i32
        %select_n3A_499 = arith.select %eq3A_498, %and3A_493, %shift_right_logical3A_496 : vector<16xi32>
        %swap3A_500 = arith.constant 32 : index
        %swap3A_501 = tpu.vector_load %arg7[%swap3A_500] {strides = array<i32>} : memref<128xi32, #tpu.memory_space<vmem>>, vector<16xi32>,
        %swap3A_502 = vector.shape_cast %swap3A_501 : vector<16xi32> to vector<16xi32>
        %swap3A_503 = vector.shape_cast %select_n3A_499 : vector<16xi32> to vector<16xi32>
        tpu.vector_store %arg7[%swap3A_500], %swap3A_503 {strides = array<i32>} : memref<128xi32, #tpu.memory_space<vmem>>, vector<16xi32>,
        %eq3A_504 = arith.constant 0 : i32
        %eq3A_505 = arith.cmpi eq, %arg0, %eq3A_504 : i32
        %select_n3A_506 = arith.select %eq3A_505, %shift_right_logical3A_496, %and3A_493 : vector<16xi32>
        %swap3A_507 = arith.constant 32 : index
        %swap3A_508 = tpu.vector_load %arg9[%swap3A_507] {strides = array<i32>} : memref<128xi32, #tpu.memory_space<vmem>>, vector<16xi32>,
        %swap3A_509 = vector.shape_cast %swap3A_508 : vector<16xi32> to vector<16xi32>
        %swap3A_510 = vector.shape_cast %select_n3A_506 : vector<16xi32> to vector<16xi32>
        tpu.vector_store %arg9[%swap3A_507], %swap3A_510 {strides = array<i32>} : memref<128xi32, #tpu.memory_space<vmem>>, vector<16xi32>,
        %get3A_511 = arith.constant 48 : index
        %get3A_512 = tpu.vector_load %arg5[%get3A_511] {strides = array<i32>} : memref<256xi32, #tpu.memory_space<vmem>>, vector<16xi32>,
        %get3A_513 = vector.shape_cast %get3A_512 : vector<16xi32> to vector<16xi32>
        %and3A_514 = arith.constant 16383 : i32
        %and3A_515 = vector.broadcast %and3A_514 : i32 to vector<16xi32>
        %and3A_516 = arith.andi %get3A_513, %and3A_515 : vector<16xi32>
        %shift_right_logical3A_517 = arith.constant 14 : i32
        %shift_right_logical3A_518 = vector.broadcast %shift_right_logical3A_517 : i32 to vector<16xi32>
        %shift_right_logical3A_519 = arith.shrui %get3A_513, %shift_right_logical3A_518 : vector<16xi32>
        %eq3A_520 = arith.constant 0 : i32
        %eq3A_521 = arith.cmpi eq, %arg0, %eq3A_520 : i32
        %select_n3A_522 = arith.select %eq3A_521, %and3A_516, %shift_right_logical3A_519 : vector<16xi32>
        %swap3A_523 = arith.constant 48 : index
        %swap3A_524 = tpu.vector_load %arg7[%swap3A_523] {strides = array<i32>} : memref<128xi32, #tpu.memory_space<vmem>>, vector<16xi32>,
        %swap3A_525 = vector.shape_cast %swap3A_524 : vector<16xi32> to vector<16xi32>
        %swap3A_526 = vector.shape_cast %select_n3A_522 : vector<16xi32> to vector<16xi32>
        tpu.vector_store %arg7[%swap3A_523], %swap3A_526 {strides = array<i32>} : memref<128xi32, #tpu.memory_space<vmem>>, vector<16xi32>,
        %eq3A_527 = arith.constant 0 : i32
        %eq3A_528 = arith.cmpi eq, %arg0, %eq3A_527 : i32
        %select_n3A_529 = arith.select %eq3A_528, %shift_right_logical3A_519, %and3A_516 : vector<16xi32>
        %swap3A_530 = arith.constant 48 : index
        %swap3A_531 = tpu.vector_load %arg9[%swap3A_530] {strides = array<i32>} : memref<128xi32, #tpu.memory_space<vmem>>, vector<16xi32>,
        %swap3A_532 = vector.shape_cast %swap3A_531 : vector<16xi32> to vector<16xi32>
        %swap3A_533 = vector.shape_cast %select_n3A_529 : vector<16xi32> to vector<16xi32>
        tpu.vector_store %arg9[%swap3A_530], %swap3A_533 {strides = array<i32>} : memref<128xi32, #tpu.memory_space<vmem>>, vector<16xi32>,
        %get3A_534 = arith.constant 64 : index
        %get3A_535 = tpu.vector_load %arg5[%get3A_534] {strides = array<i32>} : memref<256xi32, #tpu.memory_space<vmem>>, vector<16xi32>,
        %get3A_536 = vector.shape_cast %get3A_535 : vector<16xi32> to vector<16xi32>
        %and3A_537 = arith.constant 16383 : i32
        %and3A_538 = vector.broadcast %and3A_537 : i32 to vector<16xi32>
        %and3A_539 = arith.andi %get3A_536, %and3A_538 : vector<16xi32>
        %shift_right_logical3A_540 = arith.constant 14 : i32
        %shift_right_logical3A_541 = vector.broadcast %shift_right_logical3A_540 : i32 to vector<16xi32>
        %shift_right_logical3A_542 = arith.shrui %get3A_536, %shift_right_logical3A_541 : vector<16xi32>
        %eq3A_543 = arith.constant 0 : i32
        %eq3A_544 = arith.cmpi eq, %arg0, %eq3A_543 : i32
        %select_n3A_545 = arith.select %eq3A_544, %and3A_539, %shift_right_logical3A_542 : vector<16xi32>
        %swap3A_546 = arith.constant 64 : index
        %swap3A_547 = tpu.vector_load %arg7[%swap3A_546] {strides = array<i32>} : memref<128xi32, #tpu.memory_space<vmem>>, vector<16xi32>,
        %swap3A_548 = vector.shape_cast %swap3A_547 : vector<16xi32> to vector<16xi32>
        %swap3A_549 = vector.shape_cast %select_n3A_545 : vector<16xi32> to vector<16xi32>
        tpu.vector_store %arg7[%swap3A_546], %swap3A_549 {strides = array<i32>} : memref<128xi32, #tpu.memory_space<vmem>>, vector<16xi32>,
        %eq3A_550 = arith.constant 0 : i32
        %eq3A_551 = arith.cmpi eq, %arg0, %eq3A_550 : i32
        %select_n3A_552 = arith.select %eq3A_551, %shift_right_logical3A_542, %and3A_539 : vector<16xi32>
        %swap3A_553 = arith.constant 64 : index
        %swap3A_554 = tpu.vector_load %arg9[%swap3A_553] {strides = array<i32>} : memref<128xi32, #tpu.memory_space<vmem>>, vector<16xi32>,
        %swap3A_555 = vector.shape_cast %swap3A_554 : vector<16xi32> to vector<16xi32>
        %swap3A_556 = vector.shape_cast %select_n3A_552 : vector<16xi32> to vector<16xi32>
        tpu.vector_store %arg9[%swap3A_553], %swap3A_556 {strides = array<i32>} : memref<128xi32, #tpu.memory_space<vmem>>, vector<16xi32>,
        %get3A_557 = arith.constant 80 : index
        %get3A_558 = tpu.vector_load %arg5[%get3A_557] {strides = array<i32>} : memref<256xi32, #tpu.memory_space<vmem>>, vector<16xi32>,
        %get3A_559 = vector.shape_cast %get3A_558 : vector<16xi32> to vector<16xi32>
        %and3A_560 = arith.constant 16383 : i32
        %and3A_561 = vector.broadcast %and3A_560 : i32 to vector<16xi32>
        %and3A_562 = arith.andi %get3A_559, %and3A_561 : vector<16xi32>
        %shift_right_logical3A_563 = arith.constant 14 : i32
        %shift_right_logical3A_564 = vector.broadcast %shift_right_logical3A_563 : i32 to vector<16xi32>
        %shift_right_logical3A_565 = arith.shrui %get3A_559, %shift_right_logical3A_564 : vector<16xi32>
        %eq3A_566 = arith.constant 0 : i32
        %eq3A_567 = arith.cmpi eq, %arg0, %eq3A_566 : i32
        %select_n3A_568 = arith.select %eq3A_567, %and3A_562, %shift_right_logical3A_565 : vector<16xi32>
        %swap3A_569 = arith.constant 80 : index
        %swap3A_570 = tpu.vector_load %arg7[%swap3A_569] {strides = array<i32>} : memref<128xi32, #tpu.memory_space<vmem>>, vector<16xi32>,
        %swap3A_571 = vector.shape_cast %swap3A_570 : vector<16xi32> to vector<16xi32>
        %swap3A_572 = vector.shape_cast %select_n3A_568 : vector<16xi32> to vector<16xi32>
        tpu.vector_store %arg7[%swap3A_569], %swap3A_572 {strides = array<i32>} : memref<128xi32, #tpu.memory_space<vmem>>, vector<16xi32>,
        %eq3A_573 = arith.constant 0 : i32
        %eq3A_574 = arith.cmpi eq, %arg0, %eq3A_573 : i32
        %select_n3A_575 = arith.select %eq3A_574, %shift_right_logical3A_565, %and3A_562 : vector<16xi32>
        %swap3A_576 = arith.constant 80 : index
        %swap3A_577 = tpu.vector_load %arg9[%swap3A_576] {strides = array<i32>} : memref<128xi32, #tpu.memory_space<vmem>>, vector<16xi32>,
        %swap3A_578 = vector.shape_cast %swap3A_577 : vector<16xi32> to vector<16xi32>
        %swap3A_579 = vector.shape_cast %select_n3A_575 : vector<16xi32> to vector<16xi32>
        tpu.vector_store %arg9[%swap3A_576], %swap3A_579 {strides = array<i32>} : memref<128xi32, #tpu.memory_space<vmem>>, vector<16xi32>,
        %get3A_580 = arith.constant 96 : index
        %get3A_581 = tpu.vector_load %arg5[%get3A_580] {strides = array<i32>} : memref<256xi32, #tpu.memory_space<vmem>>, vector<16xi32>,
        %get3A_582 = vector.shape_cast %get3A_581 : vector<16xi32> to vector<16xi32>
        %and3A_583 = arith.constant 16383 : i32
        %and3A_584 = vector.broadcast %and3A_583 : i32 to vector<16xi32>
        %and3A_585 = arith.andi %get3A_582, %and3A_584 : vector<16xi32>
        %shift_right_logical3A_586 = arith.constant 14 : i32
        %shift_right_logical3A_587 = vector.broadcast %shift_right_logical3A_586 : i32 to vector<16xi32>
        %shift_right_logical3A_588 = arith.shrui %get3A_582, %shift_right_logical3A_587 : vector<16xi32>
        %eq3A_589 = arith.constant 0 : i32
        %eq3A_590 = arith.cmpi eq, %arg0, %eq3A_589 : i32
        %select_n3A_591 = arith.select %eq3A_590, %and3A_585, %shift_right_logical3A_588 : vector<16xi32>
        %swap3A_592 = arith.constant 96 : index
        %swap3A_593 = tpu.vector_load %arg7[%swap3A_592] {strides = array<i32>} : memref<128xi32, #tpu.memory_space<vmem>>, vector<16xi32>,
        %swap3A_594 = vector.shape_cast %swap3A_593 : vector<16xi32> to vector<16xi32>
        %swap3A_595 = vector.shape_cast %select_n3A_591 : vector<16xi32> to vector<16xi32>
        tpu.vector_store %arg7[%swap3A_592], %swap3A_595 {strides = array<i32>} : memref<128xi32, #tpu.memory_space<vmem>>, vector<16xi32>,
        %eq3A_596 = arith.constant 0 : i32
        %eq3A_597 = arith.cmpi eq, %arg0, %eq3A_596 : i32
        %select_n3A_598 = arith.select %eq3A_597, %shift_right_logical3A_588, %and3A_585 : vector<16xi32>
        %swap3A_599 = arith.constant 96 : index
        %swap3A_600 = tpu.vector_load %arg9[%swap3A_599] {strides = array<i32>} : memref<128xi32, #tpu.memory_space<vmem>>, vector<16xi32>,
        %swap3A_601 = vector.shape_cast %swap3A_600 : vector<16xi32> to vector<16xi32>
        %swap3A_602 = vector.shape_cast %select_n3A_598 : vector<16xi32> to vector<16xi32>
        tpu.vector_store %arg9[%swap3A_599], %swap3A_602 {strides = array<i32>} : memref<128xi32, #tpu.memory_space<vmem>>, vector<16xi32>,
        %get3A_603 = arith.constant 112 : index
        %get3A_604 = tpu.vector_load %arg5[%get3A_603] {strides = array<i32>} : memref<256xi32, #tpu.memory_space<vmem>>, vector<16xi32>,
        %get3A_605 = vector.shape_cast %get3A_604 : vector<16xi32> to vector<16xi32>
        %and3A_606 = arith.constant 16383 : i32
        %and3A_607 = vector.broadcast %and3A_606 : i32 to vector<16xi32>
        %and3A_608 = arith.andi %get3A_605, %and3A_607 : vector<16xi32>
        %shift_right_logical3A_609 = arith.constant 14 : i32
        %shift_right_logical3A_610 = vector.broadcast %shift_right_logical3A_609 : i32 to vector<16xi32>
        %shift_right_logical3A_611 = arith.shrui %get3A_605, %shift_right_logical3A_610 : vector<16xi32>
        %eq3A_612 = arith.constant 0 : i32
        %eq3A_613 = arith.cmpi eq, %arg0, %eq3A_612 : i32
        %select_n3A_614 = arith.select %eq3A_613, %and3A_608, %shift_right_logical3A_611 : vector<16xi32>
        %swap3A_615 = arith.constant 112 : index
        %swap3A_616 = tpu.vector_load %arg7[%swap3A_615] {strides = array<i32>} : memref<128xi32, #tpu.memory_space<vmem>>, vector<16xi32>,
        %swap3A_617 = vector.shape_cast %swap3A_616 : vector<16xi32> to vector<16xi32>
        %swap3A_618 = vector.shape_cast %select_n3A_614 : vector<16xi32> to vector<16xi32>
        tpu.vector_store %arg7[%swap3A_615], %swap3A_618 {strides = array<i32>} : memref<128xi32, #tpu.memory_space<vmem>>, vector<16xi32>,
        %eq3A_619 = arith.constant 0 : i32
        %eq3A_620 = arith.cmpi eq, %arg0, %eq3A_619 : i32
        %select_n3A_621 = arith.select %eq3A_620, %shift_right_logical3A_611, %and3A_608 : vector<16xi32>
        %swap3A_622 = arith.constant 112 : index
        %swap3A_623 = tpu.vector_load %arg9[%swap3A_622] {strides = array<i32>} : memref<128xi32, #tpu.memory_space<vmem>>, vector<16xi32>,
        %swap3A_624 = vector.shape_cast %swap3A_623 : vector<16xi32> to vector<16xi32>
        %swap3A_625 = vector.shape_cast %select_n3A_621 : vector<16xi32> to vector<16xi32>
        tpu.vector_store %arg9[%swap3A_622], %swap3A_625 {strides = array<i32>} : memref<128xi32, #tpu.memory_space<vmem>>, vector<16xi32>,
        %dma_start3A_626 = arith.constant 0 : i32
        %dma_start3A_627 = arith.constant 0 : i32
        %dma_start3A_628 = tpu.memref_slice %arg14[%dma_start3A_626, %dma_start3A_627] : memref<10240x64xf32, #tpu.memory_space<vmem_shared>> -> memref<10240x64xf32, #tpu.memory_space<vmem_shared>>
        tpu.enqueue_indirect_dma source(%dma_start3A_628 : memref<10240x64xf32, #tpu.memory_space<vmem_shared>>) target(%arg11 : memref<128x64xf32, #tpu.memory_space<vmem>>) offsets(%arg7 : memref<128xi32, #tpu.memory_space<vmem>>) semaphore(%arg16 : memref<!tpu.dma_semaphore, #tpu.memory_space<semaphore_mem>>)
        %dma_wait3A_629 = arith.constant 0 : i32
        %dma_wait3A_630 = arith.constant 0 : i32
        %dma_wait3A_631 = tpu.memref_slice %arg4[%dma_wait3A_629, %dma_wait3A_630] : memref<40960x64xf32, #tpu.memory_space<hbm>> -> memref<128x64xf32, #tpu.memory_space<hbm>>
        %dma_wait3A_632 = arith.constant 0 : i32
        %dma_wait3A_633 = arith.constant 0 : i32
        %dma_wait3A_634 = tpu.memref_slice %arg4[%dma_wait3A_632, %dma_wait3A_633] : memref<40960x64xf32, #tpu.memory_space<hbm>> -> memref<128x64xf32, #tpu.memory_space<hbm>>
        tpu.wait_dma2 semaphore(%arg17 : memref<!tpu.dma_semaphore, #tpu.memory_space<semaphore_mem>>) src(%dma_wait3A_634 : memref<128x64xf32, #tpu.memory_space<hbm>>) dst(%arg12 : memref<128x64xf32, #tpu.memory_space<vmem>>)
        "tpu.region"() ({
          %run_scoped3A = tpu.sem_alloc : memref<!tpu.dma_semaphore, #tpu.memory_space<semaphore_mem>>
          %dma_start3A_824 = arith.constant 0 : i32
          %dma_start3A_825 = arith.constant 0 : i32
          %dma_start3A_826 = tpu.memref_slice %arg13[%dma_start3A_824, %dma_start3A_825] : memref<10240x64xf32, #tpu.memory_space<vmem_shared>> -> memref<10240x64xf32, #tpu.memory_space<vmem_shared>>
          tpu.enqueue_indirect_dma source(%arg12 : memref<128x64xf32, #tpu.memory_space<vmem>>) target(%dma_start3A_826 : memref<10240x64xf32, #tpu.memory_space<vmem_shared>>) offsets(%arg10 : memref<128xi32, #tpu.memory_space<vmem>>) semaphore(%run_scoped3A : memref<!tpu.dma_semaphore, #tpu.memory_space<semaphore_mem>>) {add = true}
          %dma_wait3A_827 = arith.constant 0 : i32
          %dma_wait3A_828 = arith.constant 0 : i32
          %dma_wait3A_829 = tpu.memref_slice %arg13[%dma_wait3A_827, %dma_wait3A_828] : memref<10240x64xf32, #tpu.memory_space<vmem_shared>> -> memref<10240x64xf32, #tpu.memory_space<vmem_shared>>
          tpu.wait_indirect_dma semaphore(%run_scoped3A : memref<!tpu.dma_semaphore, #tpu.memory_space<semaphore_mem>>) src(%arg12 : memref<128x64xf32, #tpu.memory_space<vmem>>) dst(%dma_wait3A_829 : memref<10240x64xf32, #tpu.memory_space<vmem_shared>>)
          tpu.yield
        }) : () -> ()
        %get3A_635 = arith.constant 128 : index
        %get3A_636 = tpu.vector_load %arg5[%get3A_635] {strides = array<i32>} : memref<256xi32, #tpu.memory_space<vmem>>, vector<16xi32>,
        %get3A_637 = vector.shape_cast %get3A_636 : vector<16xi32> to vector<16xi32>
        %and3A_638 = arith.constant 16383 : i32
        %and3A_639 = vector.broadcast %and3A_638 : i32 to vector<16xi32>
        %and3A_640 = arith.andi %get3A_637, %and3A_639 : vector<16xi32>
        %shift_right_logical3A_641 = arith.constant 14 : i32
        %shift_right_logical3A_642 = vector.broadcast %shift_right_logical3A_641 : i32 to vector<16xi32>
        %shift_right_logical3A_643 = arith.shrui %get3A_637, %shift_right_logical3A_642 : vector<16xi32>
        %eq3A_644 = arith.constant 0 : i32
        %eq3A_645 = arith.cmpi eq, %arg0, %eq3A_644 : i32
        %select_n3A_646 = arith.select %eq3A_645, %and3A_640, %shift_right_logical3A_643 : vector<16xi32>
        %swap3A_647 = arith.constant 0 : index
        %swap3A_648 = tpu.vector_load %arg8[%swap3A_647] {strides = array<i32>} : memref<128xi32, #tpu.memory_space<vmem>>, vector<16xi32>,
        %swap3A_649 = vector.shape_cast %swap3A_648 : vector<16xi32> to vector<16xi32>
        %swap3A_650 = vector.shape_cast %select_n3A_646 : vector<16xi32> to vector<16xi32>
        tpu.vector_store %arg8[%swap3A_647], %swap3A_650 {strides = array<i32>} : memref<128xi32, #tpu.memory_space<vmem>>, vector<16xi32>,
        %eq3A_651 = arith.constant 0 : i32
        %eq3A_652 = arith.cmpi eq, %arg0, %eq3A_651 : i32
        %select_n3A_653 = arith.select %eq3A_652, %shift_right_logical3A_643, %and3A_640 : vector<16xi32>
        %swap3A_654 = arith.constant 0 : index
        %swap3A_655 = tpu.vector_load %arg10[%swap3A_654] {strides = array<i32>} : memref<128xi32, #tpu.memory_space<vmem>>, vector<16xi32>,
        %swap3A_656 = vector.shape_cast %swap3A_655 : vector<16xi32> to vector<16xi32>
        %swap3A_657 = vector.shape_cast %select_n3A_653 : vector<16xi32> to vector<16xi32>
        tpu.vector_store %arg10[%swap3A_654], %swap3A_657 {strides = array<i32>} : memref<128xi32, #tpu.memory_space<vmem>>, vector<16xi32>,
        %get3A_658 = arith.constant 144 : index
        %get3A_659 = tpu.vector_load %arg5[%get3A_658] {strides = array<i32>} : memref<256xi32, #tpu.memory_space<vmem>>, vector<16xi32>,
        %get3A_660 = vector.shape_cast %get3A_659 : vector<16xi32> to vector<16xi32>
        %and3A_661 = arith.constant 16383 : i32
        %and3A_662 = vector.broadcast %and3A_661 : i32 to vector<16xi32>
        %and3A_663 = arith.andi %get3A_660, %and3A_662 : vector<16xi32>
        %shift_right_logical3A_664 = arith.constant 14 : i32
        %shift_right_logical3A_665 = vector.broadcast %shift_right_logical3A_664 : i32 to vector<16xi32>
        %shift_right_logical3A_666 = arith.shrui %get3A_660, %shift_right_logical3A_665 : vector<16xi32>
        %eq3A_667 = arith.constant 0 : i32
        %eq3A_668 = arith.cmpi eq, %arg0, %eq3A_667 : i32
        %select_n3A_669 = arith.select %eq3A_668, %and3A_663, %shift_right_logical3A_666 : vector<16xi32>
        %swap3A_670 = arith.constant 16 : index
        %swap3A_671 = tpu.vector_load %arg8[%swap3A_670] {strides = array<i32>} : memref<128xi32, #tpu.memory_space<vmem>>, vector<16xi32>,
        %swap3A_672 = vector.shape_cast %swap3A_671 : vector<16xi32> to vector<16xi32>
        %swap3A_673 = vector.shape_cast %select_n3A_669 : vector<16xi32> to vector<16xi32>
        tpu.vector_store %arg8[%swap3A_670], %swap3A_673 {strides = array<i32>} : memref<128xi32, #tpu.memory_space<vmem>>, vector<16xi32>,
        %eq3A_674 = arith.constant 0 : i32
        %eq3A_675 = arith.cmpi eq, %arg0, %eq3A_674 : i32
        %select_n3A_676 = arith.select %eq3A_675, %shift_right_logical3A_666, %and3A_663 : vector<16xi32>
        %swap3A_677 = arith.constant 16 : index
        %swap3A_678 = tpu.vector_load %arg10[%swap3A_677] {strides = array<i32>} : memref<128xi32, #tpu.memory_space<vmem>>, vector<16xi32>,
        %swap3A_679 = vector.shape_cast %swap3A_678 : vector<16xi32> to vector<16xi32>
        %swap3A_680 = vector.shape_cast %select_n3A_676 : vector<16xi32> to vector<16xi32>
        tpu.vector_store %arg10[%swap3A_677], %swap3A_680 {strides = array<i32>} : memref<128xi32, #tpu.memory_space<vmem>>, vector<16xi32>,
        %get3A_681 = arith.constant 160 : index
        %get3A_682 = tpu.vector_load %arg5[%get3A_681] {strides = array<i32>} : memref<256xi32, #tpu.memory_space<vmem>>, vector<16xi32>,
        %get3A_683 = vector.shape_cast %get3A_682 : vector<16xi32> to vector<16xi32>
        %and3A_684 = arith.constant 16383 : i32
        %and3A_685 = vector.broadcast %and3A_684 : i32 to vector<16xi32>
        %and3A_686 = arith.andi %get3A_683, %and3A_685 : vector<16xi32>
        %shift_right_logical3A_687 = arith.constant 14 : i32
        %shift_right_logical3A_688 = vector.broadcast %shift_right_logical3A_687 : i32 to vector<16xi32>
        %shift_right_logical3A_689 = arith.shrui %get3A_683, %shift_right_logical3A_688 : vector<16xi32>
        %eq3A_690 = arith.constant 0 : i32
        %eq3A_691 = arith.cmpi eq, %arg0, %eq3A_690 : i32
        %select_n3A_692 = arith.select %eq3A_691, %and3A_686, %shift_right_logical3A_689 : vector<16xi32>
        %swap3A_693 = arith.constant 32 : index
        %swap3A_694 = tpu.vector_load %arg8[%swap3A_693] {strides = array<i32>} : memref<128xi32, #tpu.memory_space<vmem>>, vector<16xi32>,
        %swap3A_695 = vector.shape_cast %swap3A_694 : vector<16xi32> to vector<16xi32>
        %swap3A_696 = vector.shape_cast %select_n3A_692 : vector<16xi32> to vector<16xi32>
        tpu.vector_store %arg8[%swap3A_693], %swap3A_696 {strides = array<i32>} : memref<128xi32, #tpu.memory_space<vmem>>, vector<16xi32>,
        %eq3A_697 = arith.constant 0 : i32
        %eq3A_698 = arith.cmpi eq, %arg0, %eq3A_697 : i32
        %select_n3A_699 = arith.select %eq3A_698, %shift_right_logical3A_689, %and3A_686 : vector<16xi32>
        %swap3A_700 = arith.constant 32 : index
        %swap3A_701 = tpu.vector_load %arg10[%swap3A_700] {strides = array<i32>} : memref<128xi32, #tpu.memory_space<vmem>>, vector<16xi32>,
        %swap3A_702 = vector.shape_cast %swap3A_701 : vector<16xi32> to vector<16xi32>
        %swap3A_703 = vector.shape_cast %select_n3A_699 : vector<16xi32> to vector<16xi32>
        tpu.vector_store %arg10[%swap3A_700], %swap3A_703 {strides = array<i32>} : memref<128xi32, #tpu.memory_space<vmem>>, vector<16xi32>,
        %get3A_704 = arith.constant 176 : index
        %get3A_705 = tpu.vector_load %arg5[%get3A_704] {strides = array<i32>} : memref<256xi32, #tpu.memory_space<vmem>>, vector<16xi32>,
        %get3A_706 = vector.shape_cast %get3A_705 : vector<16xi32> to vector<16xi32>
        %and3A_707 = arith.constant 16383 : i32
        %and3A_708 = vector.broadcast %and3A_707 : i32 to vector<16xi32>
        %and3A_709 = arith.andi %get3A_706, %and3A_708 : vector<16xi32>
        %shift_right_logical3A_710 = arith.constant 14 : i32
        %shift_right_logical3A_711 = vector.broadcast %shift_right_logical3A_710 : i32 to vector<16xi32>
        %shift_right_logical3A_712 = arith.shrui %get3A_706, %shift_right_logical3A_711 : vector<16xi32>
        %eq3A_713 = arith.constant 0 : i32
        %eq3A_714 = arith.cmpi eq, %arg0, %eq3A_713 : i32
        %select_n3A_715 = arith.select %eq3A_714, %and3A_709, %shift_right_logical3A_712 : vector<16xi32>
        %swap3A_716 = arith.constant 48 : index
        %swap3A_717 = tpu.vector_load %arg8[%swap3A_716] {strides = array<i32>} : memref<128xi32, #tpu.memory_space<vmem>>, vector<16xi32>,
        %swap3A_718 = vector.shape_cast %swap3A_717 : vector<16xi32> to vector<16xi32>
        %swap3A_719 = vector.shape_cast %select_n3A_715 : vector<16xi32> to vector<16xi32>
        tpu.vector_store %arg8[%swap3A_716], %swap3A_719 {strides = array<i32>} : memref<128xi32, #tpu.memory_space<vmem>>, vector<16xi32>,
        %eq3A_720 = arith.constant 0 : i32
        %eq3A_721 = arith.cmpi eq, %arg0, %eq3A_720 : i32
        %select_n3A_722 = arith.select %eq3A_721, %shift_right_logical3A_712, %and3A_709 : vector<16xi32>
        %swap3A_723 = arith.constant 48 : index
        %swap3A_724 = tpu.vector_load %arg10[%swap3A_723] {strides = array<i32>} : memref<128xi32, #tpu.memory_space<vmem>>, vector<16xi32>,
        %swap3A_725 = vector.shape_cast %swap3A_724 : vector<16xi32> to vector<16xi32>
        %swap3A_726 = vector.shape_cast %select_n3A_722 : vector<16xi32> to vector<16xi32>
        tpu.vector_store %arg10[%swap3A_723], %swap3A_726 {strides = array<i32>} : memref<128xi32, #tpu.memory_space<vmem>>, vector<16xi32>,
        %get3A_727 = arith.constant 192 : index
        %get3A_728 = tpu.vector_load %arg5[%get3A_727] {strides = array<i32>} : memref<256xi32, #tpu.memory_space<vmem>>, vector<16xi32>,
        %get3A_729 = vector.shape_cast %get3A_728 : vector<16xi32> to vector<16xi32>
        %and3A_730 = arith.constant 16383 : i32
        %and3A_731 = vector.broadcast %and3A_730 : i32 to vector<16xi32>
        %and3A_732 = arith.andi %get3A_729, %and3A_731 : vector<16xi32>
        %shift_right_logical3A_733 = arith.constant 14 : i32
        %shift_right_logical3A_734 = vector.broadcast %shift_right_logical3A_733 : i32 to vector<16xi32>
        %shift_right_logical3A_735 = arith.shrui %get3A_729, %shift_right_logical3A_734 : vector<16xi32>
        %eq3A_736 = arith.constant 0 : i32
        %eq3A_737 = arith.cmpi eq, %arg0, %eq3A_736 : i32
        %select_n3A_738 = arith.select %eq3A_737, %and3A_732, %shift_right_logical3A_735 : vector<16xi32>
        %swap3A_739 = arith.constant 64 : index
        %swap3A_740 = tpu.vector_load %arg8[%swap3A_739] {strides = array<i32>} : memref<128xi32, #tpu.memory_space<vmem>>, vector<16xi32>,
        %swap3A_741 = vector.shape_cast %swap3A_740 : vector<16xi32> to vector<16xi32>
        %swap3A_742 = vector.shape_cast %select_n3A_738 : vector<16xi32> to vector<16xi32>
        tpu.vector_store %arg8[%swap3A_739], %swap3A_742 {strides = array<i32>} : memref<128xi32, #tpu.memory_space<vmem>>, vector<16xi32>,
        %eq3A_743 = arith.constant 0 : i32
        %eq3A_744 = arith.cmpi eq, %arg0, %eq3A_743 : i32
        %select_n3A_745 = arith.select %eq3A_744, %shift_right_logical3A_735, %and3A_732 : vector<16xi32>
        %swap3A_746 = arith.constant 64 : index
        %swap3A_747 = tpu.vector_load %arg10[%swap3A_746] {strides = array<i32>} : memref<128xi32, #tpu.memory_space<vmem>>, vector<16xi32>,
        %swap3A_748 = vector.shape_cast %swap3A_747 : vector<16xi32> to vector<16xi32>
        %swap3A_749 = vector.shape_cast %select_n3A_745 : vector<16xi32> to vector<16xi32>
        tpu.vector_store %arg10[%swap3A_746], %swap3A_749 {strides = array<i32>} : memref<128xi32, #tpu.memory_space<vmem>>, vector<16xi32>,
        %get3A_750 = arith.constant 208 : index
        %get3A_751 = tpu.vector_load %arg5[%get3A_750] {strides = array<i32>} : memref<256xi32, #tpu.memory_space<vmem>>, vector<16xi32>,
        %get3A_752 = vector.shape_cast %get3A_751 : vector<16xi32> to vector<16xi32>
        %and3A_753 = arith.constant 16383 : i32
        %and3A_754 = vector.broadcast %and3A_753 : i32 to vector<16xi32>
        %and3A_755 = arith.andi %get3A_752, %and3A_754 : vector<16xi32>
        %shift_right_logical3A_756 = arith.constant 14 : i32
        %shift_right_logical3A_757 = vector.broadcast %shift_right_logical3A_756 : i32 to vector<16xi32>
        %shift_right_logical3A_758 = arith.shrui %get3A_752, %shift_right_logical3A_757 : vector<16xi32>
        %eq3A_759 = arith.constant 0 : i32
        %eq3A_760 = arith.cmpi eq, %arg0, %eq3A_759 : i32
        %select_n3A_761 = arith.select %eq3A_760, %and3A_755, %shift_right_logical3A_758 : vector<16xi32>
        %swap3A_762 = arith.constant 80 : index
        %swap3A_763 = tpu.vector_load %arg8[%swap3A_762] {strides = array<i32>} : memref<128xi32, #tpu.memory_space<vmem>>, vector<16xi32>,
        %swap3A_764 = vector.shape_cast %swap3A_763 : vector<16xi32> to vector<16xi32>
        %swap3A_765 = vector.shape_cast %select_n3A_761 : vector<16xi32> to vector<16xi32>
        tpu.vector_store %arg8[%swap3A_762], %swap3A_765 {strides = array<i32>} : memref<128xi32, #tpu.memory_space<vmem>>, vector<16xi32>,
        %eq3A_766 = arith.constant 0 : i32
        %eq3A_767 = arith.cmpi eq, %arg0, %eq3A_766 : i32
        %select_n3A_768 = arith.select %eq3A_767, %shift_right_logical3A_758, %and3A_755 : vector<16xi32>
        %swap3A_769 = arith.constant 80 : index
        %swap3A_770 = tpu.vector_load %arg10[%swap3A_769] {strides = array<i32>} : memref<128xi32, #tpu.memory_space<vmem>>, vector<16xi32>,
        %swap3A_771 = vector.shape_cast %swap3A_770 : vector<16xi32> to vector<16xi32>
        %swap3A_772 = vector.shape_cast %select_n3A_768 : vector<16xi32> to vector<16xi32>
        tpu.vector_store %arg10[%swap3A_769], %swap3A_772 {strides = array<i32>} : memref<128xi32, #tpu.memory_space<vmem>>, vector<16xi32>,
        %get3A_773 = arith.constant 224 : index
        %get3A_774 = tpu.vector_load %arg5[%get3A_773] {strides = array<i32>} : memref<256xi32, #tpu.memory_space<vmem>>, vector<16xi32>,
        %get3A_775 = vector.shape_cast %get3A_774 : vector<16xi32> to vector<16xi32>
        %and3A_776 = arith.constant 16383 : i32
        %and3A_777 = vector.broadcast %and3A_776 : i32 to vector<16xi32>
        %and3A_778 = arith.andi %get3A_775, %and3A_777 : vector<16xi32>
        %shift_right_logical3A_779 = arith.constant 14 : i32
        %shift_right_logical3A_780 = vector.broadcast %shift_right_logical3A_779 : i32 to vector<16xi32>
        %shift_right_logical3A_781 = arith.shrui %get3A_775, %shift_right_logical3A_780 : vector<16xi32>
        %eq3A_782 = arith.constant 0 : i32
        %eq3A_783 = arith.cmpi eq, %arg0, %eq3A_782 : i32
        %select_n3A_784 = arith.select %eq3A_783, %and3A_778, %shift_right_logical3A_781 : vector<16xi32>
        %swap3A_785 = arith.constant 96 : index
        %swap3A_786 = tpu.vector_load %arg8[%swap3A_785] {strides = array<i32>} : memref<128xi32, #tpu.memory_space<vmem>>, vector<16xi32>,
        %swap3A_787 = vector.shape_cast %swap3A_786 : vector<16xi32> to vector<16xi32>
        %swap3A_788 = vector.shape_cast %select_n3A_784 : vector<16xi32> to vector<16xi32>
        tpu.vector_store %arg8[%swap3A_785], %swap3A_788 {strides = array<i32>} : memref<128xi32, #tpu.memory_space<vmem>>, vector<16xi32>,
        %eq3A_789 = arith.constant 0 : i32
        %eq3A_790 = arith.cmpi eq, %arg0, %eq3A_789 : i32
        %select_n3A_791 = arith.select %eq3A_790, %shift_right_logical3A_781, %and3A_778 : vector<16xi32>
        %swap3A_792 = arith.constant 96 : index
        %swap3A_793 = tpu.vector_load %arg10[%swap3A_792] {strides = array<i32>} : memref<128xi32, #tpu.memory_space<vmem>>, vector<16xi32>,
        %swap3A_794 = vector.shape_cast %swap3A_793 : vector<16xi32> to vector<16xi32>
        %swap3A_795 = vector.shape_cast %select_n3A_791 : vector<16xi32> to vector<16xi32>
        tpu.vector_store %arg10[%swap3A_792], %swap3A_795 {strides = array<i32>} : memref<128xi32, #tpu.memory_space<vmem>>, vector<16xi32>,
        %get3A_796 = arith.constant 240 : index
        %get3A_797 = tpu.vector_load %arg5[%get3A_796] {strides = array<i32>} : memref<256xi32, #tpu.memory_space<vmem>>, vector<16xi32>,
        %get3A_798 = vector.shape_cast %get3A_797 : vector<16xi32> to vector<16xi32>
        %and3A_799 = arith.constant 16383 : i32
        %and3A_800 = vector.broadcast %and3A_799 : i32 to vector<16xi32>
        %and3A_801 = arith.andi %get3A_798, %and3A_800 : vector<16xi32>
        %shift_right_logical3A_802 = arith.constant 14 : i32
        %shift_right_logical3A_803 = vector.broadcast %shift_right_logical3A_802 : i32 to vector<16xi32>
        %shift_right_logical3A_804 = arith.shrui %get3A_798, %shift_right_logical3A_803 : vector<16xi32>
        %eq3A_805 = arith.constant 0 : i32
        %eq3A_806 = arith.cmpi eq, %arg0, %eq3A_805 : i32
        %select_n3A_807 = arith.select %eq3A_806, %and3A_801, %shift_right_logical3A_804 : vector<16xi32>
        %swap3A_808 = arith.constant 112 : index
        %swap3A_809 = tpu.vector_load %arg8[%swap3A_808] {strides = array<i32>} : memref<128xi32, #tpu.memory_space<vmem>>, vector<16xi32>,
        %swap3A_810 = vector.shape_cast %swap3A_809 : vector<16xi32> to vector<16xi32>
        %swap3A_811 = vector.shape_cast %select_n3A_807 : vector<16xi32> to vector<16xi32>
        tpu.vector_store %arg8[%swap3A_808], %swap3A_811 {strides = array<i32>} : memref<128xi32, #tpu.memory_space<vmem>>, vector<16xi32>,
        %eq3A_812 = arith.constant 0 : i32
        %eq3A_813 = arith.cmpi eq, %arg0, %eq3A_812 : i32
        %select_n3A_814 = arith.select %eq3A_813, %shift_right_logical3A_804, %and3A_801 : vector<16xi32>
        %swap3A_815 = arith.constant 112 : index
        %swap3A_816 = tpu.vector_load %arg10[%swap3A_815] {strides = array<i32>} : memref<128xi32, #tpu.memory_space<vmem>>, vector<16xi32>,
        %swap3A_817 = vector.shape_cast %swap3A_816 : vector<16xi32> to vector<16xi32>
        %swap3A_818 = vector.shape_cast %select_n3A_814 : vector<16xi32> to vector<16xi32>
        tpu.vector_store %arg10[%swap3A_815], %swap3A_818 {strides = array<i32>} : memref<128xi32, #tpu.memory_space<vmem>>, vector<16xi32>,
        %dma_start3A_819 = arith.constant 0 : i32
        %dma_start3A_820 = arith.constant 0 : i32
        %dma_start3A_821 = tpu.memref_slice %arg14[%dma_start3A_819, %dma_start3A_820] : memref<10240x64xf32, #tpu.memory_space<vmem_shared>> -> memref<10240x64xf32, #tpu.memory_space<vmem_shared>>
        tpu.enqueue_indirect_dma source(%dma_start3A_821 : memref<10240x64xf32, #tpu.memory_space<vmem_shared>>) target(%arg12 : memref<128x64xf32, #tpu.memory_space<vmem>>) offsets(%arg8 : memref<128xi32, #tpu.memory_space<vmem>>) semaphore(%arg17 : memref<!tpu.dma_semaphore, #tpu.memory_space<semaphore_mem>>)
        %lt3A = arith.constant 77 : i32
        %lt3A_822 = arith.cmpi slt, %scan3A_431, %lt3A : i32
        %convert_element_type3A = arith.extui %lt3A_822 : i1 to i32
        %cond3A = arith.constant 0 : i32
        %cond3A_823 = arith.cmpi ne, %convert_element_type3A, %cond3A : i32
        scf.if %cond3A_823 {
          %add3A_824 = arith.constant 2 : i32
          %add3A_825 = arith.addi %scan3A_431, %add3A_824 : i32
          %mul3A_826 = arith.constant 2 : i32
          %mul3A_827 = arith.muli %add3A_825, %mul3A_826 : i32
          %mul3A_828 = arith.constant 128 : i32
          %mul3A_829 = arith.muli %mul3A_827, %mul3A_828 : i32
          %add3A_830 = arith.addi %mul3A_7, %mul3A_829 : i32
          %dma_start3A_831 = tpu.memref_slice %arg3[%add3A_830] : memref<323584xi32, #tpu.memory_space<hbm>> -> memref<256xi32, #tpu.memory_space<hbm>>
          %dma_start3A_832 = tpu.memref_slice %arg3[%add3A_830] : memref<323584xi32, #tpu.memory_space<hbm>> -> memref<256xi32, #tpu.memory_space<hbm>>
          tpu.enqueue_dma source(%dma_start3A_832 : memref<256xi32, #tpu.memory_space<hbm>>) target(%arg5 : memref<256xi32, #tpu.memory_space<vmem>>) target_semaphore(%arg15 : memref<!tpu.dma_semaphore, #tpu.memory_space<semaphore_mem>>)
        } else {
        }
      }
      %scan3A_410 = arith.constant 78 : i32
      %dma_wait3A_411 = arith.constant 0 : i32
      %dma_wait3A_412 = arith.constant 0 : i32
      %dma_wait3A_413 = tpu.memref_slice %arg4[%dma_wait3A_411, %dma_wait3A_412] : memref<40960x64xf32, #tpu.memory_space<hbm>> -> memref<128x64xf32, #tpu.memory_space<hbm>>
      %dma_wait3A_414 = arith.constant 0 : i32
      %dma_wait3A_415 = arith.constant 0 : i32
      %dma_wait3A_416 = tpu.memref_slice %arg4[%dma_wait3A_414, %dma_wait3A_415] : memref<40960x64xf32, #tpu.memory_space<hbm>> -> memref<128x64xf32, #tpu.memory_space<hbm>>
      tpu.wait_dma2 semaphore(%arg16 : memref<!tpu.dma_semaphore, #tpu.memory_space<semaphore_mem>>) src(%dma_wait3A_416 : memref<128x64xf32, #tpu.memory_space<hbm>>) dst(%arg11 : memref<128x64xf32, #tpu.memory_space<vmem>>)
      "tpu.region"() ({
        %run_scoped3A = tpu.sem_alloc : memref<!tpu.dma_semaphore, #tpu.memory_space<semaphore_mem>>
        %dma_start3A_431 = arith.constant 0 : i32
        %dma_start3A_432 = arith.constant 0 : i32
        %dma_start3A_433 = tpu.memref_slice %arg13[%dma_start3A_431, %dma_start3A_432] : memref<10240x64xf32, #tpu.memory_space<vmem_shared>> -> memref<10240x64xf32, #tpu.memory_space<vmem_shared>>
        tpu.enqueue_indirect_dma source(%arg11 : memref<128x64xf32, #tpu.memory_space<vmem>>) target(%dma_start3A_433 : memref<10240x64xf32, #tpu.memory_space<vmem_shared>>) offsets(%arg9 : memref<128xi32, #tpu.memory_space<vmem>>) semaphore(%run_scoped3A : memref<!tpu.dma_semaphore, #tpu.memory_space<semaphore_mem>>) {add = true}
        %dma_wait3A_434 = arith.constant 0 : i32
        %dma_wait3A_435 = arith.constant 0 : i32
        %dma_wait3A_436 = tpu.memref_slice %arg13[%dma_wait3A_434, %dma_wait3A_435] : memref<10240x64xf32, #tpu.memory_space<vmem_shared>> -> memref<10240x64xf32, #tpu.memory_space<vmem_shared>>
        tpu.wait_indirect_dma semaphore(%run_scoped3A : memref<!tpu.dma_semaphore, #tpu.memory_space<semaphore_mem>>) src(%arg11 : memref<128x64xf32, #tpu.memory_space<vmem>>) dst(%dma_wait3A_436 : memref<10240x64xf32, #tpu.memory_space<vmem_shared>>)
        tpu.yield
      }) : () -> ()
      %dma_wait3A_417 = arith.constant 0 : i32
      %dma_wait3A_418 = arith.constant 0 : i32
      %dma_wait3A_419 = tpu.memref_slice %arg4[%dma_wait3A_417, %dma_wait3A_418] : memref<40960x64xf32, #tpu.memory_space<hbm>> -> memref<128x64xf32, #tpu.memory_space<hbm>>
      %dma_wait3A_420 = arith.constant 0 : i32
      %dma_wait3A_421 = arith.constant 0 : i32
      %dma_wait3A_422 = tpu.memref_slice %arg4[%dma_wait3A_420, %dma_wait3A_421] : memref<40960x64xf32, #tpu.memory_space<hbm>> -> memref<128x64xf32, #tpu.memory_space<hbm>>
      tpu.wait_dma2 semaphore(%arg17 : memref<!tpu.dma_semaphore, #tpu.memory_space<semaphore_mem>>) src(%dma_wait3A_422 : memref<128x64xf32, #tpu.memory_space<hbm>>) dst(%arg12 : memref<128x64xf32, #tpu.memory_space<vmem>>)
      "tpu.region"() ({
        %run_scoped3A = tpu.sem_alloc : memref<!tpu.dma_semaphore, #tpu.memory_space<semaphore_mem>>
        %dma_start3A_431 = arith.constant 0 : i32
        %dma_start3A_432 = arith.constant 0 : i32
        %dma_start3A_433 = tpu.memref_slice %arg13[%dma_start3A_431, %dma_start3A_432] : memref<10240x64xf32, #tpu.memory_space<vmem_shared>> -> memref<10240x64xf32, #tpu.memory_space<vmem_shared>>
        tpu.enqueue_indirect_dma source(%arg12 : memref<128x64xf32, #tpu.memory_space<vmem>>) target(%dma_start3A_433 : memref<10240x64xf32, #tpu.memory_space<vmem_shared>>) offsets(%arg10 : memref<128xi32, #tpu.memory_space<vmem>>) semaphore(%run_scoped3A : memref<!tpu.dma_semaphore, #tpu.memory_space<semaphore_mem>>) {add = true}
        %dma_wait3A_434 = arith.constant 0 : i32
        %dma_wait3A_435 = arith.constant 0 : i32
        %dma_wait3A_436 = tpu.memref_slice %arg13[%dma_wait3A_434, %dma_wait3A_435] : memref<10240x64xf32, #tpu.memory_space<vmem_shared>> -> memref<10240x64xf32, #tpu.memory_space<vmem_shared>>
        tpu.wait_indirect_dma semaphore(%run_scoped3A : memref<!tpu.dma_semaphore, #tpu.memory_space<semaphore_mem>>) src(%arg12 : memref<128x64xf32, #tpu.memory_space<vmem>>) dst(%dma_wait3A_436 : memref<10240x64xf32, #tpu.memory_space<vmem_shared>>)
        tpu.yield
      }) : () -> ()
      %barrier3A_423 = arith.constant 0 : index
      tpu.barrier barrier_id(%barrier3A_423)
      %mul3A_424 = arith.constant 2 : i32
      %mul3A_425 = arith.muli %arg0, %mul3A_424 : i32
      %add3A_426 = arith.addi %mul3A_425, %scan3A_14 : i32
      %mul3A_427 = arith.constant 10240 : i32
      %mul3A_428 = arith.muli %add3A_426, %mul3A_427 : i32
      %add3A_429 = arith.addi %mul3A_428, %mul3A_5 : i32
      "tpu.region"() ({
        %run_scoped3A = tpu.sem_alloc : memref<!tpu.dma_semaphore, #tpu.memory_space<semaphore_mem>>
        %dma_start3A_431 = arith.constant 0 : i32
        %dma_start3A_432 = tpu.memref_slice %arg4[%add3A_429, %dma_start3A_431] : memref<40960x64xf32, #tpu.memory_space<hbm>> -> memref<640x64xf32, #tpu.memory_space<hbm>>
        %dma_start3A_433 = arith.constant 0 : i32
        %dma_start3A_434 = tpu.memref_slice %arg13[%mul3A_5, %dma_start3A_433] : memref<10240x64xf32, #tpu.memory_space<vmem_shared>> -> memref<640x64xf32, #tpu.memory_space<vmem_shared>>
        tpu.enqueue_dma source(%dma_start3A_434 : memref<640x64xf32, #tpu.memory_space<vmem_shared>>) target(%dma_start3A_432 : memref<640x64xf32, #tpu.memory_space<hbm>>) target_semaphore(%run_scoped3A : memref<!tpu.dma_semaphore, #tpu.memory_space<semaphore_mem>>)
        %dma_wait3A_435 = arith.constant 0 : i32
        %dma_wait3A_436 = tpu.memref_slice %arg4[%add3A_429, %dma_wait3A_435] : memref<40960x64xf32, #tpu.memory_space<hbm>> -> memref<640x64xf32, #tpu.memory_space<hbm>>
        %dma_wait3A_437 = arith.constant 0 : i32
        %dma_wait3A_438 = tpu.memref_slice %arg13[%mul3A_5, %dma_wait3A_437] : memref<10240x64xf32, #tpu.memory_space<vmem_shared>> -> memref<640x64xf32, #tpu.memory_space<vmem_shared>>
        tpu.wait_dma2 semaphore(%run_scoped3A : memref<!tpu.dma_semaphore, #tpu.memory_space<semaphore_mem>>) src(%dma_wait3A_438 : memref<640x64xf32, #tpu.memory_space<vmem_shared>>) dst(%dma_wait3A_436 : memref<640x64xf32, #tpu.memory_space<hbm>>)
        tpu.yield
      }) : () -> ()
      %barrier3A_430 = arith.constant 0 : index
      tpu.barrier barrier_id(%barrier3A_430)
    }
    %scan3A_13 = arith.constant 2 : i32
    return
  }
}

#map = affine_map<(d0, d1) -> (0, 0)>
#map1 = affine_map<(d0, d1) -> (0)>
module attributes {stable_mosaic.version = 14 : i64} {
  func.func @_sc_aggregate_body(%arg0: i32, %arg1: i32, %arg2: memref<20480x64xf32, #tpu.memory_space<hbm>>, %arg3: memref<323584xi32, #tpu.memory_space<hbm>>, %arg4: memref<40960x64xf32, #tpu.memory_space<hbm>>, %arg5: memref<256xi32, #tpu.memory_space<vmem>>, %arg6: memref<128x64xf32, #tpu.memory_space<vmem>>, %arg7: memref<128xi32, #tpu.memory_space<vmem>>, %arg8: memref<128xi32, #tpu.memory_space<vmem>>, %arg9: memref<128xi32, #tpu.memory_space<vmem>>, %arg10: memref<128xi32, #tpu.memory_space<vmem>>, %arg11: memref<128x64xf32, #tpu.memory_space<vmem>>, %arg12: memref<128x64xf32, #tpu.memory_space<vmem>>, %arg13: memref<10240x64xf32, #tpu.memory_space<vmem_shared>>, %arg14: memref<10240x64xf32, #tpu.memory_space<vmem_shared>>, %arg15: memref<!tpu.dma_semaphore, #tpu.memory_space<semaphore_mem>>, %arg16: memref<!tpu.dma_semaphore, #tpu.memory_space<semaphore_mem>>, %arg17: memref<!tpu.dma_semaphore, #tpu.memory_space<semaphore_mem>>) attributes {dimension_semantics = [#tpu.dimension_semantics<core_parallel>, #tpu.dimension_semantics<subcore_parallel>], iteration_bounds = array<i64: 2, 16>, scalar_prefetch = 0 : i64, scratch_operands = 13 : i64, tpu.core_type = #tpu.core_type<sc_vector_subcore>, window_params = [{transform_indices = #map}, {transform_indices = #map1}, {transform_indices = #map}]} {
    %scan3A = arith.constant 0 : i32
    %scan3A_0 = arith.constant 0 : i32
    %scan3A_1 = arith.constant 128 : i32
    %scan3A_2 = arith.addi %scan3A_0, %scan3A_1 : i32
    %scan3A_3 = arith.constant 1 : i32
    scf.for %scan3A_14 = %scan3A_0 to %scan3A_2 step %scan3A_3  : i32 {
      %broadcast_in_dim3A = arith.constant 0.000000e+00 : f32
      %broadcast_in_dim3A_15 = vector.broadcast %broadcast_in_dim3A : f32 to vector<16xf32>
      %swap3A = arith.index_cast %scan3A_14 : i32 to index
      %swap3A_16 = arith.constant 0 : index
      %swap3A_17 = tpu.vector_load %arg6[%swap3A, %swap3A_16] {strides = array<i32>} : memref<128x64xf32, #tpu.memory_space<vmem>>, vector<1x16xf32>,
      %swap3A_18 = vector.shape_cast %swap3A_17 : vector<1x16xf32> to vector<16xf32>
      %swap3A_19 = vector.shape_cast %broadcast_in_dim3A_15 : vector<16xf32> to vector<1x16xf32>
      tpu.vector_store %arg6[%swap3A, %swap3A_16], %swap3A_19 {strides = array<i32>} : memref<128x64xf32, #tpu.memory_space<vmem>>, vector<1x16xf32>,
      %broadcast_in_dim3A_20 = arith.constant 0.000000e+00 : f32
      %broadcast_in_dim3A_21 = vector.broadcast %broadcast_in_dim3A_20 : f32 to vector<16xf32>
      %swap3A_22 = arith.index_cast %scan3A_14 : i32 to index
      %swap3A_23 = arith.constant 16 : index
      %swap3A_24 = tpu.vector_load %arg6[%swap3A_22, %swap3A_23] {strides = array<i32>} : memref<128x64xf32, #tpu.memory_space<vmem>>, vector<1x16xf32>,
      %swap3A_25 = vector.shape_cast %swap3A_24 : vector<1x16xf32> to vector<16xf32>
      %swap3A_26 = vector.shape_cast %broadcast_in_dim3A_21 : vector<16xf32> to vector<1x16xf32>
      tpu.vector_store %arg6[%swap3A_22, %swap3A_23], %swap3A_26 {strides = array<i32>} : memref<128x64xf32, #tpu.memory_space<vmem>>, vector<1x16xf32>,
      %broadcast_in_dim3A_27 = arith.constant 0.000000e+00 : f32
      %broadcast_in_dim3A_28 = vector.broadcast %broadcast_in_dim3A_27 : f32 to vector<16xf32>
      %swap3A_29 = arith.index_cast %scan3A_14 : i32 to index
      %swap3A_30 = arith.constant 32 : index
      %swap3A_31 = tpu.vector_load %arg6[%swap3A_29, %swap3A_30] {strides = array<i32>} : memref<128x64xf32, #tpu.memory_space<vmem>>, vector<1x16xf32>,
      %swap3A_32 = vector.shape_cast %swap3A_31 : vector<1x16xf32> to vector<16xf32>
      %swap3A_33 = vector.shape_cast %broadcast_in_dim3A_28 : vector<16xf32> to vector<1x16xf32>
      tpu.vector_store %arg6[%swap3A_29, %swap3A_30], %swap3A_33 {strides = array<i32>} : memref<128x64xf32, #tpu.memory_space<vmem>>, vector<1x16xf32>,
      %broadcast_in_dim3A_34 = arith.constant 0.000000e+00 : f32
      %broadcast_in_dim3A_35 = vector.broadcast %broadcast_in_dim3A_34 : f32 to vector<16xf32>
      %swap3A_36 = arith.index_cast %scan3A_14 : i32 to index
      %swap3A_37 = arith.constant 48 : index
      %swap3A_38 = tpu.vector_load %arg6[%swap3A_36, %swap3A_37] {strides = array<i32>} : memref<128x64xf32, #tpu.memory_space<vmem>>, vector<1x16xf32>,
      %swap3A_39 = vector.shape_cast %swap3A_38 : vector<1x16xf32> to vector<16xf32>
      %swap3A_40 = vector.shape_cast %broadcast_in_dim3A_35 : vector<16xf32> to vector<1x16xf32>
      tpu.vector_store %arg6[%swap3A_36, %swap3A_37], %swap3A_40 {strides = array<i32>} : memref<128x64xf32, #tpu.memory_space<vmem>>, vector<1x16xf32>,
    }
    %scan3A_4 = arith.constant 128 : i32
    %mul3A = arith.constant 640 : i32
    %mul3A_5 = arith.muli %arg1, %mul3A : i32
    %mul3A_6 = arith.constant 20224 : i32
    %mul3A_7 = arith.muli %arg1, %mul3A_6 : i32
    %scan3A_8 = arith.constant 0 : i32
    %scan3A_9 = arith.constant 0 : i32
    %scan3A_10 = arith.constant 2 : i32
    %scan3A_11 = arith.addi %scan3A_9, %scan3A_10 : i32
    %scan3A_12 = arith.constant 1 : i32
    scf.for %scan3A_14 = %scan3A_9 to %scan3A_11 step %scan3A_12  : i32 {
      %add3A = arith.constant 0 : i32
      %add3A_15 = arith.addi %mul3A_5, %add3A : i32
      "tpu.region"() ({
        %run_scoped3A = tpu.sem_alloc : memref<!tpu.dma_semaphore, #tpu.memory_space<semaphore_mem>>
        %dma_start3A_431 = arith.constant 0 : i32
        %dma_start3A_432 = tpu.memref_slice %arg13[%add3A_15, %dma_start3A_431] : memref<10240x64xf32, #tpu.memory_space<vmem_shared>> -> memref<128x64xf32, #tpu.memory_space<vmem_shared>>
        %dma_start3A_433 = arith.constant 0 : i32
        %dma_start3A_434 = tpu.memref_slice %arg13[%add3A_15, %dma_start3A_433] : memref<10240x64xf32, #tpu.memory_space<vmem_shared>> -> memref<128x64xf32, #tpu.memory_space<vmem_shared>>
        tpu.enqueue_dma source(%arg6 : memref<128x64xf32, #tpu.memory_space<vmem>>) target(%dma_start3A_434 : memref<128x64xf32, #tpu.memory_space<vmem_shared>>) target_semaphore(%run_scoped3A : memref<!tpu.dma_semaphore, #tpu.memory_space<semaphore_mem>>)
        %dma_wait3A_435 = arith.constant 0 : i32
        %dma_wait3A_436 = tpu.memref_slice %arg13[%add3A_15, %dma_wait3A_435] : memref<10240x64xf32, #tpu.memory_space<vmem_shared>> -> memref<128x64xf32, #tpu.memory_space<vmem_shared>>
        %dma_wait3A_437 = arith.constant 0 : i32
        %dma_wait3A_438 = tpu.memref_slice %arg13[%add3A_15, %dma_wait3A_437] : memref<10240x64xf32, #tpu.memory_space<vmem_shared>> -> memref<128x64xf32, #tpu.memory_space<vmem_shared>>
        tpu.wait_dma2 semaphore(%run_scoped3A : memref<!tpu.dma_semaphore, #tpu.memory_space<semaphore_mem>>) src(%arg6 : memref<128x64xf32, #tpu.memory_space<vmem>>) dst(%dma_wait3A_438 : memref<128x64xf32, #tpu.memory_space<vmem_shared>>)
        tpu.yield
      }) : () -> ()
      %add3A_16 = arith.constant 128 : i32
      %add3A_17 = arith.addi %mul3A_5, %add3A_16 : i32
      "tpu.region"() ({
        %run_scoped3A = tpu.sem_alloc : memref<!tpu.dma_semaphore, #tpu.memory_space<semaphore_mem>>
        %dma_start3A_431 = arith.constant 0 : i32
        %dma_start3A_432 = tpu.memref_slice %arg13[%add3A_17, %dma_start3A_431] : memref<10240x64xf32, #tpu.memory_space<vmem_shared>> -> memref<128x64xf32, #tpu.memory_space<vmem_shared>>
        %dma_start3A_433 = arith.constant 0 : i32
        %dma_start3A_434 = tpu.memref_slice %arg13[%add3A_17, %dma_start3A_433] : memref<10240x64xf32, #tpu.memory_space<vmem_shared>> -> memref<128x64xf32, #tpu.memory_space<vmem_shared>>
        tpu.enqueue_dma source(%arg6 : memref<128x64xf32, #tpu.memory_space<vmem>>) target(%dma_start3A_434 : memref<128x64xf32, #tpu.memory_space<vmem_shared>>) target_semaphore(%run_scoped3A : memref<!tpu.dma_semaphore, #tpu.memory_space<semaphore_mem>>)
        %dma_wait3A_435 = arith.constant 0 : i32
        %dma_wait3A_436 = tpu.memref_slice %arg13[%add3A_17, %dma_wait3A_435] : memref<10240x64xf32, #tpu.memory_space<vmem_shared>> -> memref<128x64xf32, #tpu.memory_space<vmem_shared>>
        %dma_wait3A_437 = arith.constant 0 : i32
        %dma_wait3A_438 = tpu.memref_slice %arg13[%add3A_17, %dma_wait3A_437] : memref<10240x64xf32, #tpu.memory_space<vmem_shared>> -> memref<128x64xf32, #tpu.memory_space<vmem_shared>>
        tpu.wait_dma2 semaphore(%run_scoped3A : memref<!tpu.dma_semaphore, #tpu.memory_space<semaphore_mem>>) src(%arg6 : memref<128x64xf32, #tpu.memory_space<vmem>>) dst(%dma_wait3A_438 : memref<128x64xf32, #tpu.memory_space<vmem_shared>>)
        tpu.yield
      }) : () -> ()
      %add3A_18 = arith.constant 256 : i32
      %add3A_19 = arith.addi %mul3A_5, %add3A_18 : i32
      "tpu.region"() ({
        %run_scoped3A = tpu.sem_alloc : memref<!tpu.dma_semaphore, #tpu.memory_space<semaphore_mem>>
        %dma_start3A_431 = arith.constant 0 : i32
        %dma_start3A_432 = tpu.memref_slice %arg13[%add3A_19, %dma_start3A_431] : memref<10240x64xf32, #tpu.memory_space<vmem_shared>> -> memref<128x64xf32, #tpu.memory_space<vmem_shared>>
        %dma_start3A_433 = arith.constant 0 : i32
        %dma_start3A_434 = tpu.memref_slice %arg13[%add3A_19, %dma_start3A_433] : memref<10240x64xf32, #tpu.memory_space<vmem_shared>> -> memref<128x64xf32, #tpu.memory_space<vmem_shared>>
        tpu.enqueue_dma source(%arg6 : memref<128x64xf32, #tpu.memory_space<vmem>>) target(%dma_start3A_434 : memref<128x64xf32, #tpu.memory_space<vmem_shared>>) target_semaphore(%run_scoped3A : memref<!tpu.dma_semaphore, #tpu.memory_space<semaphore_mem>>)
        %dma_wait3A_435 = arith.constant 0 : i32
        %dma_wait3A_436 = tpu.memref_slice %arg13[%add3A_19, %dma_wait3A_435] : memref<10240x64xf32, #tpu.memory_space<vmem_shared>> -> memref<128x64xf32, #tpu.memory_space<vmem_shared>>
        %dma_wait3A_437 = arith.constant 0 : i32
        %dma_wait3A_438 = tpu.memref_slice %arg13[%add3A_19, %dma_wait3A_437] : memref<10240x64xf32, #tpu.memory_space<vmem_shared>> -> memref<128x64xf32, #tpu.memory_space<vmem_shared>>
        tpu.wait_dma2 semaphore(%run_scoped3A : memref<!tpu.dma_semaphore, #tpu.memory_space<semaphore_mem>>) src(%arg6 : memref<128x64xf32, #tpu.memory_space<vmem>>) dst(%dma_wait3A_438 : memref<128x64xf32, #tpu.memory_space<vmem_shared>>)
        tpu.yield
      }) : () -> ()
      %add3A_20 = arith.constant 384 : i32
      %add3A_21 = arith.addi %mul3A_5, %add3A_20 : i32
      "tpu.region"() ({
        %run_scoped3A = tpu.sem_alloc : memref<!tpu.dma_semaphore, #tpu.memory_space<semaphore_mem>>
        %dma_start3A_431 = arith.constant 0 : i32
        %dma_start3A_432 = tpu.memref_slice %arg13[%add3A_21, %dma_start3A_431] : memref<10240x64xf32, #tpu.memory_space<vmem_shared>> -> memref<128x64xf32, #tpu.memory_space<vmem_shared>>
        %dma_start3A_433 = arith.constant 0 : i32
        %dma_start3A_434 = tpu.memref_slice %arg13[%add3A_21, %dma_start3A_433] : memref<10240x64xf32, #tpu.memory_space<vmem_shared>> -> memref<128x64xf32, #tpu.memory_space<vmem_shared>>
        tpu.enqueue_dma source(%arg6 : memref<128x64xf32, #tpu.memory_space<vmem>>) target(%dma_start3A_434 : memref<128x64xf32, #tpu.memory_space<vmem_shared>>) target_semaphore(%run_scoped3A : memref<!tpu.dma_semaphore, #tpu.memory_space<semaphore_mem>>)
        %dma_wait3A_435 = arith.constant 0 : i32
        %dma_wait3A_436 = tpu.memref_slice %arg13[%add3A_21, %dma_wait3A_435] : memref<10240x64xf32, #tpu.memory_space<vmem_shared>> -> memref<128x64xf32, #tpu.memory_space<vmem_shared>>
        %dma_wait3A_437 = arith.constant 0 : i32
        %dma_wait3A_438 = tpu.memref_slice %arg13[%add3A_21, %dma_wait3A_437] : memref<10240x64xf32, #tpu.memory_space<vmem_shared>> -> memref<128x64xf32, #tpu.memory_space<vmem_shared>>
        tpu.wait_dma2 semaphore(%run_scoped3A : memref<!tpu.dma_semaphore, #tpu.memory_space<semaphore_mem>>) src(%arg6 : memref<128x64xf32, #tpu.memory_space<vmem>>) dst(%dma_wait3A_438 : memref<128x64xf32, #tpu.memory_space<vmem_shared>>)
        tpu.yield
      }) : () -> ()
      %add3A_22 = arith.constant 512 : i32
      %add3A_23 = arith.addi %mul3A_5, %add3A_22 : i32
      "tpu.region"() ({
        %run_scoped3A = tpu.sem_alloc : memref<!tpu.dma_semaphore, #tpu.memory_space<semaphore_mem>>
        %dma_start3A_431 = arith.constant 0 : i32
        %dma_start3A_432 = tpu.memref_slice %arg13[%add3A_23, %dma_start3A_431] : memref<10240x64xf32, #tpu.memory_space<vmem_shared>> -> memref<128x64xf32, #tpu.memory_space<vmem_shared>>
        %dma_start3A_433 = arith.constant 0 : i32
        %dma_start3A_434 = tpu.memref_slice %arg13[%add3A_23, %dma_start3A_433] : memref<10240x64xf32, #tpu.memory_space<vmem_shared>> -> memref<128x64xf32, #tpu.memory_space<vmem_shared>>
        tpu.enqueue_dma source(%arg6 : memref<128x64xf32, #tpu.memory_space<vmem>>) target(%dma_start3A_434 : memref<128x64xf32, #tpu.memory_space<vmem_shared>>) target_semaphore(%run_scoped3A : memref<!tpu.dma_semaphore, #tpu.memory_space<semaphore_mem>>)
        %dma_wait3A_435 = arith.constant 0 : i32
        %dma_wait3A_436 = tpu.memref_slice %arg13[%add3A_23, %dma_wait3A_435] : memref<10240x64xf32, #tpu.memory_space<vmem_shared>> -> memref<128x64xf32, #tpu.memory_space<vmem_shared>>
        %dma_wait3A_437 = arith.constant 0 : i32
        %dma_wait3A_438 = tpu.memref_slice %arg13[%add3A_23, %dma_wait3A_437] : memref<10240x64xf32, #tpu.memory_space<vmem_shared>> -> memref<128x64xf32, #tpu.memory_space<vmem_shared>>
        tpu.wait_dma2 semaphore(%run_scoped3A : memref<!tpu.dma_semaphore, #tpu.memory_space<semaphore_mem>>) src(%arg6 : memref<128x64xf32, #tpu.memory_space<vmem>>) dst(%dma_wait3A_438 : memref<128x64xf32, #tpu.memory_space<vmem_shared>>)
        tpu.yield
      }) : () -> ()
      %mul3A_24 = arith.constant 10240 : i32
      %mul3A_25 = arith.muli %scan3A_14, %mul3A_24 : i32
      %add3A_26 = arith.addi %mul3A_25, %mul3A_5 : i32
      "tpu.region"() ({
        %run_scoped3A = tpu.sem_alloc : memref<!tpu.dma_semaphore, #tpu.memory_space<semaphore_mem>>
        %dma_start3A_431 = arith.constant 0 : i32
        %dma_start3A_432 = tpu.memref_slice %arg14[%mul3A_5, %dma_start3A_431] : memref<10240x64xf32, #tpu.memory_space<vmem_shared>> -> memref<640x64xf32, #tpu.memory_space<vmem_shared>>
        %dma_start3A_433 = arith.constant 0 : i32
        %dma_start3A_434 = tpu.memref_slice %arg2[%add3A_26, %dma_start3A_433] : memref<20480x64xf32, #tpu.memory_space<hbm>> -> memref<640x64xf32, #tpu.memory_space<hbm>>
        tpu.enqueue_dma source(%dma_start3A_434 : memref<640x64xf32, #tpu.memory_space<hbm>>) target(%dma_start3A_432 : memref<640x64xf32, #tpu.memory_space<vmem_shared>>) target_semaphore(%run_scoped3A : memref<!tpu.dma_semaphore, #tpu.memory_space<semaphore_mem>>)
        %dma_wait3A_435 = arith.constant 0 : i32
        %dma_wait3A_436 = tpu.memref_slice %arg14[%mul3A_5, %dma_wait3A_435] : memref<10240x64xf32, #tpu.memory_space<vmem_shared>> -> memref<640x64xf32, #tpu.memory_space<vmem_shared>>
        %dma_wait3A_437 = arith.constant 0 : i32
        %dma_wait3A_438 = tpu.memref_slice %arg2[%add3A_26, %dma_wait3A_437] : memref<20480x64xf32, #tpu.memory_space<hbm>> -> memref<640x64xf32, #tpu.memory_space<hbm>>
        tpu.wait_dma2 semaphore(%run_scoped3A : memref<!tpu.dma_semaphore, #tpu.memory_space<semaphore_mem>>) src(%dma_wait3A_438 : memref<640x64xf32, #tpu.memory_space<hbm>>) dst(%dma_wait3A_436 : memref<640x64xf32, #tpu.memory_space<vmem_shared>>)
        tpu.yield
      }) : () -> ()
      %barrier3A = arith.constant 0 : index
      tpu.barrier barrier_id(%barrier3A)
      %add3A_27 = arith.constant 0 : i32
      %add3A_28 = arith.addi %mul3A_7, %add3A_27 : i32
      %dma_start3A = tpu.memref_slice %arg3[%add3A_28] : memref<323584xi32, #tpu.memory_space<hbm>> -> memref<256xi32, #tpu.memory_space<hbm>>
      %dma_start3A_29 = tpu.memref_slice %arg3[%add3A_28] : memref<323584xi32, #tpu.memory_space<hbm>> -> memref<256xi32, #tpu.memory_space<hbm>>
      tpu.enqueue_dma source(%dma_start3A_29 : memref<256xi32, #tpu.memory_space<hbm>>) target(%arg5 : memref<256xi32, #tpu.memory_space<vmem>>) target_semaphore(%arg15 : memref<!tpu.dma_semaphore, #tpu.memory_space<semaphore_mem>>)
      %dma_wait3A = arith.constant 0 : i32
      %dma_wait3A_30 = tpu.memref_slice %arg3[%dma_wait3A] : memref<323584xi32, #tpu.memory_space<hbm>> -> memref<256xi32, #tpu.memory_space<hbm>>
      %dma_wait3A_31 = arith.constant 0 : i32
      %dma_wait3A_32 = tpu.memref_slice %arg3[%dma_wait3A_31] : memref<323584xi32, #tpu.memory_space<hbm>> -> memref<256xi32, #tpu.memory_space<hbm>>
      tpu.wait_dma2 semaphore(%arg15 : memref<!tpu.dma_semaphore, #tpu.memory_space<semaphore_mem>>) src(%dma_wait3A_32 : memref<256xi32, #tpu.memory_space<hbm>>) dst(%arg5 : memref<256xi32, #tpu.memory_space<vmem>>)
      %get3A = arith.constant 0 : index
      %get3A_33 = tpu.vector_load %arg5[%get3A] {strides = array<i32>} : memref<256xi32, #tpu.memory_space<vmem>>, vector<16xi32>,
      %get3A_34 = vector.shape_cast %get3A_33 : vector<16xi32> to vector<16xi32>
      %and3A = arith.constant 16383 : i32
      %and3A_35 = vector.broadcast %and3A : i32 to vector<16xi32>
      %and3A_36 = arith.andi %get3A_34, %and3A_35 : vector<16xi32>
      %shift_right_logical3A = arith.constant 14 : i32
      %shift_right_logical3A_37 = vector.broadcast %shift_right_logical3A : i32 to vector<16xi32>
      %shift_right_logical3A_38 = arith.shrui %get3A_34, %shift_right_logical3A_37 : vector<16xi32>
      %eq3A = arith.constant 0 : i32
      %eq3A_39 = arith.cmpi eq, %arg0, %eq3A : i32
      %select_n3A = arith.select %eq3A_39, %and3A_36, %shift_right_logical3A_38 : vector<16xi32>
      %swap3A = arith.constant 0 : index
      %swap3A_40 = tpu.vector_load %arg7[%swap3A] {strides = array<i32>} : memref<128xi32, #tpu.memory_space<vmem>>, vector<16xi32>,
      %swap3A_41 = vector.shape_cast %swap3A_40 : vector<16xi32> to vector<16xi32>
      %swap3A_42 = vector.shape_cast %select_n3A : vector<16xi32> to vector<16xi32>
      tpu.vector_store %arg7[%swap3A], %swap3A_42 {strides = array<i32>} : memref<128xi32, #tpu.memory_space<vmem>>, vector<16xi32>,
      %eq3A_43 = arith.constant 0 : i32
      %eq3A_44 = arith.cmpi eq, %arg0, %eq3A_43 : i32
      %select_n3A_45 = arith.select %eq3A_44, %shift_right_logical3A_38, %and3A_36 : vector<16xi32>
      %swap3A_46 = arith.constant 0 : index
      %swap3A_47 = tpu.vector_load %arg9[%swap3A_46] {strides = array<i32>} : memref<128xi32, #tpu.memory_space<vmem>>, vector<16xi32>,
      %swap3A_48 = vector.shape_cast %swap3A_47 : vector<16xi32> to vector<16xi32>
      %swap3A_49 = vector.shape_cast %select_n3A_45 : vector<16xi32> to vector<16xi32>
      tpu.vector_store %arg9[%swap3A_46], %swap3A_49 {strides = array<i32>} : memref<128xi32, #tpu.memory_space<vmem>>, vector<16xi32>,
      %get3A_50 = arith.constant 16 : index
      %get3A_51 = tpu.vector_load %arg5[%get3A_50] {strides = array<i32>} : memref<256xi32, #tpu.memory_space<vmem>>, vector<16xi32>,
      %get3A_52 = vector.shape_cast %get3A_51 : vector<16xi32> to vector<16xi32>
      %and3A_53 = arith.constant 16383 : i32
      %and3A_54 = vector.broadcast %and3A_53 : i32 to vector<16xi32>
      %and3A_55 = arith.andi %get3A_52, %and3A_54 : vector<16xi32>
      %shift_right_logical3A_56 = arith.constant 14 : i32
      %shift_right_logical3A_57 = vector.broadcast %shift_right_logical3A_56 : i32 to vector<16xi32>
      %shift_right_logical3A_58 = arith.shrui %get3A_52, %shift_right_logical3A_57 : vector<16xi32>
      %eq3A_59 = arith.constant 0 : i32
      %eq3A_60 = arith.cmpi eq, %arg0, %eq3A_59 : i32
      %select_n3A_61 = arith.select %eq3A_60, %and3A_55, %shift_right_logical3A_58 : vector<16xi32>
      %swap3A_62 = arith.constant 16 : index
      %swap3A_63 = tpu.vector_load %arg7[%swap3A_62] {strides = array<i32>} : memref<128xi32, #tpu.memory_space<vmem>>, vector<16xi32>,
      %swap3A_64 = vector.shape_cast %swap3A_63 : vector<16xi32> to vector<16xi32>
      %swap3A_65 = vector.shape_cast %select_n3A_61 : vector<16xi32> to vector<16xi32>
      tpu.vector_store %arg7[%swap3A_62], %swap3A_65 {strides = array<i32>} : memref<128xi32, #tpu.memory_space<vmem>>, vector<16xi32>,
      %eq3A_66 = arith.constant 0 : i32
      %eq3A_67 = arith.cmpi eq, %arg0, %eq3A_66 : i32
      %select_n3A_68 = arith.select %eq3A_67, %shift_right_logical3A_58, %and3A_55 : vector<16xi32>
      %swap3A_69 = arith.constant 16 : index
      %swap3A_70 = tpu.vector_load %arg9[%swap3A_69] {strides = array<i32>} : memref<128xi32, #tpu.memory_space<vmem>>, vector<16xi32>,
      %swap3A_71 = vector.shape_cast %swap3A_70 : vector<16xi32> to vector<16xi32>
      %swap3A_72 = vector.shape_cast %select_n3A_68 : vector<16xi32> to vector<16xi32>
      tpu.vector_store %arg9[%swap3A_69], %swap3A_72 {strides = array<i32>} : memref<128xi32, #tpu.memory_space<vmem>>, vector<16xi32>,
      %get3A_73 = arith.constant 32 : index
      %get3A_74 = tpu.vector_load %arg5[%get3A_73] {strides = array<i32>} : memref<256xi32, #tpu.memory_space<vmem>>, vector<16xi32>,
      %get3A_75 = vector.shape_cast %get3A_74 : vector<16xi32> to vector<16xi32>
      %and3A_76 = arith.constant 16383 : i32
      %and3A_77 = vector.broadcast %and3A_76 : i32 to vector<16xi32>
      %and3A_78 = arith.andi %get3A_75, %and3A_77 : vector<16xi32>
      %shift_right_logical3A_79 = arith.constant 14 : i32
      %shift_right_logical3A_80 = vector.broadcast %shift_right_logical3A_79 : i32 to vector<16xi32>
      %shift_right_logical3A_81 = arith.shrui %get3A_75, %shift_right_logical3A_80 : vector<16xi32>
      %eq3A_82 = arith.constant 0 : i32
      %eq3A_83 = arith.cmpi eq, %arg0, %eq3A_82 : i32
      %select_n3A_84 = arith.select %eq3A_83, %and3A_78, %shift_right_logical3A_81 : vector<16xi32>
      %swap3A_85 = arith.constant 32 : index
      %swap3A_86 = tpu.vector_load %arg7[%swap3A_85] {strides = array<i32>} : memref<128xi32, #tpu.memory_space<vmem>>, vector<16xi32>,
      %swap3A_87 = vector.shape_cast %swap3A_86 : vector<16xi32> to vector<16xi32>
      %swap3A_88 = vector.shape_cast %select_n3A_84 : vector<16xi32> to vector<16xi32>
      tpu.vector_store %arg7[%swap3A_85], %swap3A_88 {strides = array<i32>} : memref<128xi32, #tpu.memory_space<vmem>>, vector<16xi32>,
      %eq3A_89 = arith.constant 0 : i32
      %eq3A_90 = arith.cmpi eq, %arg0, %eq3A_89 : i32
      %select_n3A_91 = arith.select %eq3A_90, %shift_right_logical3A_81, %and3A_78 : vector<16xi32>
      %swap3A_92 = arith.constant 32 : index
      %swap3A_93 = tpu.vector_load %arg9[%swap3A_92] {strides = array<i32>} : memref<128xi32, #tpu.memory_space<vmem>>, vector<16xi32>,
      %swap3A_94 = vector.shape_cast %swap3A_93 : vector<16xi32> to vector<16xi32>
      %swap3A_95 = vector.shape_cast %select_n3A_91 : vector<16xi32> to vector<16xi32>
      tpu.vector_store %arg9[%swap3A_92], %swap3A_95 {strides = array<i32>} : memref<128xi32, #tpu.memory_space<vmem>>, vector<16xi32>,
      %get3A_96 = arith.constant 48 : index
      %get3A_97 = tpu.vector_load %arg5[%get3A_96] {strides = array<i32>} : memref<256xi32, #tpu.memory_space<vmem>>, vector<16xi32>,
      %get3A_98 = vector.shape_cast %get3A_97 : vector<16xi32> to vector<16xi32>
      %and3A_99 = arith.constant 16383 : i32
      %and3A_100 = vector.broadcast %and3A_99 : i32 to vector<16xi32>
      %and3A_101 = arith.andi %get3A_98, %and3A_100 : vector<16xi32>
      %shift_right_logical3A_102 = arith.constant 14 : i32
      %shift_right_logical3A_103 = vector.broadcast %shift_right_logical3A_102 : i32 to vector<16xi32>
      %shift_right_logical3A_104 = arith.shrui %get3A_98, %shift_right_logical3A_103 : vector<16xi32>
      %eq3A_105 = arith.constant 0 : i32
      %eq3A_106 = arith.cmpi eq, %arg0, %eq3A_105 : i32
      %select_n3A_107 = arith.select %eq3A_106, %and3A_101, %shift_right_logical3A_104 : vector<16xi32>
      %swap3A_108 = arith.constant 48 : index
      %swap3A_109 = tpu.vector_load %arg7[%swap3A_108] {strides = array<i32>} : memref<128xi32, #tpu.memory_space<vmem>>, vector<16xi32>,
      %swap3A_110 = vector.shape_cast %swap3A_109 : vector<16xi32> to vector<16xi32>
      %swap3A_111 = vector.shape_cast %select_n3A_107 : vector<16xi32> to vector<16xi32>
      tpu.vector_store %arg7[%swap3A_108], %swap3A_111 {strides = array<i32>} : memref<128xi32, #tpu.memory_space<vmem>>, vector<16xi32>,
      %eq3A_112 = arith.constant 0 : i32
      %eq3A_113 = arith.cmpi eq, %arg0, %eq3A_112 : i32
      %select_n3A_114 = arith.select %eq3A_113, %shift_right_logical3A_104, %and3A_101 : vector<16xi32>
      %swap3A_115 = arith.constant 48 : index
      %swap3A_116 = tpu.vector_load %arg9[%swap3A_115] {strides = array<i32>} : memref<128xi32, #tpu.memory_space<vmem>>, vector<16xi32>,
      %swap3A_117 = vector.shape_cast %swap3A_116 : vector<16xi32> to vector<16xi32>
      %swap3A_118 = vector.shape_cast %select_n3A_114 : vector<16xi32> to vector<16xi32>
      tpu.vector_store %arg9[%swap3A_115], %swap3A_118 {strides = array<i32>} : memref<128xi32, #tpu.memory_space<vmem>>, vector<16xi32>,
      %get3A_119 = arith.constant 64 : index
      %get3A_120 = tpu.vector_load %arg5[%get3A_119] {strides = array<i32>} : memref<256xi32, #tpu.memory_space<vmem>>, vector<16xi32>,
      %get3A_121 = vector.shape_cast %get3A_120 : vector<16xi32> to vector<16xi32>
      %and3A_122 = arith.constant 16383 : i32
      %and3A_123 = vector.broadcast %and3A_122 : i32 to vector<16xi32>
      %and3A_124 = arith.andi %get3A_121, %and3A_123 : vector<16xi32>
      %shift_right_logical3A_125 = arith.constant 14 : i32
      %shift_right_logical3A_126 = vector.broadcast %shift_right_logical3A_125 : i32 to vector<16xi32>
      %shift_right_logical3A_127 = arith.shrui %get3A_121, %shift_right_logical3A_126 : vector<16xi32>
      %eq3A_128 = arith.constant 0 : i32
      %eq3A_129 = arith.cmpi eq, %arg0, %eq3A_128 : i32
      %select_n3A_130 = arith.select %eq3A_129, %and3A_124, %shift_right_logical3A_127 : vector<16xi32>
      %swap3A_131 = arith.constant 64 : index
      %swap3A_132 = tpu.vector_load %arg7[%swap3A_131] {strides = array<i32>} : memref<128xi32, #tpu.memory_space<vmem>>, vector<16xi32>,
      %swap3A_133 = vector.shape_cast %swap3A_132 : vector<16xi32> to vector<16xi32>
      %swap3A_134 = vector.shape_cast %select_n3A_130 : vector<16xi32> to vector<16xi32>
      tpu.vector_store %arg7[%swap3A_131], %swap3A_134 {strides = array<i32>} : memref<128xi32, #tpu.memory_space<vmem>>, vector<16xi32>,
      %eq3A_135 = arith.constant 0 : i32
      %eq3A_136 = arith.cmpi eq, %arg0, %eq3A_135 : i32
      %select_n3A_137 = arith.select %eq3A_136, %shift_right_logical3A_127, %and3A_124 : vector<16xi32>
      %swap3A_138 = arith.constant 64 : index
      %swap3A_139 = tpu.vector_load %arg9[%swap3A_138] {strides = array<i32>} : memref<128xi32, #tpu.memory_space<vmem>>, vector<16xi32>,
      %swap3A_140 = vector.shape_cast %swap3A_139 : vector<16xi32> to vector<16xi32>
      %swap3A_141 = vector.shape_cast %select_n3A_137 : vector<16xi32> to vector<16xi32>
      tpu.vector_store %arg9[%swap3A_138], %swap3A_141 {strides = array<i32>} : memref<128xi32, #tpu.memory_space<vmem>>, vector<16xi32>,
      %get3A_142 = arith.constant 80 : index
      %get3A_143 = tpu.vector_load %arg5[%get3A_142] {strides = array<i32>} : memref<256xi32, #tpu.memory_space<vmem>>, vector<16xi32>,
      %get3A_144 = vector.shape_cast %get3A_143 : vector<16xi32> to vector<16xi32>
      %and3A_145 = arith.constant 16383 : i32
      %and3A_146 = vector.broadcast %and3A_145 : i32 to vector<16xi32>
      %and3A_147 = arith.andi %get3A_144, %and3A_146 : vector<16xi32>
      %shift_right_logical3A_148 = arith.constant 14 : i32
      %shift_right_logical3A_149 = vector.broadcast %shift_right_logical3A_148 : i32 to vector<16xi32>
      %shift_right_logical3A_150 = arith.shrui %get3A_144, %shift_right_logical3A_149 : vector<16xi32>
      %eq3A_151 = arith.constant 0 : i32
      %eq3A_152 = arith.cmpi eq, %arg0, %eq3A_151 : i32
      %select_n3A_153 = arith.select %eq3A_152, %and3A_147, %shift_right_logical3A_150 : vector<16xi32>
      %swap3A_154 = arith.constant 80 : index
      %swap3A_155 = tpu.vector_load %arg7[%swap3A_154] {strides = array<i32>} : memref<128xi32, #tpu.memory_space<vmem>>, vector<16xi32>,
      %swap3A_156 = vector.shape_cast %swap3A_155 : vector<16xi32> to vector<16xi32>
      %swap3A_157 = vector.shape_cast %select_n3A_153 : vector<16xi32> to vector<16xi32>
      tpu.vector_store %arg7[%swap3A_154], %swap3A_157 {strides = array<i32>} : memref<128xi32, #tpu.memory_space<vmem>>, vector<16xi32>,
      %eq3A_158 = arith.constant 0 : i32
      %eq3A_159 = arith.cmpi eq, %arg0, %eq3A_158 : i32
      %select_n3A_160 = arith.select %eq3A_159, %shift_right_logical3A_150, %and3A_147 : vector<16xi32>
      %swap3A_161 = arith.constant 80 : index
      %swap3A_162 = tpu.vector_load %arg9[%swap3A_161] {strides = array<i32>} : memref<128xi32, #tpu.memory_space<vmem>>, vector<16xi32>,
      %swap3A_163 = vector.shape_cast %swap3A_162 : vector<16xi32> to vector<16xi32>
      %swap3A_164 = vector.shape_cast %select_n3A_160 : vector<16xi32> to vector<16xi32>
      tpu.vector_store %arg9[%swap3A_161], %swap3A_164 {strides = array<i32>} : memref<128xi32, #tpu.memory_space<vmem>>, vector<16xi32>,
      %get3A_165 = arith.constant 96 : index
      %get3A_166 = tpu.vector_load %arg5[%get3A_165] {strides = array<i32>} : memref<256xi32, #tpu.memory_space<vmem>>, vector<16xi32>,
      %get3A_167 = vector.shape_cast %get3A_166 : vector<16xi32> to vector<16xi32>
      %and3A_168 = arith.constant 16383 : i32
      %and3A_169 = vector.broadcast %and3A_168 : i32 to vector<16xi32>
      %and3A_170 = arith.andi %get3A_167, %and3A_169 : vector<16xi32>
      %shift_right_logical3A_171 = arith.constant 14 : i32
      %shift_right_logical3A_172 = vector.broadcast %shift_right_logical3A_171 : i32 to vector<16xi32>
      %shift_right_logical3A_173 = arith.shrui %get3A_167, %shift_right_logical3A_172 : vector<16xi32>
      %eq3A_174 = arith.constant 0 : i32
      %eq3A_175 = arith.cmpi eq, %arg0, %eq3A_174 : i32
      %select_n3A_176 = arith.select %eq3A_175, %and3A_170, %shift_right_logical3A_173 : vector<16xi32>
      %swap3A_177 = arith.constant 96 : index
      %swap3A_178 = tpu.vector_load %arg7[%swap3A_177] {strides = array<i32>} : memref<128xi32, #tpu.memory_space<vmem>>, vector<16xi32>,
      %swap3A_179 = vector.shape_cast %swap3A_178 : vector<16xi32> to vector<16xi32>
      %swap3A_180 = vector.shape_cast %select_n3A_176 : vector<16xi32> to vector<16xi32>
      tpu.vector_store %arg7[%swap3A_177], %swap3A_180 {strides = array<i32>} : memref<128xi32, #tpu.memory_space<vmem>>, vector<16xi32>,
      %eq3A_181 = arith.constant 0 : i32
      %eq3A_182 = arith.cmpi eq, %arg0, %eq3A_181 : i32
      %select_n3A_183 = arith.select %eq3A_182, %shift_right_logical3A_173, %and3A_170 : vector<16xi32>
      %swap3A_184 = arith.constant 96 : index
      %swap3A_185 = tpu.vector_load %arg9[%swap3A_184] {strides = array<i32>} : memref<128xi32, #tpu.memory_space<vmem>>, vector<16xi32>,
      %swap3A_186 = vector.shape_cast %swap3A_185 : vector<16xi32> to vector<16xi32>
      %swap3A_187 = vector.shape_cast %select_n3A_183 : vector<16xi32> to vector<16xi32>
      tpu.vector_store %arg9[%swap3A_184], %swap3A_187 {strides = array<i32>} : memref<128xi32, #tpu.memory_space<vmem>>, vector<16xi32>,
      %get3A_188 = arith.constant 112 : index
      %get3A_189 = tpu.vector_load %arg5[%get3A_188] {strides = array<i32>} : memref<256xi32, #tpu.memory_space<vmem>>, vector<16xi32>,
      %get3A_190 = vector.shape_cast %get3A_189 : vector<16xi32> to vector<16xi32>
      %and3A_191 = arith.constant 16383 : i32
      %and3A_192 = vector.broadcast %and3A_191 : i32 to vector<16xi32>
      %and3A_193 = arith.andi %get3A_190, %and3A_192 : vector<16xi32>
      %shift_right_logical3A_194 = arith.constant 14 : i32
      %shift_right_logical3A_195 = vector.broadcast %shift_right_logical3A_194 : i32 to vector<16xi32>
      %shift_right_logical3A_196 = arith.shrui %get3A_190, %shift_right_logical3A_195 : vector<16xi32>
      %eq3A_197 = arith.constant 0 : i32
      %eq3A_198 = arith.cmpi eq, %arg0, %eq3A_197 : i32
      %select_n3A_199 = arith.select %eq3A_198, %and3A_193, %shift_right_logical3A_196 : vector<16xi32>
      %swap3A_200 = arith.constant 112 : index
      %swap3A_201 = tpu.vector_load %arg7[%swap3A_200] {strides = array<i32>} : memref<128xi32, #tpu.memory_space<vmem>>, vector<16xi32>,
      %swap3A_202 = vector.shape_cast %swap3A_201 : vector<16xi32> to vector<16xi32>
      %swap3A_203 = vector.shape_cast %select_n3A_199 : vector<16xi32> to vector<16xi32>
      tpu.vector_store %arg7[%swap3A_200], %swap3A_203 {strides = array<i32>} : memref<128xi32, #tpu.memory_space<vmem>>, vector<16xi32>,
      %eq3A_204 = arith.constant 0 : i32
      %eq3A_205 = arith.cmpi eq, %arg0, %eq3A_204 : i32
      %select_n3A_206 = arith.select %eq3A_205, %shift_right_logical3A_196, %and3A_193 : vector<16xi32>
      %swap3A_207 = arith.constant 112 : index
      %swap3A_208 = tpu.vector_load %arg9[%swap3A_207] {strides = array<i32>} : memref<128xi32, #tpu.memory_space<vmem>>, vector<16xi32>,
      %swap3A_209 = vector.shape_cast %swap3A_208 : vector<16xi32> to vector<16xi32>
      %swap3A_210 = vector.shape_cast %select_n3A_206 : vector<16xi32> to vector<16xi32>
      tpu.vector_store %arg9[%swap3A_207], %swap3A_210 {strides = array<i32>} : memref<128xi32, #tpu.memory_space<vmem>>, vector<16xi32>,
      %dma_start3A_211 = arith.constant 0 : i32
      %dma_start3A_212 = arith.constant 0 : i32
      %dma_start3A_213 = tpu.memref_slice %arg14[%dma_start3A_211, %dma_start3A_212] : memref<10240x64xf32, #tpu.memory_space<vmem_shared>> -> memref<10240x64xf32, #tpu.memory_space<vmem_shared>>
      tpu.enqueue_indirect_dma source(%dma_start3A_213 : memref<10240x64xf32, #tpu.memory_space<vmem_shared>>) target(%arg11 : memref<128x64xf32, #tpu.memory_space<vmem>>) offsets(%arg7 : memref<128xi32, #tpu.memory_space<vmem>>) semaphore(%arg16 : memref<!tpu.dma_semaphore, #tpu.memory_space<semaphore_mem>>)
      %get3A_214 = arith.constant 128 : index
      %get3A_215 = tpu.vector_load %arg5[%get3A_214] {strides = array<i32>} : memref<256xi32, #tpu.memory_space<vmem>>, vector<16xi32>,
      %get3A_216 = vector.shape_cast %get3A_215 : vector<16xi32> to vector<16xi32>
      %and3A_217 = arith.constant 16383 : i32
      %and3A_218 = vector.broadcast %and3A_217 : i32 to vector<16xi32>
      %and3A_219 = arith.andi %get3A_216, %and3A_218 : vector<16xi32>
      %shift_right_logical3A_220 = arith.constant 14 : i32
      %shift_right_logical3A_221 = vector.broadcast %shift_right_logical3A_220 : i32 to vector<16xi32>
      %shift_right_logical3A_222 = arith.shrui %get3A_216, %shift_right_logical3A_221 : vector<16xi32>
      %eq3A_223 = arith.constant 0 : i32
      %eq3A_224 = arith.cmpi eq, %arg0, %eq3A_223 : i32
      %select_n3A_225 = arith.select %eq3A_224, %and3A_219, %shift_right_logical3A_222 : vector<16xi32>
      %swap3A_226 = arith.constant 0 : index
      %swap3A_227 = tpu.vector_load %arg8[%swap3A_226] {strides = array<i32>} : memref<128xi32, #tpu.memory_space<vmem>>, vector<16xi32>,
      %swap3A_228 = vector.shape_cast %swap3A_227 : vector<16xi32> to vector<16xi32>
      %swap3A_229 = vector.shape_cast %select_n3A_225 : vector<16xi32> to vector<16xi32>
      tpu.vector_store %arg8[%swap3A_226], %swap3A_229 {strides = array<i32>} : memref<128xi32, #tpu.memory_space<vmem>>, vector<16xi32>,
      %eq3A_230 = arith.constant 0 : i32
      %eq3A_231 = arith.cmpi eq, %arg0, %eq3A_230 : i32
      %select_n3A_232 = arith.select %eq3A_231, %shift_right_logical3A_222, %and3A_219 : vector<16xi32>
      %swap3A_233 = arith.constant 0 : index
      %swap3A_234 = tpu.vector_load %arg10[%swap3A_233] {strides = array<i32>} : memref<128xi32, #tpu.memory_space<vmem>>, vector<16xi32>,
      %swap3A_235 = vector.shape_cast %swap3A_234 : vector<16xi32> to vector<16xi32>
      %swap3A_236 = vector.shape_cast %select_n3A_232 : vector<16xi32> to vector<16xi32>
      tpu.vector_store %arg10[%swap3A_233], %swap3A_236 {strides = array<i32>} : memref<128xi32, #tpu.memory_space<vmem>>, vector<16xi32>,
      %get3A_237 = arith.constant 144 : index
      %get3A_238 = tpu.vector_load %arg5[%get3A_237] {strides = array<i32>} : memref<256xi32, #tpu.memory_space<vmem>>, vector<16xi32>,
      %get3A_239 = vector.shape_cast %get3A_238 : vector<16xi32> to vector<16xi32>
      %and3A_240 = arith.constant 16383 : i32
      %and3A_241 = vector.broadcast %and3A_240 : i32 to vector<16xi32>
      %and3A_242 = arith.andi %get3A_239, %and3A_241 : vector<16xi32>
      %shift_right_logical3A_243 = arith.constant 14 : i32
      %shift_right_logical3A_244 = vector.broadcast %shift_right_logical3A_243 : i32 to vector<16xi32>
      %shift_right_logical3A_245 = arith.shrui %get3A_239, %shift_right_logical3A_244 : vector<16xi32>
      %eq3A_246 = arith.constant 0 : i32
      %eq3A_247 = arith.cmpi eq, %arg0, %eq3A_246 : i32
      %select_n3A_248 = arith.select %eq3A_247, %and3A_242, %shift_right_logical3A_245 : vector<16xi32>
      %swap3A_249 = arith.constant 16 : index
      %swap3A_250 = tpu.vector_load %arg8[%swap3A_249] {strides = array<i32>} : memref<128xi32, #tpu.memory_space<vmem>>, vector<16xi32>,
      %swap3A_251 = vector.shape_cast %swap3A_250 : vector<16xi32> to vector<16xi32>
      %swap3A_252 = vector.shape_cast %select_n3A_248 : vector<16xi32> to vector<16xi32>
      tpu.vector_store %arg8[%swap3A_249], %swap3A_252 {strides = array<i32>} : memref<128xi32, #tpu.memory_space<vmem>>, vector<16xi32>,
      %eq3A_253 = arith.constant 0 : i32
      %eq3A_254 = arith.cmpi eq, %arg0, %eq3A_253 : i32
      %select_n3A_255 = arith.select %eq3A_254, %shift_right_logical3A_245, %and3A_242 : vector<16xi32>
      %swap3A_256 = arith.constant 16 : index
      %swap3A_257 = tpu.vector_load %arg10[%swap3A_256] {strides = array<i32>} : memref<128xi32, #tpu.memory_space<vmem>>, vector<16xi32>,
      %swap3A_258 = vector.shape_cast %swap3A_257 : vector<16xi32> to vector<16xi32>
      %swap3A_259 = vector.shape_cast %select_n3A_255 : vector<16xi32> to vector<16xi32>
      tpu.vector_store %arg10[%swap3A_256], %swap3A_259 {strides = array<i32>} : memref<128xi32, #tpu.memory_space<vmem>>, vector<16xi32>,
      %get3A_260 = arith.constant 160 : index
      %get3A_261 = tpu.vector_load %arg5[%get3A_260] {strides = array<i32>} : memref<256xi32, #tpu.memory_space<vmem>>, vector<16xi32>,
      %get3A_262 = vector.shape_cast %get3A_261 : vector<16xi32> to vector<16xi32>
      %and3A_263 = arith.constant 16383 : i32
      %and3A_264 = vector.broadcast %and3A_263 : i32 to vector<16xi32>
      %and3A_265 = arith.andi %get3A_262, %and3A_264 : vector<16xi32>
      %shift_right_logical3A_266 = arith.constant 14 : i32
      %shift_right_logical3A_267 = vector.broadcast %shift_right_logical3A_266 : i32 to vector<16xi32>
      %shift_right_logical3A_268 = arith.shrui %get3A_262, %shift_right_logical3A_267 : vector<16xi32>
      %eq3A_269 = arith.constant 0 : i32
      %eq3A_270 = arith.cmpi eq, %arg0, %eq3A_269 : i32
      %select_n3A_271 = arith.select %eq3A_270, %and3A_265, %shift_right_logical3A_268 : vector<16xi32>
      %swap3A_272 = arith.constant 32 : index
      %swap3A_273 = tpu.vector_load %arg8[%swap3A_272] {strides = array<i32>} : memref<128xi32, #tpu.memory_space<vmem>>, vector<16xi32>,
      %swap3A_274 = vector.shape_cast %swap3A_273 : vector<16xi32> to vector<16xi32>
      %swap3A_275 = vector.shape_cast %select_n3A_271 : vector<16xi32> to vector<16xi32>
      tpu.vector_store %arg8[%swap3A_272], %swap3A_275 {strides = array<i32>} : memref<128xi32, #tpu.memory_space<vmem>>, vector<16xi32>,
      %eq3A_276 = arith.constant 0 : i32
      %eq3A_277 = arith.cmpi eq, %arg0, %eq3A_276 : i32
      %select_n3A_278 = arith.select %eq3A_277, %shift_right_logical3A_268, %and3A_265 : vector<16xi32>
      %swap3A_279 = arith.constant 32 : index
      %swap3A_280 = tpu.vector_load %arg10[%swap3A_279] {strides = array<i32>} : memref<128xi32, #tpu.memory_space<vmem>>, vector<16xi32>,
      %swap3A_281 = vector.shape_cast %swap3A_280 : vector<16xi32> to vector<16xi32>
      %swap3A_282 = vector.shape_cast %select_n3A_278 : vector<16xi32> to vector<16xi32>
      tpu.vector_store %arg10[%swap3A_279], %swap3A_282 {strides = array<i32>} : memref<128xi32, #tpu.memory_space<vmem>>, vector<16xi32>,
      %get3A_283 = arith.constant 176 : index
      %get3A_284 = tpu.vector_load %arg5[%get3A_283] {strides = array<i32>} : memref<256xi32, #tpu.memory_space<vmem>>, vector<16xi32>,
      %get3A_285 = vector.shape_cast %get3A_284 : vector<16xi32> to vector<16xi32>
      %and3A_286 = arith.constant 16383 : i32
      %and3A_287 = vector.broadcast %and3A_286 : i32 to vector<16xi32>
      %and3A_288 = arith.andi %get3A_285, %and3A_287 : vector<16xi32>
      %shift_right_logical3A_289 = arith.constant 14 : i32
      %shift_right_logical3A_290 = vector.broadcast %shift_right_logical3A_289 : i32 to vector<16xi32>
      %shift_right_logical3A_291 = arith.shrui %get3A_285, %shift_right_logical3A_290 : vector<16xi32>
      %eq3A_292 = arith.constant 0 : i32
      %eq3A_293 = arith.cmpi eq, %arg0, %eq3A_292 : i32
      %select_n3A_294 = arith.select %eq3A_293, %and3A_288, %shift_right_logical3A_291 : vector<16xi32>
      %swap3A_295 = arith.constant 48 : index
      %swap3A_296 = tpu.vector_load %arg8[%swap3A_295] {strides = array<i32>} : memref<128xi32, #tpu.memory_space<vmem>>, vector<16xi32>,
      %swap3A_297 = vector.shape_cast %swap3A_296 : vector<16xi32> to vector<16xi32>
      %swap3A_298 = vector.shape_cast %select_n3A_294 : vector<16xi32> to vector<16xi32>
      tpu.vector_store %arg8[%swap3A_295], %swap3A_298 {strides = array<i32>} : memref<128xi32, #tpu.memory_space<vmem>>, vector<16xi32>,
      %eq3A_299 = arith.constant 0 : i32
      %eq3A_300 = arith.cmpi eq, %arg0, %eq3A_299 : i32
      %select_n3A_301 = arith.select %eq3A_300, %shift_right_logical3A_291, %and3A_288 : vector<16xi32>
      %swap3A_302 = arith.constant 48 : index
      %swap3A_303 = tpu.vector_load %arg10[%swap3A_302] {strides = array<i32>} : memref<128xi32, #tpu.memory_space<vmem>>, vector<16xi32>,
      %swap3A_304 = vector.shape_cast %swap3A_303 : vector<16xi32> to vector<16xi32>
      %swap3A_305 = vector.shape_cast %select_n3A_301 : vector<16xi32> to vector<16xi32>
      tpu.vector_store %arg10[%swap3A_302], %swap3A_305 {strides = array<i32>} : memref<128xi32, #tpu.memory_space<vmem>>, vector<16xi32>,
      %get3A_306 = arith.constant 192 : index
      %get3A_307 = tpu.vector_load %arg5[%get3A_306] {strides = array<i32>} : memref<256xi32, #tpu.memory_space<vmem>>, vector<16xi32>,
      %get3A_308 = vector.shape_cast %get3A_307 : vector<16xi32> to vector<16xi32>
      %and3A_309 = arith.constant 16383 : i32
      %and3A_310 = vector.broadcast %and3A_309 : i32 to vector<16xi32>
      %and3A_311 = arith.andi %get3A_308, %and3A_310 : vector<16xi32>
      %shift_right_logical3A_312 = arith.constant 14 : i32
      %shift_right_logical3A_313 = vector.broadcast %shift_right_logical3A_312 : i32 to vector<16xi32>
      %shift_right_logical3A_314 = arith.shrui %get3A_308, %shift_right_logical3A_313 : vector<16xi32>
      %eq3A_315 = arith.constant 0 : i32
      %eq3A_316 = arith.cmpi eq, %arg0, %eq3A_315 : i32
      %select_n3A_317 = arith.select %eq3A_316, %and3A_311, %shift_right_logical3A_314 : vector<16xi32>
      %swap3A_318 = arith.constant 64 : index
      %swap3A_319 = tpu.vector_load %arg8[%swap3A_318] {strides = array<i32>} : memref<128xi32, #tpu.memory_space<vmem>>, vector<16xi32>,
      %swap3A_320 = vector.shape_cast %swap3A_319 : vector<16xi32> to vector<16xi32>
      %swap3A_321 = vector.shape_cast %select_n3A_317 : vector<16xi32> to vector<16xi32>
      tpu.vector_store %arg8[%swap3A_318], %swap3A_321 {strides = array<i32>} : memref<128xi32, #tpu.memory_space<vmem>>, vector<16xi32>,
      %eq3A_322 = arith.constant 0 : i32
      %eq3A_323 = arith.cmpi eq, %arg0, %eq3A_322 : i32
      %select_n3A_324 = arith.select %eq3A_323, %shift_right_logical3A_314, %and3A_311 : vector<16xi32>
      %swap3A_325 = arith.constant 64 : index
      %swap3A_326 = tpu.vector_load %arg10[%swap3A_325] {strides = array<i32>} : memref<128xi32, #tpu.memory_space<vmem>>, vector<16xi32>,
      %swap3A_327 = vector.shape_cast %swap3A_326 : vector<16xi32> to vector<16xi32>
      %swap3A_328 = vector.shape_cast %select_n3A_324 : vector<16xi32> to vector<16xi32>
      tpu.vector_store %arg10[%swap3A_325], %swap3A_328 {strides = array<i32>} : memref<128xi32, #tpu.memory_space<vmem>>, vector<16xi32>,
      %get3A_329 = arith.constant 208 : index
      %get3A_330 = tpu.vector_load %arg5[%get3A_329] {strides = array<i32>} : memref<256xi32, #tpu.memory_space<vmem>>, vector<16xi32>,
      %get3A_331 = vector.shape_cast %get3A_330 : vector<16xi32> to vector<16xi32>
      %and3A_332 = arith.constant 16383 : i32
      %and3A_333 = vector.broadcast %and3A_332 : i32 to vector<16xi32>
      %and3A_334 = arith.andi %get3A_331, %and3A_333 : vector<16xi32>
      %shift_right_logical3A_335 = arith.constant 14 : i32
      %shift_right_logical3A_336 = vector.broadcast %shift_right_logical3A_335 : i32 to vector<16xi32>
      %shift_right_logical3A_337 = arith.shrui %get3A_331, %shift_right_logical3A_336 : vector<16xi32>
      %eq3A_338 = arith.constant 0 : i32
      %eq3A_339 = arith.cmpi eq, %arg0, %eq3A_338 : i32
      %select_n3A_340 = arith.select %eq3A_339, %and3A_334, %shift_right_logical3A_337 : vector<16xi32>
      %swap3A_341 = arith.constant 80 : index
      %swap3A_342 = tpu.vector_load %arg8[%swap3A_341] {strides = array<i32>} : memref<128xi32, #tpu.memory_space<vmem>>, vector<16xi32>,
      %swap3A_343 = vector.shape_cast %swap3A_342 : vector<16xi32> to vector<16xi32>
      %swap3A_344 = vector.shape_cast %select_n3A_340 : vector<16xi32> to vector<16xi32>
      tpu.vector_store %arg8[%swap3A_341], %swap3A_344 {strides = array<i32>} : memref<128xi32, #tpu.memory_space<vmem>>, vector<16xi32>,
      %eq3A_345 = arith.constant 0 : i32
      %eq3A_346 = arith.cmpi eq, %arg0, %eq3A_345 : i32
      %select_n3A_347 = arith.select %eq3A_346, %shift_right_logical3A_337, %and3A_334 : vector<16xi32>
      %swap3A_348 = arith.constant 80 : index
      %swap3A_349 = tpu.vector_load %arg10[%swap3A_348] {strides = array<i32>} : memref<128xi32, #tpu.memory_space<vmem>>, vector<16xi32>,
      %swap3A_350 = vector.shape_cast %swap3A_349 : vector<16xi32> to vector<16xi32>
      %swap3A_351 = vector.shape_cast %select_n3A_347 : vector<16xi32> to vector<16xi32>
      tpu.vector_store %arg10[%swap3A_348], %swap3A_351 {strides = array<i32>} : memref<128xi32, #tpu.memory_space<vmem>>, vector<16xi32>,
      %get3A_352 = arith.constant 224 : index
      %get3A_353 = tpu.vector_load %arg5[%get3A_352] {strides = array<i32>} : memref<256xi32, #tpu.memory_space<vmem>>, vector<16xi32>,
      %get3A_354 = vector.shape_cast %get3A_353 : vector<16xi32> to vector<16xi32>
      %and3A_355 = arith.constant 16383 : i32
      %and3A_356 = vector.broadcast %and3A_355 : i32 to vector<16xi32>
      %and3A_357 = arith.andi %get3A_354, %and3A_356 : vector<16xi32>
      %shift_right_logical3A_358 = arith.constant 14 : i32
      %shift_right_logical3A_359 = vector.broadcast %shift_right_logical3A_358 : i32 to vector<16xi32>
      %shift_right_logical3A_360 = arith.shrui %get3A_354, %shift_right_logical3A_359 : vector<16xi32>
      %eq3A_361 = arith.constant 0 : i32
      %eq3A_362 = arith.cmpi eq, %arg0, %eq3A_361 : i32
      %select_n3A_363 = arith.select %eq3A_362, %and3A_357, %shift_right_logical3A_360 : vector<16xi32>
      %swap3A_364 = arith.constant 96 : index
      %swap3A_365 = tpu.vector_load %arg8[%swap3A_364] {strides = array<i32>} : memref<128xi32, #tpu.memory_space<vmem>>, vector<16xi32>,
      %swap3A_366 = vector.shape_cast %swap3A_365 : vector<16xi32> to vector<16xi32>
      %swap3A_367 = vector.shape_cast %select_n3A_363 : vector<16xi32> to vector<16xi32>
      tpu.vector_store %arg8[%swap3A_364], %swap3A_367 {strides = array<i32>} : memref<128xi32, #tpu.memory_space<vmem>>, vector<16xi32>,
      %eq3A_368 = arith.constant 0 : i32
      %eq3A_369 = arith.cmpi eq, %arg0, %eq3A_368 : i32
      %select_n3A_370 = arith.select %eq3A_369, %shift_right_logical3A_360, %and3A_357 : vector<16xi32>
      %swap3A_371 = arith.constant 96 : index
      %swap3A_372 = tpu.vector_load %arg10[%swap3A_371] {strides = array<i32>} : memref<128xi32, #tpu.memory_space<vmem>>, vector<16xi32>,
      %swap3A_373 = vector.shape_cast %swap3A_372 : vector<16xi32> to vector<16xi32>
      %swap3A_374 = vector.shape_cast %select_n3A_370 : vector<16xi32> to vector<16xi32>
      tpu.vector_store %arg10[%swap3A_371], %swap3A_374 {strides = array<i32>} : memref<128xi32, #tpu.memory_space<vmem>>, vector<16xi32>,
      %get3A_375 = arith.constant 240 : index
      %get3A_376 = tpu.vector_load %arg5[%get3A_375] {strides = array<i32>} : memref<256xi32, #tpu.memory_space<vmem>>, vector<16xi32>,
      %get3A_377 = vector.shape_cast %get3A_376 : vector<16xi32> to vector<16xi32>
      %and3A_378 = arith.constant 16383 : i32
      %and3A_379 = vector.broadcast %and3A_378 : i32 to vector<16xi32>
      %and3A_380 = arith.andi %get3A_377, %and3A_379 : vector<16xi32>
      %shift_right_logical3A_381 = arith.constant 14 : i32
      %shift_right_logical3A_382 = vector.broadcast %shift_right_logical3A_381 : i32 to vector<16xi32>
      %shift_right_logical3A_383 = arith.shrui %get3A_377, %shift_right_logical3A_382 : vector<16xi32>
      %eq3A_384 = arith.constant 0 : i32
      %eq3A_385 = arith.cmpi eq, %arg0, %eq3A_384 : i32
      %select_n3A_386 = arith.select %eq3A_385, %and3A_380, %shift_right_logical3A_383 : vector<16xi32>
      %swap3A_387 = arith.constant 112 : index
      %swap3A_388 = tpu.vector_load %arg8[%swap3A_387] {strides = array<i32>} : memref<128xi32, #tpu.memory_space<vmem>>, vector<16xi32>,
      %swap3A_389 = vector.shape_cast %swap3A_388 : vector<16xi32> to vector<16xi32>
      %swap3A_390 = vector.shape_cast %select_n3A_386 : vector<16xi32> to vector<16xi32>
      tpu.vector_store %arg8[%swap3A_387], %swap3A_390 {strides = array<i32>} : memref<128xi32, #tpu.memory_space<vmem>>, vector<16xi32>,
      %eq3A_391 = arith.constant 0 : i32
      %eq3A_392 = arith.cmpi eq, %arg0, %eq3A_391 : i32
      %select_n3A_393 = arith.select %eq3A_392, %shift_right_logical3A_383, %and3A_380 : vector<16xi32>
      %swap3A_394 = arith.constant 112 : index
      %swap3A_395 = tpu.vector_load %arg10[%swap3A_394] {strides = array<i32>} : memref<128xi32, #tpu.memory_space<vmem>>, vector<16xi32>,
      %swap3A_396 = vector.shape_cast %swap3A_395 : vector<16xi32> to vector<16xi32>
      %swap3A_397 = vector.shape_cast %select_n3A_393 : vector<16xi32> to vector<16xi32>
      tpu.vector_store %arg10[%swap3A_394], %swap3A_397 {strides = array<i32>} : memref<128xi32, #tpu.memory_space<vmem>>, vector<16xi32>,
      %dma_start3A_398 = arith.constant 0 : i32
      %dma_start3A_399 = arith.constant 0 : i32
      %dma_start3A_400 = tpu.memref_slice %arg14[%dma_start3A_398, %dma_start3A_399] : memref<10240x64xf32, #tpu.memory_space<vmem_shared>> -> memref<10240x64xf32, #tpu.memory_space<vmem_shared>>
      tpu.enqueue_indirect_dma source(%dma_start3A_400 : memref<10240x64xf32, #tpu.memory_space<vmem_shared>>) target(%arg12 : memref<128x64xf32, #tpu.memory_space<vmem>>) offsets(%arg8 : memref<128xi32, #tpu.memory_space<vmem>>) semaphore(%arg17 : memref<!tpu.dma_semaphore, #tpu.memory_space<semaphore_mem>>)
      %add3A_401 = arith.constant 256 : i32
      %add3A_402 = arith.addi %mul3A_7, %add3A_401 : i32
      %dma_start3A_403 = tpu.memref_slice %arg3[%add3A_402] : memref<323584xi32, #tpu.memory_space<hbm>> -> memref<256xi32, #tpu.memory_space<hbm>>
      %dma_start3A_404 = tpu.memref_slice %arg3[%add3A_402] : memref<323584xi32, #tpu.memory_space<hbm>> -> memref<256xi32, #tpu.memory_space<hbm>>
      tpu.enqueue_dma source(%dma_start3A_404 : memref<256xi32, #tpu.memory_space<hbm>>) target(%arg5 : memref<256xi32, #tpu.memory_space<vmem>>) target_semaphore(%arg15 : memref<!tpu.dma_semaphore, #tpu.memory_space<semaphore_mem>>)
      %scan3A_405 = arith.constant 0 : i32
      %scan3A_406 = arith.constant 0 : i32
      %scan3A_407 = arith.constant 78 : i32
      %scan3A_408 = arith.addi %scan3A_406, %scan3A_407 : i32
      %scan3A_409 = arith.constant 1 : i32
      scf.for %scan3A_431 = %scan3A_406 to %scan3A_408 step %scan3A_409  : i32 {
        %dma_wait3A_432 = arith.constant 0 : i32
        %dma_wait3A_433 = arith.constant 0 : i32
        %dma_wait3A_434 = tpu.memref_slice %arg4[%dma_wait3A_432, %dma_wait3A_433] : memref<40960x64xf32, #tpu.memory_space<hbm>> -> memref<128x64xf32, #tpu.memory_space<hbm>>
        %dma_wait3A_435 = arith.constant 0 : i32
        %dma_wait3A_436 = arith.constant 0 : i32
        %dma_wait3A_437 = tpu.memref_slice %arg4[%dma_wait3A_435, %dma_wait3A_436] : memref<40960x64xf32, #tpu.memory_space<hbm>> -> memref<128x64xf32, #tpu.memory_space<hbm>>
        tpu.wait_dma2 semaphore(%arg16 : memref<!tpu.dma_semaphore, #tpu.memory_space<semaphore_mem>>) src(%dma_wait3A_437 : memref<128x64xf32, #tpu.memory_space<hbm>>) dst(%arg11 : memref<128x64xf32, #tpu.memory_space<vmem>>)
        "tpu.region"() ({
          %run_scoped3A = tpu.sem_alloc : memref<!tpu.dma_semaphore, #tpu.memory_space<semaphore_mem>>
          %dma_start3A_824 = arith.constant 0 : i32
          %dma_start3A_825 = arith.constant 0 : i32
          %dma_start3A_826 = tpu.memref_slice %arg13[%dma_start3A_824, %dma_start3A_825] : memref<10240x64xf32, #tpu.memory_space<vmem_shared>> -> memref<10240x64xf32, #tpu.memory_space<vmem_shared>>
          tpu.enqueue_indirect_dma source(%arg11 : memref<128x64xf32, #tpu.memory_space<vmem>>) target(%dma_start3A_826 : memref<10240x64xf32, #tpu.memory_space<vmem_shared>>) offsets(%arg9 : memref<128xi32, #tpu.memory_space<vmem>>) semaphore(%run_scoped3A : memref<!tpu.dma_semaphore, #tpu.memory_space<semaphore_mem>>) {add = true}
          %dma_wait3A_827 = arith.constant 0 : i32
          %dma_wait3A_828 = arith.constant 0 : i32
          %dma_wait3A_829 = tpu.memref_slice %arg13[%dma_wait3A_827, %dma_wait3A_828] : memref<10240x64xf32, #tpu.memory_space<vmem_shared>> -> memref<10240x64xf32, #tpu.memory_space<vmem_shared>>
          tpu.wait_indirect_dma semaphore(%run_scoped3A : memref<!tpu.dma_semaphore, #tpu.memory_space<semaphore_mem>>) src(%arg11 : memref<128x64xf32, #tpu.memory_space<vmem>>) dst(%dma_wait3A_829 : memref<10240x64xf32, #tpu.memory_space<vmem_shared>>)
          tpu.yield
        }) : () -> ()
        %dma_wait3A_438 = arith.constant 0 : i32
        %dma_wait3A_439 = tpu.memref_slice %arg3[%dma_wait3A_438] : memref<323584xi32, #tpu.memory_space<hbm>> -> memref<256xi32, #tpu.memory_space<hbm>>
        %dma_wait3A_440 = arith.constant 0 : i32
        %dma_wait3A_441 = tpu.memref_slice %arg3[%dma_wait3A_440] : memref<323584xi32, #tpu.memory_space<hbm>> -> memref<256xi32, #tpu.memory_space<hbm>>
        tpu.wait_dma2 semaphore(%arg15 : memref<!tpu.dma_semaphore, #tpu.memory_space<semaphore_mem>>) src(%dma_wait3A_441 : memref<256xi32, #tpu.memory_space<hbm>>) dst(%arg5 : memref<256xi32, #tpu.memory_space<vmem>>)
        %get3A_442 = arith.constant 0 : index
        %get3A_443 = tpu.vector_load %arg5[%get3A_442] {strides = array<i32>} : memref<256xi32, #tpu.memory_space<vmem>>, vector<16xi32>,
        %get3A_444 = vector.shape_cast %get3A_443 : vector<16xi32> to vector<16xi32>
        %and3A_445 = arith.constant 16383 : i32
        %and3A_446 = vector.broadcast %and3A_445 : i32 to vector<16xi32>
        %and3A_447 = arith.andi %get3A_444, %and3A_446 : vector<16xi32>
        %shift_right_logical3A_448 = arith.constant 14 : i32
        %shift_right_logical3A_449 = vector.broadcast %shift_right_logical3A_448 : i32 to vector<16xi32>
        %shift_right_logical3A_450 = arith.shrui %get3A_444, %shift_right_logical3A_449 : vector<16xi32>
        %eq3A_451 = arith.constant 0 : i32
        %eq3A_452 = arith.cmpi eq, %arg0, %eq3A_451 : i32
        %select_n3A_453 = arith.select %eq3A_452, %and3A_447, %shift_right_logical3A_450 : vector<16xi32>
        %swap3A_454 = arith.constant 0 : index
        %swap3A_455 = tpu.vector_load %arg7[%swap3A_454] {strides = array<i32>} : memref<128xi32, #tpu.memory_space<vmem>>, vector<16xi32>,
        %swap3A_456 = vector.shape_cast %swap3A_455 : vector<16xi32> to vector<16xi32>
        %swap3A_457 = vector.shape_cast %select_n3A_453 : vector<16xi32> to vector<16xi32>
        tpu.vector_store %arg7[%swap3A_454], %swap3A_457 {strides = array<i32>} : memref<128xi32, #tpu.memory_space<vmem>>, vector<16xi32>,
        %eq3A_458 = arith.constant 0 : i32
        %eq3A_459 = arith.cmpi eq, %arg0, %eq3A_458 : i32
        %select_n3A_460 = arith.select %eq3A_459, %shift_right_logical3A_450, %and3A_447 : vector<16xi32>
        %swap3A_461 = arith.constant 0 : index
        %swap3A_462 = tpu.vector_load %arg9[%swap3A_461] {strides = array<i32>} : memref<128xi32, #tpu.memory_space<vmem>>, vector<16xi32>,
        %swap3A_463 = vector.shape_cast %swap3A_462 : vector<16xi32> to vector<16xi32>
        %swap3A_464 = vector.shape_cast %select_n3A_460 : vector<16xi32> to vector<16xi32>
        tpu.vector_store %arg9[%swap3A_461], %swap3A_464 {strides = array<i32>} : memref<128xi32, #tpu.memory_space<vmem>>, vector<16xi32>,
        %get3A_465 = arith.constant 16 : index
        %get3A_466 = tpu.vector_load %arg5[%get3A_465] {strides = array<i32>} : memref<256xi32, #tpu.memory_space<vmem>>, vector<16xi32>,
        %get3A_467 = vector.shape_cast %get3A_466 : vector<16xi32> to vector<16xi32>
        %and3A_468 = arith.constant 16383 : i32
        %and3A_469 = vector.broadcast %and3A_468 : i32 to vector<16xi32>
        %and3A_470 = arith.andi %get3A_467, %and3A_469 : vector<16xi32>
        %shift_right_logical3A_471 = arith.constant 14 : i32
        %shift_right_logical3A_472 = vector.broadcast %shift_right_logical3A_471 : i32 to vector<16xi32>
        %shift_right_logical3A_473 = arith.shrui %get3A_467, %shift_right_logical3A_472 : vector<16xi32>
        %eq3A_474 = arith.constant 0 : i32
        %eq3A_475 = arith.cmpi eq, %arg0, %eq3A_474 : i32
        %select_n3A_476 = arith.select %eq3A_475, %and3A_470, %shift_right_logical3A_473 : vector<16xi32>
        %swap3A_477 = arith.constant 16 : index
        %swap3A_478 = tpu.vector_load %arg7[%swap3A_477] {strides = array<i32>} : memref<128xi32, #tpu.memory_space<vmem>>, vector<16xi32>,
        %swap3A_479 = vector.shape_cast %swap3A_478 : vector<16xi32> to vector<16xi32>
        %swap3A_480 = vector.shape_cast %select_n3A_476 : vector<16xi32> to vector<16xi32>
        tpu.vector_store %arg7[%swap3A_477], %swap3A_480 {strides = array<i32>} : memref<128xi32, #tpu.memory_space<vmem>>, vector<16xi32>,
        %eq3A_481 = arith.constant 0 : i32
        %eq3A_482 = arith.cmpi eq, %arg0, %eq3A_481 : i32
        %select_n3A_483 = arith.select %eq3A_482, %shift_right_logical3A_473, %and3A_470 : vector<16xi32>
        %swap3A_484 = arith.constant 16 : index
        %swap3A_485 = tpu.vector_load %arg9[%swap3A_484] {strides = array<i32>} : memref<128xi32, #tpu.memory_space<vmem>>, vector<16xi32>,
        %swap3A_486 = vector.shape_cast %swap3A_485 : vector<16xi32> to vector<16xi32>
        %swap3A_487 = vector.shape_cast %select_n3A_483 : vector<16xi32> to vector<16xi32>
        tpu.vector_store %arg9[%swap3A_484], %swap3A_487 {strides = array<i32>} : memref<128xi32, #tpu.memory_space<vmem>>, vector<16xi32>,
        %get3A_488 = arith.constant 32 : index
        %get3A_489 = tpu.vector_load %arg5[%get3A_488] {strides = array<i32>} : memref<256xi32, #tpu.memory_space<vmem>>, vector<16xi32>,
        %get3A_490 = vector.shape_cast %get3A_489 : vector<16xi32> to vector<16xi32>
        %and3A_491 = arith.constant 16383 : i32
        %and3A_492 = vector.broadcast %and3A_491 : i32 to vector<16xi32>
        %and3A_493 = arith.andi %get3A_490, %and3A_492 : vector<16xi32>
        %shift_right_logical3A_494 = arith.constant 14 : i32
        %shift_right_logical3A_495 = vector.broadcast %shift_right_logical3A_494 : i32 to vector<16xi32>
        %shift_right_logical3A_496 = arith.shrui %get3A_490, %shift_right_logical3A_495 : vector<16xi32>
        %eq3A_497 = arith.constant 0 : i32
        %eq3A_498 = arith.cmpi eq, %arg0, %eq3A_497 : i32
        %select_n3A_499 = arith.select %eq3A_498, %and3A_493, %shift_right_logical3A_496 : vector<16xi32>
        %swap3A_500 = arith.constant 32 : index
        %swap3A_501 = tpu.vector_load %arg7[%swap3A_500] {strides = array<i32>} : memref<128xi32, #tpu.memory_space<vmem>>, vector<16xi32>,
        %swap3A_502 = vector.shape_cast %swap3A_501 : vector<16xi32> to vector<16xi32>
        %swap3A_503 = vector.shape_cast %select_n3A_499 : vector<16xi32> to vector<16xi32>
        tpu.vector_store %arg7[%swap3A_500], %swap3A_503 {strides = array<i32>} : memref<128xi32, #tpu.memory_space<vmem>>, vector<16xi32>,
        %eq3A_504 = arith.constant 0 : i32
        %eq3A_505 = arith.cmpi eq, %arg0, %eq3A_504 : i32
        %select_n3A_506 = arith.select %eq3A_505, %shift_right_logical3A_496, %and3A_493 : vector<16xi32>
        %swap3A_507 = arith.constant 32 : index
        %swap3A_508 = tpu.vector_load %arg9[%swap3A_507] {strides = array<i32>} : memref<128xi32, #tpu.memory_space<vmem>>, vector<16xi32>,
        %swap3A_509 = vector.shape_cast %swap3A_508 : vector<16xi32> to vector<16xi32>
        %swap3A_510 = vector.shape_cast %select_n3A_506 : vector<16xi32> to vector<16xi32>
        tpu.vector_store %arg9[%swap3A_507], %swap3A_510 {strides = array<i32>} : memref<128xi32, #tpu.memory_space<vmem>>, vector<16xi32>,
        %get3A_511 = arith.constant 48 : index
        %get3A_512 = tpu.vector_load %arg5[%get3A_511] {strides = array<i32>} : memref<256xi32, #tpu.memory_space<vmem>>, vector<16xi32>,
        %get3A_513 = vector.shape_cast %get3A_512 : vector<16xi32> to vector<16xi32>
        %and3A_514 = arith.constant 16383 : i32
        %and3A_515 = vector.broadcast %and3A_514 : i32 to vector<16xi32>
        %and3A_516 = arith.andi %get3A_513, %and3A_515 : vector<16xi32>
        %shift_right_logical3A_517 = arith.constant 14 : i32
        %shift_right_logical3A_518 = vector.broadcast %shift_right_logical3A_517 : i32 to vector<16xi32>
        %shift_right_logical3A_519 = arith.shrui %get3A_513, %shift_right_logical3A_518 : vector<16xi32>
        %eq3A_520 = arith.constant 0 : i32
        %eq3A_521 = arith.cmpi eq, %arg0, %eq3A_520 : i32
        %select_n3A_522 = arith.select %eq3A_521, %and3A_516, %shift_right_logical3A_519 : vector<16xi32>
        %swap3A_523 = arith.constant 48 : index
        %swap3A_524 = tpu.vector_load %arg7[%swap3A_523] {strides = array<i32>} : memref<128xi32, #tpu.memory_space<vmem>>, vector<16xi32>,
        %swap3A_525 = vector.shape_cast %swap3A_524 : vector<16xi32> to vector<16xi32>
        %swap3A_526 = vector.shape_cast %select_n3A_522 : vector<16xi32> to vector<16xi32>
        tpu.vector_store %arg7[%swap3A_523], %swap3A_526 {strides = array<i32>} : memref<128xi32, #tpu.memory_space<vmem>>, vector<16xi32>,
        %eq3A_527 = arith.constant 0 : i32
        %eq3A_528 = arith.cmpi eq, %arg0, %eq3A_527 : i32
        %select_n3A_529 = arith.select %eq3A_528, %shift_right_logical3A_519, %and3A_516 : vector<16xi32>
        %swap3A_530 = arith.constant 48 : index
        %swap3A_531 = tpu.vector_load %arg9[%swap3A_530] {strides = array<i32>} : memref<128xi32, #tpu.memory_space<vmem>>, vector<16xi32>,
        %swap3A_532 = vector.shape_cast %swap3A_531 : vector<16xi32> to vector<16xi32>
        %swap3A_533 = vector.shape_cast %select_n3A_529 : vector<16xi32> to vector<16xi32>
        tpu.vector_store %arg9[%swap3A_530], %swap3A_533 {strides = array<i32>} : memref<128xi32, #tpu.memory_space<vmem>>, vector<16xi32>,
        %get3A_534 = arith.constant 64 : index
        %get3A_535 = tpu.vector_load %arg5[%get3A_534] {strides = array<i32>} : memref<256xi32, #tpu.memory_space<vmem>>, vector<16xi32>,
        %get3A_536 = vector.shape_cast %get3A_535 : vector<16xi32> to vector<16xi32>
        %and3A_537 = arith.constant 16383 : i32
        %and3A_538 = vector.broadcast %and3A_537 : i32 to vector<16xi32>
        %and3A_539 = arith.andi %get3A_536, %and3A_538 : vector<16xi32>
        %shift_right_logical3A_540 = arith.constant 14 : i32
        %shift_right_logical3A_541 = vector.broadcast %shift_right_logical3A_540 : i32 to vector<16xi32>
        %shift_right_logical3A_542 = arith.shrui %get3A_536, %shift_right_logical3A_541 : vector<16xi32>
        %eq3A_543 = arith.constant 0 : i32
        %eq3A_544 = arith.cmpi eq, %arg0, %eq3A_543 : i32
        %select_n3A_545 = arith.select %eq3A_544, %and3A_539, %shift_right_logical3A_542 : vector<16xi32>
        %swap3A_546 = arith.constant 64 : index
        %swap3A_547 = tpu.vector_load %arg7[%swap3A_546] {strides = array<i32>} : memref<128xi32, #tpu.memory_space<vmem>>, vector<16xi32>,
        %swap3A_548 = vector.shape_cast %swap3A_547 : vector<16xi32> to vector<16xi32>
        %swap3A_549 = vector.shape_cast %select_n3A_545 : vector<16xi32> to vector<16xi32>
        tpu.vector_store %arg7[%swap3A_546], %swap3A_549 {strides = array<i32>} : memref<128xi32, #tpu.memory_space<vmem>>, vector<16xi32>,
        %eq3A_550 = arith.constant 0 : i32
        %eq3A_551 = arith.cmpi eq, %arg0, %eq3A_550 : i32
        %select_n3A_552 = arith.select %eq3A_551, %shift_right_logical3A_542, %and3A_539 : vector<16xi32>
        %swap3A_553 = arith.constant 64 : index
        %swap3A_554 = tpu.vector_load %arg9[%swap3A_553] {strides = array<i32>} : memref<128xi32, #tpu.memory_space<vmem>>, vector<16xi32>,
        %swap3A_555 = vector.shape_cast %swap3A_554 : vector<16xi32> to vector<16xi32>
        %swap3A_556 = vector.shape_cast %select_n3A_552 : vector<16xi32> to vector<16xi32>
        tpu.vector_store %arg9[%swap3A_553], %swap3A_556 {strides = array<i32>} : memref<128xi32, #tpu.memory_space<vmem>>, vector<16xi32>,
        %get3A_557 = arith.constant 80 : index
        %get3A_558 = tpu.vector_load %arg5[%get3A_557] {strides = array<i32>} : memref<256xi32, #tpu.memory_space<vmem>>, vector<16xi32>,
        %get3A_559 = vector.shape_cast %get3A_558 : vector<16xi32> to vector<16xi32>
        %and3A_560 = arith.constant 16383 : i32
        %and3A_561 = vector.broadcast %and3A_560 : i32 to vector<16xi32>
        %and3A_562 = arith.andi %get3A_559, %and3A_561 : vector<16xi32>
        %shift_right_logical3A_563 = arith.constant 14 : i32
        %shift_right_logical3A_564 = vector.broadcast %shift_right_logical3A_563 : i32 to vector<16xi32>
        %shift_right_logical3A_565 = arith.shrui %get3A_559, %shift_right_logical3A_564 : vector<16xi32>
        %eq3A_566 = arith.constant 0 : i32
        %eq3A_567 = arith.cmpi eq, %arg0, %eq3A_566 : i32
        %select_n3A_568 = arith.select %eq3A_567, %and3A_562, %shift_right_logical3A_565 : vector<16xi32>
        %swap3A_569 = arith.constant 80 : index
        %swap3A_570 = tpu.vector_load %arg7[%swap3A_569] {strides = array<i32>} : memref<128xi32, #tpu.memory_space<vmem>>, vector<16xi32>,
        %swap3A_571 = vector.shape_cast %swap3A_570 : vector<16xi32> to vector<16xi32>
        %swap3A_572 = vector.shape_cast %select_n3A_568 : vector<16xi32> to vector<16xi32>
        tpu.vector_store %arg7[%swap3A_569], %swap3A_572 {strides = array<i32>} : memref<128xi32, #tpu.memory_space<vmem>>, vector<16xi32>,
        %eq3A_573 = arith.constant 0 : i32
        %eq3A_574 = arith.cmpi eq, %arg0, %eq3A_573 : i32
        %select_n3A_575 = arith.select %eq3A_574, %shift_right_logical3A_565, %and3A_562 : vector<16xi32>
        %swap3A_576 = arith.constant 80 : index
        %swap3A_577 = tpu.vector_load %arg9[%swap3A_576] {strides = array<i32>} : memref<128xi32, #tpu.memory_space<vmem>>, vector<16xi32>,
        %swap3A_578 = vector.shape_cast %swap3A_577 : vector<16xi32> to vector<16xi32>
        %swap3A_579 = vector.shape_cast %select_n3A_575 : vector<16xi32> to vector<16xi32>
        tpu.vector_store %arg9[%swap3A_576], %swap3A_579 {strides = array<i32>} : memref<128xi32, #tpu.memory_space<vmem>>, vector<16xi32>,
        %get3A_580 = arith.constant 96 : index
        %get3A_581 = tpu.vector_load %arg5[%get3A_580] {strides = array<i32>} : memref<256xi32, #tpu.memory_space<vmem>>, vector<16xi32>,
        %get3A_582 = vector.shape_cast %get3A_581 : vector<16xi32> to vector<16xi32>
        %and3A_583 = arith.constant 16383 : i32
        %and3A_584 = vector.broadcast %and3A_583 : i32 to vector<16xi32>
        %and3A_585 = arith.andi %get3A_582, %and3A_584 : vector<16xi32>
        %shift_right_logical3A_586 = arith.constant 14 : i32
        %shift_right_logical3A_587 = vector.broadcast %shift_right_logical3A_586 : i32 to vector<16xi32>
        %shift_right_logical3A_588 = arith.shrui %get3A_582, %shift_right_logical3A_587 : vector<16xi32>
        %eq3A_589 = arith.constant 0 : i32
        %eq3A_590 = arith.cmpi eq, %arg0, %eq3A_589 : i32
        %select_n3A_591 = arith.select %eq3A_590, %and3A_585, %shift_right_logical3A_588 : vector<16xi32>
        %swap3A_592 = arith.constant 96 : index
        %swap3A_593 = tpu.vector_load %arg7[%swap3A_592] {strides = array<i32>} : memref<128xi32, #tpu.memory_space<vmem>>, vector<16xi32>,
        %swap3A_594 = vector.shape_cast %swap3A_593 : vector<16xi32> to vector<16xi32>
        %swap3A_595 = vector.shape_cast %select_n3A_591 : vector<16xi32> to vector<16xi32>
        tpu.vector_store %arg7[%swap3A_592], %swap3A_595 {strides = array<i32>} : memref<128xi32, #tpu.memory_space<vmem>>, vector<16xi32>,
        %eq3A_596 = arith.constant 0 : i32
        %eq3A_597 = arith.cmpi eq, %arg0, %eq3A_596 : i32
        %select_n3A_598 = arith.select %eq3A_597, %shift_right_logical3A_588, %and3A_585 : vector<16xi32>
        %swap3A_599 = arith.constant 96 : index
        %swap3A_600 = tpu.vector_load %arg9[%swap3A_599] {strides = array<i32>} : memref<128xi32, #tpu.memory_space<vmem>>, vector<16xi32>,
        %swap3A_601 = vector.shape_cast %swap3A_600 : vector<16xi32> to vector<16xi32>
        %swap3A_602 = vector.shape_cast %select_n3A_598 : vector<16xi32> to vector<16xi32>
        tpu.vector_store %arg9[%swap3A_599], %swap3A_602 {strides = array<i32>} : memref<128xi32, #tpu.memory_space<vmem>>, vector<16xi32>,
        %get3A_603 = arith.constant 112 : index
        %get3A_604 = tpu.vector_load %arg5[%get3A_603] {strides = array<i32>} : memref<256xi32, #tpu.memory_space<vmem>>, vector<16xi32>,
        %get3A_605 = vector.shape_cast %get3A_604 : vector<16xi32> to vector<16xi32>
        %and3A_606 = arith.constant 16383 : i32
        %and3A_607 = vector.broadcast %and3A_606 : i32 to vector<16xi32>
        %and3A_608 = arith.andi %get3A_605, %and3A_607 : vector<16xi32>
        %shift_right_logical3A_609 = arith.constant 14 : i32
        %shift_right_logical3A_610 = vector.broadcast %shift_right_logical3A_609 : i32 to vector<16xi32>
        %shift_right_logical3A_611 = arith.shrui %get3A_605, %shift_right_logical3A_610 : vector<16xi32>
        %eq3A_612 = arith.constant 0 : i32
        %eq3A_613 = arith.cmpi eq, %arg0, %eq3A_612 : i32
        %select_n3A_614 = arith.select %eq3A_613, %and3A_608, %shift_right_logical3A_611 : vector<16xi32>
        %swap3A_615 = arith.constant 112 : index
        %swap3A_616 = tpu.vector_load %arg7[%swap3A_615] {strides = array<i32>} : memref<128xi32, #tpu.memory_space<vmem>>, vector<16xi32>,
        %swap3A_617 = vector.shape_cast %swap3A_616 : vector<16xi32> to vector<16xi32>
        %swap3A_618 = vector.shape_cast %select_n3A_614 : vector<16xi32> to vector<16xi32>
        tpu.vector_store %arg7[%swap3A_615], %swap3A_618 {strides = array<i32>} : memref<128xi32, #tpu.memory_space<vmem>>, vector<16xi32>,
        %eq3A_619 = arith.constant 0 : i32
        %eq3A_620 = arith.cmpi eq, %arg0, %eq3A_619 : i32
        %select_n3A_621 = arith.select %eq3A_620, %shift_right_logical3A_611, %and3A_608 : vector<16xi32>
        %swap3A_622 = arith.constant 112 : index
        %swap3A_623 = tpu.vector_load %arg9[%swap3A_622] {strides = array<i32>} : memref<128xi32, #tpu.memory_space<vmem>>, vector<16xi32>,
        %swap3A_624 = vector.shape_cast %swap3A_623 : vector<16xi32> to vector<16xi32>
        %swap3A_625 = vector.shape_cast %select_n3A_621 : vector<16xi32> to vector<16xi32>
        tpu.vector_store %arg9[%swap3A_622], %swap3A_625 {strides = array<i32>} : memref<128xi32, #tpu.memory_space<vmem>>, vector<16xi32>,
        %dma_start3A_626 = arith.constant 0 : i32
        %dma_start3A_627 = arith.constant 0 : i32
        %dma_start3A_628 = tpu.memref_slice %arg14[%dma_start3A_626, %dma_start3A_627] : memref<10240x64xf32, #tpu.memory_space<vmem_shared>> -> memref<10240x64xf32, #tpu.memory_space<vmem_shared>>
        tpu.enqueue_indirect_dma source(%dma_start3A_628 : memref<10240x64xf32, #tpu.memory_space<vmem_shared>>) target(%arg11 : memref<128x64xf32, #tpu.memory_space<vmem>>) offsets(%arg7 : memref<128xi32, #tpu.memory_space<vmem>>) semaphore(%arg16 : memref<!tpu.dma_semaphore, #tpu.memory_space<semaphore_mem>>)
        %dma_wait3A_629 = arith.constant 0 : i32
        %dma_wait3A_630 = arith.constant 0 : i32
        %dma_wait3A_631 = tpu.memref_slice %arg4[%dma_wait3A_629, %dma_wait3A_630] : memref<40960x64xf32, #tpu.memory_space<hbm>> -> memref<128x64xf32, #tpu.memory_space<hbm>>
        %dma_wait3A_632 = arith.constant 0 : i32
        %dma_wait3A_633 = arith.constant 0 : i32
        %dma_wait3A_634 = tpu.memref_slice %arg4[%dma_wait3A_632, %dma_wait3A_633] : memref<40960x64xf32, #tpu.memory_space<hbm>> -> memref<128x64xf32, #tpu.memory_space<hbm>>
        tpu.wait_dma2 semaphore(%arg17 : memref<!tpu.dma_semaphore, #tpu.memory_space<semaphore_mem>>) src(%dma_wait3A_634 : memref<128x64xf32, #tpu.memory_space<hbm>>) dst(%arg12 : memref<128x64xf32, #tpu.memory_space<vmem>>)
        "tpu.region"() ({
          %run_scoped3A = tpu.sem_alloc : memref<!tpu.dma_semaphore, #tpu.memory_space<semaphore_mem>>
          %dma_start3A_824 = arith.constant 0 : i32
          %dma_start3A_825 = arith.constant 0 : i32
          %dma_start3A_826 = tpu.memref_slice %arg13[%dma_start3A_824, %dma_start3A_825] : memref<10240x64xf32, #tpu.memory_space<vmem_shared>> -> memref<10240x64xf32, #tpu.memory_space<vmem_shared>>
          tpu.enqueue_indirect_dma source(%arg12 : memref<128x64xf32, #tpu.memory_space<vmem>>) target(%dma_start3A_826 : memref<10240x64xf32, #tpu.memory_space<vmem_shared>>) offsets(%arg10 : memref<128xi32, #tpu.memory_space<vmem>>) semaphore(%run_scoped3A : memref<!tpu.dma_semaphore, #tpu.memory_space<semaphore_mem>>) {add = true}
          %dma_wait3A_827 = arith.constant 0 : i32
          %dma_wait3A_828 = arith.constant 0 : i32
          %dma_wait3A_829 = tpu.memref_slice %arg13[%dma_wait3A_827, %dma_wait3A_828] : memref<10240x64xf32, #tpu.memory_space<vmem_shared>> -> memref<10240x64xf32, #tpu.memory_space<vmem_shared>>
          tpu.wait_indirect_dma semaphore(%run_scoped3A : memref<!tpu.dma_semaphore, #tpu.memory_space<semaphore_mem>>) src(%arg12 : memref<128x64xf32, #tpu.memory_space<vmem>>) dst(%dma_wait3A_829 : memref<10240x64xf32, #tpu.memory_space<vmem_shared>>)
          tpu.yield
        }) : () -> ()
        %get3A_635 = arith.constant 128 : index
        %get3A_636 = tpu.vector_load %arg5[%get3A_635] {strides = array<i32>} : memref<256xi32, #tpu.memory_space<vmem>>, vector<16xi32>,
        %get3A_637 = vector.shape_cast %get3A_636 : vector<16xi32> to vector<16xi32>
        %and3A_638 = arith.constant 16383 : i32
        %and3A_639 = vector.broadcast %and3A_638 : i32 to vector<16xi32>
        %and3A_640 = arith.andi %get3A_637, %and3A_639 : vector<16xi32>
        %shift_right_logical3A_641 = arith.constant 14 : i32
        %shift_right_logical3A_642 = vector.broadcast %shift_right_logical3A_641 : i32 to vector<16xi32>
        %shift_right_logical3A_643 = arith.shrui %get3A_637, %shift_right_logical3A_642 : vector<16xi32>
        %eq3A_644 = arith.constant 0 : i32
        %eq3A_645 = arith.cmpi eq, %arg0, %eq3A_644 : i32
        %select_n3A_646 = arith.select %eq3A_645, %and3A_640, %shift_right_logical3A_643 : vector<16xi32>
        %swap3A_647 = arith.constant 0 : index
        %swap3A_648 = tpu.vector_load %arg8[%swap3A_647] {strides = array<i32>} : memref<128xi32, #tpu.memory_space<vmem>>, vector<16xi32>,
        %swap3A_649 = vector.shape_cast %swap3A_648 : vector<16xi32> to vector<16xi32>
        %swap3A_650 = vector.shape_cast %select_n3A_646 : vector<16xi32> to vector<16xi32>
        tpu.vector_store %arg8[%swap3A_647], %swap3A_650 {strides = array<i32>} : memref<128xi32, #tpu.memory_space<vmem>>, vector<16xi32>,
        %eq3A_651 = arith.constant 0 : i32
        %eq3A_652 = arith.cmpi eq, %arg0, %eq3A_651 : i32
        %select_n3A_653 = arith.select %eq3A_652, %shift_right_logical3A_643, %and3A_640 : vector<16xi32>
        %swap3A_654 = arith.constant 0 : index
        %swap3A_655 = tpu.vector_load %arg10[%swap3A_654] {strides = array<i32>} : memref<128xi32, #tpu.memory_space<vmem>>, vector<16xi32>,
        %swap3A_656 = vector.shape_cast %swap3A_655 : vector<16xi32> to vector<16xi32>
        %swap3A_657 = vector.shape_cast %select_n3A_653 : vector<16xi32> to vector<16xi32>
        tpu.vector_store %arg10[%swap3A_654], %swap3A_657 {strides = array<i32>} : memref<128xi32, #tpu.memory_space<vmem>>, vector<16xi32>,
        %get3A_658 = arith.constant 144 : index
        %get3A_659 = tpu.vector_load %arg5[%get3A_658] {strides = array<i32>} : memref<256xi32, #tpu.memory_space<vmem>>, vector<16xi32>,
        %get3A_660 = vector.shape_cast %get3A_659 : vector<16xi32> to vector<16xi32>
        %and3A_661 = arith.constant 16383 : i32
        %and3A_662 = vector.broadcast %and3A_661 : i32 to vector<16xi32>
        %and3A_663 = arith.andi %get3A_660, %and3A_662 : vector<16xi32>
        %shift_right_logical3A_664 = arith.constant 14 : i32
        %shift_right_logical3A_665 = vector.broadcast %shift_right_logical3A_664 : i32 to vector<16xi32>
        %shift_right_logical3A_666 = arith.shrui %get3A_660, %shift_right_logical3A_665 : vector<16xi32>
        %eq3A_667 = arith.constant 0 : i32
        %eq3A_668 = arith.cmpi eq, %arg0, %eq3A_667 : i32
        %select_n3A_669 = arith.select %eq3A_668, %and3A_663, %shift_right_logical3A_666 : vector<16xi32>
        %swap3A_670 = arith.constant 16 : index
        %swap3A_671 = tpu.vector_load %arg8[%swap3A_670] {strides = array<i32>} : memref<128xi32, #tpu.memory_space<vmem>>, vector<16xi32>,
        %swap3A_672 = vector.shape_cast %swap3A_671 : vector<16xi32> to vector<16xi32>
        %swap3A_673 = vector.shape_cast %select_n3A_669 : vector<16xi32> to vector<16xi32>
        tpu.vector_store %arg8[%swap3A_670], %swap3A_673 {strides = array<i32>} : memref<128xi32, #tpu.memory_space<vmem>>, vector<16xi32>,
        %eq3A_674 = arith.constant 0 : i32
        %eq3A_675 = arith.cmpi eq, %arg0, %eq3A_674 : i32
        %select_n3A_676 = arith.select %eq3A_675, %shift_right_logical3A_666, %and3A_663 : vector<16xi32>
        %swap3A_677 = arith.constant 16 : index
        %swap3A_678 = tpu.vector_load %arg10[%swap3A_677] {strides = array<i32>} : memref<128xi32, #tpu.memory_space<vmem>>, vector<16xi32>,
        %swap3A_679 = vector.shape_cast %swap3A_678 : vector<16xi32> to vector<16xi32>
        %swap3A_680 = vector.shape_cast %select_n3A_676 : vector<16xi32> to vector<16xi32>
        tpu.vector_store %arg10[%swap3A_677], %swap3A_680 {strides = array<i32>} : memref<128xi32, #tpu.memory_space<vmem>>, vector<16xi32>,
        %get3A_681 = arith.constant 160 : index
        %get3A_682 = tpu.vector_load %arg5[%get3A_681] {strides = array<i32>} : memref<256xi32, #tpu.memory_space<vmem>>, vector<16xi32>,
        %get3A_683 = vector.shape_cast %get3A_682 : vector<16xi32> to vector<16xi32>
        %and3A_684 = arith.constant 16383 : i32
        %and3A_685 = vector.broadcast %and3A_684 : i32 to vector<16xi32>
        %and3A_686 = arith.andi %get3A_683, %and3A_685 : vector<16xi32>
        %shift_right_logical3A_687 = arith.constant 14 : i32
        %shift_right_logical3A_688 = vector.broadcast %shift_right_logical3A_687 : i32 to vector<16xi32>
        %shift_right_logical3A_689 = arith.shrui %get3A_683, %shift_right_logical3A_688 : vector<16xi32>
        %eq3A_690 = arith.constant 0 : i32
        %eq3A_691 = arith.cmpi eq, %arg0, %eq3A_690 : i32
        %select_n3A_692 = arith.select %eq3A_691, %and3A_686, %shift_right_logical3A_689 : vector<16xi32>
        %swap3A_693 = arith.constant 32 : index
        %swap3A_694 = tpu.vector_load %arg8[%swap3A_693] {strides = array<i32>} : memref<128xi32, #tpu.memory_space<vmem>>, vector<16xi32>,
        %swap3A_695 = vector.shape_cast %swap3A_694 : vector<16xi32> to vector<16xi32>
        %swap3A_696 = vector.shape_cast %select_n3A_692 : vector<16xi32> to vector<16xi32>
        tpu.vector_store %arg8[%swap3A_693], %swap3A_696 {strides = array<i32>} : memref<128xi32, #tpu.memory_space<vmem>>, vector<16xi32>,
        %eq3A_697 = arith.constant 0 : i32
        %eq3A_698 = arith.cmpi eq, %arg0, %eq3A_697 : i32
        %select_n3A_699 = arith.select %eq3A_698, %shift_right_logical3A_689, %and3A_686 : vector<16xi32>
        %swap3A_700 = arith.constant 32 : index
        %swap3A_701 = tpu.vector_load %arg10[%swap3A_700] {strides = array<i32>} : memref<128xi32, #tpu.memory_space<vmem>>, vector<16xi32>,
        %swap3A_702 = vector.shape_cast %swap3A_701 : vector<16xi32> to vector<16xi32>
        %swap3A_703 = vector.shape_cast %select_n3A_699 : vector<16xi32> to vector<16xi32>
        tpu.vector_store %arg10[%swap3A_700], %swap3A_703 {strides = array<i32>} : memref<128xi32, #tpu.memory_space<vmem>>, vector<16xi32>,
        %get3A_704 = arith.constant 176 : index
        %get3A_705 = tpu.vector_load %arg5[%get3A_704] {strides = array<i32>} : memref<256xi32, #tpu.memory_space<vmem>>, vector<16xi32>,
        %get3A_706 = vector.shape_cast %get3A_705 : vector<16xi32> to vector<16xi32>
        %and3A_707 = arith.constant 16383 : i32
        %and3A_708 = vector.broadcast %and3A_707 : i32 to vector<16xi32>
        %and3A_709 = arith.andi %get3A_706, %and3A_708 : vector<16xi32>
        %shift_right_logical3A_710 = arith.constant 14 : i32
        %shift_right_logical3A_711 = vector.broadcast %shift_right_logical3A_710 : i32 to vector<16xi32>
        %shift_right_logical3A_712 = arith.shrui %get3A_706, %shift_right_logical3A_711 : vector<16xi32>
        %eq3A_713 = arith.constant 0 : i32
        %eq3A_714 = arith.cmpi eq, %arg0, %eq3A_713 : i32
        %select_n3A_715 = arith.select %eq3A_714, %and3A_709, %shift_right_logical3A_712 : vector<16xi32>
        %swap3A_716 = arith.constant 48 : index
        %swap3A_717 = tpu.vector_load %arg8[%swap3A_716] {strides = array<i32>} : memref<128xi32, #tpu.memory_space<vmem>>, vector<16xi32>,
        %swap3A_718 = vector.shape_cast %swap3A_717 : vector<16xi32> to vector<16xi32>
        %swap3A_719 = vector.shape_cast %select_n3A_715 : vector<16xi32> to vector<16xi32>
        tpu.vector_store %arg8[%swap3A_716], %swap3A_719 {strides = array<i32>} : memref<128xi32, #tpu.memory_space<vmem>>, vector<16xi32>,
        %eq3A_720 = arith.constant 0 : i32
        %eq3A_721 = arith.cmpi eq, %arg0, %eq3A_720 : i32
        %select_n3A_722 = arith.select %eq3A_721, %shift_right_logical3A_712, %and3A_709 : vector<16xi32>
        %swap3A_723 = arith.constant 48 : index
        %swap3A_724 = tpu.vector_load %arg10[%swap3A_723] {strides = array<i32>} : memref<128xi32, #tpu.memory_space<vmem>>, vector<16xi32>,
        %swap3A_725 = vector.shape_cast %swap3A_724 : vector<16xi32> to vector<16xi32>
        %swap3A_726 = vector.shape_cast %select_n3A_722 : vector<16xi32> to vector<16xi32>
        tpu.vector_store %arg10[%swap3A_723], %swap3A_726 {strides = array<i32>} : memref<128xi32, #tpu.memory_space<vmem>>, vector<16xi32>,
        %get3A_727 = arith.constant 192 : index
        %get3A_728 = tpu.vector_load %arg5[%get3A_727] {strides = array<i32>} : memref<256xi32, #tpu.memory_space<vmem>>, vector<16xi32>,
        %get3A_729 = vector.shape_cast %get3A_728 : vector<16xi32> to vector<16xi32>
        %and3A_730 = arith.constant 16383 : i32
        %and3A_731 = vector.broadcast %and3A_730 : i32 to vector<16xi32>
        %and3A_732 = arith.andi %get3A_729, %and3A_731 : vector<16xi32>
        %shift_right_logical3A_733 = arith.constant 14 : i32
        %shift_right_logical3A_734 = vector.broadcast %shift_right_logical3A_733 : i32 to vector<16xi32>
        %shift_right_logical3A_735 = arith.shrui %get3A_729, %shift_right_logical3A_734 : vector<16xi32>
        %eq3A_736 = arith.constant 0 : i32
        %eq3A_737 = arith.cmpi eq, %arg0, %eq3A_736 : i32
        %select_n3A_738 = arith.select %eq3A_737, %and3A_732, %shift_right_logical3A_735 : vector<16xi32>
        %swap3A_739 = arith.constant 64 : index
        %swap3A_740 = tpu.vector_load %arg8[%swap3A_739] {strides = array<i32>} : memref<128xi32, #tpu.memory_space<vmem>>, vector<16xi32>,
        %swap3A_741 = vector.shape_cast %swap3A_740 : vector<16xi32> to vector<16xi32>
        %swap3A_742 = vector.shape_cast %select_n3A_738 : vector<16xi32> to vector<16xi32>
        tpu.vector_store %arg8[%swap3A_739], %swap3A_742 {strides = array<i32>} : memref<128xi32, #tpu.memory_space<vmem>>, vector<16xi32>,
        %eq3A_743 = arith.constant 0 : i32
        %eq3A_744 = arith.cmpi eq, %arg0, %eq3A_743 : i32
        %select_n3A_745 = arith.select %eq3A_744, %shift_right_logical3A_735, %and3A_732 : vector<16xi32>
        %swap3A_746 = arith.constant 64 : index
        %swap3A_747 = tpu.vector_load %arg10[%swap3A_746] {strides = array<i32>} : memref<128xi32, #tpu.memory_space<vmem>>, vector<16xi32>,
        %swap3A_748 = vector.shape_cast %swap3A_747 : vector<16xi32> to vector<16xi32>
        %swap3A_749 = vector.shape_cast %select_n3A_745 : vector<16xi32> to vector<16xi32>
        tpu.vector_store %arg10[%swap3A_746], %swap3A_749 {strides = array<i32>} : memref<128xi32, #tpu.memory_space<vmem>>, vector<16xi32>,
        %get3A_750 = arith.constant 208 : index
        %get3A_751 = tpu.vector_load %arg5[%get3A_750] {strides = array<i32>} : memref<256xi32, #tpu.memory_space<vmem>>, vector<16xi32>,
        %get3A_752 = vector.shape_cast %get3A_751 : vector<16xi32> to vector<16xi32>
        %and3A_753 = arith.constant 16383 : i32
        %and3A_754 = vector.broadcast %and3A_753 : i32 to vector<16xi32>
        %and3A_755 = arith.andi %get3A_752, %and3A_754 : vector<16xi32>
        %shift_right_logical3A_756 = arith.constant 14 : i32
        %shift_right_logical3A_757 = vector.broadcast %shift_right_logical3A_756 : i32 to vector<16xi32>
        %shift_right_logical3A_758 = arith.shrui %get3A_752, %shift_right_logical3A_757 : vector<16xi32>
        %eq3A_759 = arith.constant 0 : i32
        %eq3A_760 = arith.cmpi eq, %arg0, %eq3A_759 : i32
        %select_n3A_761 = arith.select %eq3A_760, %and3A_755, %shift_right_logical3A_758 : vector<16xi32>
        %swap3A_762 = arith.constant 80 : index
        %swap3A_763 = tpu.vector_load %arg8[%swap3A_762] {strides = array<i32>} : memref<128xi32, #tpu.memory_space<vmem>>, vector<16xi32>,
        %swap3A_764 = vector.shape_cast %swap3A_763 : vector<16xi32> to vector<16xi32>
        %swap3A_765 = vector.shape_cast %select_n3A_761 : vector<16xi32> to vector<16xi32>
        tpu.vector_store %arg8[%swap3A_762], %swap3A_765 {strides = array<i32>} : memref<128xi32, #tpu.memory_space<vmem>>, vector<16xi32>,
        %eq3A_766 = arith.constant 0 : i32
        %eq3A_767 = arith.cmpi eq, %arg0, %eq3A_766 : i32
        %select_n3A_768 = arith.select %eq3A_767, %shift_right_logical3A_758, %and3A_755 : vector<16xi32>
        %swap3A_769 = arith.constant 80 : index
        %swap3A_770 = tpu.vector_load %arg10[%swap3A_769] {strides = array<i32>} : memref<128xi32, #tpu.memory_space<vmem>>, vector<16xi32>,
        %swap3A_771 = vector.shape_cast %swap3A_770 : vector<16xi32> to vector<16xi32>
        %swap3A_772 = vector.shape_cast %select_n3A_768 : vector<16xi32> to vector<16xi32>
        tpu.vector_store %arg10[%swap3A_769], %swap3A_772 {strides = array<i32>} : memref<128xi32, #tpu.memory_space<vmem>>, vector<16xi32>,
        %get3A_773 = arith.constant 224 : index
        %get3A_774 = tpu.vector_load %arg5[%get3A_773] {strides = array<i32>} : memref<256xi32, #tpu.memory_space<vmem>>, vector<16xi32>,
        %get3A_775 = vector.shape_cast %get3A_774 : vector<16xi32> to vector<16xi32>
        %and3A_776 = arith.constant 16383 : i32
        %and3A_777 = vector.broadcast %and3A_776 : i32 to vector<16xi32>
        %and3A_778 = arith.andi %get3A_775, %and3A_777 : vector<16xi32>
        %shift_right_logical3A_779 = arith.constant 14 : i32
        %shift_right_logical3A_780 = vector.broadcast %shift_right_logical3A_779 : i32 to vector<16xi32>
        %shift_right_logical3A_781 = arith.shrui %get3A_775, %shift_right_logical3A_780 : vector<16xi32>
        %eq3A_782 = arith.constant 0 : i32
        %eq3A_783 = arith.cmpi eq, %arg0, %eq3A_782 : i32
        %select_n3A_784 = arith.select %eq3A_783, %and3A_778, %shift_right_logical3A_781 : vector<16xi32>
        %swap3A_785 = arith.constant 96 : index
        %swap3A_786 = tpu.vector_load %arg8[%swap3A_785] {strides = array<i32>} : memref<128xi32, #tpu.memory_space<vmem>>, vector<16xi32>,
        %swap3A_787 = vector.shape_cast %swap3A_786 : vector<16xi32> to vector<16xi32>
        %swap3A_788 = vector.shape_cast %select_n3A_784 : vector<16xi32> to vector<16xi32>
        tpu.vector_store %arg8[%swap3A_785], %swap3A_788 {strides = array<i32>} : memref<128xi32, #tpu.memory_space<vmem>>, vector<16xi32>,
        %eq3A_789 = arith.constant 0 : i32
        %eq3A_790 = arith.cmpi eq, %arg0, %eq3A_789 : i32
        %select_n3A_791 = arith.select %eq3A_790, %shift_right_logical3A_781, %and3A_778 : vector<16xi32>
        %swap3A_792 = arith.constant 96 : index
        %swap3A_793 = tpu.vector_load %arg10[%swap3A_792] {strides = array<i32>} : memref<128xi32, #tpu.memory_space<vmem>>, vector<16xi32>,
        %swap3A_794 = vector.shape_cast %swap3A_793 : vector<16xi32> to vector<16xi32>
        %swap3A_795 = vector.shape_cast %select_n3A_791 : vector<16xi32> to vector<16xi32>
        tpu.vector_store %arg10[%swap3A_792], %swap3A_795 {strides = array<i32>} : memref<128xi32, #tpu.memory_space<vmem>>, vector<16xi32>,
        %get3A_796 = arith.constant 240 : index
        %get3A_797 = tpu.vector_load %arg5[%get3A_796] {strides = array<i32>} : memref<256xi32, #tpu.memory_space<vmem>>, vector<16xi32>,
        %get3A_798 = vector.shape_cast %get3A_797 : vector<16xi32> to vector<16xi32>
        %and3A_799 = arith.constant 16383 : i32
        %and3A_800 = vector.broadcast %and3A_799 : i32 to vector<16xi32>
        %and3A_801 = arith.andi %get3A_798, %and3A_800 : vector<16xi32>
        %shift_right_logical3A_802 = arith.constant 14 : i32
        %shift_right_logical3A_803 = vector.broadcast %shift_right_logical3A_802 : i32 to vector<16xi32>
        %shift_right_logical3A_804 = arith.shrui %get3A_798, %shift_right_logical3A_803 : vector<16xi32>
        %eq3A_805 = arith.constant 0 : i32
        %eq3A_806 = arith.cmpi eq, %arg0, %eq3A_805 : i32
        %select_n3A_807 = arith.select %eq3A_806, %and3A_801, %shift_right_logical3A_804 : vector<16xi32>
        %swap3A_808 = arith.constant 112 : index
        %swap3A_809 = tpu.vector_load %arg8[%swap3A_808] {strides = array<i32>} : memref<128xi32, #tpu.memory_space<vmem>>, vector<16xi32>,
        %swap3A_810 = vector.shape_cast %swap3A_809 : vector<16xi32> to vector<16xi32>
        %swap3A_811 = vector.shape_cast %select_n3A_807 : vector<16xi32> to vector<16xi32>
        tpu.vector_store %arg8[%swap3A_808], %swap3A_811 {strides = array<i32>} : memref<128xi32, #tpu.memory_space<vmem>>, vector<16xi32>,
        %eq3A_812 = arith.constant 0 : i32
        %eq3A_813 = arith.cmpi eq, %arg0, %eq3A_812 : i32
        %select_n3A_814 = arith.select %eq3A_813, %shift_right_logical3A_804, %and3A_801 : vector<16xi32>
        %swap3A_815 = arith.constant 112 : index
        %swap3A_816 = tpu.vector_load %arg10[%swap3A_815] {strides = array<i32>} : memref<128xi32, #tpu.memory_space<vmem>>, vector<16xi32>,
        %swap3A_817 = vector.shape_cast %swap3A_816 : vector<16xi32> to vector<16xi32>
        %swap3A_818 = vector.shape_cast %select_n3A_814 : vector<16xi32> to vector<16xi32>
        tpu.vector_store %arg10[%swap3A_815], %swap3A_818 {strides = array<i32>} : memref<128xi32, #tpu.memory_space<vmem>>, vector<16xi32>,
        %dma_start3A_819 = arith.constant 0 : i32
        %dma_start3A_820 = arith.constant 0 : i32
        %dma_start3A_821 = tpu.memref_slice %arg14[%dma_start3A_819, %dma_start3A_820] : memref<10240x64xf32, #tpu.memory_space<vmem_shared>> -> memref<10240x64xf32, #tpu.memory_space<vmem_shared>>
        tpu.enqueue_indirect_dma source(%dma_start3A_821 : memref<10240x64xf32, #tpu.memory_space<vmem_shared>>) target(%arg12 : memref<128x64xf32, #tpu.memory_space<vmem>>) offsets(%arg8 : memref<128xi32, #tpu.memory_space<vmem>>) semaphore(%arg17 : memref<!tpu.dma_semaphore, #tpu.memory_space<semaphore_mem>>)
        %lt3A = arith.constant 77 : i32
        %lt3A_822 = arith.cmpi slt, %scan3A_431, %lt3A : i32
        %convert_element_type3A = arith.extui %lt3A_822 : i1 to i32
        %cond3A = arith.constant 0 : i32
        %cond3A_823 = arith.cmpi ne, %convert_element_type3A, %cond3A : i32
        scf.if %cond3A_823 {
          %add3A_824 = arith.constant 2 : i32
          %add3A_825 = arith.addi %scan3A_431, %add3A_824 : i32
          %mul3A_826 = arith.constant 2 : i32
          %mul3A_827 = arith.muli %add3A_825, %mul3A_826 : i32
          %mul3A_828 = arith.constant 128 : i32
          %mul3A_829 = arith.muli %mul3A_827, %mul3A_828 : i32
          %add3A_830 = arith.addi %mul3A_7, %mul3A_829 : i32
          %dma_start3A_831 = tpu.memref_slice %arg3[%add3A_830] : memref<323584xi32, #tpu.memory_space<hbm>> -> memref<256xi32, #tpu.memory_space<hbm>>
          %dma_start3A_832 = tpu.memref_slice %arg3[%add3A_830] : memref<323584xi32, #tpu.memory_space<hbm>> -> memref<256xi32, #tpu.memory_space<hbm>>
          tpu.enqueue_dma source(%dma_start3A_832 : memref<256xi32, #tpu.memory_space<hbm>>) target(%arg5 : memref<256xi32, #tpu.memory_space<vmem>>) target_semaphore(%arg15 : memref<!tpu.dma_semaphore, #tpu.memory_space<semaphore_mem>>)
        } else {
        }
      }
      %scan3A_410 = arith.constant 78 : i32
      %dma_wait3A_411 = arith.constant 0 : i32
      %dma_wait3A_412 = arith.constant 0 : i32
      %dma_wait3A_413 = tpu.memref_slice %arg4[%dma_wait3A_411, %dma_wait3A_412] : memref<40960x64xf32, #tpu.memory_space<hbm>> -> memref<128x64xf32, #tpu.memory_space<hbm>>
      %dma_wait3A_414 = arith.constant 0 : i32
      %dma_wait3A_415 = arith.constant 0 : i32
      %dma_wait3A_416 = tpu.memref_slice %arg4[%dma_wait3A_414, %dma_wait3A_415] : memref<40960x64xf32, #tpu.memory_space<hbm>> -> memref<128x64xf32, #tpu.memory_space<hbm>>
      tpu.wait_dma2 semaphore(%arg16 : memref<!tpu.dma_semaphore, #tpu.memory_space<semaphore_mem>>) src(%dma_wait3A_416 : memref<128x64xf32, #tpu.memory_space<hbm>>) dst(%arg11 : memref<128x64xf32, #tpu.memory_space<vmem>>)
      "tpu.region"() ({
        %run_scoped3A = tpu.sem_alloc : memref<!tpu.dma_semaphore, #tpu.memory_space<semaphore_mem>>
        %dma_start3A_431 = arith.constant 0 : i32
        %dma_start3A_432 = arith.constant 0 : i32
        %dma_start3A_433 = tpu.memref_slice %arg13[%dma_start3A_431, %dma_start3A_432] : memref<10240x64xf32, #tpu.memory_space<vmem_shared>> -> memref<10240x64xf32, #tpu.memory_space<vmem_shared>>
        tpu.enqueue_indirect_dma source(%arg11 : memref<128x64xf32, #tpu.memory_space<vmem>>) target(%dma_start3A_433 : memref<10240x64xf32, #tpu.memory_space<vmem_shared>>) offsets(%arg9 : memref<128xi32, #tpu.memory_space<vmem>>) semaphore(%run_scoped3A : memref<!tpu.dma_semaphore, #tpu.memory_space<semaphore_mem>>) {add = true}
        %dma_wait3A_434 = arith.constant 0 : i32
        %dma_wait3A_435 = arith.constant 0 : i32
        %dma_wait3A_436 = tpu.memref_slice %arg13[%dma_wait3A_434, %dma_wait3A_435] : memref<10240x64xf32, #tpu.memory_space<vmem_shared>> -> memref<10240x64xf32, #tpu.memory_space<vmem_shared>>
        tpu.wait_indirect_dma semaphore(%run_scoped3A : memref<!tpu.dma_semaphore, #tpu.memory_space<semaphore_mem>>) src(%arg11 : memref<128x64xf32, #tpu.memory_space<vmem>>) dst(%dma_wait3A_436 : memref<10240x64xf32, #tpu.memory_space<vmem_shared>>)
        tpu.yield
      }) : () -> ()
      %dma_wait3A_417 = arith.constant 0 : i32
      %dma_wait3A_418 = arith.constant 0 : i32
      %dma_wait3A_419 = tpu.memref_slice %arg4[%dma_wait3A_417, %dma_wait3A_418] : memref<40960x64xf32, #tpu.memory_space<hbm>> -> memref<128x64xf32, #tpu.memory_space<hbm>>
      %dma_wait3A_420 = arith.constant 0 : i32
      %dma_wait3A_421 = arith.constant 0 : i32
      %dma_wait3A_422 = tpu.memref_slice %arg4[%dma_wait3A_420, %dma_wait3A_421] : memref<40960x64xf32, #tpu.memory_space<hbm>> -> memref<128x64xf32, #tpu.memory_space<hbm>>
      tpu.wait_dma2 semaphore(%arg17 : memref<!tpu.dma_semaphore, #tpu.memory_space<semaphore_mem>>) src(%dma_wait3A_422 : memref<128x64xf32, #tpu.memory_space<hbm>>) dst(%arg12 : memref<128x64xf32, #tpu.memory_space<vmem>>)
      "tpu.region"() ({
        %run_scoped3A = tpu.sem_alloc : memref<!tpu.dma_semaphore, #tpu.memory_space<semaphore_mem>>
        %dma_start3A_431 = arith.constant 0 : i32
        %dma_start3A_432 = arith.constant 0 : i32
        %dma_start3A_433 = tpu.memref_slice %arg13[%dma_start3A_431, %dma_start3A_432] : memref<10240x64xf32, #tpu.memory_space<vmem_shared>> -> memref<10240x64xf32, #tpu.memory_space<vmem_shared>>
        tpu.enqueue_indirect_dma source(%arg12 : memref<128x64xf32, #tpu.memory_space<vmem>>) target(%dma_start3A_433 : memref<10240x64xf32, #tpu.memory_space<vmem_shared>>) offsets(%arg10 : memref<128xi32, #tpu.memory_space<vmem>>) semaphore(%run_scoped3A : memref<!tpu.dma_semaphore, #tpu.memory_space<semaphore_mem>>) {add = true}
        %dma_wait3A_434 = arith.constant 0 : i32
        %dma_wait3A_435 = arith.constant 0 : i32
        %dma_wait3A_436 = tpu.memref_slice %arg13[%dma_wait3A_434, %dma_wait3A_435] : memref<10240x64xf32, #tpu.memory_space<vmem_shared>> -> memref<10240x64xf32, #tpu.memory_space<vmem_shared>>
        tpu.wait_indirect_dma semaphore(%run_scoped3A : memref<!tpu.dma_semaphore, #tpu.memory_space<semaphore_mem>>) src(%arg12 : memref<128x64xf32, #tpu.memory_space<vmem>>) dst(%dma_wait3A_436 : memref<10240x64xf32, #tpu.memory_space<vmem_shared>>)
        tpu.yield
      }) : () -> ()
      %barrier3A_423 = arith.constant 0 : index
      tpu.barrier barrier_id(%barrier3A_423)
      %mul3A_424 = arith.constant 2 : i32
      %mul3A_425 = arith.muli %arg0, %mul3A_424 : i32
      %add3A_426 = arith.addi %mul3A_425, %scan3A_14 : i32
      %mul3A_427 = arith.constant 10240 : i32
      %mul3A_428 = arith.muli %add3A_426, %mul3A_427 : i32
      %add3A_429 = arith.addi %mul3A_428, %mul3A_5 : i32
      "tpu.region"() ({
        %run_scoped3A = tpu.sem_alloc : memref<!tpu.dma_semaphore, #tpu.memory_space<semaphore_mem>>
        %dma_start3A_431 = arith.constant 0 : i32
        %dma_start3A_432 = tpu.memref_slice %arg4[%add3A_429, %dma_start3A_431] : memref<40960x64xf32, #tpu.memory_space<hbm>> -> memref<640x64xf32, #tpu.memory_space<hbm>>
        %dma_start3A_433 = arith.constant 0 : i32
        %dma_start3A_434 = tpu.memref_slice %arg13[%mul3A_5, %dma_start3A_433] : memref<10240x64xf32, #tpu.memory_space<vmem_shared>> -> memref<640x64xf32, #tpu.memory_space<vmem_shared>>
        tpu.enqueue_dma source(%dma_start3A_434 : memref<640x64xf32, #tpu.memory_space<vmem_shared>>) target(%dma_start3A_432 : memref<640x64xf32, #tpu.memory_space<hbm>>) target_semaphore(%run_scoped3A : memref<!tpu.dma_semaphore, #tpu.memory_space<semaphore_mem>>)
        %dma_wait3A_435 = arith.constant 0 : i32
        %dma_wait3A_436 = tpu.memref_slice %arg4[%add3A_429, %dma_wait3A_435] : memref<40960x64xf32, #tpu.memory_space<hbm>> -> memref<640x64xf32, #tpu.memory_space<hbm>>
        %dma_wait3A_437 = arith.constant 0 : i32
        %dma_wait3A_438 = tpu.memref_slice %arg13[%mul3A_5, %dma_wait3A_437] : memref<10240x64xf32, #tpu.memory_space<vmem_shared>> -> memref<640x64xf32, #tpu.memory_space<vmem_shared>>
        tpu.wait_dma2 semaphore(%run_scoped3A : memref<!tpu.dma_semaphore, #tpu.memory_space<semaphore_mem>>) src(%dma_wait3A_438 : memref<640x64xf32, #tpu.memory_space<vmem_shared>>) dst(%dma_wait3A_436 : memref<640x64xf32, #tpu.memory_space<hbm>>)
        tpu.yield
      }) : () -> ()
      %barrier3A_430 = arith.constant 0 : index
      tpu.barrier barrier_id(%barrier3A_430)
    }
    %scan3A_13 = arith.constant 2 : i32
    return
  }
}

#map = affine_map<(d0, d1) -> (0)>
module attributes {stable_mosaic.version = 14 : i64} {
  func.func @_sc_counts_body(%arg0: i32, %arg1: i32, %arg2: memref<323584xi32, #tpu.memory_space<hbm>>, %arg3: memref<20480xf32, #tpu.memory_space<hbm>>, %arg4: memref<128xi32, #tpu.memory_space<vmem>>, %arg5: memref<128xi32, #tpu.memory_space<vmem>>, %arg6: memref<128xi32, #tpu.memory_space<vmem>>, %arg7: memref<128xi32, #tpu.memory_space<vmem>>, %arg8: memref<128xi32, #tpu.memory_space<vmem>>, %arg9: memref<128xf32, #tpu.memory_space<vmem>>, %arg10: memref<128xf32, #tpu.memory_space<vmem>>, %arg11: memref<10240xf32, #tpu.memory_space<vmem_shared>>, %arg12: memref<!tpu.dma_semaphore, #tpu.memory_space<semaphore_mem>>, %arg13: memref<!tpu.dma_semaphore, #tpu.memory_space<semaphore_mem>>) attributes {dimension_semantics = [#tpu.dimension_semantics<core_parallel>, #tpu.dimension_semantics<subcore_parallel>], iteration_bounds = array<i64: 2, 16>, scalar_prefetch = 0 : i64, scratch_operands = 10 : i64, tpu.core_type = #tpu.core_type<sc_vector_subcore>, window_params = [{transform_indices = #map}, {transform_indices = #map}]} {
    %broadcast_in_dim3A = arith.constant 0.000000e+00 : f32
    %broadcast_in_dim3A_0 = vector.broadcast %broadcast_in_dim3A : f32 to vector<16xf32>
    %swap3A = arith.constant 0 : index
    %swap3A_1 = tpu.vector_load %arg10[%swap3A] {strides = array<i32>} : memref<128xf32, #tpu.memory_space<vmem>>, vector<16xf32>,
    %swap3A_2 = vector.shape_cast %swap3A_1 : vector<16xf32> to vector<16xf32>
    %swap3A_3 = vector.shape_cast %broadcast_in_dim3A_0 : vector<16xf32> to vector<16xf32>
    tpu.vector_store %arg10[%swap3A], %swap3A_3 {strides = array<i32>} : memref<128xf32, #tpu.memory_space<vmem>>, vector<16xf32>,
    %broadcast_in_dim3A_4 = arith.constant 0.000000e+00 : f32
    %broadcast_in_dim3A_5 = vector.broadcast %broadcast_in_dim3A_4 : f32 to vector<16xf32>
    %swap3A_6 = arith.constant 16 : index
    %swap3A_7 = tpu.vector_load %arg10[%swap3A_6] {strides = array<i32>} : memref<128xf32, #tpu.memory_space<vmem>>, vector<16xf32>,
    %swap3A_8 = vector.shape_cast %swap3A_7 : vector<16xf32> to vector<16xf32>
    %swap3A_9 = vector.shape_cast %broadcast_in_dim3A_5 : vector<16xf32> to vector<16xf32>
    tpu.vector_store %arg10[%swap3A_6], %swap3A_9 {strides = array<i32>} : memref<128xf32, #tpu.memory_space<vmem>>, vector<16xf32>,
    %broadcast_in_dim3A_10 = arith.constant 0.000000e+00 : f32
    %broadcast_in_dim3A_11 = vector.broadcast %broadcast_in_dim3A_10 : f32 to vector<16xf32>
    %swap3A_12 = arith.constant 32 : index
    %swap3A_13 = tpu.vector_load %arg10[%swap3A_12] {strides = array<i32>} : memref<128xf32, #tpu.memory_space<vmem>>, vector<16xf32>,
    %swap3A_14 = vector.shape_cast %swap3A_13 : vector<16xf32> to vector<16xf32>
    %swap3A_15 = vector.shape_cast %broadcast_in_dim3A_11 : vector<16xf32> to vector<16xf32>
    tpu.vector_store %arg10[%swap3A_12], %swap3A_15 {strides = array<i32>} : memref<128xf32, #tpu.memory_space<vmem>>, vector<16xf32>,
    %broadcast_in_dim3A_16 = arith.constant 0.000000e+00 : f32
    %broadcast_in_dim3A_17 = vector.broadcast %broadcast_in_dim3A_16 : f32 to vector<16xf32>
    %swap3A_18 = arith.constant 48 : index
    %swap3A_19 = tpu.vector_load %arg10[%swap3A_18] {strides = array<i32>} : memref<128xf32, #tpu.memory_space<vmem>>, vector<16xf32>,
    %swap3A_20 = vector.shape_cast %swap3A_19 : vector<16xf32> to vector<16xf32>
    %swap3A_21 = vector.shape_cast %broadcast_in_dim3A_17 : vector<16xf32> to vector<16xf32>
    tpu.vector_store %arg10[%swap3A_18], %swap3A_21 {strides = array<i32>} : memref<128xf32, #tpu.memory_space<vmem>>, vector<16xf32>,
    %broadcast_in_dim3A_22 = arith.constant 0.000000e+00 : f32
    %broadcast_in_dim3A_23 = vector.broadcast %broadcast_in_dim3A_22 : f32 to vector<16xf32>
    %swap3A_24 = arith.constant 64 : index
    %swap3A_25 = tpu.vector_load %arg10[%swap3A_24] {strides = array<i32>} : memref<128xf32, #tpu.memory_space<vmem>>, vector<16xf32>,
    %swap3A_26 = vector.shape_cast %swap3A_25 : vector<16xf32> to vector<16xf32>
    %swap3A_27 = vector.shape_cast %broadcast_in_dim3A_23 : vector<16xf32> to vector<16xf32>
    tpu.vector_store %arg10[%swap3A_24], %swap3A_27 {strides = array<i32>} : memref<128xf32, #tpu.memory_space<vmem>>, vector<16xf32>,
    %broadcast_in_dim3A_28 = arith.constant 0.000000e+00 : f32
    %broadcast_in_dim3A_29 = vector.broadcast %broadcast_in_dim3A_28 : f32 to vector<16xf32>
    %swap3A_30 = arith.constant 80 : index
    %swap3A_31 = tpu.vector_load %arg10[%swap3A_30] {strides = array<i32>} : memref<128xf32, #tpu.memory_space<vmem>>, vector<16xf32>,
    %swap3A_32 = vector.shape_cast %swap3A_31 : vector<16xf32> to vector<16xf32>
    %swap3A_33 = vector.shape_cast %broadcast_in_dim3A_29 : vector<16xf32> to vector<16xf32>
    tpu.vector_store %arg10[%swap3A_30], %swap3A_33 {strides = array<i32>} : memref<128xf32, #tpu.memory_space<vmem>>, vector<16xf32>,
    %broadcast_in_dim3A_34 = arith.constant 0.000000e+00 : f32
    %broadcast_in_dim3A_35 = vector.broadcast %broadcast_in_dim3A_34 : f32 to vector<16xf32>
    %swap3A_36 = arith.constant 96 : index
    %swap3A_37 = tpu.vector_load %arg10[%swap3A_36] {strides = array<i32>} : memref<128xf32, #tpu.memory_space<vmem>>, vector<16xf32>,
    %swap3A_38 = vector.shape_cast %swap3A_37 : vector<16xf32> to vector<16xf32>
    %swap3A_39 = vector.shape_cast %broadcast_in_dim3A_35 : vector<16xf32> to vector<16xf32>
    tpu.vector_store %arg10[%swap3A_36], %swap3A_39 {strides = array<i32>} : memref<128xf32, #tpu.memory_space<vmem>>, vector<16xf32>,
    %broadcast_in_dim3A_40 = arith.constant 0.000000e+00 : f32
    %broadcast_in_dim3A_41 = vector.broadcast %broadcast_in_dim3A_40 : f32 to vector<16xf32>
    %swap3A_42 = arith.constant 112 : index
    %swap3A_43 = tpu.vector_load %arg10[%swap3A_42] {strides = array<i32>} : memref<128xf32, #tpu.memory_space<vmem>>, vector<16xf32>,
    %swap3A_44 = vector.shape_cast %swap3A_43 : vector<16xf32> to vector<16xf32>
    %swap3A_45 = vector.shape_cast %broadcast_in_dim3A_41 : vector<16xf32> to vector<16xf32>
    tpu.vector_store %arg10[%swap3A_42], %swap3A_45 {strides = array<i32>} : memref<128xf32, #tpu.memory_space<vmem>>, vector<16xf32>,
    %broadcast_in_dim3A_46 = arith.constant 1.000000e+00 : f32
    %broadcast_in_dim3A_47 = vector.broadcast %broadcast_in_dim3A_46 : f32 to vector<16xf32>
    %swap3A_48 = arith.constant 0 : index
    %swap3A_49 = tpu.vector_load %arg9[%swap3A_48] {strides = array<i32>} : memref<128xf32, #tpu.memory_space<vmem>>, vector<16xf32>,
    %swap3A_50 = vector.shape_cast %swap3A_49 : vector<16xf32> to vector<16xf32>
    %swap3A_51 = vector.shape_cast %broadcast_in_dim3A_47 : vector<16xf32> to vector<16xf32>
    tpu.vector_store %arg9[%swap3A_48], %swap3A_51 {strides = array<i32>} : memref<128xf32, #tpu.memory_space<vmem>>, vector<16xf32>,
    %broadcast_in_dim3A_52 = arith.constant 1.000000e+00 : f32
    %broadcast_in_dim3A_53 = vector.broadcast %broadcast_in_dim3A_52 : f32 to vector<16xf32>
    %swap3A_54 = arith.constant 16 : index
    %swap3A_55 = tpu.vector_load %arg9[%swap3A_54] {strides = array<i32>} : memref<128xf32, #tpu.memory_space<vmem>>, vector<16xf32>,
    %swap3A_56 = vector.shape_cast %swap3A_55 : vector<16xf32> to vector<16xf32>
    %swap3A_57 = vector.shape_cast %broadcast_in_dim3A_53 : vector<16xf32> to vector<16xf32>
    tpu.vector_store %arg9[%swap3A_54], %swap3A_57 {strides = array<i32>} : memref<128xf32, #tpu.memory_space<vmem>>, vector<16xf32>,
    %broadcast_in_dim3A_58 = arith.constant 1.000000e+00 : f32
    %broadcast_in_dim3A_59 = vector.broadcast %broadcast_in_dim3A_58 : f32 to vector<16xf32>
    %swap3A_60 = arith.constant 32 : index
    %swap3A_61 = tpu.vector_load %arg9[%swap3A_60] {strides = array<i32>} : memref<128xf32, #tpu.memory_space<vmem>>, vector<16xf32>,
    %swap3A_62 = vector.shape_cast %swap3A_61 : vector<16xf32> to vector<16xf32>
    %swap3A_63 = vector.shape_cast %broadcast_in_dim3A_59 : vector<16xf32> to vector<16xf32>
    tpu.vector_store %arg9[%swap3A_60], %swap3A_63 {strides = array<i32>} : memref<128xf32, #tpu.memory_space<vmem>>, vector<16xf32>,
    %broadcast_in_dim3A_64 = arith.constant 1.000000e+00 : f32
    %broadcast_in_dim3A_65 = vector.broadcast %broadcast_in_dim3A_64 : f32 to vector<16xf32>
    %swap3A_66 = arith.constant 48 : index
    %swap3A_67 = tpu.vector_load %arg9[%swap3A_66] {strides = array<i32>} : memref<128xf32, #tpu.memory_space<vmem>>, vector<16xf32>,
    %swap3A_68 = vector.shape_cast %swap3A_67 : vector<16xf32> to vector<16xf32>
    %swap3A_69 = vector.shape_cast %broadcast_in_dim3A_65 : vector<16xf32> to vector<16xf32>
    tpu.vector_store %arg9[%swap3A_66], %swap3A_69 {strides = array<i32>} : memref<128xf32, #tpu.memory_space<vmem>>, vector<16xf32>,
    %broadcast_in_dim3A_70 = arith.constant 1.000000e+00 : f32
    %broadcast_in_dim3A_71 = vector.broadcast %broadcast_in_dim3A_70 : f32 to vector<16xf32>
    %swap3A_72 = arith.constant 64 : index
    %swap3A_73 = tpu.vector_load %arg9[%swap3A_72] {strides = array<i32>} : memref<128xf32, #tpu.memory_space<vmem>>, vector<16xf32>,
    %swap3A_74 = vector.shape_cast %swap3A_73 : vector<16xf32> to vector<16xf32>
    %swap3A_75 = vector.shape_cast %broadcast_in_dim3A_71 : vector<16xf32> to vector<16xf32>
    tpu.vector_store %arg9[%swap3A_72], %swap3A_75 {strides = array<i32>} : memref<128xf32, #tpu.memory_space<vmem>>, vector<16xf32>,
    %broadcast_in_dim3A_76 = arith.constant 1.000000e+00 : f32
    %broadcast_in_dim3A_77 = vector.broadcast %broadcast_in_dim3A_76 : f32 to vector<16xf32>
    %swap3A_78 = arith.constant 80 : index
    %swap3A_79 = tpu.vector_load %arg9[%swap3A_78] {strides = array<i32>} : memref<128xf32, #tpu.memory_space<vmem>>, vector<16xf32>,
    %swap3A_80 = vector.shape_cast %swap3A_79 : vector<16xf32> to vector<16xf32>
    %swap3A_81 = vector.shape_cast %broadcast_in_dim3A_77 : vector<16xf32> to vector<16xf32>
    tpu.vector_store %arg9[%swap3A_78], %swap3A_81 {strides = array<i32>} : memref<128xf32, #tpu.memory_space<vmem>>, vector<16xf32>,
    %broadcast_in_dim3A_82 = arith.constant 1.000000e+00 : f32
    %broadcast_in_dim3A_83 = vector.broadcast %broadcast_in_dim3A_82 : f32 to vector<16xf32>
    %swap3A_84 = arith.constant 96 : index
    %swap3A_85 = tpu.vector_load %arg9[%swap3A_84] {strides = array<i32>} : memref<128xf32, #tpu.memory_space<vmem>>, vector<16xf32>,
    %swap3A_86 = vector.shape_cast %swap3A_85 : vector<16xf32> to vector<16xf32>
    %swap3A_87 = vector.shape_cast %broadcast_in_dim3A_83 : vector<16xf32> to vector<16xf32>
    tpu.vector_store %arg9[%swap3A_84], %swap3A_87 {strides = array<i32>} : memref<128xf32, #tpu.memory_space<vmem>>, vector<16xf32>,
    %broadcast_in_dim3A_88 = arith.constant 1.000000e+00 : f32
    %broadcast_in_dim3A_89 = vector.broadcast %broadcast_in_dim3A_88 : f32 to vector<16xf32>
    %swap3A_90 = arith.constant 112 : index
    %swap3A_91 = tpu.vector_load %arg9[%swap3A_90] {strides = array<i32>} : memref<128xf32, #tpu.memory_space<vmem>>, vector<16xf32>,
    %swap3A_92 = vector.shape_cast %swap3A_91 : vector<16xf32> to vector<16xf32>
    %swap3A_93 = vector.shape_cast %broadcast_in_dim3A_89 : vector<16xf32> to vector<16xf32>
    tpu.vector_store %arg9[%swap3A_90], %swap3A_93 {strides = array<i32>} : memref<128xf32, #tpu.memory_space<vmem>>, vector<16xf32>,
    %mul3A = arith.constant 640 : i32
    %mul3A_94 = arith.muli %arg1, %mul3A : i32
    %add3A = arith.constant 0 : i32
    %add3A_95 = arith.addi %mul3A_94, %add3A : i32
    "tpu.region"() ({
      %run_scoped3A = tpu.sem_alloc : memref<!tpu.dma_semaphore, #tpu.memory_space<semaphore_mem>>
      %dma_start3A_122 = tpu.memref_slice %arg11[%add3A_95] : memref<10240xf32, #tpu.memory_space<vmem_shared>> -> memref<128xf32, #tpu.memory_space<vmem_shared>>
      %dma_start3A_123 = tpu.memref_slice %arg11[%add3A_95] : memref<10240xf32, #tpu.memory_space<vmem_shared>> -> memref<128xf32, #tpu.memory_space<vmem_shared>>
      tpu.enqueue_dma source(%arg10 : memref<128xf32, #tpu.memory_space<vmem>>) target(%dma_start3A_123 : memref<128xf32, #tpu.memory_space<vmem_shared>>) target_semaphore(%run_scoped3A : memref<!tpu.dma_semaphore, #tpu.memory_space<semaphore_mem>>)
      %dma_wait3A = tpu.memref_slice %arg11[%add3A_95] : memref<10240xf32, #tpu.memory_space<vmem_shared>> -> memref<128xf32, #tpu.memory_space<vmem_shared>>
      %dma_wait3A_124 = tpu.memref_slice %arg11[%add3A_95] : memref<10240xf32, #tpu.memory_space<vmem_shared>> -> memref<128xf32, #tpu.memory_space<vmem_shared>>
      tpu.wait_dma2 semaphore(%run_scoped3A : memref<!tpu.dma_semaphore, #tpu.memory_space<semaphore_mem>>) src(%arg10 : memref<128xf32, #tpu.memory_space<vmem>>) dst(%dma_wait3A_124 : memref<128xf32, #tpu.memory_space<vmem_shared>>)
      tpu.yield
    }) : () -> ()
    %add3A_96 = arith.constant 128 : i32
    %add3A_97 = arith.addi %mul3A_94, %add3A_96 : i32
    "tpu.region"() ({
      %run_scoped3A = tpu.sem_alloc : memref<!tpu.dma_semaphore, #tpu.memory_space<semaphore_mem>>
      %dma_start3A_122 = tpu.memref_slice %arg11[%add3A_97] : memref<10240xf32, #tpu.memory_space<vmem_shared>> -> memref<128xf32, #tpu.memory_space<vmem_shared>>
      %dma_start3A_123 = tpu.memref_slice %arg11[%add3A_97] : memref<10240xf32, #tpu.memory_space<vmem_shared>> -> memref<128xf32, #tpu.memory_space<vmem_shared>>
      tpu.enqueue_dma source(%arg10 : memref<128xf32, #tpu.memory_space<vmem>>) target(%dma_start3A_123 : memref<128xf32, #tpu.memory_space<vmem_shared>>) target_semaphore(%run_scoped3A : memref<!tpu.dma_semaphore, #tpu.memory_space<semaphore_mem>>)
      %dma_wait3A = tpu.memref_slice %arg11[%add3A_97] : memref<10240xf32, #tpu.memory_space<vmem_shared>> -> memref<128xf32, #tpu.memory_space<vmem_shared>>
      %dma_wait3A_124 = tpu.memref_slice %arg11[%add3A_97] : memref<10240xf32, #tpu.memory_space<vmem_shared>> -> memref<128xf32, #tpu.memory_space<vmem_shared>>
      tpu.wait_dma2 semaphore(%run_scoped3A : memref<!tpu.dma_semaphore, #tpu.memory_space<semaphore_mem>>) src(%arg10 : memref<128xf32, #tpu.memory_space<vmem>>) dst(%dma_wait3A_124 : memref<128xf32, #tpu.memory_space<vmem_shared>>)
      tpu.yield
    }) : () -> ()
    %add3A_98 = arith.constant 256 : i32
    %add3A_99 = arith.addi %mul3A_94, %add3A_98 : i32
    "tpu.region"() ({
      %run_scoped3A = tpu.sem_alloc : memref<!tpu.dma_semaphore, #tpu.memory_space<semaphore_mem>>
      %dma_start3A_122 = tpu.memref_slice %arg11[%add3A_99] : memref<10240xf32, #tpu.memory_space<vmem_shared>> -> memref<128xf32, #tpu.memory_space<vmem_shared>>
      %dma_start3A_123 = tpu.memref_slice %arg11[%add3A_99] : memref<10240xf32, #tpu.memory_space<vmem_shared>> -> memref<128xf32, #tpu.memory_space<vmem_shared>>
      tpu.enqueue_dma source(%arg10 : memref<128xf32, #tpu.memory_space<vmem>>) target(%dma_start3A_123 : memref<128xf32, #tpu.memory_space<vmem_shared>>) target_semaphore(%run_scoped3A : memref<!tpu.dma_semaphore, #tpu.memory_space<semaphore_mem>>)
      %dma_wait3A = tpu.memref_slice %arg11[%add3A_99] : memref<10240xf32, #tpu.memory_space<vmem_shared>> -> memref<128xf32, #tpu.memory_space<vmem_shared>>
      %dma_wait3A_124 = tpu.memref_slice %arg11[%add3A_99] : memref<10240xf32, #tpu.memory_space<vmem_shared>> -> memref<128xf32, #tpu.memory_space<vmem_shared>>
      tpu.wait_dma2 semaphore(%run_scoped3A : memref<!tpu.dma_semaphore, #tpu.memory_space<semaphore_mem>>) src(%arg10 : memref<128xf32, #tpu.memory_space<vmem>>) dst(%dma_wait3A_124 : memref<128xf32, #tpu.memory_space<vmem_shared>>)
      tpu.yield
    }) : () -> ()
    %add3A_100 = arith.constant 384 : i32
    %add3A_101 = arith.addi %mul3A_94, %add3A_100 : i32
    "tpu.region"() ({
      %run_scoped3A = tpu.sem_alloc : memref<!tpu.dma_semaphore, #tpu.memory_space<semaphore_mem>>
      %dma_start3A_122 = tpu.memref_slice %arg11[%add3A_101] : memref<10240xf32, #tpu.memory_space<vmem_shared>> -> memref<128xf32, #tpu.memory_space<vmem_shared>>
      %dma_start3A_123 = tpu.memref_slice %arg11[%add3A_101] : memref<10240xf32, #tpu.memory_space<vmem_shared>> -> memref<128xf32, #tpu.memory_space<vmem_shared>>
      tpu.enqueue_dma source(%arg10 : memref<128xf32, #tpu.memory_space<vmem>>) target(%dma_start3A_123 : memref<128xf32, #tpu.memory_space<vmem_shared>>) target_semaphore(%run_scoped3A : memref<!tpu.dma_semaphore, #tpu.memory_space<semaphore_mem>>)
      %dma_wait3A = tpu.memref_slice %arg11[%add3A_101] : memref<10240xf32, #tpu.memory_space<vmem_shared>> -> memref<128xf32, #tpu.memory_space<vmem_shared>>
      %dma_wait3A_124 = tpu.memref_slice %arg11[%add3A_101] : memref<10240xf32, #tpu.memory_space<vmem_shared>> -> memref<128xf32, #tpu.memory_space<vmem_shared>>
      tpu.wait_dma2 semaphore(%run_scoped3A : memref<!tpu.dma_semaphore, #tpu.memory_space<semaphore_mem>>) src(%arg10 : memref<128xf32, #tpu.memory_space<vmem>>) dst(%dma_wait3A_124 : memref<128xf32, #tpu.memory_space<vmem_shared>>)
      tpu.yield
    }) : () -> ()
    %add3A_102 = arith.constant 512 : i32
    %add3A_103 = arith.addi %mul3A_94, %add3A_102 : i32
    "tpu.region"() ({
      %run_scoped3A = tpu.sem_alloc : memref<!tpu.dma_semaphore, #tpu.memory_space<semaphore_mem>>
      %dma_start3A_122 = tpu.memref_slice %arg11[%add3A_103] : memref<10240xf32, #tpu.memory_space<vmem_shared>> -> memref<128xf32, #tpu.memory_space<vmem_shared>>
      %dma_start3A_123 = tpu.memref_slice %arg11[%add3A_103] : memref<10240xf32, #tpu.memory_space<vmem_shared>> -> memref<128xf32, #tpu.memory_space<vmem_shared>>
      tpu.enqueue_dma source(%arg10 : memref<128xf32, #tpu.memory_space<vmem>>) target(%dma_start3A_123 : memref<128xf32, #tpu.memory_space<vmem_shared>>) target_semaphore(%run_scoped3A : memref<!tpu.dma_semaphore, #tpu.memory_space<semaphore_mem>>)
      %dma_wait3A = tpu.memref_slice %arg11[%add3A_103] : memref<10240xf32, #tpu.memory_space<vmem_shared>> -> memref<128xf32, #tpu.memory_space<vmem_shared>>
      %dma_wait3A_124 = tpu.memref_slice %arg11[%add3A_103] : memref<10240xf32, #tpu.memory_space<vmem_shared>> -> memref<128xf32, #tpu.memory_space<vmem_shared>>
      tpu.wait_dma2 semaphore(%run_scoped3A : memref<!tpu.dma_semaphore, #tpu.memory_space<semaphore_mem>>) src(%arg10 : memref<128xf32, #tpu.memory_space<vmem>>) dst(%dma_wait3A_124 : memref<128xf32, #tpu.memory_space<vmem_shared>>)
      tpu.yield
    }) : () -> ()
    %barrier3A = arith.constant 0 : index
    tpu.barrier barrier_id(%barrier3A)
    %mul3A_104 = arith.constant 20224 : i32
    %mul3A_105 = arith.muli %arg1, %mul3A_104 : i32
    %add3A_106 = arith.constant 0 : i32
    %add3A_107 = arith.addi %mul3A_105, %add3A_106 : i32
    %dma_start3A = tpu.memref_slice %arg2[%add3A_107] : memref<323584xi32, #tpu.memory_space<hbm>> -> memref<128xi32, #tpu.memory_space<hbm>>
    %dma_start3A_108 = tpu.memref_slice %arg2[%add3A_107] : memref<323584xi32, #tpu.memory_space<hbm>> -> memref<128xi32, #tpu.memory_space<hbm>>
    tpu.enqueue_dma source(%dma_start3A_108 : memref<128xi32, #tpu.memory_space<hbm>>) target(%arg4 : memref<128xi32, #tpu.memory_space<vmem>>) target_semaphore(%arg12 : memref<!tpu.dma_semaphore, #tpu.memory_space<semaphore_mem>>)
    %scan3A = arith.constant 0 : i32
    %scan3A_109 = arith.constant 0 : i32
    %scan3A_110 = arith.constant 79 : i32
    %scan3A_111 = arith.addi %scan3A_109, %scan3A_110 : i32
    %scan3A_112 = arith.constant 1 : i32
    scf.for %scan3A_122 = %scan3A_109 to %scan3A_111 step %scan3A_112  : i32 {
      %mul3A_123 = arith.constant 2 : i32
      %mul3A_124 = arith.muli %mul3A_123, %scan3A_122 : i32
      %add3A_125 = arith.constant 1 : i32
      %add3A_126 = arith.addi %mul3A_124, %add3A_125 : i32
      %mul3A_127 = arith.constant 128 : i32
      %mul3A_128 = arith.muli %add3A_126, %mul3A_127 : i32
      %add3A_129 = arith.addi %mul3A_105, %mul3A_128 : i32
      %dma_start3A_130 = tpu.memref_slice %arg2[%add3A_129] : memref<323584xi32, #tpu.memory_space<hbm>> -> memref<128xi32, #tpu.memory_space<hbm>>
      %dma_start3A_131 = tpu.memref_slice %arg2[%add3A_129] : memref<323584xi32, #tpu.memory_space<hbm>> -> memref<128xi32, #tpu.memory_space<hbm>>
      tpu.enqueue_dma source(%dma_start3A_131 : memref<128xi32, #tpu.memory_space<hbm>>) target(%arg5 : memref<128xi32, #tpu.memory_space<vmem>>) target_semaphore(%arg13 : memref<!tpu.dma_semaphore, #tpu.memory_space<semaphore_mem>>)
      %dma_wait3A = arith.constant 0 : i32
      %dma_wait3A_132 = tpu.memref_slice %arg2[%dma_wait3A] : memref<323584xi32, #tpu.memory_space<hbm>> -> memref<128xi32, #tpu.memory_space<hbm>>
      %dma_wait3A_133 = arith.constant 0 : i32
      %dma_wait3A_134 = tpu.memref_slice %arg2[%dma_wait3A_133] : memref<323584xi32, #tpu.memory_space<hbm>> -> memref<128xi32, #tpu.memory_space<hbm>>
      tpu.wait_dma2 semaphore(%arg12 : memref<!tpu.dma_semaphore, #tpu.memory_space<semaphore_mem>>) src(%dma_wait3A_134 : memref<128xi32, #tpu.memory_space<hbm>>) dst(%arg4 : memref<128xi32, #tpu.memory_space<vmem>>)
      %get3A = arith.constant 0 : index
      %get3A_135 = tpu.vector_load %arg4[%get3A] {strides = array<i32>} : memref<128xi32, #tpu.memory_space<vmem>>, vector<16xi32>,
      %get3A_136 = vector.shape_cast %get3A_135 : vector<16xi32> to vector<16xi32>
      %and3A = arith.constant 16383 : i32
      %and3A_137 = vector.broadcast %and3A : i32 to vector<16xi32>
      %and3A_138 = arith.andi %get3A_136, %and3A_137 : vector<16xi32>
      %shift_right_logical3A = arith.constant 14 : i32
      %shift_right_logical3A_139 = vector.broadcast %shift_right_logical3A : i32 to vector<16xi32>
      %shift_right_logical3A_140 = arith.shrui %get3A_136, %shift_right_logical3A_139 : vector<16xi32>
      %eq3A_141 = arith.constant 0 : i32
      %eq3A_142 = arith.cmpi eq, %arg0, %eq3A_141 : i32
      %select_n3A = arith.select %eq3A_142, %shift_right_logical3A_140, %and3A_138 : vector<16xi32>
      %swap3A_143 = arith.constant 0 : index
      %swap3A_144 = tpu.vector_load %arg7[%swap3A_143] {strides = array<i32>} : memref<128xi32, #tpu.memory_space<vmem>>, vector<16xi32>,
      %swap3A_145 = vector.shape_cast %swap3A_144 : vector<16xi32> to vector<16xi32>
      %swap3A_146 = vector.shape_cast %select_n3A : vector<16xi32> to vector<16xi32>
      tpu.vector_store %arg7[%swap3A_143], %swap3A_146 {strides = array<i32>} : memref<128xi32, #tpu.memory_space<vmem>>, vector<16xi32>,
      %get3A_147 = arith.constant 16 : index
      %get3A_148 = tpu.vector_load %arg4[%get3A_147] {strides = array<i32>} : memref<128xi32, #tpu.memory_space<vmem>>, vector<16xi32>,
      %get3A_149 = vector.shape_cast %get3A_148 : vector<16xi32> to vector<16xi32>
      %and3A_150 = arith.constant 16383 : i32
      %and3A_151 = vector.broadcast %and3A_150 : i32 to vector<16xi32>
      %and3A_152 = arith.andi %get3A_149, %and3A_151 : vector<16xi32>
      %shift_right_logical3A_153 = arith.constant 14 : i32
      %shift_right_logical3A_154 = vector.broadcast %shift_right_logical3A_153 : i32 to vector<16xi32>
      %shift_right_logical3A_155 = arith.shrui %get3A_149, %shift_right_logical3A_154 : vector<16xi32>
      %eq3A_156 = arith.constant 0 : i32
      %eq3A_157 = arith.cmpi eq, %arg0, %eq3A_156 : i32
      %select_n3A_158 = arith.select %eq3A_157, %shift_right_logical3A_155, %and3A_152 : vector<16xi32>
      %swap3A_159 = arith.constant 16 : index
      %swap3A_160 = tpu.vector_load %arg7[%swap3A_159] {strides = array<i32>} : memref<128xi32, #tpu.memory_space<vmem>>, vector<16xi32>,
      %swap3A_161 = vector.shape_cast %swap3A_160 : vector<16xi32> to vector<16xi32>
      %swap3A_162 = vector.shape_cast %select_n3A_158 : vector<16xi32> to vector<16xi32>
      tpu.vector_store %arg7[%swap3A_159], %swap3A_162 {strides = array<i32>} : memref<128xi32, #tpu.memory_space<vmem>>, vector<16xi32>,
      %get3A_163 = arith.constant 32 : index
      %get3A_164 = tpu.vector_load %arg4[%get3A_163] {strides = array<i32>} : memref<128xi32, #tpu.memory_space<vmem>>, vector<16xi32>,
      %get3A_165 = vector.shape_cast %get3A_164 : vector<16xi32> to vector<16xi32>
      %and3A_166 = arith.constant 16383 : i32
      %and3A_167 = vector.broadcast %and3A_166 : i32 to vector<16xi32>
      %and3A_168 = arith.andi %get3A_165, %and3A_167 : vector<16xi32>
      %shift_right_logical3A_169 = arith.constant 14 : i32
      %shift_right_logical3A_170 = vector.broadcast %shift_right_logical3A_169 : i32 to vector<16xi32>
      %shift_right_logical3A_171 = arith.shrui %get3A_165, %shift_right_logical3A_170 : vector<16xi32>
      %eq3A_172 = arith.constant 0 : i32
      %eq3A_173 = arith.cmpi eq, %arg0, %eq3A_172 : i32
      %select_n3A_174 = arith.select %eq3A_173, %shift_right_logical3A_171, %and3A_168 : vector<16xi32>
      %swap3A_175 = arith.constant 32 : index
      %swap3A_176 = tpu.vector_load %arg7[%swap3A_175] {strides = array<i32>} : memref<128xi32, #tpu.memory_space<vmem>>, vector<16xi32>,
      %swap3A_177 = vector.shape_cast %swap3A_176 : vector<16xi32> to vector<16xi32>
      %swap3A_178 = vector.shape_cast %select_n3A_174 : vector<16xi32> to vector<16xi32>
      tpu.vector_store %arg7[%swap3A_175], %swap3A_178 {strides = array<i32>} : memref<128xi32, #tpu.memory_space<vmem>>, vector<16xi32>,
      %get3A_179 = arith.constant 48 : index
      %get3A_180 = tpu.vector_load %arg4[%get3A_179] {strides = array<i32>} : memref<128xi32, #tpu.memory_space<vmem>>, vector<16xi32>,
      %get3A_181 = vector.shape_cast %get3A_180 : vector<16xi32> to vector<16xi32>
      %and3A_182 = arith.constant 16383 : i32
      %and3A_183 = vector.broadcast %and3A_182 : i32 to vector<16xi32>
      %and3A_184 = arith.andi %get3A_181, %and3A_183 : vector<16xi32>
      %shift_right_logical3A_185 = arith.constant 14 : i32
      %shift_right_logical3A_186 = vector.broadcast %shift_right_logical3A_185 : i32 to vector<16xi32>
      %shift_right_logical3A_187 = arith.shrui %get3A_181, %shift_right_logical3A_186 : vector<16xi32>
      %eq3A_188 = arith.constant 0 : i32
      %eq3A_189 = arith.cmpi eq, %arg0, %eq3A_188 : i32
      %select_n3A_190 = arith.select %eq3A_189, %shift_right_logical3A_187, %and3A_184 : vector<16xi32>
      %swap3A_191 = arith.constant 48 : index
      %swap3A_192 = tpu.vector_load %arg7[%swap3A_191] {strides = array<i32>} : memref<128xi32, #tpu.memory_space<vmem>>, vector<16xi32>,
      %swap3A_193 = vector.shape_cast %swap3A_192 : vector<16xi32> to vector<16xi32>
      %swap3A_194 = vector.shape_cast %select_n3A_190 : vector<16xi32> to vector<16xi32>
      tpu.vector_store %arg7[%swap3A_191], %swap3A_194 {strides = array<i32>} : memref<128xi32, #tpu.memory_space<vmem>>, vector<16xi32>,
      %get3A_195 = arith.constant 64 : index
      %get3A_196 = tpu.vector_load %arg4[%get3A_195] {strides = array<i32>} : memref<128xi32, #tpu.memory_space<vmem>>, vector<16xi32>,
      %get3A_197 = vector.shape_cast %get3A_196 : vector<16xi32> to vector<16xi32>
      %and3A_198 = arith.constant 16383 : i32
      %and3A_199 = vector.broadcast %and3A_198 : i32 to vector<16xi32>
      %and3A_200 = arith.andi %get3A_197, %and3A_199 : vector<16xi32>
      %shift_right_logical3A_201 = arith.constant 14 : i32
      %shift_right_logical3A_202 = vector.broadcast %shift_right_logical3A_201 : i32 to vector<16xi32>
      %shift_right_logical3A_203 = arith.shrui %get3A_197, %shift_right_logical3A_202 : vector<16xi32>
      %eq3A_204 = arith.constant 0 : i32
      %eq3A_205 = arith.cmpi eq, %arg0, %eq3A_204 : i32
      %select_n3A_206 = arith.select %eq3A_205, %shift_right_logical3A_203, %and3A_200 : vector<16xi32>
      %swap3A_207 = arith.constant 64 : index
      %swap3A_208 = tpu.vector_load %arg7[%swap3A_207] {strides = array<i32>} : memref<128xi32, #tpu.memory_space<vmem>>, vector<16xi32>,
      %swap3A_209 = vector.shape_cast %swap3A_208 : vector<16xi32> to vector<16xi32>
      %swap3A_210 = vector.shape_cast %select_n3A_206 : vector<16xi32> to vector<16xi32>
      tpu.vector_store %arg7[%swap3A_207], %swap3A_210 {strides = array<i32>} : memref<128xi32, #tpu.memory_space<vmem>>, vector<16xi32>,
      %get3A_211 = arith.constant 80 : index
      %get3A_212 = tpu.vector_load %arg4[%get3A_211] {strides = array<i32>} : memref<128xi32, #tpu.memory_space<vmem>>, vector<16xi32>,
      %get3A_213 = vector.shape_cast %get3A_212 : vector<16xi32> to vector<16xi32>
      %and3A_214 = arith.constant 16383 : i32
      %and3A_215 = vector.broadcast %and3A_214 : i32 to vector<16xi32>
      %and3A_216 = arith.andi %get3A_213, %and3A_215 : vector<16xi32>
      %shift_right_logical3A_217 = arith.constant 14 : i32
      %shift_right_logical3A_218 = vector.broadcast %shift_right_logical3A_217 : i32 to vector<16xi32>
      %shift_right_logical3A_219 = arith.shrui %get3A_213, %shift_right_logical3A_218 : vector<16xi32>
      %eq3A_220 = arith.constant 0 : i32
      %eq3A_221 = arith.cmpi eq, %arg0, %eq3A_220 : i32
      %select_n3A_222 = arith.select %eq3A_221, %shift_right_logical3A_219, %and3A_216 : vector<16xi32>
      %swap3A_223 = arith.constant 80 : index
      %swap3A_224 = tpu.vector_load %arg7[%swap3A_223] {strides = array<i32>} : memref<128xi32, #tpu.memory_space<vmem>>, vector<16xi32>,
      %swap3A_225 = vector.shape_cast %swap3A_224 : vector<16xi32> to vector<16xi32>
      %swap3A_226 = vector.shape_cast %select_n3A_222 : vector<16xi32> to vector<16xi32>
      tpu.vector_store %arg7[%swap3A_223], %swap3A_226 {strides = array<i32>} : memref<128xi32, #tpu.memory_space<vmem>>, vector<16xi32>,
      %get3A_227 = arith.constant 96 : index
      %get3A_228 = tpu.vector_load %arg4[%get3A_227] {strides = array<i32>} : memref<128xi32, #tpu.memory_space<vmem>>, vector<16xi32>,
      %get3A_229 = vector.shape_cast %get3A_228 : vector<16xi32> to vector<16xi32>
      %and3A_230 = arith.constant 16383 : i32
      %and3A_231 = vector.broadcast %and3A_230 : i32 to vector<16xi32>
      %and3A_232 = arith.andi %get3A_229, %and3A_231 : vector<16xi32>
      %shift_right_logical3A_233 = arith.constant 14 : i32
      %shift_right_logical3A_234 = vector.broadcast %shift_right_logical3A_233 : i32 to vector<16xi32>
      %shift_right_logical3A_235 = arith.shrui %get3A_229, %shift_right_logical3A_234 : vector<16xi32>
      %eq3A_236 = arith.constant 0 : i32
      %eq3A_237 = arith.cmpi eq, %arg0, %eq3A_236 : i32
      %select_n3A_238 = arith.select %eq3A_237, %shift_right_logical3A_235, %and3A_232 : vector<16xi32>
      %swap3A_239 = arith.constant 96 : index
      %swap3A_240 = tpu.vector_load %arg7[%swap3A_239] {strides = array<i32>} : memref<128xi32, #tpu.memory_space<vmem>>, vector<16xi32>,
      %swap3A_241 = vector.shape_cast %swap3A_240 : vector<16xi32> to vector<16xi32>
      %swap3A_242 = vector.shape_cast %select_n3A_238 : vector<16xi32> to vector<16xi32>
      tpu.vector_store %arg7[%swap3A_239], %swap3A_242 {strides = array<i32>} : memref<128xi32, #tpu.memory_space<vmem>>, vector<16xi32>,
      %get3A_243 = arith.constant 112 : index
      %get3A_244 = tpu.vector_load %arg4[%get3A_243] {strides = array<i32>} : memref<128xi32, #tpu.memory_space<vmem>>, vector<16xi32>,
      %get3A_245 = vector.shape_cast %get3A_244 : vector<16xi32> to vector<16xi32>
      %and3A_246 = arith.constant 16383 : i32
      %and3A_247 = vector.broadcast %and3A_246 : i32 to vector<16xi32>
      %and3A_248 = arith.andi %get3A_245, %and3A_247 : vector<16xi32>
      %shift_right_logical3A_249 = arith.constant 14 : i32
      %shift_right_logical3A_250 = vector.broadcast %shift_right_logical3A_249 : i32 to vector<16xi32>
      %shift_right_logical3A_251 = arith.shrui %get3A_245, %shift_right_logical3A_250 : vector<16xi32>
      %eq3A_252 = arith.constant 0 : i32
      %eq3A_253 = arith.cmpi eq, %arg0, %eq3A_252 : i32
      %select_n3A_254 = arith.select %eq3A_253, %shift_right_logical3A_251, %and3A_248 : vector<16xi32>
      %swap3A_255 = arith.constant 112 : index
      %swap3A_256 = tpu.vector_load %arg7[%swap3A_255] {strides = array<i32>} : memref<128xi32, #tpu.memory_space<vmem>>, vector<16xi32>,
      %swap3A_257 = vector.shape_cast %swap3A_256 : vector<16xi32> to vector<16xi32>
      %swap3A_258 = vector.shape_cast %select_n3A_254 : vector<16xi32> to vector<16xi32>
      tpu.vector_store %arg7[%swap3A_255], %swap3A_258 {strides = array<i32>} : memref<128xi32, #tpu.memory_space<vmem>>, vector<16xi32>,
      %lt3A = arith.constant 78 : i32
      %lt3A_259 = arith.cmpi slt, %scan3A_122, %lt3A : i32
      %convert_element_type3A_260 = arith.extui %lt3A_259 : i1 to i32
      %cond3A_261 = arith.constant 0 : i32
      %cond3A_262 = arith.cmpi ne, %convert_element_type3A_260, %cond3A_261 : i32
      scf.if %cond3A_262 {
        %add3A_395 = arith.constant 2 : i32
        %add3A_396 = arith.addi %mul3A_124, %add3A_395 : i32
        %mul3A_397 = arith.constant 128 : i32
        %mul3A_398 = arith.muli %add3A_396, %mul3A_397 : i32
        %add3A_399 = arith.addi %mul3A_105, %mul3A_398 : i32
        %dma_start3A_400 = tpu.memref_slice %arg2[%add3A_399] : memref<323584xi32, #tpu.memory_space<hbm>> -> memref<128xi32, #tpu.memory_space<hbm>>
        %dma_start3A_401 = tpu.memref_slice %arg2[%add3A_399] : memref<323584xi32, #tpu.memory_space<hbm>> -> memref<128xi32, #tpu.memory_space<hbm>>
        tpu.enqueue_dma source(%dma_start3A_401 : memref<128xi32, #tpu.memory_space<hbm>>) target(%arg4 : memref<128xi32, #tpu.memory_space<vmem>>) target_semaphore(%arg12 : memref<!tpu.dma_semaphore, #tpu.memory_space<semaphore_mem>>)
      } else {
      }
      "tpu.region"() ({
        %run_scoped3A = tpu.sem_alloc : memref<!tpu.dma_semaphore, #tpu.memory_space<semaphore_mem>>
        %dma_start3A_395 = arith.constant 0 : i32
        %dma_start3A_396 = tpu.memref_slice %arg11[%dma_start3A_395] : memref<10240xf32, #tpu.memory_space<vmem_shared>> -> memref<10240xf32, #tpu.memory_space<vmem_shared>>
        tpu.enqueue_indirect_dma source(%arg9 : memref<128xf32, #tpu.memory_space<vmem>>) target(%dma_start3A_396 : memref<10240xf32, #tpu.memory_space<vmem_shared>>) offsets(%arg7 : memref<128xi32, #tpu.memory_space<vmem>>) semaphore(%run_scoped3A : memref<!tpu.dma_semaphore, #tpu.memory_space<semaphore_mem>>) {add = true}
        %dma_wait3A_397 = arith.constant 0 : i32
        %dma_wait3A_398 = tpu.memref_slice %arg11[%dma_wait3A_397] : memref<10240xf32, #tpu.memory_space<vmem_shared>> -> memref<10240xf32, #tpu.memory_space<vmem_shared>>
        tpu.wait_indirect_dma semaphore(%run_scoped3A : memref<!tpu.dma_semaphore, #tpu.memory_space<semaphore_mem>>) src(%arg9 : memref<128xf32, #tpu.memory_space<vmem>>) dst(%dma_wait3A_398 : memref<10240xf32, #tpu.memory_space<vmem_shared>>)
        tpu.yield
      }) : () -> ()
      %dma_wait3A_263 = arith.constant 0 : i32
      %dma_wait3A_264 = tpu.memref_slice %arg2[%dma_wait3A_263] : memref<323584xi32, #tpu.memory_space<hbm>> -> memref<128xi32, #tpu.memory_space<hbm>>
      %dma_wait3A_265 = arith.constant 0 : i32
      %dma_wait3A_266 = tpu.memref_slice %arg2[%dma_wait3A_265] : memref<323584xi32, #tpu.memory_space<hbm>> -> memref<128xi32, #tpu.memory_space<hbm>>
      tpu.wait_dma2 semaphore(%arg13 : memref<!tpu.dma_semaphore, #tpu.memory_space<semaphore_mem>>) src(%dma_wait3A_266 : memref<128xi32, #tpu.memory_space<hbm>>) dst(%arg5 : memref<128xi32, #tpu.memory_space<vmem>>)
      %get3A_267 = arith.constant 0 : index
      %get3A_268 = tpu.vector_load %arg5[%get3A_267] {strides = array<i32>} : memref<128xi32, #tpu.memory_space<vmem>>, vector<16xi32>,
      %get3A_269 = vector.shape_cast %get3A_268 : vector<16xi32> to vector<16xi32>
      %and3A_270 = arith.constant 16383 : i32
      %and3A_271 = vector.broadcast %and3A_270 : i32 to vector<16xi32>
      %and3A_272 = arith.andi %get3A_269, %and3A_271 : vector<16xi32>
      %shift_right_logical3A_273 = arith.constant 14 : i32
      %shift_right_logical3A_274 = vector.broadcast %shift_right_logical3A_273 : i32 to vector<16xi32>
      %shift_right_logical3A_275 = arith.shrui %get3A_269, %shift_right_logical3A_274 : vector<16xi32>
      %eq3A_276 = arith.constant 0 : i32
      %eq3A_277 = arith.cmpi eq, %arg0, %eq3A_276 : i32
      %select_n3A_278 = arith.select %eq3A_277, %shift_right_logical3A_275, %and3A_272 : vector<16xi32>
      %swap3A_279 = arith.constant 0 : index
      %swap3A_280 = tpu.vector_load %arg8[%swap3A_279] {strides = array<i32>} : memref<128xi32, #tpu.memory_space<vmem>>, vector<16xi32>,
      %swap3A_281 = vector.shape_cast %swap3A_280 : vector<16xi32> to vector<16xi32>
      %swap3A_282 = vector.shape_cast %select_n3A_278 : vector<16xi32> to vector<16xi32>
      tpu.vector_store %arg8[%swap3A_279], %swap3A_282 {strides = array<i32>} : memref<128xi32, #tpu.memory_space<vmem>>, vector<16xi32>,
      %get3A_283 = arith.constant 16 : index
      %get3A_284 = tpu.vector_load %arg5[%get3A_283] {strides = array<i32>} : memref<128xi32, #tpu.memory_space<vmem>>, vector<16xi32>,
      %get3A_285 = vector.shape_cast %get3A_284 : vector<16xi32> to vector<16xi32>
      %and3A_286 = arith.constant 16383 : i32
      %and3A_287 = vector.broadcast %and3A_286 : i32 to vector<16xi32>
      %and3A_288 = arith.andi %get3A_285, %and3A_287 : vector<16xi32>
      %shift_right_logical3A_289 = arith.constant 14 : i32
      %shift_right_logical3A_290 = vector.broadcast %shift_right_logical3A_289 : i32 to vector<16xi32>
      %shift_right_logical3A_291 = arith.shrui %get3A_285, %shift_right_logical3A_290 : vector<16xi32>
      %eq3A_292 = arith.constant 0 : i32
      %eq3A_293 = arith.cmpi eq, %arg0, %eq3A_292 : i32
      %select_n3A_294 = arith.select %eq3A_293, %shift_right_logical3A_291, %and3A_288 : vector<16xi32>
      %swap3A_295 = arith.constant 16 : index
      %swap3A_296 = tpu.vector_load %arg8[%swap3A_295] {strides = array<i32>} : memref<128xi32, #tpu.memory_space<vmem>>, vector<16xi32>,
      %swap3A_297 = vector.shape_cast %swap3A_296 : vector<16xi32> to vector<16xi32>
      %swap3A_298 = vector.shape_cast %select_n3A_294 : vector<16xi32> to vector<16xi32>
      tpu.vector_store %arg8[%swap3A_295], %swap3A_298 {strides = array<i32>} : memref<128xi32, #tpu.memory_space<vmem>>, vector<16xi32>,
      %get3A_299 = arith.constant 32 : index
      %get3A_300 = tpu.vector_load %arg5[%get3A_299] {strides = array<i32>} : memref<128xi32, #tpu.memory_space<vmem>>, vector<16xi32>,
      %get3A_301 = vector.shape_cast %get3A_300 : vector<16xi32> to vector<16xi32>
      %and3A_302 = arith.constant 16383 : i32
      %and3A_303 = vector.broadcast %and3A_302 : i32 to vector<16xi32>
      %and3A_304 = arith.andi %get3A_301, %and3A_303 : vector<16xi32>
      %shift_right_logical3A_305 = arith.constant 14 : i32
      %shift_right_logical3A_306 = vector.broadcast %shift_right_logical3A_305 : i32 to vector<16xi32>
      %shift_right_logical3A_307 = arith.shrui %get3A_301, %shift_right_logical3A_306 : vector<16xi32>
      %eq3A_308 = arith.constant 0 : i32
      %eq3A_309 = arith.cmpi eq, %arg0, %eq3A_308 : i32
      %select_n3A_310 = arith.select %eq3A_309, %shift_right_logical3A_307, %and3A_304 : vector<16xi32>
      %swap3A_311 = arith.constant 32 : index
      %swap3A_312 = tpu.vector_load %arg8[%swap3A_311] {strides = array<i32>} : memref<128xi32, #tpu.memory_space<vmem>>, vector<16xi32>,
      %swap3A_313 = vector.shape_cast %swap3A_312 : vector<16xi32> to vector<16xi32>
      %swap3A_314 = vector.shape_cast %select_n3A_310 : vector<16xi32> to vector<16xi32>
      tpu.vector_store %arg8[%swap3A_311], %swap3A_314 {strides = array<i32>} : memref<128xi32, #tpu.memory_space<vmem>>, vector<16xi32>,
      %get3A_315 = arith.constant 48 : index
      %get3A_316 = tpu.vector_load %arg5[%get3A_315] {strides = array<i32>} : memref<128xi32, #tpu.memory_space<vmem>>, vector<16xi32>,
      %get3A_317 = vector.shape_cast %get3A_316 : vector<16xi32> to vector<16xi32>
      %and3A_318 = arith.constant 16383 : i32
      %and3A_319 = vector.broadcast %and3A_318 : i32 to vector<16xi32>
      %and3A_320 = arith.andi %get3A_317, %and3A_319 : vector<16xi32>
      %shift_right_logical3A_321 = arith.constant 14 : i32
      %shift_right_logical3A_322 = vector.broadcast %shift_right_logical3A_321 : i32 to vector<16xi32>
      %shift_right_logical3A_323 = arith.shrui %get3A_317, %shift_right_logical3A_322 : vector<16xi32>
      %eq3A_324 = arith.constant 0 : i32
      %eq3A_325 = arith.cmpi eq, %arg0, %eq3A_324 : i32
      %select_n3A_326 = arith.select %eq3A_325, %shift_right_logical3A_323, %and3A_320 : vector<16xi32>
      %swap3A_327 = arith.constant 48 : index
      %swap3A_328 = tpu.vector_load %arg8[%swap3A_327] {strides = array<i32>} : memref<128xi32, #tpu.memory_space<vmem>>, vector<16xi32>,
      %swap3A_329 = vector.shape_cast %swap3A_328 : vector<16xi32> to vector<16xi32>
      %swap3A_330 = vector.shape_cast %select_n3A_326 : vector<16xi32> to vector<16xi32>
      tpu.vector_store %arg8[%swap3A_327], %swap3A_330 {strides = array<i32>} : memref<128xi32, #tpu.memory_space<vmem>>, vector<16xi32>,
      %get3A_331 = arith.constant 64 : index
      %get3A_332 = tpu.vector_load %arg5[%get3A_331] {strides = array<i32>} : memref<128xi32, #tpu.memory_space<vmem>>, vector<16xi32>,
      %get3A_333 = vector.shape_cast %get3A_332 : vector<16xi32> to vector<16xi32>
      %and3A_334 = arith.constant 16383 : i32
      %and3A_335 = vector.broadcast %and3A_334 : i32 to vector<16xi32>
      %and3A_336 = arith.andi %get3A_333, %and3A_335 : vector<16xi32>
      %shift_right_logical3A_337 = arith.constant 14 : i32
      %shift_right_logical3A_338 = vector.broadcast %shift_right_logical3A_337 : i32 to vector<16xi32>
      %shift_right_logical3A_339 = arith.shrui %get3A_333, %shift_right_logical3A_338 : vector<16xi32>
      %eq3A_340 = arith.constant 0 : i32
      %eq3A_341 = arith.cmpi eq, %arg0, %eq3A_340 : i32
      %select_n3A_342 = arith.select %eq3A_341, %shift_right_logical3A_339, %and3A_336 : vector<16xi32>
      %swap3A_343 = arith.constant 64 : index
      %swap3A_344 = tpu.vector_load %arg8[%swap3A_343] {strides = array<i32>} : memref<128xi32, #tpu.memory_space<vmem>>, vector<16xi32>,
      %swap3A_345 = vector.shape_cast %swap3A_344 : vector<16xi32> to vector<16xi32>
      %swap3A_346 = vector.shape_cast %select_n3A_342 : vector<16xi32> to vector<16xi32>
      tpu.vector_store %arg8[%swap3A_343], %swap3A_346 {strides = array<i32>} : memref<128xi32, #tpu.memory_space<vmem>>, vector<16xi32>,
      %get3A_347 = arith.constant 80 : index
      %get3A_348 = tpu.vector_load %arg5[%get3A_347] {strides = array<i32>} : memref<128xi32, #tpu.memory_space<vmem>>, vector<16xi32>,
      %get3A_349 = vector.shape_cast %get3A_348 : vector<16xi32> to vector<16xi32>
      %and3A_350 = arith.constant 16383 : i32
      %and3A_351 = vector.broadcast %and3A_350 : i32 to vector<16xi32>
      %and3A_352 = arith.andi %get3A_349, %and3A_351 : vector<16xi32>
      %shift_right_logical3A_353 = arith.constant 14 : i32
      %shift_right_logical3A_354 = vector.broadcast %shift_right_logical3A_353 : i32 to vector<16xi32>
      %shift_right_logical3A_355 = arith.shrui %get3A_349, %shift_right_logical3A_354 : vector<16xi32>
      %eq3A_356 = arith.constant 0 : i32
      %eq3A_357 = arith.cmpi eq, %arg0, %eq3A_356 : i32
      %select_n3A_358 = arith.select %eq3A_357, %shift_right_logical3A_355, %and3A_352 : vector<16xi32>
      %swap3A_359 = arith.constant 80 : index
      %swap3A_360 = tpu.vector_load %arg8[%swap3A_359] {strides = array<i32>} : memref<128xi32, #tpu.memory_space<vmem>>, vector<16xi32>,
      %swap3A_361 = vector.shape_cast %swap3A_360 : vector<16xi32> to vector<16xi32>
      %swap3A_362 = vector.shape_cast %select_n3A_358 : vector<16xi32> to vector<16xi32>
      tpu.vector_store %arg8[%swap3A_359], %swap3A_362 {strides = array<i32>} : memref<128xi32, #tpu.memory_space<vmem>>, vector<16xi32>,
      %get3A_363 = arith.constant 96 : index
      %get3A_364 = tpu.vector_load %arg5[%get3A_363] {strides = array<i32>} : memref<128xi32, #tpu.memory_space<vmem>>, vector<16xi32>,
      %get3A_365 = vector.shape_cast %get3A_364 : vector<16xi32> to vector<16xi32>
      %and3A_366 = arith.constant 16383 : i32
      %and3A_367 = vector.broadcast %and3A_366 : i32 to vector<16xi32>
      %and3A_368 = arith.andi %get3A_365, %and3A_367 : vector<16xi32>
      %shift_right_logical3A_369 = arith.constant 14 : i32
      %shift_right_logical3A_370 = vector.broadcast %shift_right_logical3A_369 : i32 to vector<16xi32>
      %shift_right_logical3A_371 = arith.shrui %get3A_365, %shift_right_logical3A_370 : vector<16xi32>
      %eq3A_372 = arith.constant 0 : i32
      %eq3A_373 = arith.cmpi eq, %arg0, %eq3A_372 : i32
      %select_n3A_374 = arith.select %eq3A_373, %shift_right_logical3A_371, %and3A_368 : vector<16xi32>
      %swap3A_375 = arith.constant 96 : index
      %swap3A_376 = tpu.vector_load %arg8[%swap3A_375] {strides = array<i32>} : memref<128xi32, #tpu.memory_space<vmem>>, vector<16xi32>,
      %swap3A_377 = vector.shape_cast %swap3A_376 : vector<16xi32> to vector<16xi32>
      %swap3A_378 = vector.shape_cast %select_n3A_374 : vector<16xi32> to vector<16xi32>
      tpu.vector_store %arg8[%swap3A_375], %swap3A_378 {strides = array<i32>} : memref<128xi32, #tpu.memory_space<vmem>>, vector<16xi32>,
      %get3A_379 = arith.constant 112 : index
      %get3A_380 = tpu.vector_load %arg5[%get3A_379] {strides = array<i32>} : memref<128xi32, #tpu.memory_space<vmem>>, vector<16xi32>,
      %get3A_381 = vector.shape_cast %get3A_380 : vector<16xi32> to vector<16xi32>
      %and3A_382 = arith.constant 16383 : i32
      %and3A_383 = vector.broadcast %and3A_382 : i32 to vector<16xi32>
      %and3A_384 = arith.andi %get3A_381, %and3A_383 : vector<16xi32>
      %shift_right_logical3A_385 = arith.constant 14 : i32
      %shift_right_logical3A_386 = vector.broadcast %shift_right_logical3A_385 : i32 to vector<16xi32>
      %shift_right_logical3A_387 = arith.shrui %get3A_381, %shift_right_logical3A_386 : vector<16xi32>
      %eq3A_388 = arith.constant 0 : i32
      %eq3A_389 = arith.cmpi eq, %arg0, %eq3A_388 : i32
      %select_n3A_390 = arith.select %eq3A_389, %shift_right_logical3A_387, %and3A_384 : vector<16xi32>
      %swap3A_391 = arith.constant 112 : index
      %swap3A_392 = tpu.vector_load %arg8[%swap3A_391] {strides = array<i32>} : memref<128xi32, #tpu.memory_space<vmem>>, vector<16xi32>,
      %swap3A_393 = vector.shape_cast %swap3A_392 : vector<16xi32> to vector<16xi32>
      %swap3A_394 = vector.shape_cast %select_n3A_390 : vector<16xi32> to vector<16xi32>
      tpu.vector_store %arg8[%swap3A_391], %swap3A_394 {strides = array<i32>} : memref<128xi32, #tpu.memory_space<vmem>>, vector<16xi32>,
      "tpu.region"() ({
        %run_scoped3A = tpu.sem_alloc : memref<!tpu.dma_semaphore, #tpu.memory_space<semaphore_mem>>
        %dma_start3A_395 = arith.constant 0 : i32
        %dma_start3A_396 = tpu.memref_slice %arg11[%dma_start3A_395] : memref<10240xf32, #tpu.memory_space<vmem_shared>> -> memref<10240xf32, #tpu.memory_space<vmem_shared>>
        tpu.enqueue_indirect_dma source(%arg9 : memref<128xf32, #tpu.memory_space<vmem>>) target(%dma_start3A_396 : memref<10240xf32, #tpu.memory_space<vmem_shared>>) offsets(%arg8 : memref<128xi32, #tpu.memory_space<vmem>>) semaphore(%run_scoped3A : memref<!tpu.dma_semaphore, #tpu.memory_space<semaphore_mem>>) {add = true}
        %dma_wait3A_397 = arith.constant 0 : i32
        %dma_wait3A_398 = tpu.memref_slice %arg11[%dma_wait3A_397] : memref<10240xf32, #tpu.memory_space<vmem_shared>> -> memref<10240xf32, #tpu.memory_space<vmem_shared>>
        tpu.wait_indirect_dma semaphore(%run_scoped3A : memref<!tpu.dma_semaphore, #tpu.memory_space<semaphore_mem>>) src(%arg9 : memref<128xf32, #tpu.memory_space<vmem>>) dst(%dma_wait3A_398 : memref<10240xf32, #tpu.memory_space<vmem_shared>>)
        tpu.yield
      }) : () -> ()
    }
    %scan3A_113 = arith.constant 79 : i32
    %barrier3A_114 = arith.constant 0 : index
    tpu.barrier barrier_id(%barrier3A_114)
    %eq3A = arith.constant 0 : i32
    %eq3A_115 = arith.cmpi eq, %arg0, %eq3A : i32
    %convert_element_type3A = arith.extui %eq3A_115 : i1 to i32
    %cond3A = arith.constant 0 : i32
    %cond3A_116 = arith.cmpi ne, %convert_element_type3A, %cond3A : i32
    scf.if %cond3A_116 {
      "tpu.region"() ({
        %run_scoped3A = tpu.sem_alloc : memref<!tpu.dma_semaphore, #tpu.memory_space<semaphore_mem>>
        %dma_start3A_122 = tpu.memref_slice %arg3[%mul3A_94] : memref<20480xf32, #tpu.memory_space<hbm>> -> memref<640xf32, #tpu.memory_space<hbm>>
        %dma_start3A_123 = tpu.memref_slice %arg11[%mul3A_94] : memref<10240xf32, #tpu.memory_space<vmem_shared>> -> memref<640xf32, #tpu.memory_space<vmem_shared>>
        tpu.enqueue_dma source(%dma_start3A_123 : memref<640xf32, #tpu.memory_space<vmem_shared>>) target(%dma_start3A_122 : memref<640xf32, #tpu.memory_space<hbm>>) target_semaphore(%run_scoped3A : memref<!tpu.dma_semaphore, #tpu.memory_space<semaphore_mem>>)
        %dma_wait3A = tpu.memref_slice %arg3[%mul3A_94] : memref<20480xf32, #tpu.memory_space<hbm>> -> memref<640xf32, #tpu.memory_space<hbm>>
        %dma_wait3A_124 = tpu.memref_slice %arg11[%mul3A_94] : memref<10240xf32, #tpu.memory_space<vmem_shared>> -> memref<640xf32, #tpu.memory_space<vmem_shared>>
        tpu.wait_dma2 semaphore(%run_scoped3A : memref<!tpu.dma_semaphore, #tpu.memory_space<semaphore_mem>>) src(%dma_wait3A_124 : memref<640xf32, #tpu.memory_space<vmem_shared>>) dst(%dma_wait3A : memref<640xf32, #tpu.memory_space<hbm>>)
        tpu.yield
      }) : () -> ()
    } else {
    }
    %eq3A_117 = arith.constant 1 : i32
    %eq3A_118 = arith.cmpi eq, %arg0, %eq3A_117 : i32
    %convert_element_type3A_119 = arith.extui %eq3A_118 : i1 to i32
    %cond3A_120 = arith.constant 0 : i32
    %cond3A_121 = arith.cmpi ne, %convert_element_type3A_119, %cond3A_120 : i32
    scf.if %cond3A_121 {
      %add3A_122 = arith.constant 10240 : i32
      %add3A_123 = arith.addi %add3A_122, %mul3A_94 : i32
      "tpu.region"() ({
        %run_scoped3A = tpu.sem_alloc : memref<!tpu.dma_semaphore, #tpu.memory_space<semaphore_mem>>
        %dma_start3A_124 = tpu.memref_slice %arg3[%add3A_123] : memref<20480xf32, #tpu.memory_space<hbm>> -> memref<640xf32, #tpu.memory_space<hbm>>
        %dma_start3A_125 = tpu.memref_slice %arg11[%mul3A_94] : memref<10240xf32, #tpu.memory_space<vmem_shared>> -> memref<640xf32, #tpu.memory_space<vmem_shared>>
        tpu.enqueue_dma source(%dma_start3A_125 : memref<640xf32, #tpu.memory_space<vmem_shared>>) target(%dma_start3A_124 : memref<640xf32, #tpu.memory_space<hbm>>) target_semaphore(%run_scoped3A : memref<!tpu.dma_semaphore, #tpu.memory_space<semaphore_mem>>)
        %dma_wait3A = tpu.memref_slice %arg3[%add3A_123] : memref<20480xf32, #tpu.memory_space<hbm>> -> memref<640xf32, #tpu.memory_space<hbm>>
        %dma_wait3A_126 = tpu.memref_slice %arg11[%mul3A_94] : memref<10240xf32, #tpu.memory_space<vmem_shared>> -> memref<640xf32, #tpu.memory_space<vmem_shared>>
        tpu.wait_dma2 semaphore(%run_scoped3A : memref<!tpu.dma_semaphore, #tpu.memory_space<semaphore_mem>>) src(%dma_wait3A_126 : memref<640xf32, #tpu.memory_space<vmem_shared>>) dst(%dma_wait3A : memref<640xf32, #tpu.memory_space<hbm>>)
        tpu.yield
      }) : () -> ()
    } else {
    }
    return
  }
}

module attributes {stable_mosaic.version = 14 : i64} {
  func.func @_tc_layer_body(%arg0: i32, %arg1: memref<1024x64xf32, #tpu.memory_space<vmem>>, %arg2: memref<1024x64xf32, #tpu.memory_space<vmem>>, %arg3: memref<1024x64xf32, #tpu.memory_space<vmem>>, %arg4: memref<1024x64xf32, #tpu.memory_space<vmem>>, %arg5: memref<1024x64xf32, #tpu.memory_space<vmem>>, %arg6: memref<1024x64xf32, #tpu.memory_space<vmem>>, %arg7: memref<1024x1xf32, #tpu.memory_space<vmem>>, %arg8: memref<1024x1xf32, #tpu.memory_space<vmem>>, %arg9: memref<128x128xf32, #tpu.memory_space<vmem>>, %arg10: memref<128x128xf32, #tpu.memory_space<vmem>>, %arg11: memref<128x128xf32, #tpu.memory_space<vmem>>, %arg12: memref<1x128xf32, #tpu.memory_space<vmem>>, %arg13: memref<1024x64xf32, #tpu.memory_space<vmem>>) attributes {dimension_semantics = [#tpu.dimension_semantics<arbitrary>], iteration_bounds = array<i64: 20>, scalar_prefetch = 0 : i64, scratch_operands = 0 : i64, tpu.core_type = #tpu.core_type<tc>, window_params = [{transform_indices = @transform_0, window_bounds = array<i64: 1024, 64>}, {transform_indices = @transform_1, window_bounds = array<i64: 1024, 64>}, {transform_indices = @transform_2, window_bounds = array<i64: 1024, 64>}, {transform_indices = @transform_3, window_bounds = array<i64: 1024, 64>}, {transform_indices = @transform_4, window_bounds = array<i64: 1024, 64>}, {transform_indices = @transform_5, window_bounds = array<i64: 1024, 64>}, {transform_indices = @transform_6, window_bounds = array<i64: 1024, 1>}, {transform_indices = @transform_7, window_bounds = array<i64: 1024, 1>}, {pipeline_mode = #tpu.pipeline_mode<synchronous>, transform_indices = @transform_8, window_bounds = array<i64: 128, 128>}, {pipeline_mode = #tpu.pipeline_mode<synchronous>, transform_indices = @transform_9, window_bounds = array<i64: 128, 128>}, {pipeline_mode = #tpu.pipeline_mode<synchronous>, transform_indices = @transform_10, window_bounds = array<i64: 128, 128>}, {pipeline_mode = #tpu.pipeline_mode<synchronous>, transform_indices = @transform_11, window_bounds = array<i64: 1, 128>}, {transform_indices = @transform_12, window_bounds = array<i64: 1024, 64>}]} {
    %get3A = arith.constant 0 : index
    %get3A_0 = arith.constant 0 : index
    %get3A_1 = vector.load %arg7[%get3A, %get3A_0] : memref<1024x1xf32, #tpu.memory_space<vmem>>, vector<1024x1xf32>
    %max3A = arith.constant 1.000000e+00 : f32
    %max3A_2 = vector.broadcast %max3A : f32 to vector<1024x1xf32>
    %max3A_3 = arith.maximumf %get3A_1, %max3A_2 : vector<1024x1xf32>
    %div3A = arith.constant 1.000000e+00 : f32
    %div3A_4 = vector.broadcast %div3A : f32 to vector<1024x1xf32>
    %div3A_5 = arith.divf %div3A_4, %max3A_3 : vector<1024x1xf32>
    %get3A_6 = arith.constant 0 : index
    %get3A_7 = arith.constant 0 : index
    %get3A_8 = vector.load %arg8[%get3A_6, %get3A_7] : memref<1024x1xf32, #tpu.memory_space<vmem>>, vector<1024x1xf32>
    %max3A_9 = arith.constant 1.000000e+00 : f32
    %max3A_10 = vector.broadcast %max3A_9 : f32 to vector<1024x1xf32>
    %max3A_11 = arith.maximumf %get3A_8, %max3A_10 : vector<1024x1xf32>
    %div3A_12 = arith.constant 1.000000e+00 : f32
    %div3A_13 = vector.broadcast %div3A_12 : f32 to vector<1024x1xf32>
    %div3A_14 = arith.divf %div3A_13, %max3A_11 : vector<1024x1xf32>
    %get3A_15 = arith.constant 0 : index
    %get3A_16 = arith.constant 0 : index
    %get3A_17 = vector.load %arg1[%get3A_15, %get3A_16] : memref<1024x64xf32, #tpu.memory_space<vmem>>, vector<1024x64xf32>
    %get3A_18 = arith.constant 0 : index
    %get3A_19 = arith.constant 0 : index
    %get3A_20 = vector.load %arg2[%get3A_18, %get3A_19] : memref<1024x64xf32, #tpu.memory_space<vmem>>, vector<1024x64xf32>
    %concatenate3A = tpu.concatenate %get3A_17, %get3A_20 in 1 : vector<1024x64xf32>, vector<1024x64xf32> -> vector<1024x128xf32>
    %get3A_21 = arith.constant 0 : index
    %get3A_22 = arith.constant 0 : index
    %get3A_23 = vector.load %arg3[%get3A_21, %get3A_22] : memref<1024x64xf32, #tpu.memory_space<vmem>>, vector<1024x64xf32>
    %mul3A = vector.broadcast %div3A_5 : vector<1024x1xf32> to vector<1024x64xf32>
    %mul3A_24 = arith.mulf %get3A_23, %mul3A : vector<1024x64xf32>
    %get3A_25 = arith.constant 0 : index
    %get3A_26 = arith.constant 0 : index
    %get3A_27 = vector.load %arg4[%get3A_25, %get3A_26] : memref<1024x64xf32, #tpu.memory_space<vmem>>, vector<1024x64xf32>
    %mul3A_28 = vector.broadcast %div3A_5 : vector<1024x1xf32> to vector<1024x64xf32>
    %mul3A_29 = arith.mulf %get3A_27, %mul3A_28 : vector<1024x64xf32>
    %concatenate3A_30 = tpu.concatenate %mul3A_24, %mul3A_29 in 1 : vector<1024x64xf32>, vector<1024x64xf32> -> vector<1024x128xf32>
    %get3A_31 = arith.constant 0 : index
    %get3A_32 = arith.constant 0 : index
    %get3A_33 = vector.load %arg5[%get3A_31, %get3A_32] : memref<1024x64xf32, #tpu.memory_space<vmem>>, vector<1024x64xf32>
    %mul3A_34 = vector.broadcast %div3A_14 : vector<1024x1xf32> to vector<1024x64xf32>
    %mul3A_35 = arith.mulf %get3A_33, %mul3A_34 : vector<1024x64xf32>
    %get3A_36 = arith.constant 0 : index
    %get3A_37 = arith.constant 0 : index
    %get3A_38 = vector.load %arg6[%get3A_36, %get3A_37] : memref<1024x64xf32, #tpu.memory_space<vmem>>, vector<1024x64xf32>
    %mul3A_39 = vector.broadcast %div3A_14 : vector<1024x1xf32> to vector<1024x64xf32>
    %mul3A_40 = arith.mulf %get3A_38, %mul3A_39 : vector<1024x64xf32>
    %concatenate3A_41 = tpu.concatenate %mul3A_35, %mul3A_40 in 1 : vector<1024x64xf32>, vector<1024x64xf32> -> vector<1024x128xf32>
    %get3A_42 = arith.constant 0 : index
    %get3A_43 = arith.constant 0 : index
    %get3A_44 = vector.load %arg11[%get3A_42, %get3A_43] : memref<128x128xf32, #tpu.memory_space<vmem>>, vector<128x128xf32>
    %dot_general3A = arith.constant dense<0.000000e+00> : vector<1024x128xf32>
    %dot_general3A_45 = tpu.matmul %concatenate3A, %get3A_44, %dot_general3A {dimension_numbers = #tpu.dot_dimension_numbers<[1], [0], [0], [1], [0, 0, 1, 1], [], []>, transpose_lhs_hint = false} : vector<1024x128xf32>, vector<128x128xf32>, vector<1024x128xf32> -> vector<1024x128xf32>
    %get3A_46 = arith.constant 0 : index
    %get3A_47 = arith.constant 0 : index
    %get3A_48 = vector.load %arg9[%get3A_46, %get3A_47] : memref<128x128xf32, #tpu.memory_space<vmem>>, vector<128x128xf32>
    %dot_general3A_49 = arith.constant dense<0.000000e+00> : vector<1024x128xf32>
    %dot_general3A_50 = tpu.matmul %concatenate3A_30, %get3A_48, %dot_general3A_49 {dimension_numbers = #tpu.dot_dimension_numbers<[1], [0], [0], [1], [0, 0, 1, 1], [], []>, transpose_lhs_hint = false} : vector<1024x128xf32>, vector<128x128xf32>, vector<1024x128xf32> -> vector<1024x128xf32>
    %add3A = arith.addf %dot_general3A_45, %dot_general3A_50 : vector<1024x128xf32>
    %get3A_51 = arith.constant 0 : index
    %get3A_52 = arith.constant 0 : index
    %get3A_53 = vector.load %arg10[%get3A_51, %get3A_52] : memref<128x128xf32, #tpu.memory_space<vmem>>, vector<128x128xf32>
    %dot_general3A_54 = arith.constant dense<0.000000e+00> : vector<1024x128xf32>
    %dot_general3A_55 = tpu.matmul %concatenate3A_41, %get3A_53, %dot_general3A_54 {dimension_numbers = #tpu.dot_dimension_numbers<[1], [0], [0], [1], [0, 0, 1, 1], [], []>, transpose_lhs_hint = false} : vector<1024x128xf32>, vector<128x128xf32>, vector<1024x128xf32> -> vector<1024x128xf32>
    %add3A_56 = arith.addf %add3A, %dot_general3A_55 : vector<1024x128xf32>
    %get3A_57 = arith.constant 0 : index
    %get3A_58 = arith.constant 0 : index
    %get3A_59 = vector.load %arg12[%get3A_57, %get3A_58] : memref<1x128xf32, #tpu.memory_space<vmem>>, vector<1x128xf32>
    %add3A_60 = vector.broadcast %get3A_59 : vector<1x128xf32> to vector<1024x128xf32>
    %add3A_61 = arith.addf %add3A_56, %add3A_60 : vector<1024x128xf32>
    %max3A_62 = arith.constant 0.000000e+00 : f32
    %max3A_63 = vector.broadcast %max3A_62 : f32 to vector<1024x128xf32>
    %max3A_64 = arith.maximumf %add3A_61, %max3A_63 : vector<1024x128xf32>
    %iota3A = tpu.iota {dimensions = array<i32: 0>} : vector<1024x128xi32>
    %jit3A = arith.constant 10 : i32
    %eq3A = arith.constant 0 : i32
    %eq3A_65 = arith.cmpi eq, %jit3A, %eq3A : i32
    %jit3A_66 = arith.constant 1 : i32
    %select_n3A = arith.select %eq3A_65, %jit3A_66, %jit3A : i32
    %rem3A = arith.remsi %arg0, %select_n3A : i32
    %ne3A = arith.constant 0 : i32
    %ne3A_67 = arith.cmpi ne, %rem3A, %ne3A : i32
    %lt3A = arith.constant 0 : i32
    %lt3A_68 = arith.cmpi slt, %rem3A, %lt3A : i32
    %lt3A_69 = arith.constant 0 : i32
    %lt3A_70 = arith.cmpi slt, %select_n3A, %lt3A_69 : i32
    %ne3A_71 = arith.xori %lt3A_68, %lt3A_70 : i1
    %and3A = arith.andi %ne3A_71, %ne3A_67 : i1
    %add3A_72 = arith.addi %rem3A, %select_n3A : i32
    %select_n3A_73 = arith.select %and3A, %add3A_72, %rem3A : i32
    %mul3A_74 = arith.constant 1024 : i32
    %mul3A_75 = arith.muli %select_n3A_73, %mul3A_74 : i32
    %add3A_76 = vector.broadcast %mul3A_75 : i32 to vector<1024x128xi32>
    %add3A_77 = arith.addi %iota3A, %add3A_76 : vector<1024x128xi32>
    %lt3A_78 = arith.constant 10000 : i32
    %lt3A_79 = vector.broadcast %lt3A_78 : i32 to vector<1024x128xi32>
    %lt3A_80 = arith.cmpi slt, %add3A_77, %lt3A_79 : vector<1024x128xi32>
    %jit3A_81 = arith.constant 0.000000e+00 : f32
    %broadcast_in_dim3A = vector.broadcast %jit3A_81 : f32 to vector<1024x128xf32>
    %select_n3A_82 = arith.select %lt3A_80, %max3A_64, %broadcast_in_dim3A : vector<1024x128xi1>, vector<1024x128xf32>
    %lt3A_83 = arith.constant 10 : i32
    %lt3A_84 = arith.cmpi slt, %arg0, %lt3A_83 : i32
    %slice3A = vector.extract_strided_slice %select_n3A_82 {offsets = [0, 0], sizes = [1024, 64], strides = [1, 1]} : vector<1024x128xf32> to vector<1024x64xf32>
    %slice3A_85 = vector.extract_strided_slice %select_n3A_82 {offsets = [0, 64], sizes = [1024, 64], strides = [1, 1]} : vector<1024x128xf32> to vector<1024x64xf32>
    %select_n3A_86 = arith.select %lt3A_84, %slice3A, %slice3A_85 : vector<1024x64xf32>
    %swap3A = arith.constant 0 : index
    %swap3A_87 = arith.constant 0 : index
    %swap3A_88 = vector.load %arg13[%swap3A, %swap3A_87] : memref<1024x64xf32, #tpu.memory_space<vmem>>, vector<1024x64xf32>
    tpu.vector_store %arg13[%swap3A, %swap3A_87], %select_n3A_86 {strides = array<i32>} : memref<1024x64xf32, #tpu.memory_space<vmem>>, vector<1024x64xf32>,
    return
  }
  func.func @transform_0(%arg0: i32) -> (i32, i32) {
    %jit3A = arith.constant 10 : i32
    %eq3A = arith.constant 0 : i32
    %eq3A_0 = arith.cmpi eq, %jit3A, %eq3A : i32
    %jit3A_1 = arith.constant 1 : i32
    %select_n3A = arith.select %eq3A_0, %jit3A_1, %jit3A : i32
    %rem3A = arith.remsi %arg0, %select_n3A : i32
    %ne3A = arith.constant 0 : i32
    %ne3A_2 = arith.cmpi ne, %rem3A, %ne3A : i32
    %lt3A = arith.constant 0 : i32
    %lt3A_3 = arith.cmpi slt, %rem3A, %lt3A : i32
    %lt3A_4 = arith.constant 0 : i32
    %lt3A_5 = arith.cmpi slt, %select_n3A, %lt3A_4 : i32
    %ne3A_6 = arith.xori %lt3A_3, %lt3A_5 : i1
    %and3A = arith.andi %ne3A_6, %ne3A_2 : i1
    %add3A = arith.addi %rem3A, %select_n3A : i32
    %select_n3A_7 = arith.select %and3A, %add3A, %rem3A : i32
    %add3A_8 = arith.constant 0 : i32
    %add3A_9 = arith.addi %select_n3A_7, %add3A_8 : i32
    %c0_i32 = arith.constant 0 : i32
    %c0_i32_10 = arith.constant 0 : i32
    return %add3A_9, %c0_i32 : i32, i32
  }
  func.func @transform_1(%arg0: i32) -> (i32, i32) {
    %jit3A = arith.constant 10 : i32
    %eq3A = arith.constant 0 : i32
    %eq3A_0 = arith.cmpi eq, %jit3A, %eq3A : i32
    %jit3A_1 = arith.constant 1 : i32
    %select_n3A = arith.select %eq3A_0, %jit3A_1, %jit3A : i32
    %rem3A = arith.remsi %arg0, %select_n3A : i32
    %ne3A = arith.constant 0 : i32
    %ne3A_2 = arith.cmpi ne, %rem3A, %ne3A : i32
    %lt3A = arith.constant 0 : i32
    %lt3A_3 = arith.cmpi slt, %rem3A, %lt3A : i32
    %lt3A_4 = arith.constant 0 : i32
    %lt3A_5 = arith.cmpi slt, %select_n3A, %lt3A_4 : i32
    %ne3A_6 = arith.xori %lt3A_3, %lt3A_5 : i1
    %and3A = arith.andi %ne3A_6, %ne3A_2 : i1
    %add3A = arith.addi %rem3A, %select_n3A : i32
    %select_n3A_7 = arith.select %and3A, %add3A, %rem3A : i32
    %add3A_8 = arith.constant 10 : i32
    %add3A_9 = arith.addi %select_n3A_7, %add3A_8 : i32
    %c0_i32 = arith.constant 0 : i32
    %c0_i32_10 = arith.constant 0 : i32
    return %add3A_9, %c0_i32 : i32, i32
  }
  func.func @transform_2(%arg0: i32) -> (i32, i32) {
    %jit3A = arith.constant 10 : i32
    %eq3A = arith.constant 0 : i32
    %eq3A_0 = arith.cmpi eq, %jit3A, %eq3A : i32
    %jit3A_1 = arith.constant 1 : i32
    %select_n3A = arith.select %eq3A_0, %jit3A_1, %jit3A : i32
    %rem3A = arith.remsi %arg0, %select_n3A : i32
    %ne3A = arith.constant 0 : i32
    %ne3A_2 = arith.cmpi ne, %rem3A, %ne3A : i32
    %lt3A = arith.constant 0 : i32
    %lt3A_3 = arith.cmpi slt, %rem3A, %lt3A : i32
    %lt3A_4 = arith.constant 0 : i32
    %lt3A_5 = arith.cmpi slt, %select_n3A, %lt3A_4 : i32
    %ne3A_6 = arith.xori %lt3A_3, %lt3A_5 : i1
    %and3A = arith.andi %ne3A_6, %ne3A_2 : i1
    %add3A = arith.addi %rem3A, %select_n3A : i32
    %select_n3A_7 = arith.select %and3A, %add3A, %rem3A : i32
    %add3A_8 = arith.constant 0 : i32
    %add3A_9 = arith.addi %select_n3A_7, %add3A_8 : i32
    %c0_i32 = arith.constant 0 : i32
    %c0_i32_10 = arith.constant 0 : i32
    return %add3A_9, %c0_i32 : i32, i32
  }
  func.func @transform_3(%arg0: i32) -> (i32, i32) {
    %jit3A = arith.constant 10 : i32
    %eq3A = arith.constant 0 : i32
    %eq3A_0 = arith.cmpi eq, %jit3A, %eq3A : i32
    %jit3A_1 = arith.constant 1 : i32
    %select_n3A = arith.select %eq3A_0, %jit3A_1, %jit3A : i32
    %rem3A = arith.remsi %arg0, %select_n3A : i32
    %ne3A = arith.constant 0 : i32
    %ne3A_2 = arith.cmpi ne, %rem3A, %ne3A : i32
    %lt3A = arith.constant 0 : i32
    %lt3A_3 = arith.cmpi slt, %rem3A, %lt3A : i32
    %lt3A_4 = arith.constant 0 : i32
    %lt3A_5 = arith.cmpi slt, %select_n3A, %lt3A_4 : i32
    %ne3A_6 = arith.xori %lt3A_3, %lt3A_5 : i1
    %and3A = arith.andi %ne3A_6, %ne3A_2 : i1
    %add3A = arith.addi %rem3A, %select_n3A : i32
    %select_n3A_7 = arith.select %and3A, %add3A, %rem3A : i32
    %add3A_8 = arith.constant 10 : i32
    %add3A_9 = arith.addi %select_n3A_7, %add3A_8 : i32
    %c0_i32 = arith.constant 0 : i32
    %c0_i32_10 = arith.constant 0 : i32
    return %add3A_9, %c0_i32 : i32, i32
  }
  func.func @transform_4(%arg0: i32) -> (i32, i32) {
    %jit3A = arith.constant 10 : i32
    %eq3A = arith.constant 0 : i32
    %eq3A_0 = arith.cmpi eq, %jit3A, %eq3A : i32
    %jit3A_1 = arith.constant 1 : i32
    %select_n3A = arith.select %eq3A_0, %jit3A_1, %jit3A : i32
    %rem3A = arith.remsi %arg0, %select_n3A : i32
    %ne3A = arith.constant 0 : i32
    %ne3A_2 = arith.cmpi ne, %rem3A, %ne3A : i32
    %lt3A = arith.constant 0 : i32
    %lt3A_3 = arith.cmpi slt, %rem3A, %lt3A : i32
    %lt3A_4 = arith.constant 0 : i32
    %lt3A_5 = arith.cmpi slt, %select_n3A, %lt3A_4 : i32
    %ne3A_6 = arith.xori %lt3A_3, %lt3A_5 : i1
    %and3A = arith.andi %ne3A_6, %ne3A_2 : i1
    %add3A = arith.addi %rem3A, %select_n3A : i32
    %select_n3A_7 = arith.select %and3A, %add3A, %rem3A : i32
    %add3A_8 = arith.constant 20 : i32
    %add3A_9 = arith.addi %select_n3A_7, %add3A_8 : i32
    %c0_i32 = arith.constant 0 : i32
    %c0_i32_10 = arith.constant 0 : i32
    return %add3A_9, %c0_i32 : i32, i32
  }
  func.func @transform_5(%arg0: i32) -> (i32, i32) {
    %jit3A = arith.constant 10 : i32
    %eq3A = arith.constant 0 : i32
    %eq3A_0 = arith.cmpi eq, %jit3A, %eq3A : i32
    %jit3A_1 = arith.constant 1 : i32
    %select_n3A = arith.select %eq3A_0, %jit3A_1, %jit3A : i32
    %rem3A = arith.remsi %arg0, %select_n3A : i32
    %ne3A = arith.constant 0 : i32
    %ne3A_2 = arith.cmpi ne, %rem3A, %ne3A : i32
    %lt3A = arith.constant 0 : i32
    %lt3A_3 = arith.cmpi slt, %rem3A, %lt3A : i32
    %lt3A_4 = arith.constant 0 : i32
    %lt3A_5 = arith.cmpi slt, %select_n3A, %lt3A_4 : i32
    %ne3A_6 = arith.xori %lt3A_3, %lt3A_5 : i1
    %and3A = arith.andi %ne3A_6, %ne3A_2 : i1
    %add3A = arith.addi %rem3A, %select_n3A : i32
    %select_n3A_7 = arith.select %and3A, %add3A, %rem3A : i32
    %add3A_8 = arith.constant 30 : i32
    %add3A_9 = arith.addi %select_n3A_7, %add3A_8 : i32
    %c0_i32 = arith.constant 0 : i32
    %c0_i32_10 = arith.constant 0 : i32
    return %add3A_9, %c0_i32 : i32, i32
  }
  func.func @transform_6(%arg0: i32) -> (i32, i32) {
    %jit3A = arith.constant 10 : i32
    %eq3A = arith.constant 0 : i32
    %eq3A_0 = arith.cmpi eq, %jit3A, %eq3A : i32
    %jit3A_1 = arith.constant 1 : i32
    %select_n3A = arith.select %eq3A_0, %jit3A_1, %jit3A : i32
    %rem3A = arith.remsi %arg0, %select_n3A : i32
    %ne3A = arith.constant 0 : i32
    %ne3A_2 = arith.cmpi ne, %rem3A, %ne3A : i32
    %lt3A = arith.constant 0 : i32
    %lt3A_3 = arith.cmpi slt, %rem3A, %lt3A : i32
    %lt3A_4 = arith.constant 0 : i32
    %lt3A_5 = arith.cmpi slt, %select_n3A, %lt3A_4 : i32
    %ne3A_6 = arith.xori %lt3A_3, %lt3A_5 : i1
    %and3A = arith.andi %ne3A_6, %ne3A_2 : i1
    %add3A = arith.addi %rem3A, %select_n3A : i32
    %select_n3A_7 = arith.select %and3A, %add3A, %rem3A : i32
    %add3A_8 = arith.constant 0 : i32
    %add3A_9 = arith.addi %select_n3A_7, %add3A_8 : i32
    %c0_i32 = arith.constant 0 : i32
    %c0_i32_10 = arith.constant 0 : i32
    return %add3A_9, %c0_i32 : i32, i32
  }
  func.func @transform_7(%arg0: i32) -> (i32, i32) {
    %jit3A = arith.constant 10 : i32
    %eq3A = arith.constant 0 : i32
    %eq3A_0 = arith.cmpi eq, %jit3A, %eq3A : i32
    %jit3A_1 = arith.constant 1 : i32
    %select_n3A = arith.select %eq3A_0, %jit3A_1, %jit3A : i32
    %rem3A = arith.remsi %arg0, %select_n3A : i32
    %ne3A = arith.constant 0 : i32
    %ne3A_2 = arith.cmpi ne, %rem3A, %ne3A : i32
    %lt3A = arith.constant 0 : i32
    %lt3A_3 = arith.cmpi slt, %rem3A, %lt3A : i32
    %lt3A_4 = arith.constant 0 : i32
    %lt3A_5 = arith.cmpi slt, %select_n3A, %lt3A_4 : i32
    %ne3A_6 = arith.xori %lt3A_3, %lt3A_5 : i1
    %and3A = arith.andi %ne3A_6, %ne3A_2 : i1
    %add3A = arith.addi %rem3A, %select_n3A : i32
    %select_n3A_7 = arith.select %and3A, %add3A, %rem3A : i32
    %add3A_8 = arith.constant 10 : i32
    %add3A_9 = arith.addi %select_n3A_7, %add3A_8 : i32
    %c0_i32 = arith.constant 0 : i32
    %c0_i32_10 = arith.constant 0 : i32
    return %add3A_9, %c0_i32 : i32, i32
  }
  func.func @transform_8(%arg0: i32) -> (i32, i32) {
    %c0_i32 = arith.constant 0 : i32
    %c0_i32_0 = arith.constant 0 : i32
    %c0_i32_1 = arith.constant 0 : i32
    return %c0_i32, %c0_i32_0 : i32, i32
  }
  func.func @transform_9(%arg0: i32) -> (i32, i32) {
    %c0_i32 = arith.constant 0 : i32
    %c0_i32_0 = arith.constant 0 : i32
    %c0_i32_1 = arith.constant 0 : i32
    return %c0_i32, %c0_i32_0 : i32, i32
  }
  func.func @transform_10(%arg0: i32) -> (i32, i32) {
    %c0_i32 = arith.constant 0 : i32
    %c0_i32_0 = arith.constant 0 : i32
    %c0_i32_1 = arith.constant 0 : i32
    return %c0_i32, %c0_i32_0 : i32, i32
  }
  func.func @transform_11(%arg0: i32) -> (i32, i32) {
    %c0_i32 = arith.constant 0 : i32
    %c0_i32_0 = arith.constant 0 : i32
    %c0_i32_1 = arith.constant 0 : i32
    return %c0_i32, %c0_i32_0 : i32, i32
  }
  func.func @transform_12(%arg0: i32) -> (i32, i32) {
    %c0_i32 = arith.constant 0 : i32
    %c0_i32_0 = arith.constant 0 : i32
    return %arg0, %c0_i32 : i32, i32
  }
}

module attributes {stable_mosaic.version = 14 : i64} {
  func.func @_tc_final_body(%arg0: i32, %arg1: memref<1024x64xf32, #tpu.memory_space<vmem>>, %arg2: memref<1024x64xf32, #tpu.memory_space<vmem>>, %arg3: memref<1024x64xf32, #tpu.memory_space<vmem>>, %arg4: memref<1024x64xf32, #tpu.memory_space<vmem>>, %arg5: memref<1024x64xf32, #tpu.memory_space<vmem>>, %arg6: memref<1024x64xf32, #tpu.memory_space<vmem>>, %arg7: memref<1024x64xf32, #tpu.memory_space<vmem>>, %arg8: memref<1024x64xf32, #tpu.memory_space<vmem>>, %arg9: memref<512x128xf32, #tpu.memory_space<vmem>>, %arg10: memref<1x128xf32, #tpu.memory_space<vmem>>, %arg11: memref<1024x128xf32, #tpu.memory_space<vmem>>) attributes {dimension_semantics = [#tpu.dimension_semantics<arbitrary>], iteration_bounds = array<i64: 10>, scalar_prefetch = 0 : i64, scratch_operands = 0 : i64, tpu.core_type = #tpu.core_type<tc>, window_params = [{transform_indices = @transform_0, window_bounds = array<i64: 1024, 64>}, {transform_indices = @transform_1, window_bounds = array<i64: 1024, 64>}, {transform_indices = @transform_2, window_bounds = array<i64: 1024, 64>}, {transform_indices = @transform_3, window_bounds = array<i64: 1024, 64>}, {transform_indices = @transform_4, window_bounds = array<i64: 1024, 64>}, {transform_indices = @transform_5, window_bounds = array<i64: 1024, 64>}, {transform_indices = @transform_6, window_bounds = array<i64: 1024, 64>}, {transform_indices = @transform_7, window_bounds = array<i64: 1024, 64>}, {pipeline_mode = #tpu.pipeline_mode<synchronous>, transform_indices = @transform_8, window_bounds = array<i64: 512, 128>}, {pipeline_mode = #tpu.pipeline_mode<synchronous>, transform_indices = @transform_9, window_bounds = array<i64: 1, 128>}, {transform_indices = @transform_10, window_bounds = array<i64: 1024, 128>}]} {
    %get3A = arith.constant 0 : index
    %get3A_0 = arith.constant 0 : index
    %get3A_1 = vector.load %arg1[%get3A, %get3A_0] : memref<1024x64xf32, #tpu.memory_space<vmem>>, vector<1024x64xf32>
    %get3A_2 = arith.constant 0 : index
    %get3A_3 = arith.constant 0 : index
    %get3A_4 = vector.load %arg2[%get3A_2, %get3A_3] : memref<1024x64xf32, #tpu.memory_space<vmem>>, vector<1024x64xf32>
    %get3A_5 = arith.constant 0 : index
    %get3A_6 = arith.constant 0 : index
    %get3A_7 = vector.load %arg3[%get3A_5, %get3A_6] : memref<1024x64xf32, #tpu.memory_space<vmem>>, vector<1024x64xf32>
    %get3A_8 = arith.constant 0 : index
    %get3A_9 = arith.constant 0 : index
    %get3A_10 = vector.load %arg4[%get3A_8, %get3A_9] : memref<1024x64xf32, #tpu.memory_space<vmem>>, vector<1024x64xf32>
    %get3A_11 = arith.constant 0 : index
    %get3A_12 = arith.constant 0 : index
    %get3A_13 = vector.load %arg5[%get3A_11, %get3A_12] : memref<1024x64xf32, #tpu.memory_space<vmem>>, vector<1024x64xf32>
    %get3A_14 = arith.constant 0 : index
    %get3A_15 = arith.constant 0 : index
    %get3A_16 = vector.load %arg6[%get3A_14, %get3A_15] : memref<1024x64xf32, #tpu.memory_space<vmem>>, vector<1024x64xf32>
    %get3A_17 = arith.constant 0 : index
    %get3A_18 = arith.constant 0 : index
    %get3A_19 = vector.load %arg7[%get3A_17, %get3A_18] : memref<1024x64xf32, #tpu.memory_space<vmem>>, vector<1024x64xf32>
    %get3A_20 = arith.constant 0 : index
    %get3A_21 = arith.constant 0 : index
    %get3A_22 = vector.load %arg8[%get3A_20, %get3A_21] : memref<1024x64xf32, #tpu.memory_space<vmem>>, vector<1024x64xf32>
    %concatenate3A = tpu.concatenate %get3A_1, %get3A_4, %get3A_7, %get3A_10, %get3A_13, %get3A_16, %get3A_19, %get3A_22 in 1 : vector<1024x64xf32>, vector<1024x64xf32>, vector<1024x64xf32>, vector<1024x64xf32>, vector<1024x64xf32>, vector<1024x64xf32>, vector<1024x64xf32>, vector<1024x64xf32> -> vector<1024x512xf32>
    %get3A_23 = arith.constant 0 : index
    %get3A_24 = arith.constant 0 : index
    %get3A_25 = vector.load %arg9[%get3A_23, %get3A_24] : memref<512x128xf32, #tpu.memory_space<vmem>>, vector<512x128xf32>
    %dot_general3A = arith.constant dense<0.000000e+00> : vector<1024x128xf32>
    %dot_general3A_26 = tpu.matmul %concatenate3A, %get3A_25, %dot_general3A {dimension_numbers = #tpu.dot_dimension_numbers<[1], [0], [0], [1], [0, 0, 1, 1], [], []>, transpose_lhs_hint = false} : vector<1024x512xf32>, vector<512x128xf32>, vector<1024x128xf32> -> vector<1024x128xf32>
    %get3A_27 = arith.constant 0 : index
    %get3A_28 = arith.constant 0 : index
    %get3A_29 = vector.load %arg10[%get3A_27, %get3A_28] : memref<1x128xf32, #tpu.memory_space<vmem>>, vector<1x128xf32>
    %add3A = vector.broadcast %get3A_29 : vector<1x128xf32> to vector<1024x128xf32>
    %add3A_30 = arith.addf %dot_general3A_26, %add3A : vector<1024x128xf32>
    %swap3A = arith.constant 0 : index
    %swap3A_31 = arith.constant 0 : index
    %swap3A_32 = vector.load %arg11[%swap3A, %swap3A_31] : memref<1024x128xf32, #tpu.memory_space<vmem>>, vector<1024x128xf32>
    tpu.vector_store %arg11[%swap3A, %swap3A_31], %add3A_30 {strides = array<i32>} : memref<1024x128xf32, #tpu.memory_space<vmem>>, vector<1024x128xf32>,
    return
  }
  func.func @transform_0(%arg0: i32) -> (i32, i32) {
    %c0_i32 = arith.constant 0 : i32
    %c0_i32_0 = arith.constant 0 : i32
    return %arg0, %c0_i32 : i32, i32
  }
  func.func @transform_1(%arg0: i32) -> (i32, i32) {
    %add3A = arith.constant 10 : i32
    %add3A_0 = arith.addi %arg0, %add3A : i32
    %c0_i32 = arith.constant 0 : i32
    %c0_i32_1 = arith.constant 0 : i32
    return %add3A_0, %c0_i32 : i32, i32
  }
  func.func @transform_2(%arg0: i32) -> (i32, i32) {
    %c0_i32 = arith.constant 0 : i32
    %c0_i32_0 = arith.constant 0 : i32
    return %arg0, %c0_i32 : i32, i32
  }
  func.func @transform_3(%arg0: i32) -> (i32, i32) {
    %add3A = arith.constant 10 : i32
    %add3A_0 = arith.addi %arg0, %add3A : i32
    %c0_i32 = arith.constant 0 : i32
    %c0_i32_1 = arith.constant 0 : i32
    return %add3A_0, %c0_i32 : i32, i32
  }
  func.func @transform_4(%arg0: i32) -> (i32, i32) {
    %c0_i32 = arith.constant 0 : i32
    %c0_i32_0 = arith.constant 0 : i32
    return %arg0, %c0_i32 : i32, i32
  }
  func.func @transform_5(%arg0: i32) -> (i32, i32) {
    %add3A = arith.constant 10 : i32
    %add3A_0 = arith.addi %arg0, %add3A : i32
    %c0_i32 = arith.constant 0 : i32
    %c0_i32_1 = arith.constant 0 : i32
    return %add3A_0, %c0_i32 : i32, i32
  }
  func.func @transform_6(%arg0: i32) -> (i32, i32) {
    %c0_i32 = arith.constant 0 : i32
    %c0_i32_0 = arith.constant 0 : i32
    return %arg0, %c0_i32 : i32, i32
  }
  func.func @transform_7(%arg0: i32) -> (i32, i32) {
    %add3A = arith.constant 10 : i32
    %add3A_0 = arith.addi %arg0, %add3A : i32
    %c0_i32 = arith.constant 0 : i32
    %c0_i32_1 = arith.constant 0 : i32
    return %add3A_0, %c0_i32 : i32, i32
  }
  func.func @transform_8(%arg0: i32) -> (i32, i32) {
    %c0_i32 = arith.constant 0 : i32
    %c0_i32_0 = arith.constant 0 : i32
    %c0_i32_1 = arith.constant 0 : i32
    return %c0_i32, %c0_i32_0 : i32, i32
  }
  func.func @transform_9(%arg0: i32) -> (i32, i32) {
    %c0_i32 = arith.constant 0 : i32
    %c0_i32_0 = arith.constant 0 : i32
    %c0_i32_1 = arith.constant 0 : i32
    return %c0_i32, %c0_i32_0 : i32, i32
  }
  func.func @transform_10(%arg0: i32) -> (i32, i32) {
    %c0_i32 = arith.constant 0 : i32
    %c0_i32_0 = arith.constant 0 : i32
    return %arg0, %c0_i32 : i32, i32
  }
}

</mosaic_0001>

<sc_bundles>
// kernel: kernel.10.cloned.1.call-start
scs
__scs_entry_jumppad:
0x0: {  	(pc) =	sbr.rel $0x88, $3  }
0x1: {  	(tag) =	ssettag $0x0;
	lr =	simm.s32 $0x1  }
0x2: {  	[smem:$0x3F99] =	sst lr;
	_ =	strace $0xD0000000  }
0x3: {  	_ = 	snop  }
0x4: {  	_ = 	snop  }
0x5: {  	_ = 	snop  }
0x6: {  	_ = 	snop  }
0x7: {  	_ = 	snop  }
__scs_overlays_trampoline_lowered:
0x8: {  	[smem:$0x3FA8] =	sst s0  }
0x9: {  	[smem:$0x3FA9] =	sst s1  }
0xa: {  	[smem:$0x3FAA] =	sst s2  }
0xb: {  	[smem:$0x3FAB] =	sst s3  }
0xc: {  	[smem:$0x3FAC] =	sst s4  }
0xd: {  	[smem:$0x3FAD] =	sst s5  }
0xe: {  	[smem:$0x3FAE] =	sst s6  }
0xf: {  	[smem:$0x3FAF] =	sst s7  }
0x10: {  	[smem:$0x3FB0] =	sst s8  }
0x11: {  	[smem:$0x3FB1] =	sst s9;
	s0 =	simm.s32 @!p0 $0x0  }
0x12: {  	s1 =	sld [smem:$0x3F97];
	s0 =	simm.s32 @p0 $0x1  }
0x13: {  	[smem:$0x3FB2] =	sst s0;
	s0 =	simm.s32 @!p1 $0x0  }
0x14: {  	s2 =	sld [smem:$0x3F96];
	s0 =	simm.s32 @p1 $0x1  }
0x15: {  	[smem:$0x3FB3] =	sst s0;
	s0 =	simm.s32 @!p2 $0x0  }
0x16: {  	s3 =	sld [smem:$0x3FDB];
	s0 =	simm.s32 @p2 $0x1  }
0x17: {  	s4 =	simm.s32 $0x1BF5;
	[smem:$0x3FB5] =	sst s0  }
0x18: {  	s0 =	sld [smem:$0x3F98];
	_ =	swait.ge [sflag:s4], $0x0  }
0x19: {  	s7 =	sld [smem:$0x3F99]  }
0x1a: {  	s8 =	sadd.s32 $0xFFFFE003, lr  }
0x1b: {  	s9 =	sadd.s32 $0xFFFFFEF7, lr;
	s5 =	simm.s32 $0xFFFFFFFF;
	p2 =	slt.u32 s8, $0xFFFFF086  }
0x1c: {  	p1 =	slt.u32 s9, $0xF7A;
	s5 =	simm.s32 @!p2 $0x0  }
0x1d: {  	s5 =	simm.s32 @p1 $0x1;
	p0 =	seq.s32 s7, s2  }
0x1e: {  	s7 =	smul.u32 @!p0 $0xF7A, s2;
	p2 =	seq.s32 @!p0 s5, $0x0  }
0x1f: {  	s9 =	smul.u32 $0xF7A, s1;
	s8 =	simm.s32 @!p0 $0x1BF5;
	p2 =	por !p2, p0  }
0x20: {  	[sflag:s8] =	ssyncset.s32 @!p0 $0xFFFFF086;
	s6 =	sadd.s32 @!p0 s3, s7;
	s7 =	simm.s32 @!p0 $0x108  }
0x21: {  	s3 =	sadd.s32 s3, s9;
	s6 =	sadd.s32 @!p0 $0x88, s6;
	s7 =	simm.s32 @p2 $0x1082  }
0x22: {  	[simem:s7], [sflag:s8] =	dma.local @!p0 [hbm:s6], $0xF7A  }
0x23: {  	s9 =	sor.u32 $0xD0000000, s2;
	s6 =	simm.s32 $0x108;
	_ =	swait.ge @!p0 [sflag:s8], $0x0  }
0x24: {  	s3 =	sadd.s32 $0x88, s3;
	s6 =	simm.s32 @!p1 $0x1082;
	[sflag:s4] =	ssyncset.s32 $0xFFFFF086  }
0x25: {  	[simem:s6], [sflag:s4] =	dma.local [hbm:s3], $0xF7A  }
0x26: {  	[smem:$0x3F99] =	sst s1;
	(tag) =	ssettag s2;
	_ =	strace s9  }
0x27: {  	s1 =	sld [smem:$0x3FA9]  }
0x28: {  	s2 =	sld [smem:$0x3FAA]  }
0x29: {  	s4 =	sld [smem:$0x3FAC]  }
0x2a: {  	p0 =	seq.s32 s5, $0x0;
	s5 =	sld [smem:$0x3FAD]  }
0x2b: {  	s6 =	sld [smem:$0x3FAE]  }
0x2c: {  	s7 =	sld [smem:$0x3FAF]  }
0x2d: {  	s3 =	simm.s32 $0x108;
	s8 =	sld [smem:$0x3FB0]  }
0x2e: {  	s3 =	simm.s32 @!p0 $0x1082;
	s9 =	sld [smem:$0x3FB1]  }
0x2f: {  	lr =	sadd.s32 s0, s3;
	s0 =	sld [smem:$0x3FA8]  }
0x30: {  	s3 =	sld [smem:$0x3FAB]  }
0x31: {  	[smem:$0x3FB4] =	sst s10  }
0x32: {  	s10 =	sld [smem:$0x3FB2];
	_ =	sdelay $0x3  }
0x33: {  	p0 =	seq.s32 s10, $0x1;
	s10 =	sld [smem:$0x3FB4];
	_ =	sdelay $0x3  }
0x34: {  	[smem:$0x3FB4] =	sst s10  }
0x35: {  	s10 =	sld [smem:$0x3FB3];
	_ =	sdelay $0x3  }
0x36: {  	p1 =	seq.s32 s10, $0x1;
	s10 =	sld [smem:$0x3FB4];
	_ =	sdelay $0x3  }
0x37: {  	[smem:$0x3FB4] =	sst s10  }
0x38: {  	s10 =	sld [smem:$0x3FB5]  }
0x39: {  	_ = 	snop;
	(pc) =	sbr.ind lr, $3  }
0x3a: {  	_ = 	snop  }
0x3b: {  	_ = 	snop  }
0x3c: {  	p2 =	seq.s32 s10, $0x1;
	s10 =	sld [smem:$0x3FB4]  }
0x3d: {  	_ =	shalt  }
0x3e: {  	_ =	shalt  }
0x3f: {  	_ =	shalt  }
0x40: {  	_ =	shalt  }
0x41: {  	_ =	shalt  }
0x42: {  	_ =	shalt  }
0x43: {  	_ =	shalt  }
0x44: {  	_ =	shalt  }
0x45: {  	_ =	shalt  }
0x46: {  	_ =	shalt  }
0x47: {  	_ =	shalt  }
0x48: {  	_ =	shalt  }
0x49: {  	_ =	shalt  }
0x4a: {  	_ =	shalt  }
0x4b: {  	_ =	shalt  }
0x4c: {  	_ =	shalt  }
0x4d: {  	_ =	shalt  }
0x4e: {  	_ =	shalt  }
0x4f: {  	_ =	shalt  }
0x50: {  	_ =	shalt  }
0x51: {  	_ =	shalt  }
0x52: {  	_ =	shalt  }
0x53: {  	_ =	shalt  }
0x54: {  	_ =	shalt  }
0x55: {  	_ =	shalt  }
0x56: {  	_ =	shalt  }
0x57: {  	_ =	shalt  }
0x58: {  	_ =	shalt  }
0x59: {  	_ =	shalt  }
0x5a: {  	_ =	shalt  }
0x5b: {  	_ =	shalt  }
0x5c: {  	_ =	shalt  }
0x5d: {  	_ =	shalt  }
0x5e: {  	_ =	shalt  }
0x5f: {  	_ =	shalt  }
0x60: {  	_ =	shalt  }
0x61: {  	_ =	shalt  }
0x62: {  	_ =	shalt  }
0x63: {  	_ =	shalt  }
0x64: {  	_ =	shalt  }
0x65: {  	_ =	shalt  }
0x66: {  	_ =	shalt  }
0x67: {  	_ =	shalt  }
0x68: {  	_ =	shalt  }
0x69: {  	_ =	shalt  }
0x6a: {  	_ =	shalt  }
0x6b: {  	_ =	shalt  }
0x6c: {  	_ =	shalt  }
0x6d: {  	_ =	shalt  }
0x6e: {  	_ =	shalt  }
0x6f: {  	_ =	shalt  }
0x70: {  	_ =	shalt  }
0x71: {  	_ =	shalt  }
0x72: {  	_ =	shalt  }
0x73: {  	_ =	shalt  }
0x74: {  	_ =	shalt  }
0x75: {  	_ =	shalt  }
0x76: {  	_ =	shalt  }
0x77: {  	_ =	shalt  }
0x78: {  	_ =	shalt  }
0x79: {  	_ =	shalt  }
0x7a: {  	_ =	shalt  }
0x7b: {  	_ =	shalt  }
0x7c: {  	_ =	shalt  }
0x7d: {  	_ =	shalt  }
0x7e: {  	_ =	shalt  }
0x7f: {  	_ =	shalt  }
0x80: {  	_ =	shalt  }
0x81: {  	_ =	shalt  }
0x82: {  	_ =	shalt  }
0x83: {  	_ =	shalt  }
0x84: {  	_ =	shalt  }
0x85: {  	_ =	shalt  }
0x86: {  	_ =	shalt  }
0x87: {  	_ =	shalt  }
.Lfunc_end0:
.L_simem_size_0:
called_computation_lowered:
.L_overlay_start_0:
0x88: {  	s2 =	sld [smem:$0x3FD9]  }
0x89: {  	s3 =	sld [smem:$0x3FFE];
	_ =	sdelay $0x1  }
0x8a: {  	s1 =	srdreg.scid  }
0x8b: {  	s0 =	sand.u32 $0x1, s1  }
0x8c: {  	s17 =	sshll.u32 s0, $0xA;
	s2 =	sadd.s32 s3, s2  }
0x8d: {  	s2 =	sadd.s32 s2, s17  }
0x8e: {  	[smem:$0x3FC0] =	sst s2  }
0x8f: {  	_ = 	snop  }
0x90: {  	s18 =	sld [smem:$0x3FD0];
	(tm) =	ssettm $0x1  }
0x91: {  	s19 =	sld [smem:$0x3FFB];
	_ =	sdelay $0x3  }
0x92: {  	_ =	strace s19  }
0x93: {  	s2 =	sld [smem:$0x3FFC];
	_ =	sdelay $0x3  }
0x94: {  	_ =	strace s2  }
0x95: {  	s2 =	sld [smem:$0x3FFD];
	_ =	sdelay $0x3  }
0x96: {  	_ =	strace s2  }
0x97: {  	_ =	strace $0x8FFFFFFF  }
0x98: {  	s20 =	sld [smem:$0x3FDB];
	_ =	sdelay $0x1  }
0x99: {  	s4 =	simm.s32 $_scs_section_size  }
0x9a: {  	s5 =	simm.s32 $_size__tile_overlayer_lowered;
	s6 =	simm.s32 $_tile_overlayer_lowered  }
0x9b: {  	s7 =	simm.s32 $0x1BFF;
	s21 =	sshll.u32 s6, $0x1;
	s4 =	sadd.s32 s4, s20  }
0x9c: {  	s22 =	simm.s32 $0x0;
	s5 =	sshll.u32 s5, $0x1;
	s6 =	sadd.s32 s21, s4  }
0x9d: {  	[timem:s22], [sflag:s7] =	dma.local [hbm:s6], s5  }
0x9e: {  	_ =	swait.ge [sflag:s7], s5  }
0x9f: {  	s5 =	ssub.s32 $0x0, s5;
	[sflag:s7] =	ssyncset.done $0x0  }
0xa0: {  	[sflag:s7] =	ssyncadd.s32 s5;
	_ =	sdelay $0x1  }
0xa1: {  	s23 =	simm.s32 $0x1B8B  }
0xa2: {  	_ =	swait.ge [sflag:s23], $0x1  }
0xa3: {  	[sflag:s23] =	ssyncset.done $0x0  }
0xa4: {  	[sflag:s23] =	ssyncadd.s32 $0xFFFFFFFF  }
0xa5: {  	s5 =	sld [smem:$0x0]  }
0xa6: {  	s6 =	sand.u32 $0xFFFFFFFE, s1  }
0xa7: {  	p0 =	sne.s32 s1, s6  }
0xa8: {  	s6 =	sshll.u32 @p0 s6, $0xE  }
0xa9: {  	s6 =	sadd.s32 @p0 $0x11B8D, s6;
	s7 =	sshll.u32 @p0 s5, $0x11  }
0xaa: {  	s6 =	sor.u32 @p0 s7, s6  }
0xab: {  	[sflag:s6] =	ssyncadd.remote.s32 @p0 $0x1;
	_ =	sdelay $0x1  }
0xac: {  	s6 =	simm.s32 @p0 $0x1B8D  }
0xad: {  	_ =	swait.eq @p0 [sflag:s6], $0x1  }
0xae: {  	[sflag:s6] =	ssyncadd.s32 @p0 $0xFFFFFFFF  }
0xaf: {  	s7 =	sshll.u32 @!p0 s1, $0xE  }
0xb0: {  	s7 =	sor.u32 @!p0 $0x4000, s7;
	s6 =	simm.s32 @!p0 $0x1B8D  }
0xb1: {  	s5 =	sshll.u32 @!p0 s5, $0x11;
	s7 =	sadd.s32 @!p0 $0x11B8D, s7;
	_ =	swait.eq @!p0 [sflag:s6], $0x1  }
0xb2: {  	s5 =	sor.u32 @!p0 s5, s7;
	[sflag:s6] =	ssyncadd.s32 @!p0 $0xFFFFFFFF  }
0xb3: {  	s25 =	simm.s32 $0x1B8E;
	s24 =	sld [smem:$0x3FFE];
	[sflag:s5] =	ssyncadd.remote.s32 @!p0 $0x1  }
0xb4: {  	s26 =	simm.s32 $execute0_lowered;
	[smem:$0x3FD2] =	sst s25  }
0xb5: {  	s6 =	sshll.u32 s26, $0x1;
	_ =	strace $0x80000049;
	[dreg:$0x1] =	wrdreg $0xFFFFFFFF  }
0xb6: {  	s28 =	simm.s32 $_size_execute0_lowered;
	s4 =	sadd.s32 s4, s6;
	[dreg:$0x0] =	wrdreg $0x0  }
0xb7: {  	s6 =	sshll.u32 s28, $0x1;
	[dreg:$0x2] =	wrdreg s4  }
0xb8: {  	[dreg:$0x3] =	wrdreg s6  }
0xb9: {  	[dreg:$0x4] =	wrdreg $0xC0  }
0xba: {  	_ =	task [dreg:s22], $0x5FFFF  }
0xbb: {  	[dreg:$0x1] =	wrdreg $0xFFFFFFFF  }
0xbc: {  	[dreg:$0x0] =	wrdreg $0x60  }
0xbd: {  	[dreg:$0x2] =	wrdreg s18  }
0xbe: {  	[dreg:$0x3] =	wrdreg s24  }
0xbf: {  	[dreg:$0x4] =	wrdreg $0x3000  }
0xc0: {  	[dreg:$0x5] =	wrdreg $0x9  }
0xc1: {  	_ =	task.clear_ibuf [dreg:s22], $0x6FFFF;
	_ =	strace $0x90000049  }
0xc2: {  	s29 =	simm.s32 $0x9;
	_ =	strace $0x8000004B  }
0xc3: {  	_ =	swait.ge [sflag:s29], $0x1  }
0xc4: {  	[sflag:s29] =	ssyncadd.s32 $0xFFFFFFFF  }
0xc5: {  	_ =	strace $0x9000004B  }
0xc6: {  	_ =	sfence  }
0xc7: {  	s30 =	sld [smem:$0x0];
	_ =	sdelay $0x2  }
0xc8: {  	s31 =	sshll.u32 s1, $0xD;
	s1 =	sshrl.u32 s1, $0x2  }
0xc9: {  	s4 =	sand.u32 $0x4000, s31;
	s1 =	sadd.s32 s1, s30  }
0xca: {  	s0 =	sor.u32 s4, s0;
	s1 =	sshll.u32 s1, $0x11  }
0xcb: {  	s0 =	sor.u32 s1, s0  }
0xcc: {  	s0 =	sadd.s32 $0x8F2B, s0  }
0xcd: {  	[sflag:s0] =	ssyncadd.remote.s32 $0x1  }
0xce: {  	_ =	sfence.sel $0xFFFF  }
0xcf: {  	[dreg:$0x0] =	wrdreg $0xFFFFFFFF;
	(pc) =	sbr.abs _section_cstart, $3  }
0xd0: {  	[dreg:$0x1] =	wrdreg $0xFFFFFFFF  }
0xd1: {  	_ =	task.clear_ibuf [dreg:s22], $0x2FFFF;
	_ =	strace $0x9FFFFFFF  }
0xd2: {  	(tm) =	ssettm $0x7FFFFFFF  }
0xd3: {  	_ =	shalt  }
tec
execute0_lowered:
.L_overlay_start_1:
0x0: {  	(tag) =	ssettag $0x1  }
0x1: {  	s12 =	rddreg [dreg:$0x0]  }
0x2: {  	s5 =	rddreg [dreg:$0x1]  }
0x3: {  	s2 =	rddreg [dreg:$0x2]  }
0x4: {  	s0 =	stileid.u32;
	s4 =	srdreg.scid  }
0x5: {  	s1 =	rddreg [dreg:$0x3];
	s3 =	simm.s32 $0x0;
	s14 =	simm.s32 $0x3  }
0x6: {  	s16 =	simm.s32 $0x1;
	s17 =	simm.s32 $0x100;
	s18 =	simm.s32 $0x200  }
0x7: {  	s19 =	simm.s32 $0x2;
	s20 =	simm.s32 $0x180;
	s6 =	smul.u32 $0x280, s0  }
0x8: {  	s23 =	simm.s32 $0x0;
	s15 =	sand.u32 $0x1, s4;
	s8 =	smul.u32 $0x4F00, s0  }
0x9: {  	[smem:$0x7FF] =	sst s3;
	s13 =	smul.u32 $0x9E0, s0;
	s21 =	sshll.u32 s0, $0x6  }
0xa: {  	p0 =	seq.s32 s15, $0x1;
	_ =	strace $0x8000004A;
	s30 =	ssub.s32 $0x2, s15  }
0xb: {  	s21 =	sor.u32 $0x1C03, s21;
	s7 =	sadd.s32 $0x2800, s6;
	s4 =	sadd.s32 s6, s2  }
0xc: {  	s31 =	sshrl.u32 s30, $0x1;
	s9 =	sshrl.u32 s8, $0x3;
	s6 =	smov.u32 @p0 s7  }
0xd: {  	s10 =	ssub.s32 s30, s31;
	s7 =	sadd.s32 $0x180, s4;
	s8 =	sadd.s32 $0x200, s4  }
0xe: {  	s9 =	sadd.s32 s12, s9;
	s12 =	sadd.s32 s13, s12;
	s13 =	simm.s32 $0x280  }
0xf: {  	p0 =	seq.s32 s15, $0x0;
	s15 =	simm.s32 $0x80;
	s6 =	sshrl.u32 s6, $0x3  }
0x10: {  	s22 =	sshrl.u32 s4, $0x3;
	s10 =	smax.u32 s10, $0x1;
	s11 =	sadd.s32 s6, s5  }
0x11: {  	v0 =	vimm.f32 $0.0e+00;
	v1 =	vimm.f32 $1.000000000e+00;
	s5 =	sadd.s32 $0x80, s4;
	s6 =	sadd.s32 $0x100, s4;
	s11 =	sadd.s32 $0xCB200, s11  }
.LBB2_1:
0x12: {  	[tilespmem:$0x280] =	vst v0  }
0x13: {  	[tilespmem:$0x290] =	vst v0  }
0x14: {  	[tilespmem:$0x2A0] =	vst v0  }
0x15: {  	[tilespmem:$0x2B0] =	vst v0  }
0x16: {  	[tilespmem:$0x2C0] =	vst v0  }
0x17: {  	[tilespmem:$0x2D0] =	vst v0  }
0x18: {  	[tilespmem:$0x2E0] =	vst v0  }
0x19: {  	[tilespmem:$0x2F0] =	vst v0  }
0x1a: {  	[tilespmem:$0x200] =	vst v1  }
0x1b: {  	[tilespmem:$0x210] =	vst v1  }
0x1c: {  	[tilespmem:$0x220] =	vst v1  }
0x1d: {  	[tilespmem:$0x230] =	vst v1  }
0x1e: {  	[tilespmem:$0x240] =	vst v1  }
0x1f: {  	[tilespmem:$0x250] =	vst v1  }
0x20: {  	[tilespmem:$0x260] =	vst v1  }
0x21: {  	[tilespmem:$0x270] =	vst v1  }
0x22: {  	[spmem:s4] =	stream.linear.scatter [tilespmem:s13], [sflag:$0x3], $0x80, $0x38;
	[tilespmem:$0x580] =	vst v63  }
0x23: {  	_ =	swait.ge [sflag:s14], $0x80  }
0x24: {  	[sflag:s14] =	ssyncset.done $0x0  }
0x25: {  	[sflag:s14] =	ssyncadd.s32 $0xFFFFFF80  }
0x26: {  	[spmem:s5] =	stream.linear.scatter [tilespmem:s13], [sflag:$0x3], $0x80, $0x38;
	[tilespmem:$0x580] =	vst v63  }
0x27: {  	_ =	swait.ge [sflag:s14], $0x80  }
0x28: {  	[sflag:s14] =	ssyncset.done $0x0  }
0x29: {  	[sflag:s14] =	ssyncadd.s32 $0xFFFFFF80  }
0x2a: {  	[spmem:s6] =	stream.linear.scatter [tilespmem:s13], [sflag:$0x3], $0x80, $0x38;
	[tilespmem:$0x580] =	vst v63  }
0x2b: {  	_ =	swait.ge [sflag:s14], $0x80  }
0x2c: {  	[sflag:s14] =	ssyncset.done $0x0  }
0x2d: {  	[sflag:s14] =	ssyncadd.s32 $0xFFFFFF80  }
0x2e: {  	[spmem:s7] =	stream.linear.scatter [tilespmem:s13], [sflag:$0x3], $0x80, $0x38;
	[tilespmem:$0x580] =	vst v63  }
0x2f: {  	_ =	swait.ge [sflag:s14], $0x80  }
0x30: {  	[sflag:s14] =	ssyncset.done $0x0  }
0x31: {  	[sflag:s14] =	ssyncadd.s32 $0xFFFFFF80  }
0x32: {  	[spmem:s8] =	stream.linear.scatter [tilespmem:s13], [sflag:$0x3], $0x80, $0x38;
	[tilespmem:$0x580] =	vst v63  }
0x33: {  	_ =	swait.ge [sflag:s14], $0x80  }
0x34: {  	[sflag:s14] =	ssyncset.done $0x0  }
0x35: {  	[sflag:s14] =	ssyncadd.s32 $0xFFFFFF80  }
0x36: {  	s24 =	sadd.s32 $0xFFFFF620, s12;
	[bflag:$0x0] =	sbarrier.arrive $0xFFFF  }
0x37: {  	[tilespmem:s3], [sflag:$0x1] =	stream.linear.gather [hbm4b:s9+s3], $0x80, $0x38;
	[tilespmem:$0x580] =	vst v63  }
0x38: {  	s24 =	sadd.s32 $0x9F0, s24  }
0x39: {  	[tilespmem:s15], [sflag:$0x2] =	stream.linear.gather [hbm4b:s24+s3], $0x80, $0x38;
	[tilespmem:$0x580] =	vst v63  }
0x3a: {  	_ =	swait.ge [sflag:s16], $0x80  }
0x3b: {  	[sflag:s16] =	ssyncset.done $0x0  }
0x3c: {  	[sflag:s16] =	ssyncadd.s32 $0xFFFFFF80  }
0x3d: {  	v2 =	vld [tilespmem:$0x70]  }
0x3e: {  	v3 =	vld [tilespmem:$0x60]  }
0x3f: {  	v4 =	vld [tilespmem:$0x30]  }
0x40: {  	v5 =	vld [tilespmem:$0x50]  }
0x41: {  	v6 =	vld [tilespmem:$0x40]  }
0x42: {  	v7 =	vld [tilespmem:$0x20];
	v8 =	vand.u32 $0x3FFF, v2;
	v2 =	vshrl.u32 v2, $0xE  }
0x43: {  	v9 =	vld [tilespmem:$0x0];
	v10 =	vand.u32 $0x3FFF, v3;
	v3 =	vshrl.u32 v3, $0xE;
	v2 =	vpsel p0, v2, v8  }
0x44: {  	v61 =	vld [tilespmem:$0x10];
	v11 =	vand.u32 $0x3FFF, v4;
	v4 =	vshrl.u32 v4, $0xE;
	v3 =	vpsel p0, v3, v10;
	[tilespmem:$0x170] =	vst v2  }
0x45: {  	v2 =	vpsel p0, v4, v11;
	v4 =	vand.u32 $0x3FFF, v5;
	v5 =	vshrl.u32 v5, $0xE;
	[tilespmem:$0x160] =	vst v3  }
0x46: {  	v3 =	vshrl.u32 v6, $0xE;
	[tilespmem:$0x130] =	vst v2;
	v2 =	vand.u32 $0x3FFF, v6;
	v4 =	vpsel p0, v5, v4  }
0x47: {  	v5 =	vand.u32 $0x3FFF, v7;
	v6 =	vshrl.u32 v7, $0xE;
	v2 =	vpsel p0, v3, v2;
	[tilespmem:$0x150] =	vst v4  }
0x48: {  	v3 =	vand.u32 $0x3FFF, v9;
	v4 =	vshrl.u32 v9, $0xE;
	v5 =	vpsel p0, v6, v5;
	[tilespmem:$0x140] =	vst v2  }
0x49: {  	p1 =	por $0x0, $0x0;
	v2 =	vpsel p0, v4, v3;
	v3 =	vand.u32 $0x3FFF, v61;
	v4 =	vshrl.u32 v61, $0xE;
	[tilespmem:$0x120] =	vst v5  }
0x4a: {  	s24 =	sadd.s32 @!p1 $0xFFFFF620, s12;
	[tilespmem:$0x100] =	vst v2;
	v2 =	vpsel p0, v4, v3  }
0x4b: {  	s25 =	simm.s32 @!p1 $0x0;
	s24 =	sadd.s32 @!p1 $0xA00, s24;
	[tilespmem:$0x110] =	vst v2  }
0x4c: {  	[tilespmem:s25], [sflag:$0x1] =	stream.linear.gather @!p1 [hbm4b:s24+s25], $0x80, $0x38;
	[tilespmem:$0x580] =	vst v63  }
0x4d: {  	_ = 	snop  }
0x4e: {  	[spmem:s2] =	stream.indirect.scatter.add.f32 [tilespmem:s18], [sflag:$0x3], $0x1, s17, s15, $0xb8;
	[tilespmem:$0x580] =	vst v63  }
0x4f: {  	_ =	swait.ge [sflag:s14], $0x80  }
0x50: {  	[sflag:s14] =	ssyncset.done $0x0  }
0x51: {  	[sflag:s14] =	ssyncadd.s32 $0xFFFFFF80  }
0x52: {  	_ =	swait.ge [sflag:s19], $0x80  }
0x53: {  	[sflag:s19] =	ssyncset.done $0x0  }
0x54: {  	[sflag:s19] =	ssyncadd.s32 $0xFFFFFF80  }
0x55: {  	v2 =	vld [tilespmem:$0x80]  }
0x56: {  	v3 =	vld [tilespmem:$0x90]  }
0x57: {  	v4 =	vld [tilespmem:$0xA0]  }
0x58: {  	v5 =	vld [tilespmem:$0xB0]  }
0x59: {  	v6 =	vld [tilespmem:$0xC0]  }
0x5a: {  	v62 =	vld [tilespmem:$0xD0];
	v7 =	vand.u32 $0x3FFF, v2;
	v2 =	vshrl.u32 v2, $0xE  }
0x5b: {  	v63 =	vld [tilespmem:$0xE0];
	v2 =	vpsel p0, v2, v7;
	v7 =	vand.u32 $0x3FFF, v3;
	v3 =	vshrl.u32 v3, $0xE  }
0x5c: {  	[tilespmem:$0x180] =	vst v2;
	v2 =	vpsel p0, v3, v7;
	v3 =	vand.u32 $0x3FFF, v4;
	v4 =	vshrl.u32 v4, $0xE;
	v7 =	vld [tilespmem:$0xF0]  }
0x5d: {  	[tilespmem:$0x190] =	vst v2;
	v2 =	vpsel p0, v4, v3;
	v3 =	vand.u32 $0x3FFF, v5;
	v4 =	vshrl.u32 v5, $0xE  }
0x5e: {  	[tilespmem:$0x1A0] =	vst v2;
	v2 =	vpsel p0, v4, v3;
	v3 =	vand.u32 $0x3FFF, v6;
	v4 =	vshrl.u32 v6, $0xE  }
0x5f: {  	[tilespmem:$0x1B0] =	vst v2;
	v2 =	vpsel p0, v4, v3;
	v3 =	vand.u32 $0x3FFF, v62;
	v4 =	vshrl.u32 v62, $0xE  }
0x60: {  	[tilespmem:$0x1C0] =	vst v2;
	v2 =	vpsel p0, v4, v3;
	v3 =	vand.u32 $0x3FFF, v63;
	v4 =	vshrl.u32 v63, $0xE  }
0x61: {  	s24 =	simm.s32 $0xFFFFF640;
	s25 =	simm.s32 $0xFFFFF660;
	[tilespmem:$0x1D0] =	vst v2;
	v2 =	vpsel p0, v4, v3;
	v3 =	vand.u32 $0x3FFF, v7;
	v4 =	vshrl.u32 v7, $0xE  }
.LBB2_2:
0x62: {  	[tilespmem:$0x1E0] =	vst v2;
	v2 =	vpsel p0, v4, v3;
	s26 =	smov.u32 s25;
	s25 =	sadd.s32 $0x20, s25  }
0x63: {  	p1 =	sne.s32 s25, $0x0;
	[tilespmem:$0x1F0] =	vst v2  }
0x64: {  	[spmem:s2] =	stream.indirect.scatter.add.f32 [tilespmem:s18], [sflag:$0x3], $0x1, s20, s15, $0xb8;
	[tilespmem:$0x580] =	vst v63  }
0x65: {  	_ =	swait.ge [sflag:s14], $0x80  }
0x66: {  	s28 =	sadd.s32 s24, s12;
	[sflag:s14] =	ssyncset.done $0x0  }
0x67: {  	s28 =	sadd.s32 $0x9F0, s28;
	[sflag:s14] =	ssyncadd.s32 $0xFFFFFF80  }
0x68: {  	[tilespmem:s15], [sflag:$0x2] =	stream.linear.gather [hbm4b:s28+s3], $0x80, $0x38;
	[tilespmem:$0x580] =	vst v63  }
0x69: {  	_ =	swait.ge [sflag:s16], $0x80  }
0x6a: {  	[sflag:s16] =	ssyncset.done $0x0  }
0x6b: {  	[sflag:s16] =	ssyncadd.s32 $0xFFFFFF80  }
0x6c: {  	v2 =	vld [tilespmem:$0x70]  }
0x6d: {  	v3 =	vld [tilespmem:$0x60]  }
0x6e: {  	v4 =	vld [tilespmem:$0x30]  }
0x6f: {  	v5 =	vld [tilespmem:$0x50]  }
0x70: {  	v6 =	vld [tilespmem:$0x40]  }
0x71: {  	v7 =	vld [tilespmem:$0x20];
	v8 =	vand.u32 $0x3FFF, v2;
	v2 =	vshrl.u32 v2, $0xE  }
0x72: {  	v9 =	vld [tilespmem:$0x0];
	v10 =	vand.u32 $0x3FFF, v3;
	v3 =	vshrl.u32 v3, $0xE;
	v2 =	vpsel p0, v2, v8  }
0x73: {  	v8 =	vld [tilespmem:$0x10];
	v11 =	vand.u32 $0x3FFF, v4;
	v4 =	vshrl.u32 v4, $0xE;
	v3 =	vpsel p0, v3, v10;
	[tilespmem:$0x170] =	vst v2  }
0x74: {  	v2 =	vpsel p0, v4, v11;
	v4 =	vand.u32 $0x3FFF, v5;
	v5 =	vshrl.u32 v5, $0xE;
	[tilespmem:$0x160] =	vst v3  }
0x75: {  	[tilespmem:$0x130] =	vst v2;
	v2 =	vand.u32 $0x3FFF, v6;
	v3 =	vshrl.u32 v6, $0xE;
	v4 =	vpsel p0, v5, v4  }
0x76: {  	v5 =	vand.u32 $0x3FFF, v7;
	v6 =	vshrl.u32 v7, $0xE;
	v2 =	vpsel p0, v3, v2;
	[tilespmem:$0x150] =	vst v4  }
0x77: {  	v3 =	vand.u32 $0x3FFF, v9;
	v4 =	vshrl.u32 v9, $0xE;
	v5 =	vpsel p0, v6, v5;
	[tilespmem:$0x140] =	vst v2  }
0x78: {  	p2 =	seq.s32 s24, $0xFFFFFFE0;
	v2 =	vpsel p0, v4, v3;
	v3 =	vand.u32 $0x3FFF, v8;
	v4 =	vshrl.u32 v8, $0xE;
	[tilespmem:$0x120] =	vst v5  }
0x79: {  	s28 =	sadd.s32 @!p2 s24, s12;
	s24 =	smov.u32 s26;
	[tilespmem:$0x100] =	vst v2;
	v2 =	vpsel p0, v4, v3  }
0x7a: {  	s26 =	sadd.s32 @!p2 $0xA00, s28;
	s28 =	simm.s32 @!p2 $0x0;
	[tilespmem:$0x110] =	vst v2  }
0x7b: {  	[tilespmem:s28], [sflag:$0x1] =	stream.linear.gather @!p2 [hbm4b:s26+s28], $0x80, $0x38;
	[tilespmem:$0x580] =	vst v63  }
0x7c: {  	_ = 	snop  }
0x7d: {  	[spmem:s2] =	stream.indirect.scatter.add.f32 [tilespmem:s18], [sflag:$0x3], $0x1, s17, s15, $0xb8;
	[tilespmem:$0x580] =	vst v63  }
0x7e: {  	_ =	swait.ge [sflag:s14], $0x80  }
0x7f: {  	[sflag:s14] =	ssyncset.done $0x0  }
0x80: {  	[sflag:s14] =	ssyncadd.s32 $0xFFFFFF80  }
0x81: {  	_ =	swait.ge [sflag:s19], $0x80  }
0x82: {  	[sflag:s19] =	ssyncset.done $0x0  }
0x83: {  	[sflag:s19] =	ssyncadd.s32 $0xFFFFFF80  }
0x84: {  	v2 =	vld [tilespmem:$0x80]  }
0x85: {  	v3 =	vld [tilespmem:$0x90]  }
0x86: {  	v4 =	vld [tilespmem:$0xA0]  }
0x87: {  	v5 =	vld [tilespmem:$0xB0]  }
0x88: {  	v6 =	vld [tilespmem:$0xC0]  }
0x89: {  	v7 =	vand.u32 $0x3FFF, v2;
	v2 =	vshrl.u32 v2, $0xE;
	v8 =	vld [tilespmem:$0xD0]  }
0x8a: {  	v2 =	vpsel p0, v2, v7;
	v7 =	vand.u32 $0x3FFF, v3;
	v3 =	vshrl.u32 v3, $0xE;
	v9 =	vld [tilespmem:$0xE0]  }
0x8b: {  	[tilespmem:$0x180] =	vst v2;
	v2 =	vpsel p0, v3, v7;
	v3 =	vand.u32 $0x3FFF, v4;
	v4 =	vshrl.u32 v4, $0xE;
	v7 =	vld [tilespmem:$0xF0]  }
.Ltmp0:
0x8c: {  	[tilespmem:$0x190] =	vst v2;
	v2 =	vpsel p0, v4, v3;
	v3 =	vand.u32 $0x3FFF, v5;
	v4 =	vshrl.u32 v5, $0xE;
	(pc) =	sbr.rel @p1 .LBB2_2-.Ltmp0, $4  }
0x8d: {  	[tilespmem:$0x1A0] =	vst v2;
	v2 =	vpsel p0, v4, v3;
	v3 =	vand.u32 $0x3FFF, v6;
	v4 =	vshrl.u32 v6, $0xE  }
0x8e: {  	[tilespmem:$0x1B0] =	vst v2;
	v2 =	vpsel p0, v4, v3;
	v3 =	vand.u32 $0x3FFF, v8;
	v4 =	vshrl.u32 v8, $0xE  }
0x8f: {  	[tilespmem:$0x1C0] =	vst v2;
	v2 =	vpsel p0, v4, v3;
	v3 =	vand.u32 $0x3FFF, v9;
	v4 =	vshrl.u32 v9, $0xE  }
0x90: {  	[tilespmem:$0x1D0] =	vst v2;
	v2 =	vpsel p0, v4, v3;
	v3 =	vand.u32 $0x3FFF, v7;
	v4 =	vshrl.u32 v7, $0xE  }
0x91: {  	[tilespmem:$0x1E0] =	vst v2;
	v2 =	vpsel p0, v4, v3  }
0x92: {  	[tilespmem:$0x1F0] =	vst v2  }
0x93: {  	[spmem:s2] =	stream.indirect.scatter.add.f32 [tilespmem:s18], [sflag:$0x3], $0x1, s20, s15, $0xb8;
	[tilespmem:$0x580] =	vst v63  }
0x94: {  	_ =	swait.ge [sflag:s14], $0x80  }
0x95: {  	s25 =	sadd.s32 s24, s12;
	[sflag:s14] =	ssyncset.done $0x0  }
0x96: {  	s25 =	sadd.s32 $0x9F0, s25;
	[sflag:s14] =	ssyncadd.s32 $0xFFFFFF80  }
0x97: {  	[tilespmem:s15], [sflag:$0x2] =	stream.linear.gather [hbm4b:s25+s3], $0x80, $0x38;
	[tilespmem:$0x580] =	vst v63  }
0x98: {  	_ =	swait.ge [sflag:s16], $0x80  }
0x99: {  	[sflag:s16] =	ssyncset.done $0x0  }
0x9a: {  	[sflag:s16] =	ssyncadd.s32 $0xFFFFFF80  }
0x9b: {  	v2 =	vld [tilespmem:$0x70]  }
0x9c: {  	v3 =	vld [tilespmem:$0x60]  }
0x9d: {  	v44 =	vld [tilespmem:$0x30]  }
0x9e: {  	v5 =	vld [tilespmem:$0x50]  }
0x9f: {  	v7 =	vld [tilespmem:$0x20]  }
0xa0: {  	v6 =	vld [tilespmem:$0x40];
	v8 =	vand.u32 $0x3FFF, v2;
	v2 =	vshrl.u32 v2, $0xE  }
0xa1: {  	v9 =	vld [tilespmem:$0x0];
	v10 =	vand.u32 $0x3FFF, v3;
	v3 =	vshrl.u32 v3, $0xE;
	v2 =	vpsel p0, v2, v8  }
0xa2: {  	v45 =	vld [tilespmem:$0x10];
	v11 =	vand.u32 $0x3FFF, v44;
	v4 =	vshrl.u32 v44, $0xE;
	v3 =	vpsel p0, v3, v10;
	[tilespmem:$0x170] =	vst v2  }
0xa3: {  	v46 =	vand.u32 $0x3FFF, v5;
	v5 =	vshrl.u32 v5, $0xE;
	v2 =	vpsel p0, v4, v11;
	[tilespmem:$0x160] =	vst v3  }
0xa4: {  	v47 =	vand.u32 $0x3FFF, v7;
	v48 =	vshrl.u32 v7, $0xE;
	v4 =	vpsel p0, v5, v46;
	[tilespmem:$0x130] =	vst v2  }
0xa5: {  	v3 =	vshrl.u32 v6, $0xE;
	v5 =	vpsel p0, v48, v47;
	v2 =	vand.u32 $0x3FFF, v6;
	[tilespmem:$0x150] =	vst v4  }
0xa6: {  	v49 =	vshrl.u32 v9, $0xE;
	[tilespmem:$0x120] =	vst v5;
	v2 =	vpsel p0, v3, v2;
	v3 =	vand.u32 $0x3FFF, v9  }
0xa7: {  	p1 =	seq.s32 s24, $0xFFFFFFE0;
	v50 =	vshrl.u32 v45, $0xE;
	[tilespmem:$0x140] =	vst v2;
	v2 =	vpsel p0, v49, v3;
	v3 =	vand.u32 $0x3FFF, v45  }
0xa8: {  	s24 =	sadd.s32 @!p1 s24, s12;
	[tilespmem:$0x100] =	vst v2;
	v2 =	vpsel p0, v50, v3  }
0xa9: {  	s24 =	sadd.s32 @!p1 $0xA00, s24;
	s25 =	simm.s32 @!p1 $0x0;
	[tilespmem:$0x110] =	vst v2  }
0xaa: {  	[tilespmem:s25], [sflag:$0x1] =	stream.linear.gather @!p1 [hbm4b:s24+s25], $0x80, $0x38;
	[tilespmem:$0x580] =	vst v63  }
0xab: {  	_ = 	snop  }
0xac: {  	[spmem:s2] =	stream.indirect.scatter.add.f32 [tilespmem:s18], [sflag:$0x3], $0x1, s17, s15, $0xb8;
	[tilespmem:$0x580] =	vst v63  }
0xad: {  	_ =	swait.ge [sflag:s14], $0x80  }
0xae: {  	[sflag:s14] =	ssyncset.done $0x0  }
0xaf: {  	[sflag:s14] =	ssyncadd.s32 $0xFFFFFF80  }
0xb0: {  	_ =	swait.ge [sflag:s19], $0x80  }
0xb1: {  	[sflag:s19] =	ssyncset.done $0x0  }
0xb2: {  	[sflag:s19] =	ssyncadd.s32 $0xFFFFFF80  }
0xb3: {  	v2 =	vld [tilespmem:$0x80]  }
0xb4: {  	v3 =	vld [tilespmem:$0x90]  }
0xb5: {  	v51 =	vld [tilespmem:$0xA0]  }
0xb6: {  	v52 =	vld [tilespmem:$0xB0]  }
0xb7: {  	v53 =	vld [tilespmem:$0xC0]  }
0xb8: {  	v55 =	vld [tilespmem:$0xD0];
	v54 =	vand.u32 $0x3FFF, v2;
	v2 =	vshrl.u32 v2, $0xE  }
0xb9: {  	v57 =	vld [tilespmem:$0xE0];
	v56 =	vand.u32 $0x3FFF, v3;
	v3 =	vshrl.u32 v3, $0xE;
	v2 =	vpsel p0, v2, v54  }
0xba: {  	v58 =	vld [tilespmem:$0xF0];
	v4 =	vshrl.u32 v51, $0xE;
	[tilespmem:$0x180] =	vst v2;
	v2 =	vpsel p0, v3, v56;
	v3 =	vand.u32 $0x3FFF, v51  }
0xbb: {  	v59 =	vshrl.u32 v52, $0xE;
	[tilespmem:$0x190] =	vst v2;
	v2 =	vpsel p0, v4, v3;
	v3 =	vand.u32 $0x3FFF, v52  }
0xbc: {  	v60 =	vshrl.u32 v53, $0xE;
	[tilespmem:$0x1A0] =	vst v2;
	v2 =	vpsel p0, v59, v3;
	v3 =	vand.u32 $0x3FFF, v53  }
0xbd: {  	v61 =	vshrl.u32 v55, $0xE;
	[tilespmem:$0x1B0] =	vst v2;
	v2 =	vpsel p0, v60, v3;
	v3 =	vand.u32 $0x3FFF, v55  }
0xbe: {  	v62 =	vshrl.u32 v57, $0xE;
	[tilespmem:$0x1C0] =	vst v2;
	v2 =	vpsel p0, v61, v3;
	v3 =	vand.u32 $0x3FFF, v57  }
0xbf: {  	v63 =	vshrl.u32 v58, $0xE;
	[tilespmem:$0x1D0] =	vst v2;
	v2 =	vpsel p0, v62, v3;
	v3 =	vand.u32 $0x3FFF, v58  }
0xc0: {  	[tilespmem:$0x1E0] =	vst v2;
	v2 =	vpsel p0, v63, v3  }
0xc1: {  	[tilespmem:$0x1F0] =	vst v2  }
0xc2: {  	[spmem:s2] =	stream.indirect.scatter.add.f32 [tilespmem:s18], [sflag:$0x3], $0x1, s20, s15, $0xb8;
	[tilespmem:$0x580] =	vst v63  }
0xc3: {  	_ =	swait.ge [sflag:s14], $0x80  }
0xc4: {  	s23 =	sadd.s32 $0x1, s23;
	[sflag:s14] =	ssyncset.done $0x0  }
0xc5: {  	p1 =	sne.s32 s23, s10;
	[sflag:s14] =	ssyncadd.s32 $0xFFFFFF80  }
.Ltmp1:
0xc6: {  	[bflag:$0x0] =	sbarrier.arrive $0xFFFF;
	(pc) =	sbr.rel @p1 .LBB2_1-.Ltmp1, $4  }
0xc7: {  	[hbm:s11], [sflag:s21] =	dma.local [spmem:s22], $0x50  }
0xc8: {  	_ =	swait.ge [sflag:s14], $0x50  }
0xc9: {  	[sflag:s14] =	ssyncset.done $0x0  }
0xca: {  	[sflag:s14] =	ssyncadd.s32 $0xFFFFFFB0  }
0xcb: {  	_ =	sfence.sel $0x180000  }
0xcc: {  	[bflag:$0x0] =	sbarrier.arrive $0xFFFF  }
0xcd: {  	p0 =	sne.s32 s0, $0x0;
	_ =	strace $0x9000004A  }
0xce: {  	s0 =	sadd.s32 @!p0 $0x100000, s1;
	[bflag:$0x2] =	sbarrier.arrive $0xFFFF  }
0xcf: {  	[sflag:s0] =	ssyncadd.tile.s32 @!p0 $0x1;
	_ =	shalt  }
.Lfunc_end2:
_tile_overlayer_lowered:
.L_overlay_start_2:
0xd0: {  	(tag) =	ssettag $0x2  }
0xd1: {  	s0 =	rddreg [dreg:$0x0];
	s2 =	stileid.u32  }
0xd2: {  	s1 =	rddreg [dreg:$0x1];
	p0 =	sne.s32 s2, $0x0  }
0xd3: {  	s3 =	rddreg [dreg:$0x2];
	[bflag:$0x3] =	sbarrier.arrive $0xFFFF;
	s2 =	simm.s32 @!p0 $0x1C03  }
0xd4: {  	[timem:s3], [sflag:s2] =	dma.local @!p0 [hbm:s0], s1  }
0xd5: {  	s0 =	simm.s32 @!p0 $0x3  }
0xd6: {  	_ =	swait.ge @!p0 [sflag:s0], s1  }
0xd7: {  	s1 =	ssub.s32 @!p0 $0x0, s1;
	[sflag:s0] =	ssyncset.done @!p0 $0x0  }
0xd8: {  	[sflag:s0] =	ssyncadd.s32 @!p0 s1  }
0xd9: {  	[bflag:$0x3] =	sbarrier.arrive $0xFFFF  }
0xda: {  	_ =	shalt  }

// kernel: kernel.13.cloned.1.call-start
scs
__scs_entry_jumppad:
0x0: {  	(pc) =	sbr.rel $0x88, $3  }
0x1: {  	(tag) =	ssettag $0x0;
	lr =	simm.s32 $0x1  }
0x2: {  	[smem:$0x3F99] =	sst lr;
	_ =	strace $0xD0000000  }
0x3: {  	_ = 	snop  }
0x4: {  	_ = 	snop  }
0x5: {  	_ = 	snop  }
0x6: {  	_ = 	snop  }
0x7: {  	_ = 	snop  }
__scs_overlays_trampoline_lowered:
0x8: {  	[smem:$0x3FA8] =	sst s0  }
0x9: {  	[smem:$0x3FA9] =	sst s1  }
0xa: {  	[smem:$0x3FAA] =	sst s2  }
0xb: {  	[smem:$0x3FAB] =	sst s3  }
0xc: {  	[smem:$0x3FAC] =	sst s4  }
0xd: {  	[smem:$0x3FAD] =	sst s5  }
0xe: {  	[smem:$0x3FAE] =	sst s6  }
0xf: {  	[smem:$0x3FAF] =	sst s7  }
0x10: {  	[smem:$0x3FB0] =	sst s8  }
0x11: {  	[smem:$0x3FB1] =	sst s9;
	s0 =	simm.s32 @!p0 $0x0  }
0x12: {  	s1 =	sld [smem:$0x3F97];
	s0 =	simm.s32 @p0 $0x1  }
0x13: {  	[smem:$0x3FB2] =	sst s0;
	s0 =	simm.s32 @!p1 $0x0  }
0x14: {  	s2 =	sld [smem:$0x3F96];
	s0 =	simm.s32 @p1 $0x1  }
0x15: {  	[smem:$0x3FB3] =	sst s0;
	s0 =	simm.s32 @!p2 $0x0  }
0x16: {  	s3 =	sld [smem:$0x3FDB];
	s0 =	simm.s32 @p2 $0x1  }
0x17: {  	s4 =	simm.s32 $0x1BF5;
	[smem:$0x3FB5] =	sst s0  }
0x18: {  	s0 =	sld [smem:$0x3F98];
	_ =	swait.ge [sflag:s4], $0x0  }
0x19: {  	s7 =	sld [smem:$0x3F99]  }
0x1a: {  	s8 =	sadd.s32 $0xFFFFE003, lr  }
0x1b: {  	s9 =	sadd.s32 $0xFFFFFEF7, lr;
	s5 =	simm.s32 $0xFFFFFFFF;
	p2 =	slt.u32 s8, $0xFFFFF086  }
0x1c: {  	p1 =	slt.u32 s9, $0xF7A;
	s5 =	simm.s32 @!p2 $0x0  }
0x1d: {  	s5 =	simm.s32 @p1 $0x1;
	p0 =	seq.s32 s7, s2  }
0x1e: {  	s7 =	smul.u32 @!p0 $0xF7A, s2;
	p2 =	seq.s32 @!p0 s5, $0x0  }
0x1f: {  	s9 =	smul.u32 $0xF7A, s1;
	s8 =	simm.s32 @!p0 $0x1BF5;
	p2 =	por !p2, p0  }
0x20: {  	[sflag:s8] =	ssyncset.s32 @!p0 $0xFFFFF086;
	s6 =	sadd.s32 @!p0 s3, s7;
	s7 =	simm.s32 @!p0 $0x108  }
0x21: {  	s3 =	sadd.s32 s3, s9;
	s6 =	sadd.s32 @!p0 $0x88, s6;
	s7 =	simm.s32 @p2 $0x1082  }
0x22: {  	[simem:s7], [sflag:s8] =	dma.local @!p0 [hbm:s6], $0xF7A  }
0x23: {  	s9 =	sor.u32 $0xD0000000, s2;
	s6 =	simm.s32 $0x108;
	_ =	swait.ge @!p0 [sflag:s8], $0x0  }
0x24: {  	s3 =	sadd.s32 $0x88, s3;
	s6 =	simm.s32 @!p1 $0x1082;
	[sflag:s4] =	ssyncset.s32 $0xFFFFF086  }
0x25: {  	[simem:s6], [sflag:s4] =	dma.local [hbm:s3], $0xF7A  }
0x26: {  	[smem:$0x3F99] =	sst s1;
	(tag) =	ssettag s2;
	_ =	strace s9  }
0x27: {  	s1 =	sld [smem:$0x3FA9]  }
0x28: {  	s2 =	sld [smem:$0x3FAA]  }
0x29: {  	s4 =	sld [smem:$0x3FAC]  }
0x2a: {  	p0 =	seq.s32 s5, $0x0;
	s5 =	sld [smem:$0x3FAD]  }
0x2b: {  	s6 =	sld [smem:$0x3FAE]  }
0x2c: {  	s7 =	sld [smem:$0x3FAF]  }
0x2d: {  	s3 =	simm.s32 $0x108;
	s8 =	sld [smem:$0x3FB0]  }
0x2e: {  	s3 =	simm.s32 @!p0 $0x1082;
	s9 =	sld [smem:$0x3FB1]  }
0x2f: {  	lr =	sadd.s32 s0, s3;
	s0 =	sld [smem:$0x3FA8]  }
0x30: {  	s3 =	sld [smem:$0x3FAB]  }
0x31: {  	[smem:$0x3FB4] =	sst s10  }
0x32: {  	s10 =	sld [smem:$0x3FB2];
	_ =	sdelay $0x3  }
0x33: {  	p0 =	seq.s32 s10, $0x1;
	s10 =	sld [smem:$0x3FB4];
	_ =	sdelay $0x3  }
0x34: {  	[smem:$0x3FB4] =	sst s10  }
0x35: {  	s10 =	sld [smem:$0x3FB3];
	_ =	sdelay $0x3  }
0x36: {  	p1 =	seq.s32 s10, $0x1;
	s10 =	sld [smem:$0x3FB4];
	_ =	sdelay $0x3  }
0x37: {  	[smem:$0x3FB4] =	sst s10  }
0x38: {  	s10 =	sld [smem:$0x3FB5]  }
0x39: {  	_ = 	snop;
	(pc) =	sbr.ind lr, $3  }
0x3a: {  	_ = 	snop  }
0x3b: {  	_ = 	snop  }
0x3c: {  	p2 =	seq.s32 s10, $0x1;
	s10 =	sld [smem:$0x3FB4]  }
0x3d: {  	_ =	shalt  }
0x3e: {  	_ =	shalt  }
0x3f: {  	_ =	shalt  }
0x40: {  	_ =	shalt  }
0x41: {  	_ =	shalt  }
0x42: {  	_ =	shalt  }
0x43: {  	_ =	shalt  }
0x44: {  	_ =	shalt  }
0x45: {  	_ =	shalt  }
0x46: {  	_ =	shalt  }
0x47: {  	_ =	shalt  }
0x48: {  	_ =	shalt  }
0x49: {  	_ =	shalt  }
0x4a: {  	_ =	shalt  }
0x4b: {  	_ =	shalt  }
0x4c: {  	_ =	shalt  }
0x4d: {  	_ =	shalt  }
0x4e: {  	_ =	shalt  }
0x4f: {  	_ =	shalt  }
0x50: {  	_ =	shalt  }
0x51: {  	_ =	shalt  }
0x52: {  	_ =	shalt  }
0x53: {  	_ =	shalt  }
0x54: {  	_ =	shalt  }
0x55: {  	_ =	shalt  }
0x56: {  	_ =	shalt  }
0x57: {  	_ =	shalt  }
0x58: {  	_ =	shalt  }
0x59: {  	_ =	shalt  }
0x5a: {  	_ =	shalt  }
0x5b: {  	_ =	shalt  }
0x5c: {  	_ =	shalt  }
0x5d: {  	_ =	shalt  }
0x5e: {  	_ =	shalt  }
0x5f: {  	_ =	shalt  }
0x60: {  	_ =	shalt  }
0x61: {  	_ =	shalt  }
0x62: {  	_ =	shalt  }
0x63: {  	_ =	shalt  }
0x64: {  	_ =	shalt  }
0x65: {  	_ =	shalt  }
0x66: {  	_ =	shalt  }
0x67: {  	_ =	shalt  }
0x68: {  	_ =	shalt  }
0x69: {  	_ =	shalt  }
0x6a: {  	_ =	shalt  }
0x6b: {  	_ =	shalt  }
0x6c: {  	_ =	shalt  }
0x6d: {  	_ =	shalt  }
0x6e: {  	_ =	shalt  }
0x6f: {  	_ =	shalt  }
0x70: {  	_ =	shalt  }
0x71: {  	_ =	shalt  }
0x72: {  	_ =	shalt  }
0x73: {  	_ =	shalt  }
0x74: {  	_ =	shalt  }
0x75: {  	_ =	shalt  }
0x76: {  	_ =	shalt  }
0x77: {  	_ =	shalt  }
0x78: {  	_ =	shalt  }
0x79: {  	_ =	shalt  }
0x7a: {  	_ =	shalt  }
0x7b: {  	_ =	shalt  }
0x7c: {  	_ =	shalt  }
0x7d: {  	_ =	shalt  }
0x7e: {  	_ =	shalt  }
0x7f: {  	_ =	shalt  }
0x80: {  	_ =	shalt  }
0x81: {  	_ =	shalt  }
0x82: {  	_ =	shalt  }
0x83: {  	_ =	shalt  }
0x84: {  	_ =	shalt  }
0x85: {  	_ =	shalt  }
0x86: {  	_ =	shalt  }
0x87: {  	_ =	shalt  }
.Lfunc_end0:
.L_simem_size_0:
called_computation.1_lowered:
.L_overlay_start_0:
0x88: {  	s2 =	sld [smem:$0x3FD9]  }
0x89: {  	s3 =	sld [smem:$0x3FFE];
	_ =	sdelay $0x1  }
0x8a: {  	s1 =	srdreg.scid  }
0x8b: {  	s0 =	sand.u32 $0x1, s1  }
0x8c: {  	s17 =	sshll.u32 s0, $0xA;
	s2 =	sadd.s32 s3, s2  }
0x8d: {  	s2 =	sadd.s32 s2, s17  }
0x8e: {  	[smem:$0x3FC0] =	sst s2  }
0x8f: {  	_ = 	snop  }
0x90: {  	s2 =	sld [smem:$0x3FD0];
	(tm) =	ssettm $0x1  }
0x91: {  	s18 =	sld [smem:$0x3FFB];
	_ =	sdelay $0x3  }
0x92: {  	_ =	strace s18  }
0x93: {  	s3 =	sld [smem:$0x3FFC];
	_ =	sdelay $0x3  }
0x94: {  	_ =	strace s3  }
0x95: {  	s3 =	sld [smem:$0x3FFD];
	_ =	sdelay $0x3  }
0x96: {  	_ =	strace s3  }
0x97: {  	_ =	strace $0x8FFFFFFF  }
0x98: {  	s19 =	sld [smem:$0x3FDB];
	_ =	sdelay $0x1  }
0x99: {  	s4 =	simm.s32 $_scs_section_size  }
0x9a: {  	s5 =	simm.s32 $_size__tile_overlayer_lowered;
	s6 =	simm.s32 $_tile_overlayer_lowered  }
0x9b: {  	s22 =	simm.s32 $0x1BFF;
	s21 =	sshll.u32 s6, $0x1;
	s3 =	sadd.s32 s4, s19  }
0x9c: {  	s7 =	simm.s32 $0x0;
	s20 =	sshll.u32 s5, $0x1;
	s5 =	sadd.s32 s21, s3  }
0x9d: {  	[timem:s7], [sflag:s22] =	dma.local [hbm:s5], s20  }
0x9e: {  	_ =	swait.ge [sflag:s22], s20  }
0x9f: {  	s4 =	ssub.s32 $0x0, s20;
	[sflag:s22] =	ssyncset.done $0x0  }
0xa0: {  	[sflag:s22] =	ssyncadd.s32 s4;
	_ =	sdelay $0x1  }
0xa1: {  	s23 =	simm.s32 $0x1B8B  }
0xa2: {  	_ =	swait.ge [sflag:s23], $0x1  }
0xa3: {  	[sflag:s23] =	ssyncset.done $0x0  }
0xa4: {  	s25 =	simm.s32 $0x1B8E;
	s24 =	sld [smem:$0x3FFE];
	[sflag:s23] =	ssyncadd.s32 $0xFFFFFFFF  }
0xa5: {  	s26 =	simm.s32 $execute0_lowered;
	[smem:$0x3FD2] =	sst s25  }
0xa6: {  	s5 =	sshll.u32 s26, $0x1;
	_ =	strace $0x80000046;
	[dreg:$0x1] =	wrdreg $0xFFFFFFFF  }
0xa7: {  	s28 =	simm.s32 $_size_execute0_lowered;
	s3 =	sadd.s32 s3, s5;
	[dreg:$0x0] =	wrdreg $0x0  }
0xa8: {  	s5 =	sshll.u32 s28, $0x1;
	[dreg:$0x2] =	wrdreg s3  }
0xa9: {  	[dreg:$0x3] =	wrdreg s5  }
0xaa: {  	[dreg:$0x4] =	wrdreg $0xC0  }
0xab: {  	_ =	task [dreg:s7], $0x5FFFF  }
0xac: {  	[dreg:$0x1] =	wrdreg $0xFFFFFFFF  }
0xad: {  	[dreg:$0x0] =	wrdreg $0x60  }
0xae: {  	[dreg:$0x2] =	wrdreg s24  }
0xaf: {  	[dreg:$0x3] =	wrdreg s2  }
0xb0: {  	[dreg:$0x4] =	wrdreg $0x63000  }
0xb1: {  	[dreg:$0x5] =	wrdreg $0x103000  }
0xb2: {  	[dreg:$0x6] =	wrdreg $0xA  }
0xb3: {  	_ =	task.clear_ibuf [dreg:s7], $0x7FFFF;
	_ =	strace $0x90000046  }
0xb4: {  	s29 =	simm.s32 $0xA;
	_ =	strace $0x80000048  }
0xb5: {  	_ =	swait.ge [sflag:s29], $0x1  }
0xb6: {  	[sflag:s29] =	ssyncadd.s32 $0xFFFFFFFF  }
0xb7: {  	_ =	strace $0x90000048  }
0xb8: {  	_ =	sfence  }
0xb9: {  	s30 =	sld [smem:$0x0];
	_ =	sdelay $0x2  }
0xba: {  	s31 =	sshll.u32 s1, $0xD;
	s1 =	sshrl.u32 s1, $0x2  }
0xbb: {  	s3 =	sand.u32 $0x4000, s31;
	s1 =	sadd.s32 s1, s30  }
0xbc: {  	s0 =	sor.u32 s3, s0;
	s1 =	sshll.u32 s1, $0x11  }
0xbd: {  	s0 =	sor.u32 s1, s0  }
0xbe: {  	s0 =	sadd.s32 $0x8F2B, s0  }
0xbf: {  	[sflag:s0] =	ssyncadd.remote.s32 $0x1  }
0xc0: {  	_ =	sfence.sel $0xFFFF  }
0xc1: {  	[dreg:$0x0] =	wrdreg $0xFFFFFFFF;
	(pc) =	sbr.abs _section_cstart, $3  }
0xc2: {  	[dreg:$0x1] =	wrdreg $0xFFFFFFFF  }
0xc3: {  	_ =	task.clear_ibuf [dreg:s7], $0x2FFFF;
	_ =	strace $0x9FFFFFFF  }
0xc4: {  	(tm) =	ssettm $0x7FFFFFFF  }
0xc5: {  	_ =	shalt  }
tec
execute0_lowered:
.L_overlay_start_1:
0x0: {  	(tag) =	ssettag $0x1  }
0x1: {  	s0 =	rddreg [dreg:$0x0]  }
0x2: {  	s3 =	rddreg [dreg:$0x1]  }
0x3: {  	s1 =	rddreg [dreg:$0x2]  }
0x4: {  	s2 =	rddreg [dreg:$0x3]  }
0x5: {  	s4 =	simm.s32 $0x0;
	s5 =	srdreg.scid;
	s15 =	stileid.u32  }
0x6: {  	s18 =	simm.s32 $0x100;
	s19 =	simm.s32 $0x4;
	s21 =	simm.s32 $0x1  }
0x7: {  	s22 =	simm.s32 $0x80;
	s23 =	simm.s32 $0x2100;
	s24 =	simm.s32 $0x2300  }
0x8: {  	s28 =	simm.s32 $0x2;
	s29 =	simm.s32 $0x2200;
	s8 =	smul.u32 $0x28000, s15  }
0x9: {  	s30 =	simm.s32 $0x3;
	s31 =	simm.s32 $0x2280;
	s14 =	smul.u32 $0xA000, s15  }
0xa: {  	[smem:$0x7FF] =	sst s4;
	s16 =	sand.u32 $0x1, s5;
	s11 =	smul.u32 $0x4F00, s15  }
0xb: {  	s25 =	sadd.s32 $0x53200, s0;
	s6 =	sadd.s32 $0x7B200, s0;
	s17 =	smul.u32 $0x9E0, s15  }
0xc: {  	_ =	strace $0x80000047;
	[dreg:$0x5] =	wrdreg s25;
	s7 =	ssub.s32 $0x2, s16  }
0xd: {  	p0 =	seq.s32 s16, $0x0;
	s25 =	simm.s32 $0x2180;
	s26 =	sshrl.u32 s7, $0x1  }
0xe: {  	s9 =	sshrl.u32 s8, $0x2;
	s8 =	sadd.s32 s14, s1;
	s12 =	sshrl.u32 s11, $0x3  }
0xf: {  	s20 =	sadd.s32 s14, s2;
	s0 =	ssub.s32 s7, s26;
	s7 =	smul.u32 $0x280, s15  }
.Ltmp0:
0x10: {  	s17 =	sadd.s32 s17, s3;
	s13 =	sadd.s32 s9, s1;
	(pc) =	sbr.rel .LBB2_1-.Ltmp0, $4  }
0x11: {  	s12 =	sadd.s32 s3, s12;
	s15 =	sshll.u32 s16, $0x1;
	s20 =	sshrl.u32 s20, $0x3  }
0x12: {  	s26 =	simm.s32 $0x4300;
	s3 =	simm.s32 $0x0;
	s9 =	sadd.s32 $0x2000, s13  }
0x13: {  	s10 =	sadd.s32 $0x4000, s13;
	s11 =	sadd.s32 $0x6000, s13;
	s0 =	smax.u32 s0, $0x1  }
0x14: {  	v0 =	vimm.f32 $0.0e+00;
	s13 =	sadd.s32 $0x8000, s13;
	s14 =	sadd.s32 $0x20, s12;
	[dreg:$0x6] =	wrdreg s0  }
.LBB2_8:
0x15: {  	s3 =	rddreg [dreg:$0x7]  }
0x16: {  	s0 =	rddreg [dreg:$0x6];
	s3 =	sadd.s32 $0x1, s3  }
0x17: {  	p1 =	sne.s32 s3, s0  }
.Ltmp1:
0x18: {  	_ = 	snop;
	(pc) =	sbr.rel @!p1 .LBB2_9-.Ltmp1, $1  }
0x19: {  	_ =	sdelay $0x3  }
.LBB2_1:
0x1a: {  	[dreg:$0x7] =	wrdreg s3;
	s0 =	simm.s32 $0x0  }
.LBB2_2:
0x1b: {  	p1 =	sne.s32 s0, $0x7F00  }
.Ltmp2:
0x1c: {  	s3 =	sshra.s32 s0, $0x2;
	(pc) =	sbr.rel @p1 .LBB2_2-.Ltmp2, $4  }
0x1d: {  	[tilespmem:s3+$0x100] =	vst v0  }
0x1e: {  	[tilespmem:s3+$0x110] =	vst v0  }
0x1f: {  	[tilespmem:s3+$0x120] =	vst v0  }
0x20: {  	s0 =	sadd.s32 $0x100, s0;
	[tilespmem:s3+$0x130] =	vst v0  }
.Ltmp3:
0x21: {  	(pc) =	sbr.rel .LBB2_4-.Ltmp3, $2  }
0x22: {  	_ =	sdelay $0x2  }
0x23: {  	s16 =	simm.s32 $0x0;
	p2 =	por $0x1, $0x1  }
.LBB2_7:
0x24: {  	_ =	swait.ge [sflag:s28], $0x2000  }
0x25: {  	[sflag:s28] =	ssyncset.done $0x0  }
0x26: {  	[sflag:s28] =	ssyncadd.s32 $0xFFFFE000  }
0x27: {  	[spmem:s1] =	stream.indirect.scatter.add.f32 [tilespmem:s24], [sflag:$0x4], $0x40, s29, s22, $0xb8;
	[tilespmem:$0x1A300] =	vst v63  }
0x28: {  	_ =	swait.ge [sflag:s19], $0x2000  }
0x29: {  	[sflag:s19] =	ssyncset.done $0x0  }
0x2a: {  	[sflag:s19] =	ssyncadd.s32 $0xFFFFE000  }
0x2b: {  	_ =	swait.ge [sflag:s30], $0x2000  }
0x2c: {  	s3 =	sor.u32 s15, s16;
	[sflag:s30] =	ssyncset.done $0x0  }
0x2d: {  	s3 =	smul.u32 $0x2800, s3;
	[sflag:s30] =	ssyncadd.s32 $0xFFFFE000  }
0x2e: {  	[spmem:s1] =	stream.indirect.scatter.add.f32 [tilespmem:s26], [sflag:$0x4], $0x40, s31, s22, $0xb8;
	[tilespmem:$0x1A300] =	vst v63  }
0x2f: {  	_ =	swait.ge [sflag:s19], $0x2000  }
0x30: {  	s3 =	sadd.s32 s7, s3;
	[sflag:s19] =	ssyncset.done $0x0  }
0x31: {  	s3 =	sshll.u32 s3, $0x3;
	[sflag:s19] =	ssyncadd.s32 $0xFFFFE000  }
0x32: {  	s5 =	sshrl.u32 s8, $0x3;
	s3 =	sadd.s32 s6, s3;
	[bflag:$0x0] =	sbarrier.arrive $0xFFFF  }
0x33: {  	[hbm:s3], [sflag:s0] =	dma.local [spmem:s5], $0x1400  }
.Ltmp4:
0x34: {  	_ =	swait.ge [sflag:s19], $0x1400;
	(pc) =	sbr.rel @!p1 .LBB2_8-.Ltmp4, $4  }
0x35: {  	[sflag:s19] =	ssyncset.done $0x0  }
0x36: {  	[sflag:s19] =	ssyncadd.s32 $0xFFFFEC00  }
0x37: {  	[bflag:$0x0] =	sbarrier.arrive $0xFFFF  }
0x38: {  	s16 =	simm.s32 $0x1;
	p2 =	por $0x0, $0x0  }
.LBB2_4:
0x39: {  	[spmem:s8] =	stream.linear.scatter [tilespmem:s18], [sflag:$0x4], $0x2000, $0x38;
	[tilespmem:$0x1A300] =	vst v63  }
0x3a: {  	_ =	swait.ge [sflag:s19], $0x2000  }
0x3b: {  	[sflag:s19] =	ssyncset.done $0x0  }
0x3c: {  	[sflag:s19] =	ssyncadd.s32 $0xFFFFE000  }
0x3d: {  	[spmem:s9] =	stream.linear.scatter [tilespmem:s18], [sflag:$0x4], $0x2000, $0x38;
	[tilespmem:$0x1A300] =	vst v63  }
0x3e: {  	_ =	swait.ge [sflag:s19], $0x2000  }
0x3f: {  	[sflag:s19] =	ssyncset.done $0x0  }
0x40: {  	[sflag:s19] =	ssyncadd.s32 $0xFFFFE000  }
0x41: {  	[spmem:s10] =	stream.linear.scatter [tilespmem:s18], [sflag:$0x4], $0x2000, $0x38;
	[tilespmem:$0x1A300] =	vst v63  }
0x42: {  	_ =	swait.ge [sflag:s19], $0x2000  }
0x43: {  	[sflag:s19] =	ssyncset.done $0x0  }
0x44: {  	[sflag:s19] =	ssyncadd.s32 $0xFFFFE000  }
0x45: {  	[spmem:s11] =	stream.linear.scatter [tilespmem:s18], [sflag:$0x4], $0x2000, $0x38;
	[tilespmem:$0x1A300] =	vst v63  }
0x46: {  	_ =	swait.ge [sflag:s19], $0x2000  }
0x47: {  	[sflag:s19] =	ssyncset.done $0x0  }
0x48: {  	s0 =	smul.u32 $0x2800, s16;
	s3 =	stileid.u32;
	[sflag:s19] =	ssyncadd.s32 $0xFFFFE000  }
0x49: {  	[spmem:s13] =	stream.linear.scatter [tilespmem:s18], [sflag:$0x4], $0x2000, $0x38;
	[tilespmem:$0x1A300] =	vst v63  }
0x4a: {  	s3 =	sshll.u32 s3, $0x6;
	s0 =	sadd.s32 s7, s0;
	_ =	swait.ge [sflag:s19], $0x2000  }
0x4b: {  	s0 =	sshll.u32 s0, $0x3;
	[sflag:s19] =	ssyncset.done $0x0;
	s5 =	rddreg [dreg:$0x5]  }
0x4c: {  	[sflag:s19] =	ssyncadd.s32 $0xFFFFE000;
	s5 =	sadd.s32 s5, s0;
	s0 =	sor.u32 $0x1C04, s3  }
0x4d: {  	[spmem:s20], [sflag:s0] =	dma.local [hbm:s5], $0x1400  }
0x4e: {  	_ =	swait.ge [sflag:s19], $0x1400  }
0x4f: {  	[sflag:s19] =	ssyncset.done $0x0  }
0x50: {  	[sflag:s19] =	ssyncadd.s32 $0xFFFFEC00  }
0x51: {  	[bflag:$0x0] =	sbarrier.arrive $0xFFFF  }
0x52: {  	[tilespmem:s4], [sflag:$0x1] =	stream.linear.gather [hbm4b:s12+s4], $0x100, $0x38;
	[tilespmem:$0x1A300] =	vst v63  }
0x53: {  	_ =	swait.ge [sflag:s21], $0x100  }
0x54: {  	[sflag:s21] =	ssyncset.done $0x0  }
0x55: {  	[sflag:s21] =	ssyncadd.s32 $0xFFFFFF00  }
0x56: {  	v1 =	vld [tilespmem:$0x0];
	_ =	sdelay $0x1  }
0x57: {  	v2 =	vld [tilespmem:$0x10];
	_ =	sdelay $0x1  }
0x58: {  	v3 =	vld [tilespmem:$0x20]  }
0x59: {  	v4 =	vand.u32 $0x3FFF, v1;
	v1 =	vshrl.u32 v1, $0xE  }
0x5a: {  	v6 =	vld [tilespmem:$0x30];
	v5 =	vpsel p0, v4, v1  }
0x5b: {  	v51 =	vand.u32 $0x3FFF, v2;
	v2 =	vshrl.u32 v2, $0xE;
	v1 =	vpsel p0, v1, v4;
	[tilespmem:$0x2100] =	vst v5  }
0x5c: {  	v52 =	vld [tilespmem:$0x40];
	[tilespmem:$0x2200] =	vst v1;
	v1 =	vpsel p0, v51, v2  }
0x5d: {  	[tilespmem:$0x2110] =	vst v1;
	v1 =	vpsel p0, v2, v51;
	v2 =	vand.u32 $0x3FFF, v3;
	v3 =	vshrl.u32 v3, $0xE  }
0x5e: {  	v53 =	vld [tilespmem:$0x50];
	[tilespmem:$0x2210] =	vst v1;
	v1 =	vpsel p0, v2, v3  }
0x5f: {  	[tilespmem:$0x2120] =	vst v1;
	v1 =	vpsel p0, v3, v2;
	v2 =	vand.u32 $0x3FFF, v6;
	v3 =	vshrl.u32 v6, $0xE  }
0x60: {  	v54 =	vld [tilespmem:$0x60];
	[tilespmem:$0x2220] =	vst v1;
	v1 =	vpsel p0, v2, v3  }
0x61: {  	[tilespmem:$0x2130] =	vst v1;
	v1 =	vpsel p0, v3, v2;
	v2 =	vand.u32 $0x3FFF, v52;
	v3 =	vshrl.u32 v52, $0xE  }
0x62: {  	v55 =	vld [tilespmem:$0x70];
	[tilespmem:$0x2230] =	vst v1;
	v1 =	vpsel p0, v2, v3  }
0x63: {  	[tilespmem:$0x2140] =	vst v1;
	v1 =	vpsel p0, v3, v2;
	v2 =	vand.u32 $0x3FFF, v53;
	v3 =	vshrl.u32 v53, $0xE  }
0x64: {  	[tilespmem:$0x2240] =	vst v1;
	v1 =	vpsel p0, v2, v3  }
0x65: {  	[tilespmem:$0x2150] =	vst v1;
	v1 =	vpsel p0, v3, v2;
	v2 =	vand.u32 $0x3FFF, v54;
	v3 =	vshrl.u32 v54, $0xE  }
0x66: {  	[tilespmem:$0x2250] =	vst v1;
	v1 =	vpsel p0, v2, v3  }
0x67: {  	[tilespmem:$0x2160] =	vst v1;
	v1 =	vpsel p0, v3, v2;
	v2 =	vand.u32 $0x3FFF, v55;
	v3 =	vshrl.u32 v55, $0xE  }
0x68: {  	[tilespmem:$0x2260] =	vst v1;
	v1 =	vpsel p0, v2, v3  }
0x69: {  	[tilespmem:$0x2170] =	vst v1;
	v1 =	vpsel p0, v3, v2  }
0x6a: {  	[tilespmem:$0x2270] =	vst v1  }
0x6b: {  	[tilespmem:s24], [sflag:$0x2] =	stream.indirect.gather [spmem:s2], $0x40, s23, s22, $0xb8;
	[tilespmem:$0x1A300] =	vst v63  }
0x6c: {  	v1 =	vld [tilespmem:$0x80];
	_ =	sdelay $0x1  }
0x6d: {  	v2 =	vld [tilespmem:$0x90];
	_ =	sdelay $0x1  }
0x6e: {  	v3 =	vld [tilespmem:$0xA0]  }
0x6f: {  	v56 =	vand.u32 $0x3FFF, v1;
	v1 =	vshrl.u32 v1, $0xE  }
0x70: {  	v58 =	vld [tilespmem:$0xB0];
	v57 =	vpsel p0, v56, v1  }
0x71: {  	v59 =	vand.u32 $0x3FFF, v2;
	v2 =	vshrl.u32 v2, $0xE;
	v1 =	vpsel p0, v1, v56;
	[tilespmem:$0x2180] =	vst v57  }
0x72: {  	v60 =	vld [tilespmem:$0xC0];
	[tilespmem:$0x2280] =	vst v1;
	v1 =	vpsel p0, v59, v2  }
0x73: {  	[tilespmem:$0x2190] =	vst v1;
	v1 =	vpsel p0, v2, v59;
	v2 =	vand.u32 $0x3FFF, v3;
	v3 =	vshrl.u32 v3, $0xE  }
0x74: {  	v61 =	vld [tilespmem:$0xD0];
	[tilespmem:$0x2290] =	vst v1;
	v1 =	vpsel p0, v2, v3  }
0x75: {  	[tilespmem:$0x21A0] =	vst v1;
	v1 =	vpsel p0, v3, v2;
	v2 =	vand.u32 $0x3FFF, v58;
	v3 =	vshrl.u32 v58, $0xE  }
0x76: {  	v62 =	vld [tilespmem:$0xE0];
	[tilespmem:$0x22A0] =	vst v1;
	v1 =	vpsel p0, v2, v3  }
0x77: {  	[tilespmem:$0x21B0] =	vst v1;
	v1 =	vpsel p0, v3, v2;
	v2 =	vand.u32 $0x3FFF, v60;
	v3 =	vshrl.u32 v60, $0xE  }
0x78: {  	v63 =	vld [tilespmem:$0xF0];
	[tilespmem:$0x22B0] =	vst v1;
	v1 =	vpsel p0, v2, v3  }
0x79: {  	[tilespmem:$0x21C0] =	vst v1;
	v1 =	vpsel p0, v3, v2;
	v2 =	vand.u32 $0x3FFF, v61;
	v3 =	vshrl.u32 v61, $0xE  }
0x7a: {  	[tilespmem:$0x22C0] =	vst v1;
	v1 =	vpsel p0, v2, v3  }
0x7b: {  	[tilespmem:$0x21D0] =	vst v1;
	v1 =	vpsel p0, v3, v2;
	v2 =	vand.u32 $0x3FFF, v62;
	v3 =	vshrl.u32 v62, $0xE  }
0x7c: {  	[tilespmem:$0x22D0] =	vst v1;
	v1 =	vpsel p0, v2, v3  }
0x7d: {  	[tilespmem:$0x21E0] =	vst v1;
	v1 =	vpsel p0, v3, v2;
	v2 =	vand.u32 $0x3FFF, v63;
	v3 =	vshrl.u32 v63, $0xE  }
0x7e: {  	[tilespmem:$0x22E0] =	vst v1;
	v1 =	vpsel p0, v2, v3  }
0x7f: {  	[tilespmem:$0x21F0] =	vst v1;
	v1 =	vpsel p0, v3, v2  }
0x80: {  	[tilespmem:$0x22F0] =	vst v1  }
0x81: {  	[tilespmem:s26], [sflag:$0x3] =	stream.indirect.gather [spmem:s2], $0x40, s25, s22, $0xb8;
	[tilespmem:$0x1A300] =	vst v63  }
0x82: {  	p1 =	por p2, p2;
	s3 =	simm.s32 $0x40  }
0x83: {  	[tilespmem:s4], [sflag:$0x1] =	stream.linear.gather [hbm4b:s14+s4], $0x100, $0x38;
	[tilespmem:$0x1A300] =	vst v63  }
.LBB2_5:
0x84: {  	_ =	swait.ge [sflag:s28], $0x2000  }
0x85: {  	[sflag:s28] =	ssyncset.done $0x0  }
0x86: {  	[sflag:s28] =	ssyncadd.s32 $0xFFFFE000  }
0x87: {  	[spmem:s1] =	stream.indirect.scatter.add.f32 [tilespmem:s24], [sflag:$0x4], $0x40, s29, s22, $0xb8;
	[tilespmem:$0x1A300] =	vst v63  }
0x88: {  	_ =	swait.ge [sflag:s19], $0x2000  }
0x89: {  	[sflag:s19] =	ssyncset.done $0x0  }
0x8a: {  	[sflag:s19] =	ssyncadd.s32 $0xFFFFE000  }
0x8b: {  	_ =	swait.ge [sflag:s21], $0x100  }
0x8c: {  	[sflag:s21] =	ssyncset.done $0x0  }
0x8d: {  	[sflag:s21] =	ssyncadd.s32 $0xFFFFFF00  }
0x8e: {  	v1 =	vld [tilespmem:$0x0];
	_ =	sdelay $0x1  }
0x8f: {  	v2 =	vld [tilespmem:$0x10];
	_ =	sdelay $0x1  }
0x90: {  	v3 =	vld [tilespmem:$0x20]  }
0x91: {  	v4 =	vand.u32 $0x3FFF, v1;
	v1 =	vshrl.u32 v1, $0xE  }
0x92: {  	v6 =	vld [tilespmem:$0x30];
	v5 =	vpsel p0, v4, v1  }
0x93: {  	v51 =	vand.u32 $0x3FFF, v2;
	v2 =	vshrl.u32 v2, $0xE;
	v1 =	vpsel p0, v1, v4;
	[tilespmem:$0x2100] =	vst v5  }
0x94: {  	v52 =	vld [tilespmem:$0x40];
	[tilespmem:$0x2200] =	vst v1;
	v1 =	vpsel p0, v51, v2  }
0x95: {  	[tilespmem:$0x2110] =	vst v1;
	v1 =	vpsel p0, v2, v51;
	v2 =	vand.u32 $0x3FFF, v3;
	v3 =	vshrl.u32 v3, $0xE  }
0x96: {  	v53 =	vld [tilespmem:$0x50];
	[tilespmem:$0x2210] =	vst v1;
	v1 =	vpsel p0, v2, v3  }
0x97: {  	[tilespmem:$0x2120] =	vst v1;
	v1 =	vpsel p0, v3, v2;
	v2 =	vand.u32 $0x3FFF, v6;
	v3 =	vshrl.u32 v6, $0xE  }
0x98: {  	v54 =	vld [tilespmem:$0x60];
	[tilespmem:$0x2220] =	vst v1;
	v1 =	vpsel p0, v2, v3  }
0x99: {  	[tilespmem:$0x2130] =	vst v1;
	v1 =	vpsel p0, v3, v2;
	v2 =	vand.u32 $0x3FFF, v52;
	v3 =	vshrl.u32 v52, $0xE  }
0x9a: {  	v55 =	vld [tilespmem:$0x70];
	[tilespmem:$0x2230] =	vst v1;
	v1 =	vpsel p0, v2, v3  }
0x9b: {  	[tilespmem:$0x2140] =	vst v1;
	v1 =	vpsel p0, v3, v2;
	v2 =	vand.u32 $0x3FFF, v53;
	v3 =	vshrl.u32 v53, $0xE  }
0x9c: {  	[tilespmem:$0x2240] =	vst v1;
	v1 =	vpsel p0, v2, v3  }
0x9d: {  	[tilespmem:$0x2150] =	vst v1;
	v1 =	vpsel p0, v3, v2;
	v2 =	vand.u32 $0x3FFF, v54;
	v3 =	vshrl.u32 v54, $0xE  }
0x9e: {  	[tilespmem:$0x2250] =	vst v1;
	v1 =	vpsel p0, v2, v3  }
0x9f: {  	[tilespmem:$0x2160] =	vst v1;
	v1 =	vpsel p0, v3, v2;
	v2 =	vand.u32 $0x3FFF, v55;
	v3 =	vshrl.u32 v55, $0xE  }
0xa0: {  	[tilespmem:$0x2260] =	vst v1;
	v1 =	vpsel p0, v2, v3  }
0xa1: {  	[tilespmem:$0x2170] =	vst v1;
	v1 =	vpsel p0, v3, v2  }
0xa2: {  	[tilespmem:$0x2270] =	vst v1  }
0xa3: {  	[tilespmem:s24], [sflag:$0x2] =	stream.indirect.gather [spmem:s2], $0x40, s23, s22, $0xb8;
	[tilespmem:$0x1A300] =	vst v63  }
0xa4: {  	_ =	swait.ge [sflag:s30], $0x2000  }
0xa5: {  	[sflag:s30] =	ssyncset.done $0x0  }
0xa6: {  	[sflag:s30] =	ssyncadd.s32 $0xFFFFE000  }
0xa7: {  	[spmem:s1] =	stream.indirect.scatter.add.f32 [tilespmem:s26], [sflag:$0x4], $0x40, s31, s22, $0xb8;
	[tilespmem:$0x1A300] =	vst v63  }
0xa8: {  	_ =	swait.ge [sflag:s19], $0x2000  }
0xa9: {  	[sflag:s19] =	ssyncset.done $0x0  }
0xaa: {  	[sflag:s19] =	ssyncadd.s32 $0xFFFFE000  }
0xab: {  	v1 =	vld [tilespmem:$0x80];
	_ =	sdelay $0x1  }
0xac: {  	v2 =	vld [tilespmem:$0x90];
	_ =	sdelay $0x1  }
0xad: {  	v3 =	vld [tilespmem:$0xA0]  }
0xae: {  	v56 =	vand.u32 $0x3FFF, v1;
	v1 =	vshrl.u32 v1, $0xE  }
0xaf: {  	v58 =	vld [tilespmem:$0xB0];
	v57 =	vpsel p0, v56, v1  }
0xb0: {  	v59 =	vand.u32 $0x3FFF, v2;
	v2 =	vshrl.u32 v2, $0xE;
	v1 =	vpsel p0, v1, v56;
	[tilespmem:$0x2180] =	vst v57  }
0xb1: {  	v60 =	vld [tilespmem:$0xC0];
	[tilespmem:$0x2280] =	vst v1;
	v1 =	vpsel p0, v59, v2  }
0xb2: {  	[tilespmem:$0x2190] =	vst v1;
	v1 =	vpsel p0, v2, v59;
	v2 =	vand.u32 $0x3FFF, v3;
	v3 =	vshrl.u32 v3, $0xE  }
0xb3: {  	v61 =	vld [tilespmem:$0xD0];
	[tilespmem:$0x2290] =	vst v1;
	v1 =	vpsel p0, v2, v3  }
0xb4: {  	[tilespmem:$0x21A0] =	vst v1;
	v1 =	vpsel p0, v3, v2;
	v2 =	vand.u32 $0x3FFF, v58;
	v3 =	vshrl.u32 v58, $0xE  }
0xb5: {  	v62 =	vld [tilespmem:$0xE0];
	[tilespmem:$0x22A0] =	vst v1;
	v1 =	vpsel p0, v2, v3  }
0xb6: {  	[tilespmem:$0x21B0] =	vst v1;
	v1 =	vpsel p0, v3, v2;
	v2 =	vand.u32 $0x3FFF, v60;
	v3 =	vshrl.u32 v60, $0xE  }
0xb7: {  	v63 =	vld [tilespmem:$0xF0];
	[tilespmem:$0x22B0] =	vst v1;
	v1 =	vpsel p0, v2, v3  }
0xb8: {  	[tilespmem:$0x21C0] =	vst v1;
	v1 =	vpsel p0, v3, v2;
	v2 =	vand.u32 $0x3FFF, v61;
	v3 =	vshrl.u32 v61, $0xE  }
0xb9: {  	[tilespmem:$0x22C0] =	vst v1;
	v1 =	vpsel p0, v2, v3  }
0xba: {  	[tilespmem:$0x21D0] =	vst v1;
	v1 =	vpsel p0, v3, v2;
	v2 =	vand.u32 $0x3FFF, v62;
	v3 =	vshrl.u32 v62, $0xE  }
0xbb: {  	p2 =	seq.s32 s3, $0x9E0;
	[tilespmem:$0x22D0] =	vst v1;
	v1 =	vpsel p0, v2, v3  }
.Ltmp5:
0xbc: {  	[tilespmem:$0x21E0] =	vst v1;
	v1 =	vpsel p0, v3, v2;
	v2 =	vand.u32 $0x3FFF, v63;
	v3 =	vshrl.u32 v63, $0xE;
	(pc) =	sbr.rel @p2 .LBB2_7-.Ltmp5, $4  }
0xbd: {  	[tilespmem:$0x22E0] =	vst v1;
	v1 =	vpsel p0, v2, v3  }
0xbe: {  	[tilespmem:$0x21F0] =	vst v1;
	v1 =	vpsel p0, v3, v2  }
0xbf: {  	[tilespmem:$0x22F0] =	vst v1  }
0xc0: {  	[tilespmem:s26], [sflag:$0x3] =	stream.indirect.gather [spmem:s2], $0x40, s25, s22, $0xb8;
	[tilespmem:$0x1A300] =	vst v63  }
.Ltmp6:
0xc1: {  	(pc) =	sbr.rel .LBB2_5-.Ltmp6, $3  }
0xc2: {  	_ =	sdelay $0x1  }
0xc3: {  	s5 =	sadd.s32 s3, s17;
	s3 =	sadd.s32 $0x20, s3  }
0xc4: {  	[tilespmem:s4], [sflag:$0x1] =	stream.linear.gather [hbm4b:s5+s4], $0x100, $0x38;
	[tilespmem:$0x1A300] =	vst v63  }
.LBB2_9:
0xc5: {  	_ =	sfence.sel $0x180000  }
0xc6: {  	[bflag:$0x0] =	sbarrier.arrive $0xFFFF  }
0xc7: {  	_ =	strace $0x90000047  }
0xc8: {  	s0 =	stileid.u32;
	[bflag:$0x2] =	sbarrier.arrive $0xFFFF  }
0xc9: {  	p0 =	sne.s32 s0, $0x0;
	s0 =	rddreg [dreg:$0x4]  }
0xca: {  	s0 =	sadd.s32 @!p0 $0x100000, s0  }
0xcb: {  	[sflag:s0] =	ssyncadd.tile.s32 @!p0 $0x1;
	_ =	shalt  }
.Lfunc_end2:
_tile_overlayer_lowered:
.L_overlay_start_2:
0xcc: {  	(tag) =	ssettag $0x2  }
0xcd: {  	s0 =	rddreg [dreg:$0x0];
	s2 =	stileid.u32  }
0xce: {  	s1 =	rddreg [dreg:$0x1];
	p0 =	sne.s32 s2, $0x0  }
0xcf: {  	s3 =	rddreg [dreg:$0x2];
	[bflag:$0x3] =	sbarrier.arrive $0xFFFF;
	s2 =	simm.s32 @!p0 $0x1C04  }
0xd0: {  	[timem:s3], [sflag:s2] =	dma.local @!p0 [hbm:s0], s1  }
0xd1: {  	s0 =	simm.s32 @!p0 $0x4  }
0xd2: {  	_ =	swait.ge @!p0 [sflag:s0], s1  }
0xd3: {  	s1 =	ssub.s32 @!p0 $0x0, s1;
	[sflag:s0] =	ssyncset.done @!p0 $0x0  }
0xd4: {  	[sflag:s0] =	ssyncadd.s32 @!p0 s1  }
0xd5: {  	[bflag:$0x3] =	sbarrier.arrive $0xFFFF  }
0xd6: {  	_ =	shalt  }

// kernel: kernel.16.cloned.1.call-start
scs
__scs_entry_jumppad:
0x0: {  	(pc) =	sbr.rel $0x88, $3  }
0x1: {  	(tag) =	ssettag $0x0;
	lr =	simm.s32 $0x1  }
0x2: {  	[smem:$0x3F99] =	sst lr;
	_ =	strace $0xD0000000  }
0x3: {  	_ = 	snop  }
0x4: {  	_ = 	snop  }
0x5: {  	_ = 	snop  }
0x6: {  	_ = 	snop  }
0x7: {  	_ = 	snop  }
__scs_overlays_trampoline_lowered:
0x8: {  	[smem:$0x3FA8] =	sst s0  }
0x9: {  	[smem:$0x3FA9] =	sst s1  }
0xa: {  	[smem:$0x3FAA] =	sst s2  }
0xb: {  	[smem:$0x3FAB] =	sst s3  }
0xc: {  	[smem:$0x3FAC] =	sst s4  }
0xd: {  	[smem:$0x3FAD] =	sst s5  }
0xe: {  	[smem:$0x3FAE] =	sst s6  }
0xf: {  	[smem:$0x3FAF] =	sst s7  }
0x10: {  	[smem:$0x3FB0] =	sst s8  }
0x11: {  	[smem:$0x3FB1] =	sst s9;
	s0 =	simm.s32 @!p0 $0x0  }
0x12: {  	s1 =	sld [smem:$0x3F97];
	s0 =	simm.s32 @p0 $0x1  }
0x13: {  	[smem:$0x3FB2] =	sst s0;
	s0 =	simm.s32 @!p1 $0x0  }
0x14: {  	s2 =	sld [smem:$0x3F96];
	s0 =	simm.s32 @p1 $0x1  }
0x15: {  	[smem:$0x3FB3] =	sst s0;
	s0 =	simm.s32 @!p2 $0x0  }
0x16: {  	s3 =	sld [smem:$0x3FDB];
	s0 =	simm.s32 @p2 $0x1  }
0x17: {  	s4 =	simm.s32 $0x1BF5;
	[smem:$0x3FB5] =	sst s0  }
0x18: {  	s0 =	sld [smem:$0x3F98];
	_ =	swait.ge [sflag:s4], $0x0  }
0x19: {  	s7 =	sld [smem:$0x3F99]  }
0x1a: {  	s8 =	sadd.s32 $0xFFFFE003, lr  }
0x1b: {  	s9 =	sadd.s32 $0xFFFFFEF7, lr;
	s5 =	simm.s32 $0xFFFFFFFF;
	p2 =	slt.u32 s8, $0xFFFFF086  }
0x1c: {  	p1 =	slt.u32 s9, $0xF7A;
	s5 =	simm.s32 @!p2 $0x0  }
0x1d: {  	s5 =	simm.s32 @p1 $0x1;
	p0 =	seq.s32 s7, s2  }
0x1e: {  	s7 =	smul.u32 @!p0 $0xF7A, s2;
	p2 =	seq.s32 @!p0 s5, $0x0  }
0x1f: {  	s9 =	smul.u32 $0xF7A, s1;
	s8 =	simm.s32 @!p0 $0x1BF5;
	p2 =	por !p2, p0  }
0x20: {  	[sflag:s8] =	ssyncset.s32 @!p0 $0xFFFFF086;
	s6 =	sadd.s32 @!p0 s3, s7;
	s7 =	simm.s32 @!p0 $0x108  }
0x21: {  	s3 =	sadd.s32 s3, s9;
	s6 =	sadd.s32 @!p0 $0x88, s6;
	s7 =	simm.s32 @p2 $0x1082  }
0x22: {  	[simem:s7], [sflag:s8] =	dma.local @!p0 [hbm:s6], $0xF7A  }
0x23: {  	s9 =	sor.u32 $0xD0000000, s2;
	s6 =	simm.s32 $0x108;
	_ =	swait.ge @!p0 [sflag:s8], $0x0  }
0x24: {  	s3 =	sadd.s32 $0x88, s3;
	s6 =	simm.s32 @!p1 $0x1082;
	[sflag:s4] =	ssyncset.s32 $0xFFFFF086  }
0x25: {  	[simem:s6], [sflag:s4] =	dma.local [hbm:s3], $0xF7A  }
0x26: {  	[smem:$0x3F99] =	sst s1;
	(tag) =	ssettag s2;
	_ =	strace s9  }
0x27: {  	s1 =	sld [smem:$0x3FA9]  }
0x28: {  	s2 =	sld [smem:$0x3FAA]  }
0x29: {  	s4 =	sld [smem:$0x3FAC]  }
0x2a: {  	p0 =	seq.s32 s5, $0x0;
	s5 =	sld [smem:$0x3FAD]  }
0x2b: {  	s6 =	sld [smem:$0x3FAE]  }
0x2c: {  	s7 =	sld [smem:$0x3FAF]  }
0x2d: {  	s3 =	simm.s32 $0x108;
	s8 =	sld [smem:$0x3FB0]  }
0x2e: {  	s3 =	simm.s32 @!p0 $0x1082;
	s9 =	sld [smem:$0x3FB1]  }
0x2f: {  	lr =	sadd.s32 s0, s3;
	s0 =	sld [smem:$0x3FA8]  }
0x30: {  	s3 =	sld [smem:$0x3FAB]  }
0x31: {  	[smem:$0x3FB4] =	sst s10  }
0x32: {  	s10 =	sld [smem:$0x3FB2];
	_ =	sdelay $0x3  }
0x33: {  	p0 =	seq.s32 s10, $0x1;
	s10 =	sld [smem:$0x3FB4];
	_ =	sdelay $0x3  }
0x34: {  	[smem:$0x3FB4] =	sst s10  }
0x35: {  	s10 =	sld [smem:$0x3FB3];
	_ =	sdelay $0x3  }
0x36: {  	p1 =	seq.s32 s10, $0x1;
	s10 =	sld [smem:$0x3FB4];
	_ =	sdelay $0x3  }
0x37: {  	[smem:$0x3FB4] =	sst s10  }
0x38: {  	s10 =	sld [smem:$0x3FB5]  }
0x39: {  	_ = 	snop;
	(pc) =	sbr.ind lr, $3  }
0x3a: {  	_ = 	snop  }
0x3b: {  	_ = 	snop  }
0x3c: {  	p2 =	seq.s32 s10, $0x1;
	s10 =	sld [smem:$0x3FB4]  }
0x3d: {  	_ =	shalt  }
0x3e: {  	_ =	shalt  }
0x3f: {  	_ =	shalt  }
0x40: {  	_ =	shalt  }
0x41: {  	_ =	shalt  }
0x42: {  	_ =	shalt  }
0x43: {  	_ =	shalt  }
0x44: {  	_ =	shalt  }
0x45: {  	_ =	shalt  }
0x46: {  	_ =	shalt  }
0x47: {  	_ =	shalt  }
0x48: {  	_ =	shalt  }
0x49: {  	_ =	shalt  }
0x4a: {  	_ =	shalt  }
0x4b: {  	_ =	shalt  }
0x4c: {  	_ =	shalt  }
0x4d: {  	_ =	shalt  }
0x4e: {  	_ =	shalt  }
0x4f: {  	_ =	shalt  }
0x50: {  	_ =	shalt  }
0x51: {  	_ =	shalt  }
0x52: {  	_ =	shalt  }
0x53: {  	_ =	shalt  }
0x54: {  	_ =	shalt  }
0x55: {  	_ =	shalt  }
0x56: {  	_ =	shalt  }
0x57: {  	_ =	shalt  }
0x58: {  	_ =	shalt  }
0x59: {  	_ =	shalt  }
0x5a: {  	_ =	shalt  }
0x5b: {  	_ =	shalt  }
0x5c: {  	_ =	shalt  }
0x5d: {  	_ =	shalt  }
0x5e: {  	_ =	shalt  }
0x5f: {  	_ =	shalt  }
0x60: {  	_ =	shalt  }
0x61: {  	_ =	shalt  }
0x62: {  	_ =	shalt  }
0x63: {  	_ =	shalt  }
0x64: {  	_ =	shalt  }
0x65: {  	_ =	shalt  }
0x66: {  	_ =	shalt  }
0x67: {  	_ =	shalt  }
0x68: {  	_ =	shalt  }
0x69: {  	_ =	shalt  }
0x6a: {  	_ =	shalt  }
0x6b: {  	_ =	shalt  }
0x6c: {  	_ =	shalt  }
0x6d: {  	_ =	shalt  }
0x6e: {  	_ =	shalt  }
0x6f: {  	_ =	shalt  }
0x70: {  	_ =	shalt  }
0x71: {  	_ =	shalt  }
0x72: {  	_ =	shalt  }
0x73: {  	_ =	shalt  }
0x74: {  	_ =	shalt  }
0x75: {  	_ =	shalt  }
0x76: {  	_ =	shalt  }
0x77: {  	_ =	shalt  }
0x78: {  	_ =	shalt  }
0x79: {  	_ =	shalt  }
0x7a: {  	_ =	shalt  }
0x7b: {  	_ =	shalt  }
0x7c: {  	_ =	shalt  }
0x7d: {  	_ =	shalt  }
0x7e: {  	_ =	shalt  }
0x7f: {  	_ =	shalt  }
0x80: {  	_ =	shalt  }
0x81: {  	_ =	shalt  }
0x82: {  	_ =	shalt  }
0x83: {  	_ =	shalt  }
0x84: {  	_ =	shalt  }
0x85: {  	_ =	shalt  }
0x86: {  	_ =	shalt  }
0x87: {  	_ =	shalt  }
.Lfunc_end0:
.L_simem_size_0:
called_computation.2_lowered:
.L_overlay_start_0:
0x88: {  	s2 =	sld [smem:$0x3FD9]  }
0x89: {  	s3 =	sld [smem:$0x3FFE];
	_ =	sdelay $0x1  }
0x8a: {  	s1 =	srdreg.scid  }
0x8b: {  	s0 =	sand.u32 $0x1, s1  }
0x8c: {  	s17 =	sshll.u32 s0, $0xA;
	s2 =	sadd.s32 s3, s2  }
0x8d: {  	s2 =	sadd.s32 s2, s17  }
0x8e: {  	[smem:$0x3FC0] =	sst s2  }
0x8f: {  	_ = 	snop  }
0x90: {  	s2 =	sld [smem:$0x3FD0];
	(tm) =	ssettm $0x1  }
0x91: {  	s18 =	sld [smem:$0x3FFB];
	_ =	sdelay $0x3  }
0x92: {  	_ =	strace s18  }
0x93: {  	s3 =	sld [smem:$0x3FFC];
	_ =	sdelay $0x3  }
0x94: {  	_ =	strace s3  }
0x95: {  	s3 =	sld [smem:$0x3FFD];
	_ =	sdelay $0x3  }
0x96: {  	_ =	strace s3  }
0x97: {  	_ =	strace $0x8FFFFFFF  }
0x98: {  	s19 =	sld [smem:$0x3FDB];
	_ =	sdelay $0x1  }
0x99: {  	s4 =	simm.s32 $_scs_section_size  }
0x9a: {  	s5 =	simm.s32 $_size__tile_overlayer_lowered;
	s6 =	simm.s32 $_tile_overlayer_lowered  }
0x9b: {  	s22 =	simm.s32 $0x1BFF;
	s21 =	sshll.u32 s6, $0x1;
	s3 =	sadd.s32 s4, s19  }
0x9c: {  	s7 =	simm.s32 $0x0;
	s20 =	sshll.u32 s5, $0x1;
	s5 =	sadd.s32 s21, s3  }
0x9d: {  	[timem:s7], [sflag:s22] =	dma.local [hbm:s5], s20  }
0x9e: {  	_ =	swait.ge [sflag:s22], s20  }
0x9f: {  	s4 =	ssub.s32 $0x0, s20;
	[sflag:s22] =	ssyncset.done $0x0  }
0xa0: {  	[sflag:s22] =	ssyncadd.s32 s4;
	_ =	sdelay $0x1  }
0xa1: {  	s23 =	simm.s32 $0x1B8B  }
0xa2: {  	_ =	swait.ge [sflag:s23], $0x1  }
0xa3: {  	[sflag:s23] =	ssyncset.done $0x0  }
0xa4: {  	s25 =	simm.s32 $0x1B8E;
	s24 =	sld [smem:$0x3FFE];
	[sflag:s23] =	ssyncadd.s32 $0xFFFFFFFF  }
0xa5: {  	s26 =	simm.s32 $execute0_lowered;
	[smem:$0x3FD2] =	sst s25  }
0xa6: {  	s5 =	sshll.u32 s26, $0x1;
	_ =	strace $0x8000004C;
	[dreg:$0x1] =	wrdreg $0xFFFFFFFF  }
0xa7: {  	s28 =	simm.s32 $_size_execute0_lowered;
	s3 =	sadd.s32 s3, s5;
	[dreg:$0x0] =	wrdreg $0x0  }
0xa8: {  	s5 =	sshll.u32 s28, $0x1;
	[dreg:$0x2] =	wrdreg s3  }
0xa9: {  	[dreg:$0x3] =	wrdreg s5  }
0xaa: {  	[dreg:$0x4] =	wrdreg $0xC0  }
0xab: {  	_ =	task [dreg:s7], $0x5FFFF  }
0xac: {  	[dreg:$0x1] =	wrdreg $0xFFFFFFFF  }
0xad: {  	[dreg:$0x0] =	wrdreg $0x60  }
0xae: {  	[dreg:$0x2] =	wrdreg s24  }
0xaf: {  	[dreg:$0x3] =	wrdreg s2  }
0xb0: {  	[dreg:$0x4] =	wrdreg $0x63000  }
0xb1: {  	[dreg:$0x5] =	wrdreg $0x103000  }
0xb2: {  	[dreg:$0x6] =	wrdreg $0x9  }
0xb3: {  	_ =	task.clear_ibuf [dreg:s7], $0x7FFFF;
	_ =	strace $0x9000004C  }
0xb4: {  	s29 =	simm.s32 $0x9;
	_ =	strace $0x8000004E  }
0xb5: {  	_ =	swait.ge [sflag:s29], $0x1  }
0xb6: {  	[sflag:s29] =	ssyncadd.s32 $0xFFFFFFFF  }
0xb7: {  	_ =	strace $0x9000004E  }
0xb8: {  	_ =	sfence  }
0xb9: {  	s30 =	sld [smem:$0x0];
	_ =	sdelay $0x2  }
0xba: {  	s31 =	sshll.u32 s1, $0xD;
	s1 =	sshrl.u32 s1, $0x2  }
0xbb: {  	s3 =	sand.u32 $0x4000, s31;
	s1 =	sadd.s32 s1, s30  }
0xbc: {  	s0 =	sor.u32 s3, s0;
	s1 =	sshll.u32 s1, $0x11  }
0xbd: {  	s0 =	sor.u32 s1, s0  }
0xbe: {  	s0 =	sadd.s32 $0x8F2B, s0  }
0xbf: {  	[sflag:s0] =	ssyncadd.remote.s32 $0x1  }
0xc0: {  	_ =	sfence.sel $0xFFFF  }
0xc1: {  	[dreg:$0x0] =	wrdreg $0xFFFFFFFF;
	(pc) =	sbr.abs _section_cstart, $3  }
0xc2: {  	[dreg:$0x1] =	wrdreg $0xFFFFFFFF  }
0xc3: {  	_ =	task.clear_ibuf [dreg:s7], $0x2FFFF;
	_ =	strace $0x9FFFFFFF  }
0xc4: {  	(tm) =	ssettm $0x7FFFFFFF  }
0xc5: {  	_ =	shalt  }
tec
execute0_lowered:
.L_overlay_start_1:
0x0: {  	(tag) =	ssettag $0x1  }
0x1: {  	s0 =	rddreg [dreg:$0x0]  }
0x2: {  	s3 =	rddreg [dreg:$0x1]  }
0x3: {  	s1 =	rddreg [dreg:$0x2]  }
0x4: {  	s2 =	rddreg [dreg:$0x3]  }
0x5: {  	s4 =	simm.s32 $0x0;
	s5 =	srdreg.scid;
	s15 =	stileid.u32  }
0x6: {  	s18 =	simm.s32 $0x100;
	s19 =	simm.s32 $0x4;
	s21 =	simm.s32 $0x1  }
0x7: {  	s22 =	simm.s32 $0x80;
	s23 =	simm.s32 $0x2100;
	s24 =	simm.s32 $0x2300  }
0x8: {  	s28 =	simm.s32 $0x2;
	s29 =	simm.s32 $0x2200;
	s8 =	smul.u32 $0x28000, s15  }
0x9: {  	s30 =	simm.s32 $0x3;
	s31 =	simm.s32 $0x2280;
	s14 =	smul.u32 $0xA000, s15  }
0xa: {  	[smem:$0x7FF] =	sst s4;
	s16 =	sand.u32 $0x1, s5;
	s11 =	smul.u32 $0x4F00, s15  }
0xb: {  	s25 =	sadd.s32 $0xF3200, s0;
	s6 =	sadd.s32 $0x11B200, s0;
	s17 =	smul.u32 $0x9E0, s15  }
0xc: {  	_ =	strace $0x8000004D;
	[dreg:$0x5] =	wrdreg s25;
	s7 =	ssub.s32 $0x2, s16  }
0xd: {  	p0 =	seq.s32 s16, $0x0;
	s25 =	simm.s32 $0x2180;
	s26 =	sshrl.u32 s7, $0x1  }
0xe: {  	s9 =	sshrl.u32 s8, $0x2;
	s8 =	sadd.s32 s14, s1;
	s12 =	sshrl.u32 s11, $0x3  }
0xf: {  	s20 =	sadd.s32 s14, s2;
	s0 =	ssub.s32 s7, s26;
	s7 =	smul.u32 $0x280, s15  }
.Ltmp0:
0x10: {  	s17 =	sadd.s32 s17, s3;
	s13 =	sadd.s32 s9, s1;
	(pc) =	sbr.rel .LBB2_1-.Ltmp0, $4  }
0x11: {  	s12 =	sadd.s32 s3, s12;
	s15 =	sshll.u32 s16, $0x1;
	s20 =	sshrl.u32 s20, $0x3  }
0x12: {  	s26 =	simm.s32 $0x4300;
	s3 =	simm.s32 $0x0;
	s9 =	sadd.s32 $0x2000, s13  }
0x13: {  	s10 =	sadd.s32 $0x4000, s13;
	s11 =	sadd.s32 $0x6000, s13;
	s0 =	smax.u32 s0, $0x1  }
0x14: {  	v0 =	vimm.f32 $0.0e+00;
	s13 =	sadd.s32 $0x8000, s13;
	s14 =	sadd.s32 $0x20, s12;
	[dreg:$0x6] =	wrdreg s0  }
.LBB2_8:
0x15: {  	s3 =	rddreg [dreg:$0x7]  }
0x16: {  	s0 =	rddreg [dreg:$0x6];
	s3 =	sadd.s32 $0x1, s3  }
0x17: {  	p1 =	sne.s32 s3, s0  }
.Ltmp1:
0x18: {  	_ = 	snop;
	(pc) =	sbr.rel @!p1 .LBB2_9-.Ltmp1, $1  }
0x19: {  	_ =	sdelay $0x3  }
.LBB2_1:
0x1a: {  	[dreg:$0x7] =	wrdreg s3;
	s0 =	simm.s32 $0x0  }
.LBB2_2:
0x1b: {  	p1 =	sne.s32 s0, $0x7F00  }
.Ltmp2:
0x1c: {  	s3 =	sshra.s32 s0, $0x2;
	(pc) =	sbr.rel @p1 .LBB2_2-.Ltmp2, $4  }
0x1d: {  	[tilespmem:s3+$0x100] =	vst v0  }
0x1e: {  	[tilespmem:s3+$0x110] =	vst v0  }
0x1f: {  	[tilespmem:s3+$0x120] =	vst v0  }
0x20: {  	s0 =	sadd.s32 $0x100, s0;
	[tilespmem:s3+$0x130] =	vst v0  }
.Ltmp3:
0x21: {  	(pc) =	sbr.rel .LBB2_4-.Ltmp3, $2  }
0x22: {  	_ =	sdelay $0x2  }
0x23: {  	s16 =	simm.s32 $0x0;
	p2 =	por $0x1, $0x1  }
.LBB2_7:
0x24: {  	_ =	swait.ge [sflag:s28], $0x2000  }
0x25: {  	[sflag:s28] =	ssyncset.done $0x0  }
0x26: {  	[sflag:s28] =	ssyncadd.s32 $0xFFFFE000  }
0x27: {  	[spmem:s1] =	stream.indirect.scatter.add.f32 [tilespmem:s24], [sflag:$0x4], $0x40, s29, s22, $0xb8;
	[tilespmem:$0x1A300] =	vst v63  }
0x28: {  	_ =	swait.ge [sflag:s19], $0x2000  }
0x29: {  	[sflag:s19] =	ssyncset.done $0x0  }
0x2a: {  	[sflag:s19] =	ssyncadd.s32 $0xFFFFE000  }
0x2b: {  	_ =	swait.ge [sflag:s30], $0x2000  }
0x2c: {  	s3 =	sor.u32 s15, s16;
	[sflag:s30] =	ssyncset.done $0x0  }
0x2d: {  	s3 =	smul.u32 $0x2800, s3;
	[sflag:s30] =	ssyncadd.s32 $0xFFFFE000  }
0x2e: {  	[spmem:s1] =	stream.indirect.scatter.add.f32 [tilespmem:s26], [sflag:$0x4], $0x40, s31, s22, $0xb8;
	[tilespmem:$0x1A300] =	vst v63  }
0x2f: {  	_ =	swait.ge [sflag:s19], $0x2000  }
0x30: {  	s3 =	sadd.s32 s7, s3;
	[sflag:s19] =	ssyncset.done $0x0  }
0x31: {  	s3 =	sshll.u32 s3, $0x3;
	[sflag:s19] =	ssyncadd.s32 $0xFFFFE000  }
0x32: {  	s5 =	sshrl.u32 s8, $0x3;
	s3 =	sadd.s32 s6, s3;
	[bflag:$0x0] =	sbarrier.arrive $0xFFFF  }
0x33: {  	[hbm:s3], [sflag:s0] =	dma.local [spmem:s5], $0x1400  }
.Ltmp4:
0x34: {  	_ =	swait.ge [sflag:s19], $0x1400;
	(pc) =	sbr.rel @!p1 .LBB2_8-.Ltmp4, $4  }
0x35: {  	[sflag:s19] =	ssyncset.done $0x0  }
0x36: {  	[sflag:s19] =	ssyncadd.s32 $0xFFFFEC00  }
0x37: {  	[bflag:$0x0] =	sbarrier.arrive $0xFFFF  }
0x38: {  	s16 =	simm.s32 $0x1;
	p2 =	por $0x0, $0x0  }
.LBB2_4:
0x39: {  	[spmem:s8] =	stream.linear.scatter [tilespmem:s18], [sflag:$0x4], $0x2000, $0x38;
	[tilespmem:$0x1A300] =	vst v63  }
0x3a: {  	_ =	swait.ge [sflag:s19], $0x2000  }
0x3b: {  	[sflag:s19] =	ssyncset.done $0x0  }
0x3c: {  	[sflag:s19] =	ssyncadd.s32 $0xFFFFE000  }
0x3d: {  	[spmem:s9] =	stream.linear.scatter [tilespmem:s18], [sflag:$0x4], $0x2000, $0x38;
	[tilespmem:$0x1A300] =	vst v63  }
0x3e: {  	_ =	swait.ge [sflag:s19], $0x2000  }
0x3f: {  	[sflag:s19] =	ssyncset.done $0x0  }
0x40: {  	[sflag:s19] =	ssyncadd.s32 $0xFFFFE000  }
0x41: {  	[spmem:s10] =	stream.linear.scatter [tilespmem:s18], [sflag:$0x4], $0x2000, $0x38;
	[tilespmem:$0x1A300] =	vst v63  }
0x42: {  	_ =	swait.ge [sflag:s19], $0x2000  }
0x43: {  	[sflag:s19] =	ssyncset.done $0x0  }
0x44: {  	[sflag:s19] =	ssyncadd.s32 $0xFFFFE000  }
0x45: {  	[spmem:s11] =	stream.linear.scatter [tilespmem:s18], [sflag:$0x4], $0x2000, $0x38;
	[tilespmem:$0x1A300] =	vst v63  }
0x46: {  	_ =	swait.ge [sflag:s19], $0x2000  }
0x47: {  	[sflag:s19] =	ssyncset.done $0x0  }
0x48: {  	s0 =	smul.u32 $0x2800, s16;
	s3 =	stileid.u32;
	[sflag:s19] =	ssyncadd.s32 $0xFFFFE000  }
0x49: {  	[spmem:s13] =	stream.linear.scatter [tilespmem:s18], [sflag:$0x4], $0x2000, $0x38;
	[tilespmem:$0x1A300] =	vst v63  }
0x4a: {  	s3 =	sshll.u32 s3, $0x6;
	s0 =	sadd.s32 s7, s0;
	_ =	swait.ge [sflag:s19], $0x2000  }
0x4b: {  	s0 =	sshll.u32 s0, $0x3;
	[sflag:s19] =	ssyncset.done $0x0;
	s5 =	rddreg [dreg:$0x5]  }
0x4c: {  	[sflag:s19] =	ssyncadd.s32 $0xFFFFE000;
	s5 =	sadd.s32 s5, s0;
	s0 =	sor.u32 $0x1C04, s3  }
0x4d: {  	[spmem:s20], [sflag:s0] =	dma.local [hbm:s5], $0x1400  }
0x4e: {  	_ =	swait.ge [sflag:s19], $0x1400  }
0x4f: {  	[sflag:s19] =	ssyncset.done $0x0  }
0x50: {  	[sflag:s19] =	ssyncadd.s32 $0xFFFFEC00  }
0x51: {  	[bflag:$0x0] =	sbarrier.arrive $0xFFFF  }
0x52: {  	[tilespmem:s4], [sflag:$0x1] =	stream.linear.gather [hbm4b:s12+s4], $0x100, $0x38;
	[tilespmem:$0x1A300] =	vst v63  }
0x53: {  	_ =	swait.ge [sflag:s21], $0x100  }
0x54: {  	[sflag:s21] =	ssyncset.done $0x0  }
0x55: {  	[sflag:s21] =	ssyncadd.s32 $0xFFFFFF00  }
0x56: {  	v1 =	vld [tilespmem:$0x0];
	_ =	sdelay $0x1  }
0x57: {  	v2 =	vld [tilespmem:$0x10];
	_ =	sdelay $0x1  }
0x58: {  	v3 =	vld [tilespmem:$0x20]  }
0x59: {  	v4 =	vand.u32 $0x3FFF, v1;
	v1 =	vshrl.u32 v1, $0xE  }
0x5a: {  	v6 =	vld [tilespmem:$0x30];
	v5 =	vpsel p0, v4, v1  }
0x5b: {  	v51 =	vand.u32 $0x3FFF, v2;
	v2 =	vshrl.u32 v2, $0xE;
	v1 =	vpsel p0, v1, v4;
	[tilespmem:$0x2100] =	vst v5  }
0x5c: {  	v52 =	vld [tilespmem:$0x40];
	[tilespmem:$0x2200] =	vst v1;
	v1 =	vpsel p0, v51, v2  }
0x5d: {  	[tilespmem:$0x2110] =	vst v1;
	v1 =	vpsel p0, v2, v51;
	v2 =	vand.u32 $0x3FFF, v3;
	v3 =	vshrl.u32 v3, $0xE  }
0x5e: {  	v53 =	vld [tilespmem:$0x50];
	[tilespmem:$0x2210] =	vst v1;
	v1 =	vpsel p0, v2, v3  }
0x5f: {  	[tilespmem:$0x2120] =	vst v1;
	v1 =	vpsel p0, v3, v2;
	v2 =	vand.u32 $0x3FFF, v6;
	v3 =	vshrl.u32 v6, $0xE  }
0x60: {  	v54 =	vld [tilespmem:$0x60];
	[tilespmem:$0x2220] =	vst v1;
	v1 =	vpsel p0, v2, v3  }
0x61: {  	[tilespmem:$0x2130] =	vst v1;
	v1 =	vpsel p0, v3, v2;
	v2 =	vand.u32 $0x3FFF, v52;
	v3 =	vshrl.u32 v52, $0xE  }
0x62: {  	v55 =	vld [tilespmem:$0x70];
	[tilespmem:$0x2230] =	vst v1;
	v1 =	vpsel p0, v2, v3  }
0x63: {  	[tilespmem:$0x2140] =	vst v1;
	v1 =	vpsel p0, v3, v2;
	v2 =	vand.u32 $0x3FFF, v53;
	v3 =	vshrl.u32 v53, $0xE  }
0x64: {  	[tilespmem:$0x2240] =	vst v1;
	v1 =	vpsel p0, v2, v3  }
0x65: {  	[tilespmem:$0x2150] =	vst v1;
	v1 =	vpsel p0, v3, v2;
	v2 =	vand.u32 $0x3FFF, v54;
	v3 =	vshrl.u32 v54, $0xE  }
0x66: {  	[tilespmem:$0x2250] =	vst v1;
	v1 =	vpsel p0, v2, v3  }
0x67: {  	[tilespmem:$0x2160] =	vst v1;
	v1 =	vpsel p0, v3, v2;
	v2 =	vand.u32 $0x3FFF, v55;
	v3 =	vshrl.u32 v55, $0xE  }
0x68: {  	[tilespmem:$0x2260] =	vst v1;
	v1 =	vpsel p0, v2, v3  }
0x69: {  	[tilespmem:$0x2170] =	vst v1;
	v1 =	vpsel p0, v3, v2  }
0x6a: {  	[tilespmem:$0x2270] =	vst v1  }
0x6b: {  	[tilespmem:s24], [sflag:$0x2] =	stream.indirect.gather [spmem:s2], $0x40, s23, s22, $0xb8;
	[tilespmem:$0x1A300] =	vst v63  }
0x6c: {  	v1 =	vld [tilespmem:$0x80];
	_ =	sdelay $0x1  }
0x6d: {  	v2 =	vld [tilespmem:$0x90];
	_ =	sdelay $0x1  }
0x6e: {  	v3 =	vld [tilespmem:$0xA0]  }
0x6f: {  	v56 =	vand.u32 $0x3FFF, v1;
	v1 =	vshrl.u32 v1, $0xE  }
0x70: {  	v58 =	vld [tilespmem:$0xB0];
	v57 =	vpsel p0, v56, v1  }
0x71: {  	v59 =	vand.u32 $0x3FFF, v2;
	v2 =	vshrl.u32 v2, $0xE;
	v1 =	vpsel p0, v1, v56;
	[tilespmem:$0x2180] =	vst v57  }
0x72: {  	v60 =	vld [tilespmem:$0xC0];
	[tilespmem:$0x2280] =	vst v1;
	v1 =	vpsel p0, v59, v2  }
0x73: {  	[tilespmem:$0x2190] =	vst v1;
	v1 =	vpsel p0, v2, v59;
	v2 =	vand.u32 $0x3FFF, v3;
	v3 =	vshrl.u32 v3, $0xE  }
0x74: {  	v61 =	vld [tilespmem:$0xD0];
	[tilespmem:$0x2290] =	vst v1;
	v1 =	vpsel p0, v2, v3  }
0x75: {  	[tilespmem:$0x21A0] =	vst v1;
	v1 =	vpsel p0, v3, v2;
	v2 =	vand.u32 $0x3FFF, v58;
	v3 =	vshrl.u32 v58, $0xE  }
0x76: {  	v62 =	vld [tilespmem:$0xE0];
	[tilespmem:$0x22A0] =	vst v1;
	v1 =	vpsel p0, v2, v3  }
0x77: {  	[tilespmem:$0x21B0] =	vst v1;
	v1 =	vpsel p0, v3, v2;
	v2 =	vand.u32 $0x3FFF, v60;
	v3 =	vshrl.u32 v60, $0xE  }
0x78: {  	v63 =	vld [tilespmem:$0xF0];
	[tilespmem:$0x22B0] =	vst v1;
	v1 =	vpsel p0, v2, v3  }
0x79: {  	[tilespmem:$0x21C0] =	vst v1;
	v1 =	vpsel p0, v3, v2;
	v2 =	vand.u32 $0x3FFF, v61;
	v3 =	vshrl.u32 v61, $0xE  }
0x7a: {  	[tilespmem:$0x22C0] =	vst v1;
	v1 =	vpsel p0, v2, v3  }
0x7b: {  	[tilespmem:$0x21D0] =	vst v1;
	v1 =	vpsel p0, v3, v2;
	v2 =	vand.u32 $0x3FFF, v62;
	v3 =	vshrl.u32 v62, $0xE  }
0x7c: {  	[tilespmem:$0x22D0] =	vst v1;
	v1 =	vpsel p0, v2, v3  }
0x7d: {  	[tilespmem:$0x21E0] =	vst v1;
	v1 =	vpsel p0, v3, v2;
	v2 =	vand.u32 $0x3FFF, v63;
	v3 =	vshrl.u32 v63, $0xE  }
0x7e: {  	[tilespmem:$0x22E0] =	vst v1;
	v1 =	vpsel p0, v2, v3  }
0x7f: {  	[tilespmem:$0x21F0] =	vst v1;
	v1 =	vpsel p0, v3, v2  }
0x80: {  	[tilespmem:$0x22F0] =	vst v1  }
0x81: {  	[tilespmem:s26], [sflag:$0x3] =	stream.indirect.gather [spmem:s2], $0x40, s25, s22, $0xb8;
	[tilespmem:$0x1A300] =	vst v63  }
0x82: {  	p1 =	por p2, p2;
	s3 =	simm.s32 $0x40  }
0x83: {  	[tilespmem:s4], [sflag:$0x1] =	stream.linear.gather [hbm4b:s14+s4], $0x100, $0x38;
	[tilespmem:$0x1A300] =	vst v63  }
.LBB2_5:
0x84: {  	_ =	swait.ge [sflag:s28], $0x2000  }
0x85: {  	[sflag:s28] =	ssyncset.done $0x0  }
0x86: {  	[sflag:s28] =	ssyncadd.s32 $0xFFFFE000  }
0x87: {  	[spmem:s1] =	stream.indirect.scatter.add.f32 [tilespmem:s24], [sflag:$0x4], $0x40, s29, s22, $0xb8;
	[tilespmem:$0x1A300] =	vst v63  }
0x88: {  	_ =	swait.ge [sflag:s19], $0x2000  }
0x89: {  	[sflag:s19] =	ssyncset.done $0x0  }
0x8a: {  	[sflag:s19] =	ssyncadd.s32 $0xFFFFE000  }
0x8b: {  	_ =	swait.ge [sflag:s21], $0x100  }
0x8c: {  	[sflag:s21] =	ssyncset.done $0x0  }
0x8d: {  	[sflag:s21] =	ssyncadd.s32 $0xFFFFFF00  }
0x8e: {  	v1 =	vld [tilespmem:$0x0];
	_ =	sdelay $0x1  }
0x8f: {  	v2 =	vld [tilespmem:$0x10];
	_ =	sdelay $0x1  }
0x90: {  	v3 =	vld [tilespmem:$0x20]  }
0x91: {  	v4 =	vand.u32 $0x3FFF, v1;
	v1 =	vshrl.u32 v1, $0xE  }
0x92: {  	v6 =	vld [tilespmem:$0x30];
	v5 =	vpsel p0, v4, v1  }
0x93: {  	v51 =	vand.u32 $0x3FFF, v2;
	v2 =	vshrl.u32 v2, $0xE;
	v1 =	vpsel p0, v1, v4;
	[tilespmem:$0x2100] =	vst v5  }
0x94: {  	v52 =	vld [tilespmem:$0x40];
	[tilespmem:$0x2200] =	vst v1;
	v1 =	vpsel p0, v51, v2  }
0x95: {  	[tilespmem:$0x2110] =	vst v1;
	v1 =	vpsel p0, v2, v51;
	v2 =	vand.u32 $0x3FFF, v3;
	v3 =	vshrl.u32 v3, $0xE  }
0x96: {  	v53 =	vld [tilespmem:$0x50];
	[tilespmem:$0x2210] =	vst v1;
	v1 =	vpsel p0, v2, v3  }
0x97: {  	[tilespmem:$0x2120] =	vst v1;
	v1 =	vpsel p0, v3, v2;
	v2 =	vand.u32 $0x3FFF, v6;
	v3 =	vshrl.u32 v6, $0xE  }
0x98: {  	v54 =	vld [tilespmem:$0x60];
	[tilespmem:$0x2220] =	vst v1;
	v1 =	vpsel p0, v2, v3  }
0x99: {  	[tilespmem:$0x2130] =	vst v1;
	v1 =	vpsel p0, v3, v2;
	v2 =	vand.u32 $0x3FFF, v52;
	v3 =	vshrl.u32 v52, $0xE  }
0x9a: {  	v55 =	vld [tilespmem:$0x70];
	[tilespmem:$0x2230] =	vst v1;
	v1 =	vpsel p0, v2, v3  }
0x9b: {  	[tilespmem:$0x2140] =	vst v1;
	v1 =	vpsel p0, v3, v2;
	v2 =	vand.u32 $0x3FFF, v53;
	v3 =	vshrl.u32 v53, $0xE  }
0x9c: {  	[tilespmem:$0x2240] =	vst v1;
	v1 =	vpsel p0, v2, v3  }
0x9d: {  	[tilespmem:$0x2150] =	vst v1;
	v1 =	vpsel p0, v3, v2;
	v2 =	vand.u32 $0x3FFF, v54;
	v3 =	vshrl.u32 v54, $0xE  }
0x9e: {  	[tilespmem:$0x2250] =	vst v1;
	v1 =	vpsel p0, v2, v3  }
0x9f: {  	[tilespmem:$0x2160] =	vst v1;
	v1 =	vpsel p0, v3, v2;
	v2 =	vand.u32 $0x3FFF, v55;
	v3 =	vshrl.u32 v55, $0xE  }
0xa0: {  	[tilespmem:$0x2260] =	vst v1;
	v1 =	vpsel p0, v2, v3  }
0xa1: {  	[tilespmem:$0x2170] =	vst v1;
	v1 =	vpsel p0, v3, v2  }
0xa2: {  	[tilespmem:$0x2270] =	vst v1  }
0xa3: {  	[tilespmem:s24], [sflag:$0x2] =	stream.indirect.gather [spmem:s2], $0x40, s23, s22, $0xb8;
	[tilespmem:$0x1A300] =	vst v63  }
0xa4: {  	_ =	swait.ge [sflag:s30], $0x2000  }
0xa5: {  	[sflag:s30] =	ssyncset.done $0x0  }
0xa6: {  	[sflag:s30] =	ssyncadd.s32 $0xFFFFE000  }
0xa7: {  	[spmem:s1] =	stream.indirect.scatter.add.f32 [tilespmem:s26], [sflag:$0x4], $0x40, s31, s22, $0xb8;
	[tilespmem:$0x1A300] =	vst v63  }
0xa8: {  	_ =	swait.ge [sflag:s19], $0x2000  }
0xa9: {  	[sflag:s19] =	ssyncset.done $0x0  }
0xaa: {  	[sflag:s19] =	ssyncadd.s32 $0xFFFFE000  }
0xab: {  	v1 =	vld [tilespmem:$0x80];
	_ =	sdelay $0x1  }
0xac: {  	v2 =	vld [tilespmem:$0x90];
	_ =	sdelay $0x1  }
0xad: {  	v3 =	vld [tilespmem:$0xA0]  }
0xae: {  	v56 =	vand.u32 $0x3FFF, v1;
	v1 =	vshrl.u32 v1, $0xE  }
0xaf: {  	v58 =	vld [tilespmem:$0xB0];
	v57 =	vpsel p0, v56, v1  }
0xb0: {  	v59 =	vand.u32 $0x3FFF, v2;
	v2 =	vshrl.u32 v2, $0xE;
	v1 =	vpsel p0, v1, v56;
	[tilespmem:$0x2180] =	vst v57  }
0xb1: {  	v60 =	vld [tilespmem:$0xC0];
	[tilespmem:$0x2280] =	vst v1;
	v1 =	vpsel p0, v59, v2  }
0xb2: {  	[tilespmem:$0x2190] =	vst v1;
	v1 =	vpsel p0, v2, v59;
	v2 =	vand.u32 $0x3FFF, v3;
	v3 =	vshrl.u32 v3, $0xE  }
0xb3: {  	v61 =	vld [tilespmem:$0xD0];
	[tilespmem:$0x2290] =	vst v1;
	v1 =	vpsel p0, v2, v3  }
0xb4: {  	[tilespmem:$0x21A0] =	vst v1;
	v1 =	vpsel p0, v3, v2;
	v2 =	vand.u32 $0x3FFF, v58;
	v3 =	vshrl.u32 v58, $0xE  }
0xb5: {  	v62 =	vld [tilespmem:$0xE0];
	[tilespmem:$0x22A0] =	vst v1;
	v1 =	vpsel p0, v2, v3  }
0xb6: {  	[tilespmem:$0x21B0] =	vst v1;
	v1 =	vpsel p0, v3, v2;
	v2 =	vand.u32 $0x3FFF, v60;
	v3 =	vshrl.u32 v60, $0xE  }
0xb7: {  	v63 =	vld [tilespmem:$0xF0];
	[tilespmem:$0x22B0] =	vst v1;
	v1 =	vpsel p0, v2, v3  }
0xb8: {  	[tilespmem:$0x21C0] =	vst v1;
	v1 =	vpsel p0, v3, v2;
	v2 =	vand.u32 $0x3FFF, v61;
	v3 =	vshrl.u32 v61, $0xE  }
0xb9: {  	[tilespmem:$0x22C0] =	vst v1;
	v1 =	vpsel p0, v2, v3  }
0xba: {  	[tilespmem:$0x21D0] =	vst v1;
	v1 =	vpsel p0, v3, v2;
	v2 =	vand.u32 $0x3FFF, v62;
	v3 =	vshrl.u32 v62, $0xE  }
0xbb: {  	p2 =	seq.s32 s3, $0x9E0;
	[tilespmem:$0x22D0] =	vst v1;
	v1 =	vpsel p0, v2, v3  }
.Ltmp5:
0xbc: {  	[tilespmem:$0x21E0] =	vst v1;
	v1 =	vpsel p0, v3, v2;
	v2 =	vand.u32 $0x3FFF, v63;
	v3 =	vshrl.u32 v63, $0xE;
	(pc) =	sbr.rel @p2 .LBB2_7-.Ltmp5, $4  }
0xbd: {  	[tilespmem:$0x22E0] =	vst v1;
	v1 =	vpsel p0, v2, v3  }
0xbe: {  	[tilespmem:$0x21F0] =	vst v1;
	v1 =	vpsel p0, v3, v2  }
0xbf: {  	[tilespmem:$0x22F0] =	vst v1  }
0xc0: {  	[tilespmem:s26], [sflag:$0x3] =	stream.indirect.gather [spmem:s2], $0x40, s25, s22, $0xb8;
	[tilespmem:$0x1A300] =	vst v63  }
.Ltmp6:
0xc1: {  	(pc) =	sbr.rel .LBB2_5-.Ltmp6, $3  }
0xc2: {  	_ =	sdelay $0x1  }
0xc3: {  	s5 =	sadd.s32 s3, s17;
	s3 =	sadd.s32 $0x20, s3  }
0xc4: {  	[tilespmem:s4], [sflag:$0x1] =	stream.linear.gather [hbm4b:s5+s4], $0x100, $0x38;
	[tilespmem:$0x1A300] =	vst v63  }
.LBB2_9:
0xc5: {  	_ =	sfence.sel $0x180000  }
0xc6: {  	[bflag:$0x0] =	sbarrier.arrive $0xFFFF  }
0xc7: {  	_ =	strace $0x9000004D  }
0xc8: {  	s0 =	stileid.u32;
	[bflag:$0x2] =	sbarrier.arrive $0xFFFF  }
0xc9: {  	p0 =	sne.s32 s0, $0x0;
	s0 =	rddreg [dreg:$0x4]  }
0xca: {  	s0 =	sadd.s32 @!p0 $0x100000, s0  }
0xcb: {  	[sflag:s0] =	ssyncadd.tile.s32 @!p0 $0x1;
	_ =	shalt  }
.Lfunc_end2:
_tile_overlayer_lowered:
.L_overlay_start_2:
0xcc: {  	(tag) =	ssettag $0x2  }
0xcd: {  	s0 =	rddreg [dreg:$0x0];
	s2 =	stileid.u32  }
0xce: {  	s1 =	rddreg [dreg:$0x1];
	p0 =	sne.s32 s2, $0x0  }
0xcf: {  	s3 =	rddreg [dreg:$0x2];
	[bflag:$0x3] =	sbarrier.arrive $0xFFFF;
	s2 =	simm.s32 @!p0 $0x1C04  }
0xd0: {  	[timem:s3], [sflag:s2] =	dma.local @!p0 [hbm:s0], s1  }
0xd1: {  	s0 =	simm.s32 @!p0 $0x4  }
0xd2: {  	_ =	swait.ge @!p0 [sflag:s0], s1  }
0xd3: {  	s1 =	ssub.s32 @!p0 $0x0, s1;
	[sflag:s0] =	ssyncset.done @!p0 $0x0  }
0xd4: {  	[sflag:s0] =	ssyncadd.s32 @!p0 s1  }
0xd5: {  	[bflag:$0x3] =	sbarrier.arrive $0xFFFF  }
0xd6: {  	_ =	shalt  }

// kernel: kernel.19.cloned.1.call-start
scs
__scs_entry_jumppad:
0x0: {  	(pc) =	sbr.rel $0x88, $3  }
0x1: {  	(tag) =	ssettag $0x0;
	lr =	simm.s32 $0x1  }
0x2: {  	[smem:$0x3F99] =	sst lr;
	_ =	strace $0xD0000000  }
0x3: {  	_ = 	snop  }
0x4: {  	_ = 	snop  }
0x5: {  	_ = 	snop  }
0x6: {  	_ = 	snop  }
0x7: {  	_ = 	snop  }
__scs_overlays_trampoline_lowered:
0x8: {  	[smem:$0x3FA8] =	sst s0  }
0x9: {  	[smem:$0x3FA9] =	sst s1  }
0xa: {  	[smem:$0x3FAA] =	sst s2  }
0xb: {  	[smem:$0x3FAB] =	sst s3  }
0xc: {  	[smem:$0x3FAC] =	sst s4  }
0xd: {  	[smem:$0x3FAD] =	sst s5  }
0xe: {  	[smem:$0x3FAE] =	sst s6  }
0xf: {  	[smem:$0x3FAF] =	sst s7  }
0x10: {  	[smem:$0x3FB0] =	sst s8  }
0x11: {  	[smem:$0x3FB1] =	sst s9;
	s0 =	simm.s32 @!p0 $0x0  }
0x12: {  	s1 =	sld [smem:$0x3F97];
	s0 =	simm.s32 @p0 $0x1  }
0x13: {  	[smem:$0x3FB2] =	sst s0;
	s0 =	simm.s32 @!p1 $0x0  }
0x14: {  	s2 =	sld [smem:$0x3F96];
	s0 =	simm.s32 @p1 $0x1  }
0x15: {  	[smem:$0x3FB3] =	sst s0;
	s0 =	simm.s32 @!p2 $0x0  }
0x16: {  	s3 =	sld [smem:$0x3FDB];
	s0 =	simm.s32 @p2 $0x1  }
0x17: {  	s4 =	simm.s32 $0x1BF5;
	[smem:$0x3FB5] =	sst s0  }
0x18: {  	s0 =	sld [smem:$0x3F98];
	_ =	swait.ge [sflag:s4], $0x0  }
0x19: {  	s7 =	sld [smem:$0x3F99]  }
0x1a: {  	s8 =	sadd.s32 $0xFFFFE003, lr  }
0x1b: {  	s9 =	sadd.s32 $0xFFFFFEF7, lr;
	s5 =	simm.s32 $0xFFFFFFFF;
	p2 =	slt.u32 s8, $0xFFFFF086  }
0x1c: {  	p1 =	slt.u32 s9, $0xF7A;
	s5 =	simm.s32 @!p2 $0x0  }
0x1d: {  	s5 =	simm.s32 @p1 $0x1;
	p0 =	seq.s32 s7, s2  }
0x1e: {  	s7 =	smul.u32 @!p0 $0xF7A, s2;
	p2 =	seq.s32 @!p0 s5, $0x0  }
0x1f: {  	s9 =	smul.u32 $0xF7A, s1;
	s8 =	simm.s32 @!p0 $0x1BF5;
	p2 =	por !p2, p0  }
0x20: {  	[sflag:s8] =	ssyncset.s32 @!p0 $0xFFFFF086;
	s6 =	sadd.s32 @!p0 s3, s7;
	s7 =	simm.s32 @!p0 $0x108  }
0x21: {  	s3 =	sadd.s32 s3, s9;
	s6 =	sadd.s32 @!p0 $0x88, s6;
	s7 =	simm.s32 @p2 $0x1082  }
0x22: {  	[simem:s7], [sflag:s8] =	dma.local @!p0 [hbm:s6], $0xF7A  }
0x23: {  	s9 =	sor.u32 $0xD0000000, s2;
	s6 =	simm.s32 $0x108;
	_ =	swait.ge @!p0 [sflag:s8], $0x0  }
0x24: {  	s3 =	sadd.s32 $0x88, s3;
	s6 =	simm.s32 @!p1 $0x1082;
	[sflag:s4] =	ssyncset.s32 $0xFFFFF086  }
0x25: {  	[simem:s6], [sflag:s4] =	dma.local [hbm:s3], $0xF7A  }
0x26: {  	[smem:$0x3F99] =	sst s1;
	(tag) =	ssettag s2;
	_ =	strace s9  }
0x27: {  	s1 =	sld [smem:$0x3FA9]  }
0x28: {  	s2 =	sld [smem:$0x3FAA]  }
0x29: {  	s4 =	sld [smem:$0x3FAC]  }
0x2a: {  	p0 =	seq.s32 s5, $0x0;
	s5 =	sld [smem:$0x3FAD]  }
0x2b: {  	s6 =	sld [smem:$0x3FAE]  }
0x2c: {  	s7 =	sld [smem:$0x3FAF]  }
0x2d: {  	s3 =	simm.s32 $0x108;
	s8 =	sld [smem:$0x3FB0]  }
0x2e: {  	s3 =	simm.s32 @!p0 $0x1082;
	s9 =	sld [smem:$0x3FB1]  }
0x2f: {  	lr =	sadd.s32 s0, s3;
	s0 =	sld [smem:$0x3FA8]  }
0x30: {  	s3 =	sld [smem:$0x3FAB]  }
0x31: {  	[smem:$0x3FB4] =	sst s10  }
0x32: {  	s10 =	sld [smem:$0x3FB2];
	_ =	sdelay $0x3  }
0x33: {  	p0 =	seq.s32 s10, $0x1;
	s10 =	sld [smem:$0x3FB4];
	_ =	sdelay $0x3  }
0x34: {  	[smem:$0x3FB4] =	sst s10  }
0x35: {  	s10 =	sld [smem:$0x3FB3];
	_ =	sdelay $0x3  }
0x36: {  	p1 =	seq.s32 s10, $0x1;
	s10 =	sld [smem:$0x3FB4];
	_ =	sdelay $0x3  }
0x37: {  	[smem:$0x3FB4] =	sst s10  }
0x38: {  	s10 =	sld [smem:$0x3FB5]  }
0x39: {  	_ = 	snop;
	(pc) =	sbr.ind lr, $3  }
0x3a: {  	_ = 	snop  }
0x3b: {  	_ = 	snop  }
0x3c: {  	p2 =	seq.s32 s10, $0x1;
	s10 =	sld [smem:$0x3FB4]  }
0x3d: {  	_ =	shalt  }
0x3e: {  	_ =	shalt  }
0x3f: {  	_ =	shalt  }
0x40: {  	_ =	shalt  }
0x41: {  	_ =	shalt  }
0x42: {  	_ =	shalt  }
0x43: {  	_ =	shalt  }
0x44: {  	_ =	shalt  }
0x45: {  	_ =	shalt  }
0x46: {  	_ =	shalt  }
0x47: {  	_ =	shalt  }
0x48: {  	_ =	shalt  }
0x49: {  	_ =	shalt  }
0x4a: {  	_ =	shalt  }
0x4b: {  	_ =	shalt  }
0x4c: {  	_ =	shalt  }
0x4d: {  	_ =	shalt  }
0x4e: {  	_ =	shalt  }
0x4f: {  	_ =	shalt  }
0x50: {  	_ =	shalt  }
0x51: {  	_ =	shalt  }
0x52: {  	_ =	shalt  }
0x53: {  	_ =	shalt  }
0x54: {  	_ =	shalt  }
0x55: {  	_ =	shalt  }
0x56: {  	_ =	shalt  }
0x57: {  	_ =	shalt  }
0x58: {  	_ =	shalt  }
0x59: {  	_ =	shalt  }
0x5a: {  	_ =	shalt  }
0x5b: {  	_ =	shalt  }
0x5c: {  	_ =	shalt  }
0x5d: {  	_ =	shalt  }
0x5e: {  	_ =	shalt  }
0x5f: {  	_ =	shalt  }
0x60: {  	_ =	shalt  }
0x61: {  	_ =	shalt  }
0x62: {  	_ =	shalt  }
0x63: {  	_ =	shalt  }
0x64: {  	_ =	shalt  }
0x65: {  	_ =	shalt  }
0x66: {  	_ =	shalt  }
0x67: {  	_ =	shalt  }
0x68: {  	_ =	shalt  }
0x69: {  	_ =	shalt  }
0x6a: {  	_ =	shalt  }
0x6b: {  	_ =	shalt  }
0x6c: {  	_ =	shalt  }
0x6d: {  	_ =	shalt  }
0x6e: {  	_ =	shalt  }
0x6f: {  	_ =	shalt  }
0x70: {  	_ =	shalt  }
0x71: {  	_ =	shalt  }
0x72: {  	_ =	shalt  }
0x73: {  	_ =	shalt  }
0x74: {  	_ =	shalt  }
0x75: {  	_ =	shalt  }
0x76: {  	_ =	shalt  }
0x77: {  	_ =	shalt  }
0x78: {  	_ =	shalt  }
0x79: {  	_ =	shalt  }
0x7a: {  	_ =	shalt  }
0x7b: {  	_ =	shalt  }
0x7c: {  	_ =	shalt  }
0x7d: {  	_ =	shalt  }
0x7e: {  	_ =	shalt  }
0x7f: {  	_ =	shalt  }
0x80: {  	_ =	shalt  }
0x81: {  	_ =	shalt  }
0x82: {  	_ =	shalt  }
0x83: {  	_ =	shalt  }
0x84: {  	_ =	shalt  }
0x85: {  	_ =	shalt  }
0x86: {  	_ =	shalt  }
0x87: {  	_ =	shalt  }
.Lfunc_end0:
.L_simem_size_0:
called_computation.3_lowered:
.L_overlay_start_0:
0x88: {  	s2 =	sld [smem:$0x3FD9]  }
0x89: {  	s3 =	sld [smem:$0x3FFE];
	_ =	sdelay $0x1  }
0x8a: {  	s1 =	srdreg.scid  }
0x8b: {  	s0 =	sand.u32 $0x1, s1  }
0x8c: {  	s17 =	sshll.u32 s0, $0xA;
	s2 =	sadd.s32 s3, s2  }
0x8d: {  	s2 =	sadd.s32 s2, s17  }
0x8e: {  	[smem:$0x3FC0] =	sst s2  }
0x8f: {  	_ = 	snop  }
0x90: {  	s2 =	sld [smem:$0x3FD0];
	(tm) =	ssettm $0x1  }
0x91: {  	s18 =	sld [smem:$0x3FFB];
	_ =	sdelay $0x3  }
0x92: {  	_ =	strace s18  }
0x93: {  	s3 =	sld [smem:$0x3FFC];
	_ =	sdelay $0x3  }
0x94: {  	_ =	strace s3  }
0x95: {  	s3 =	sld [smem:$0x3FFD];
	_ =	sdelay $0x3  }
0x96: {  	_ =	strace s3  }
0x97: {  	_ =	strace $0x8FFFFFFF  }
0x98: {  	s19 =	sld [smem:$0x3FDB];
	_ =	sdelay $0x1  }
0x99: {  	s4 =	simm.s32 $_scs_section_size  }
0x9a: {  	s5 =	simm.s32 $_size__tile_overlayer_lowered;
	s6 =	simm.s32 $_tile_overlayer_lowered  }
0x9b: {  	s22 =	simm.s32 $0x1BFF;
	s21 =	sshll.u32 s6, $0x1;
	s3 =	sadd.s32 s4, s19  }
0x9c: {  	s7 =	simm.s32 $0x0;
	s20 =	sshll.u32 s5, $0x1;
	s5 =	sadd.s32 s21, s3  }
0x9d: {  	[timem:s7], [sflag:s22] =	dma.local [hbm:s5], s20  }
0x9e: {  	_ =	swait.ge [sflag:s22], s20  }
0x9f: {  	s4 =	ssub.s32 $0x0, s20;
	[sflag:s22] =	ssyncset.done $0x0  }
0xa0: {  	[sflag:s22] =	ssyncadd.s32 s4;
	_ =	sdelay $0x1  }
0xa1: {  	s23 =	simm.s32 $0x1B8B  }
0xa2: {  	_ =	swait.ge [sflag:s23], $0x1  }
0xa3: {  	[sflag:s23] =	ssyncset.done $0x0  }
0xa4: {  	s25 =	simm.s32 $0x1B8E;
	s24 =	sld [smem:$0x3FFE];
	[sflag:s23] =	ssyncadd.s32 $0xFFFFFFFF  }
0xa5: {  	s26 =	simm.s32 $execute0_lowered;
	[smem:$0x3FD2] =	sst s25  }
0xa6: {  	s5 =	sshll.u32 s26, $0x1;
	_ =	strace $0x8000004F;
	[dreg:$0x1] =	wrdreg $0xFFFFFFFF  }
0xa7: {  	s28 =	simm.s32 $_size_execute0_lowered;
	s3 =	sadd.s32 s3, s5;
	[dreg:$0x0] =	wrdreg $0x0  }
0xa8: {  	s5 =	sshll.u32 s28, $0x1;
	[dreg:$0x2] =	wrdreg s3  }
0xa9: {  	[dreg:$0x3] =	wrdreg s5  }
0xaa: {  	[dreg:$0x4] =	wrdreg $0xC0  }
0xab: {  	_ =	task [dreg:s7], $0x5FFFF  }
0xac: {  	[dreg:$0x1] =	wrdreg $0xFFFFFFFF  }
0xad: {  	[dreg:$0x0] =	wrdreg $0x60  }
0xae: {  	[dreg:$0x2] =	wrdreg s24  }
0xaf: {  	[dreg:$0x3] =	wrdreg s2  }
0xb0: {  	[dreg:$0x4] =	wrdreg $0x63000  }
0xb1: {  	[dreg:$0x5] =	wrdreg $0x103000  }
0xb2: {  	[dreg:$0x6] =	wrdreg $0x9  }
0xb3: {  	_ =	task.clear_ibuf [dreg:s7], $0x7FFFF;
	_ =	strace $0x9000004F  }
0xb4: {  	s29 =	simm.s32 $0x9;
	_ =	strace $0x80000051  }
0xb5: {  	_ =	swait.ge [sflag:s29], $0x1  }
0xb6: {  	[sflag:s29] =	ssyncadd.s32 $0xFFFFFFFF  }
0xb7: {  	_ =	strace $0x90000051  }
0xb8: {  	_ =	sfence  }
0xb9: {  	s30 =	sld [smem:$0x0];
	_ =	sdelay $0x2  }
0xba: {  	s31 =	sshll.u32 s1, $0xD;
	s1 =	sshrl.u32 s1, $0x2  }
0xbb: {  	s3 =	sand.u32 $0x4000, s31;
	s1 =	sadd.s32 s1, s30  }
0xbc: {  	s0 =	sor.u32 s3, s0;
	s1 =	sshll.u32 s1, $0x11  }
0xbd: {  	s0 =	sor.u32 s1, s0  }
0xbe: {  	s0 =	sadd.s32 $0x8F2B, s0  }
0xbf: {  	[sflag:s0] =	ssyncadd.remote.s32 $0x1  }
0xc0: {  	_ =	sfence.sel $0xFFFF  }
0xc1: {  	[dreg:$0x0] =	wrdreg $0xFFFFFFFF;
	(pc) =	sbr.abs _section_cstart, $3  }
0xc2: {  	[dreg:$0x1] =	wrdreg $0xFFFFFFFF  }
0xc3: {  	_ =	task.clear_ibuf [dreg:s7], $0x2FFFF;
	_ =	strace $0x9FFFFFFF  }
0xc4: {  	(tm) =	ssettm $0x7FFFFFFF  }
0xc5: {  	_ =	shalt  }
tec
execute0_lowered:
.L_overlay_start_1:
0x0: {  	(tag) =	ssettag $0x1  }
0x1: {  	s0 =	rddreg [dreg:$0x0]  }
0x2: {  	s3 =	rddreg [dreg:$0x1]  }
0x3: {  	s1 =	rddreg [dreg:$0x2]  }
0x4: {  	s2 =	rddreg [dreg:$0x3]  }
0x5: {  	s4 =	simm.s32 $0x0;
	s5 =	srdreg.scid;
	s15 =	stileid.u32  }
0x6: {  	s18 =	simm.s32 $0x100;
	s19 =	simm.s32 $0x4;
	s21 =	simm.s32 $0x1  }
0x7: {  	s22 =	simm.s32 $0x80;
	s23 =	simm.s32 $0x2100;
	s24 =	simm.s32 $0x2300  }
0x8: {  	s28 =	simm.s32 $0x2;
	s29 =	simm.s32 $0x2200;
	s8 =	smul.u32 $0x28000, s15  }
0x9: {  	s30 =	simm.s32 $0x3;
	s31 =	simm.s32 $0x2280;
	s14 =	smul.u32 $0xA000, s15  }
0xa: {  	[smem:$0x7FF] =	sst s4;
	s25 =	sadd.s32 $0x143200, s0;
	s11 =	smul.u32 $0x4F00, s15  }
0xb: {  	s16 =	sand.u32 $0x1, s5;
	s6 =	sadd.s32 $0x16B200, s0;
	s17 =	smul.u32 $0x9E0, s15  }
0xc: {  	_ =	strace $0x80000050;
	[dreg:$0x5] =	wrdreg s25;
	s7 =	ssub.s32 $0x2, s16  }
0xd: {  	p0 =	seq.s32 s16, $0x0;
	s25 =	simm.s32 $0x2180;
	s26 =	sshrl.u32 s7, $0x1  }
0xe: {  	s9 =	sshrl.u32 s8, $0x2;
	s8 =	sadd.s32 s14, s1;
	s12 =	sshrl.u32 s11, $0x3  }
0xf: {  	s20 =	sadd.s32 s14, s2;
	s0 =	ssub.s32 s7, s26;
	s7 =	smul.u32 $0x280, s15  }
.Ltmp0:
0x10: {  	s17 =	sadd.s32 s17, s3;
	s13 =	sadd.s32 s9, s1;
	(pc) =	sbr.rel .LBB2_1-.Ltmp0, $4  }
0x11: {  	s12 =	sadd.s32 s3, s12;
	s15 =	sshll.u32 s16, $0x1;
	s20 =	sshrl.u32 s20, $0x3  }
0x12: {  	s26 =	simm.s32 $0x4300;
	s3 =	simm.s32 $0x0;
	s9 =	sadd.s32 $0x2000, s13  }
0x13: {  	s10 =	sadd.s32 $0x4000, s13;
	s11 =	sadd.s32 $0x6000, s13;
	s0 =	smax.u32 s0, $0x1  }
0x14: {  	v0 =	vimm.f32 $0.0e+00;
	s13 =	sadd.s32 $0x8000, s13;
	s14 =	sadd.s32 $0x20, s12;
	[dreg:$0x6] =	wrdreg s0  }
.LBB2_8:
0x15: {  	s3 =	rddreg [dreg:$0x7]  }
0x16: {  	s0 =	rddreg [dreg:$0x6];
	s3 =	sadd.s32 $0x1, s3  }
0x17: {  	p1 =	sne.s32 s3, s0  }
.Ltmp1:
0x18: {  	_ = 	snop;
	(pc) =	sbr.rel @!p1 .LBB2_9-.Ltmp1, $1  }
0x19: {  	_ =	sdelay $0x3  }
.LBB2_1:
0x1a: {  	[dreg:$0x7] =	wrdreg s3;
	s0 =	simm.s32 $0x0  }
.LBB2_2:
0x1b: {  	p1 =	sne.s32 s0, $0x7F00  }
.Ltmp2:
0x1c: {  	s3 =	sshra.s32 s0, $0x2;
	(pc) =	sbr.rel @p1 .LBB2_2-.Ltmp2, $4  }
0x1d: {  	[tilespmem:s3+$0x100] =	vst v0  }
0x1e: {  	[tilespmem:s3+$0x110] =	vst v0  }
0x1f: {  	[tilespmem:s3+$0x120] =	vst v0  }
0x20: {  	s0 =	sadd.s32 $0x100, s0;
	[tilespmem:s3+$0x130] =	vst v0  }
.Ltmp3:
0x21: {  	(pc) =	sbr.rel .LBB2_4-.Ltmp3, $2  }
0x22: {  	_ =	sdelay $0x2  }
0x23: {  	s16 =	simm.s32 $0x0;
	p2 =	por $0x1, $0x1  }
.LBB2_7:
0x24: {  	_ =	swait.ge [sflag:s28], $0x2000  }
0x25: {  	[sflag:s28] =	ssyncset.done $0x0  }
0x26: {  	[sflag:s28] =	ssyncadd.s32 $0xFFFFE000  }
0x27: {  	[spmem:s1] =	stream.indirect.scatter.add.f32 [tilespmem:s24], [sflag:$0x4], $0x40, s29, s22, $0xb8;
	[tilespmem:$0x1A300] =	vst v63  }
0x28: {  	_ =	swait.ge [sflag:s19], $0x2000  }
0x29: {  	[sflag:s19] =	ssyncset.done $0x0  }
0x2a: {  	[sflag:s19] =	ssyncadd.s32 $0xFFFFE000  }
0x2b: {  	_ =	swait.ge [sflag:s30], $0x2000  }
0x2c: {  	s3 =	sor.u32 s15, s16;
	[sflag:s30] =	ssyncset.done $0x0  }
0x2d: {  	s3 =	smul.u32 $0x2800, s3;
	[sflag:s30] =	ssyncadd.s32 $0xFFFFE000  }
0x2e: {  	[spmem:s1] =	stream.indirect.scatter.add.f32 [tilespmem:s26], [sflag:$0x4], $0x40, s31, s22, $0xb8;
	[tilespmem:$0x1A300] =	vst v63  }
0x2f: {  	_ =	swait.ge [sflag:s19], $0x2000  }
0x30: {  	s3 =	sadd.s32 s7, s3;
	[sflag:s19] =	ssyncset.done $0x0  }
0x31: {  	s3 =	sshll.u32 s3, $0x3;
	[sflag:s19] =	ssyncadd.s32 $0xFFFFE000  }
0x32: {  	s5 =	sshrl.u32 s8, $0x3;
	s3 =	sadd.s32 s6, s3;
	[bflag:$0x0] =	sbarrier.arrive $0xFFFF  }
0x33: {  	[hbm:s3], [sflag:s0] =	dma.local [spmem:s5], $0x1400  }
.Ltmp4:
0x34: {  	_ =	swait.ge [sflag:s19], $0x1400;
	(pc) =	sbr.rel @!p1 .LBB2_8-.Ltmp4, $4  }
0x35: {  	[sflag:s19] =	ssyncset.done $0x0  }
0x36: {  	[sflag:s19] =	ssyncadd.s32 $0xFFFFEC00  }
0x37: {  	[bflag:$0x0] =	sbarrier.arrive $0xFFFF  }
0x38: {  	s16 =	simm.s32 $0x1;
	p2 =	por $0x0, $0x0  }
.LBB2_4:
0x39: {  	[spmem:s8] =	stream.linear.scatter [tilespmem:s18], [sflag:$0x4], $0x2000, $0x38;
	[tilespmem:$0x1A300] =	vst v63  }
0x3a: {  	_ =	swait.ge [sflag:s19], $0x2000  }
0x3b: {  	[sflag:s19] =	ssyncset.done $0x0  }
0x3c: {  	[sflag:s19] =	ssyncadd.s32 $0xFFFFE000  }
0x3d: {  	[spmem:s9] =	stream.linear.scatter [tilespmem:s18], [sflag:$0x4], $0x2000, $0x38;
	[tilespmem:$0x1A300] =	vst v63  }
0x3e: {  	_ =	swait.ge [sflag:s19], $0x2000  }
0x3f: {  	[sflag:s19] =	ssyncset.done $0x0  }
0x40: {  	[sflag:s19] =	ssyncadd.s32 $0xFFFFE000  }
0x41: {  	[spmem:s10] =	stream.linear.scatter [tilespmem:s18], [sflag:$0x4], $0x2000, $0x38;
	[tilespmem:$0x1A300] =	vst v63  }
0x42: {  	_ =	swait.ge [sflag:s19], $0x2000  }
0x43: {  	[sflag:s19] =	ssyncset.done $0x0  }
0x44: {  	[sflag:s19] =	ssyncadd.s32 $0xFFFFE000  }
0x45: {  	[spmem:s11] =	stream.linear.scatter [tilespmem:s18], [sflag:$0x4], $0x2000, $0x38;
	[tilespmem:$0x1A300] =	vst v63  }
0x46: {  	_ =	swait.ge [sflag:s19], $0x2000  }
0x47: {  	[sflag:s19] =	ssyncset.done $0x0  }
0x48: {  	s0 =	smul.u32 $0x2800, s16;
	s3 =	stileid.u32;
	[sflag:s19] =	ssyncadd.s32 $0xFFFFE000  }
0x49: {  	[spmem:s13] =	stream.linear.scatter [tilespmem:s18], [sflag:$0x4], $0x2000, $0x38;
	[tilespmem:$0x1A300] =	vst v63  }
0x4a: {  	s3 =	sshll.u32 s3, $0x6;
	s0 =	sadd.s32 s7, s0;
	_ =	swait.ge [sflag:s19], $0x2000  }
0x4b: {  	s0 =	sshll.u32 s0, $0x3;
	[sflag:s19] =	ssyncset.done $0x0;
	s5 =	rddreg [dreg:$0x5]  }
0x4c: {  	[sflag:s19] =	ssyncadd.s32 $0xFFFFE000;
	s5 =	sadd.s32 s5, s0;
	s0 =	sor.u32 $0x1C04, s3  }
0x4d: {  	[spmem:s20], [sflag:s0] =	dma.local [hbm:s5], $0x1400  }
0x4e: {  	_ =	swait.ge [sflag:s19], $0x1400  }
0x4f: {  	[sflag:s19] =	ssyncset.done $0x0  }
0x50: {  	[sflag:s19] =	ssyncadd.s32 $0xFFFFEC00  }
0x51: {  	[bflag:$0x0] =	sbarrier.arrive $0xFFFF  }
0x52: {  	[tilespmem:s4], [sflag:$0x1] =	stream.linear.gather [hbm4b:s12+s4], $0x100, $0x38;
	[tilespmem:$0x1A300] =	vst v63  }
0x53: {  	_ =	swait.ge [sflag:s21], $0x100  }
0x54: {  	[sflag:s21] =	ssyncset.done $0x0  }
0x55: {  	[sflag:s21] =	ssyncadd.s32 $0xFFFFFF00  }
0x56: {  	v1 =	vld [tilespmem:$0x0];
	_ =	sdelay $0x1  }
0x57: {  	v2 =	vld [tilespmem:$0x10];
	_ =	sdelay $0x1  }
0x58: {  	v3 =	vld [tilespmem:$0x20]  }
0x59: {  	v4 =	vand.u32 $0x3FFF, v1;
	v1 =	vshrl.u32 v1, $0xE  }
0x5a: {  	v6 =	vld [tilespmem:$0x30];
	v5 =	vpsel p0, v4, v1  }
0x5b: {  	v51 =	vand.u32 $0x3FFF, v2;
	v2 =	vshrl.u32 v2, $0xE;
	v1 =	vpsel p0, v1, v4;
	[tilespmem:$0x2100] =	vst v5  }
0x5c: {  	v52 =	vld [tilespmem:$0x40];
	[tilespmem:$0x2200] =	vst v1;
	v1 =	vpsel p0, v51, v2  }
0x5d: {  	[tilespmem:$0x2110] =	vst v1;
	v1 =	vpsel p0, v2, v51;
	v2 =	vand.u32 $0x3FFF, v3;
	v3 =	vshrl.u32 v3, $0xE  }
0x5e: {  	v53 =	vld [tilespmem:$0x50];
	[tilespmem:$0x2210] =	vst v1;
	v1 =	vpsel p0, v2, v3  }
0x5f: {  	[tilespmem:$0x2120] =	vst v1;
	v1 =	vpsel p0, v3, v2;
	v2 =	vand.u32 $0x3FFF, v6;
	v3 =	vshrl.u32 v6, $0xE  }
0x60: {  	v54 =	vld [tilespmem:$0x60];
	[tilespmem:$0x2220] =	vst v1;
	v1 =	vpsel p0, v2, v3  }
0x61: {  	[tilespmem:$0x2130] =	vst v1;
	v1 =	vpsel p0, v3, v2;
	v2 =	vand.u32 $0x3FFF, v52;
	v3 =	vshrl.u32 v52, $0xE  }
0x62: {  	v55 =	vld [tilespmem:$0x70];
	[tilespmem:$0x2230] =	vst v1;
	v1 =	vpsel p0, v2, v3  }
0x63: {  	[tilespmem:$0x2140] =	vst v1;
	v1 =	vpsel p0, v3, v2;
	v2 =	vand.u32 $0x3FFF, v53;
	v3 =	vshrl.u32 v53, $0xE  }
0x64: {  	[tilespmem:$0x2240] =	vst v1;
	v1 =	vpsel p0, v2, v3  }
0x65: {  	[tilespmem:$0x2150] =	vst v1;
	v1 =	vpsel p0, v3, v2;
	v2 =	vand.u32 $0x3FFF, v54;
	v3 =	vshrl.u32 v54, $0xE  }
0x66: {  	[tilespmem:$0x2250] =	vst v1;
	v1 =	vpsel p0, v2, v3  }
0x67: {  	[tilespmem:$0x2160] =	vst v1;
	v1 =	vpsel p0, v3, v2;
	v2 =	vand.u32 $0x3FFF, v55;
	v3 =	vshrl.u32 v55, $0xE  }
0x68: {  	[tilespmem:$0x2260] =	vst v1;
	v1 =	vpsel p0, v2, v3  }
0x69: {  	[tilespmem:$0x2170] =	vst v1;
	v1 =	vpsel p0, v3, v2  }
0x6a: {  	[tilespmem:$0x2270] =	vst v1  }
0x6b: {  	[tilespmem:s24], [sflag:$0x2] =	stream.indirect.gather [spmem:s2], $0x40, s23, s22, $0xb8;
	[tilespmem:$0x1A300] =	vst v63  }
0x6c: {  	v1 =	vld [tilespmem:$0x80];
	_ =	sdelay $0x1  }
0x6d: {  	v2 =	vld [tilespmem:$0x90];
	_ =	sdelay $0x1  }
0x6e: {  	v3 =	vld [tilespmem:$0xA0]  }
0x6f: {  	v56 =	vand.u32 $0x3FFF, v1;
	v1 =	vshrl.u32 v1, $0xE  }
0x70: {  	v58 =	vld [tilespmem:$0xB0];
	v57 =	vpsel p0, v56, v1  }
0x71: {  	v59 =	vand.u32 $0x3FFF, v2;
	v2 =	vshrl.u32 v2, $0xE;
	v1 =	vpsel p0, v1, v56;
	[tilespmem:$0x2180] =	vst v57  }
0x72: {  	v60 =	vld [tilespmem:$0xC0];
	[tilespmem:$0x2280] =	vst v1;
	v1 =	vpsel p0, v59, v2  }
0x73: {  	[tilespmem:$0x2190] =	vst v1;
	v1 =	vpsel p0, v2, v59;
	v2 =	vand.u32 $0x3FFF, v3;
	v3 =	vshrl.u32 v3, $0xE  }
0x74: {  	v61 =	vld [tilespmem:$0xD0];
	[tilespmem:$0x2290] =	vst v1;
	v1 =	vpsel p0, v2, v3  }
0x75: {  	[tilespmem:$0x21A0] =	vst v1;
	v1 =	vpsel p0, v3, v2;
	v2 =	vand.u32 $0x3FFF, v58;
	v3 =	vshrl.u32 v58, $0xE  }
0x76: {  	v62 =	vld [tilespmem:$0xE0];
	[tilespmem:$0x22A0] =	vst v1;
	v1 =	vpsel p0, v2, v3  }
0x77: {  	[tilespmem:$0x21B0] =	vst v1;
	v1 =	vpsel p0, v3, v2;
	v2 =	vand.u32 $0x3FFF, v60;
	v3 =	vshrl.u32 v60, $0xE  }
0x78: {  	v63 =	vld [tilespmem:$0xF0];
	[tilespmem:$0x22B0] =	vst v1;
	v1 =	vpsel p0, v2, v3  }
0x79: {  	[tilespmem:$0x21C0] =	vst v1;
	v1 =	vpsel p0, v3, v2;
	v2 =	vand.u32 $0x3FFF, v61;
	v3 =	vshrl.u32 v61, $0xE  }
0x7a: {  	[tilespmem:$0x22C0] =	vst v1;
	v1 =	vpsel p0, v2, v3  }
0x7b: {  	[tilespmem:$0x21D0] =	vst v1;
	v1 =	vpsel p0, v3, v2;
	v2 =	vand.u32 $0x3FFF, v62;
	v3 =	vshrl.u32 v62, $0xE  }
0x7c: {  	[tilespmem:$0x22D0] =	vst v1;
	v1 =	vpsel p0, v2, v3  }
0x7d: {  	[tilespmem:$0x21E0] =	vst v1;
	v1 =	vpsel p0, v3, v2;
	v2 =	vand.u32 $0x3FFF, v63;
	v3 =	vshrl.u32 v63, $0xE  }
0x7e: {  	[tilespmem:$0x22E0] =	vst v1;
	v1 =	vpsel p0, v2, v3  }
0x7f: {  	[tilespmem:$0x21F0] =	vst v1;
	v1 =	vpsel p0, v3, v2  }
0x80: {  	[tilespmem:$0x22F0] =	vst v1  }
0x81: {  	[tilespmem:s26], [sflag:$0x3] =	stream.indirect.gather [spmem:s2], $0x40, s25, s22, $0xb8;
	[tilespmem:$0x1A300] =	vst v63  }
0x82: {  	p1 =	por p2, p2;
	s3 =	simm.s32 $0x40  }
0x83: {  	[tilespmem:s4], [sflag:$0x1] =	stream.linear.gather [hbm4b:s14+s4], $0x100, $0x38;
	[tilespmem:$0x1A300] =	vst v63  }
.LBB2_5:
0x84: {  	_ =	swait.ge [sflag:s28], $0x2000  }
0x85: {  	[sflag:s28] =	ssyncset.done $0x0  }
0x86: {  	[sflag:s28] =	ssyncadd.s32 $0xFFFFE000  }
0x87: {  	[spmem:s1] =	stream.indirect.scatter.add.f32 [tilespmem:s24], [sflag:$0x4], $0x40, s29, s22, $0xb8;
	[tilespmem:$0x1A300] =	vst v63  }
0x88: {  	_ =	swait.ge [sflag:s19], $0x2000  }
0x89: {  	[sflag:s19] =	ssyncset.done $0x0  }
0x8a: {  	[sflag:s19] =	ssyncadd.s32 $0xFFFFE000  }
0x8b: {  	_ =	swait.ge [sflag:s21], $0x100  }
0x8c: {  	[sflag:s21] =	ssyncset.done $0x0  }
0x8d: {  	[sflag:s21] =	ssyncadd.s32 $0xFFFFFF00  }
0x8e: {  	v1 =	vld [tilespmem:$0x0];
	_ =	sdelay $0x1  }
0x8f: {  	v2 =	vld [tilespmem:$0x10];
	_ =	sdelay $0x1  }
0x90: {  	v3 =	vld [tilespmem:$0x20]  }
0x91: {  	v4 =	vand.u32 $0x3FFF, v1;
	v1 =	vshrl.u32 v1, $0xE  }
0x92: {  	v6 =	vld [tilespmem:$0x30];
	v5 =	vpsel p0, v4, v1  }
0x93: {  	v51 =	vand.u32 $0x3FFF, v2;
	v2 =	vshrl.u32 v2, $0xE;
	v1 =	vpsel p0, v1, v4;
	[tilespmem:$0x2100] =	vst v5  }
0x94: {  	v52 =	vld [tilespmem:$0x40];
	[tilespmem:$0x2200] =	vst v1;
	v1 =	vpsel p0, v51, v2  }
0x95: {  	[tilespmem:$0x2110] =	vst v1;
	v1 =	vpsel p0, v2, v51;
	v2 =	vand.u32 $0x3FFF, v3;
	v3 =	vshrl.u32 v3, $0xE  }
0x96: {  	v53 =	vld [tilespmem:$0x50];
	[tilespmem:$0x2210] =	vst v1;
	v1 =	vpsel p0, v2, v3  }
0x97: {  	[tilespmem:$0x2120] =	vst v1;
	v1 =	vpsel p0, v3, v2;
	v2 =	vand.u32 $0x3FFF, v6;
	v3 =	vshrl.u32 v6, $0xE  }
0x98: {  	v54 =	vld [tilespmem:$0x60];
	[tilespmem:$0x2220] =	vst v1;
	v1 =	vpsel p0, v2, v3  }
0x99: {  	[tilespmem:$0x2130] =	vst v1;
	v1 =	vpsel p0, v3, v2;
	v2 =	vand.u32 $0x3FFF, v52;
	v3 =	vshrl.u32 v52, $0xE  }
0x9a: {  	v55 =	vld [tilespmem:$0x70];
	[tilespmem:$0x2230] =	vst v1;
	v1 =	vpsel p0, v2, v3  }
0x9b: {  	[tilespmem:$0x2140] =	vst v1;
	v1 =	vpsel p0, v3, v2;
	v2 =	vand.u32 $0x3FFF, v53;
	v3 =	vshrl.u32 v53, $0xE  }
0x9c: {  	[tilespmem:$0x2240] =	vst v1;
	v1 =	vpsel p0, v2, v3  }
0x9d: {  	[tilespmem:$0x2150] =	vst v1;
	v1 =	vpsel p0, v3, v2;
	v2 =	vand.u32 $0x3FFF, v54;
	v3 =	vshrl.u32 v54, $0xE  }
0x9e: {  	[tilespmem:$0x2250] =	vst v1;
	v1 =	vpsel p0, v2, v3  }
0x9f: {  	[tilespmem:$0x2160] =	vst v1;
	v1 =	vpsel p0, v3, v2;
	v2 =	vand.u32 $0x3FFF, v55;
	v3 =	vshrl.u32 v55, $0xE  }
0xa0: {  	[tilespmem:$0x2260] =	vst v1;
	v1 =	vpsel p0, v2, v3  }
0xa1: {  	[tilespmem:$0x2170] =	vst v1;
	v1 =	vpsel p0, v3, v2  }
0xa2: {  	[tilespmem:$0x2270] =	vst v1  }
0xa3: {  	[tilespmem:s24], [sflag:$0x2] =	stream.indirect.gather [spmem:s2], $0x40, s23, s22, $0xb8;
	[tilespmem:$0x1A300] =	vst v63  }
0xa4: {  	_ =	swait.ge [sflag:s30], $0x2000  }
0xa5: {  	[sflag:s30] =	ssyncset.done $0x0  }
0xa6: {  	[sflag:s30] =	ssyncadd.s32 $0xFFFFE000  }
0xa7: {  	[spmem:s1] =	stream.indirect.scatter.add.f32 [tilespmem:s26], [sflag:$0x4], $0x40, s31, s22, $0xb8;
	[tilespmem:$0x1A300] =	vst v63  }
0xa8: {  	_ =	swait.ge [sflag:s19], $0x2000  }
0xa9: {  	[sflag:s19] =	ssyncset.done $0x0  }
0xaa: {  	[sflag:s19] =	ssyncadd.s32 $0xFFFFE000  }
0xab: {  	v1 =	vld [tilespmem:$0x80];
	_ =	sdelay $0x1  }
0xac: {  	v2 =	vld [tilespmem:$0x90];
	_ =	sdelay $0x1  }
0xad: {  	v3 =	vld [tilespmem:$0xA0]  }
0xae: {  	v56 =	vand.u32 $0x3FFF, v1;
	v1 =	vshrl.u32 v1, $0xE  }
0xaf: {  	v58 =	vld [tilespmem:$0xB0];
	v57 =	vpsel p0, v56, v1  }
0xb0: {  	v59 =	vand.u32 $0x3FFF, v2;
	v2 =	vshrl.u32 v2, $0xE;
	v1 =	vpsel p0, v1, v56;
	[tilespmem:$0x2180] =	vst v57  }
0xb1: {  	v60 =	vld [tilespmem:$0xC0];
	[tilespmem:$0x2280] =	vst v1;
	v1 =	vpsel p0, v59, v2  }
0xb2: {  	[tilespmem:$0x2190] =	vst v1;
	v1 =	vpsel p0, v2, v59;
	v2 =	vand.u32 $0x3FFF, v3;
	v3 =	vshrl.u32 v3, $0xE  }
0xb3: {  	v61 =	vld [tilespmem:$0xD0];
	[tilespmem:$0x2290] =	vst v1;
	v1 =	vpsel p0, v2, v3  }
0xb4: {  	[tilespmem:$0x21A0] =	vst v1;
	v1 =	vpsel p0, v3, v2;
	v2 =	vand.u32 $0x3FFF, v58;
	v3 =	vshrl.u32 v58, $0xE  }
0xb5: {  	v62 =	vld [tilespmem:$0xE0];
	[tilespmem:$0x22A0] =	vst v1;
	v1 =	vpsel p0, v2, v3  }
0xb6: {  	[tilespmem:$0x21B0] =	vst v1;
	v1 =	vpsel p0, v3, v2;
	v2 =	vand.u32 $0x3FFF, v60;
	v3 =	vshrl.u32 v60, $0xE  }
0xb7: {  	v63 =	vld [tilespmem:$0xF0];
	[tilespmem:$0x22B0] =	vst v1;
	v1 =	vpsel p0, v2, v3  }
0xb8: {  	[tilespmem:$0x21C0] =	vst v1;
	v1 =	vpsel p0, v3, v2;
	v2 =	vand.u32 $0x3FFF, v61;
	v3 =	vshrl.u32 v61, $0xE  }
0xb9: {  	[tilespmem:$0x22C0] =	vst v1;
	v1 =	vpsel p0, v2, v3  }
0xba: {  	[tilespmem:$0x21D0] =	vst v1;
	v1 =	vpsel p0, v3, v2;
	v2 =	vand.u32 $0x3FFF, v62;
	v3 =	vshrl.u32 v62, $0xE  }
0xbb: {  	p2 =	seq.s32 s3, $0x9E0;
	[tilespmem:$0x22D0] =	vst v1;
	v1 =	vpsel p0, v2, v3  }
.Ltmp5:
0xbc: {  	[tilespmem:$0x21E0] =	vst v1;
	v1 =	vpsel p0, v3, v2;
	v2 =	vand.u32 $0x3FFF, v63;
	v3 =	vshrl.u32 v63, $0xE;
	(pc) =	sbr.rel @p2 .LBB2_7-.Ltmp5, $4  }
0xbd: {  	[tilespmem:$0x22E0] =	vst v1;
	v1 =	vpsel p0, v2, v3  }
0xbe: {  	[tilespmem:$0x21F0] =	vst v1;
	v1 =	vpsel p0, v3, v2  }
0xbf: {  	[tilespmem:$0x22F0] =	vst v1  }
0xc0: {  	[tilespmem:s26], [sflag:$0x3] =	stream.indirect.gather [spmem:s2], $0x40, s25, s22, $0xb8;
	[tilespmem:$0x1A300] =	vst v63  }
.Ltmp6:
0xc1: {  	(pc) =	sbr.rel .LBB2_5-.Ltmp6, $3  }
0xc2: {  	_ =	sdelay $0x1  }
0xc3: {  	s5 =	sadd.s32 s3, s17;
	s3 =	sadd.s32 $0x20, s3  }
0xc4: {  	[tilespmem:s4], [sflag:$0x1] =	stream.linear.gather [hbm4b:s5+s4], $0x100, $0x38;
	[tilespmem:$0x1A300] =	vst v63  }
.LBB2_9:
0xc5: {  	_ =	sfence.sel $0x180000  }
0xc6: {  	[bflag:$0x0] =	sbarrier.arrive $0xFFFF  }
0xc7: {  	_ =	strace $0x90000050  }
0xc8: {  	s0 =	stileid.u32;
	[bflag:$0x2] =	sbarrier.arrive $0xFFFF  }
0xc9: {  	p0 =	sne.s32 s0, $0x0;
	s0 =	rddreg [dreg:$0x4]  }
0xca: {  	s0 =	sadd.s32 @!p0 $0x100000, s0  }
0xcb: {  	[sflag:s0] =	ssyncadd.tile.s32 @!p0 $0x1;
	_ =	shalt  }
.Lfunc_end2:
_tile_overlayer_lowered:
.L_overlay_start_2:
0xcc: {  	(tag) =	ssettag $0x2  }
0xcd: {  	s0 =	rddreg [dreg:$0x0];
	s2 =	stileid.u32  }
0xce: {  	s1 =	rddreg [dreg:$0x1];
	p0 =	sne.s32 s2, $0x0  }
0xcf: {  	s3 =	rddreg [dreg:$0x2];
	[bflag:$0x3] =	sbarrier.arrive $0xFFFF;
	s2 =	simm.s32 @!p0 $0x1C04  }
0xd0: {  	[timem:s3], [sflag:s2] =	dma.local @!p0 [hbm:s0], s1  }
0xd1: {  	s0 =	simm.s32 @!p0 $0x4  }
0xd2: {  	_ =	swait.ge @!p0 [sflag:s0], s1  }
0xd3: {  	s1 =	ssub.s32 @!p0 $0x0, s1;
	[sflag:s0] =	ssyncset.done @!p0 $0x0  }
0xd4: {  	[sflag:s0] =	ssyncadd.s32 @!p0 s1  }
0xd5: {  	[bflag:$0x3] =	sbarrier.arrive $0xFFFF  }
0xd6: {  	_ =	shalt  }

</sc_bundles>
